<compile_context>
chip_gen: v7x
topology: tpu7x:2x2x1
jax: 0.10.2.dev20260603
libtpu: 0.0.44.dev20260713+nightly
codegen_flags: <defaults>
</compile_context>

<pallas_src>
import functools

import jax
import jax.numpy as jnp
from jax import lax
from jax.experimental import pallas as pl
from jax.experimental.pallas import tpu as pltpu
from jax.experimental.pallas import tpu_sc as plsc

_NC = 2
_NS = 16
_NW = _NC * _NS
_CHUNK = 128
_LANES = 16
_TBLK = 4096


def _transpose_kernel(tt_ref, out_ref):
    t = jnp.transpose(tt_ref[...])
    dim = t.shape[1]
    half = _TBLK // 2
    out_ref[:, 0:dim] = t[0:half, :]
    out_ref[:, dim:2 * dim] = t[half:_TBLK, :]


@functools.partial(jax.jit, static_argnames=("batch", "dim"))
def _gather_add(h2, r2, ho2, ro2, table_t, *, batch, dim):
    num = table_t.shape[1]
    nblk = (num + _TBLK - 1) // _TBLK
    half = _TBLK // 2
    packed = pl.pallas_call(
        _transpose_kernel,
        grid=(nblk,),
        in_specs=[pl.BlockSpec((dim, _TBLK), lambda j: (0, j))],
        out_specs=pl.BlockSpec((half, 2 * dim), lambda j: (j, 0)),
        out_shape=jax.ShapeDtypeStruct((nblk * half, 2 * dim), jnp.float32),
        compiler_params=pltpu.CompilerParams(
            dimension_semantics=("parallel",)),
    )(table_t)

    bpw = batch // _NW
    n_chunks = bpw // _CHUNK
    hp = bpw // 2
    vecs = dim // _LANES

    mesh = plsc.VectorSubcoreMesh(core_axis_name="c", subcore_axis_name="s")

    @functools.partial(
        pl.kernel,
        mesh=mesh,
        out_type=jax.ShapeDtypeStruct((batch, dim), jnp.float32),
        compiler_params=pltpu.CompilerParams(needs_layout_passes=False),
        scratch_types=[
            pltpu.VMEM((n_chunks, _CHUNK), jnp.int32),
            pltpu.VMEM((n_chunks, _CHUNK), jnp.int32),
            pltpu.VMEM((n_chunks, _CHUNK), jnp.int32),
            pltpu.VMEM((n_chunks, _CHUNK), jnp.int32),
            pltpu.VMEM((hp, 2 * dim), jnp.float32),
            pltpu.VMEM((hp, 2 * dim), jnp.float32),
            pltpu.VMEM((hp, dim), jnp.float32),
            pltpu.SemaphoreType.DMA,
        ],
    )
    def k(h_hbm, r_hbm, ho_hbm, ro_hbm, tp_hbm, out_hbm, hidx_v, ridx_v,
          hoff_v, roff_v, buf_h, buf_r, acc, sem):
        wid = lax.axis_index("s") * _NC + lax.axis_index("c")
        sl_w = pl.ds(wid * n_chunks, n_chunks)
        pltpu.sync_copy(h_hbm.at[sl_w], hidx_v)
        pltpu.sync_copy(r_hbm.at[sl_w], ridx_v)
        pltpu.sync_copy(ho_hbm.at[sl_w], hoff_v)
        pltpu.sync_copy(ro_hbm.at[sl_w], roff_v)

        lane_iota = lax.iota(jnp.int32, _LANES)

        for phase in range(2):
            cbase = phase * (hp // _CHUNK)
            copies = []
            for j in range(hp // _CHUNK):
                dst = pl.ds(j * _CHUNK, _CHUNK)
                copies.append(pltpu.async_copy(
                    tp_hbm.at[hidx_v.at[cbase + j]], buf_h.at[dst], sem))
                copies.append(pltpu.async_copy(
                    tp_hbm.at[ridx_v.at[cbase + j]], buf_r.at[dst], sem))
            for cp in copies:
                cp.wait()

            def body(g, _):
                c = (phase * hp + g * _LANES) // _CHUNK
                o = (phase * hp + g * _LANES) % _CHUNK
                hoff = hoff_v[c, pl.ds(o, _LANES)]
                roff = roff_v[c, pl.ds(o, _LANES)]
                base = g * _LANES
                for j in range(_LANES):
                    row = jnp.full((_LANES,), base + j, jnp.int32)
                    for v in range(vecs):
                        hl = plsc.load_gather(
                            buf_h, [row, hoff[j] + v * _LANES + lane_iota])
                        rl = plsc.load_gather(
                            buf_r, [row, roff[j] + v * _LANES + lane_iota])
                        acc[base + j, pl.ds(v * _LANES, _LANES)] = hl + rl
                return 0

            lax.fori_loop(0, hp // _LANES, body, 0)
            pltpu.sync_copy(acc,
                            out_hbm.at[pl.ds(wid * bpw + phase * hp, hp)])

    return k(h2, r2, ho2, ro2, packed)


def kernel(h_idx, r_idx, t_idx, table):
    del t_idx
    batch = h_idx.shape[0]
    dim = table.shape[1]
    half = _TBLK // 2

    def split(idx):
        i = idx.astype(jnp.int32)
        row = (i // _TBLK) * half + (i % half)
        off = ((i // half) % 2) * dim
        return (row.reshape(-1, _CHUNK), off.reshape(-1, _CHUNK))

    h2, ho2 = split(h_idx)
    r2, ro2 = split(r_idx)
    return _gather_add(h2, r2, ho2, ro2, table.T, batch=batch, dim=dim)

# --- scband reference (transcript-rebuilt; emitter-appended) ---
"""Pipeline reference for scband-number-e-69406671503866 (READ-ONLY COPY).

The authoritative reference and input builder live on the scoring server;
editing this copy changes nothing except your own understanding.
"""

import jax, jax.numpy as jnp
import numpy as np

NUM = 1000000
EMBED_DIM = 64
BATCH = 16384

def setup_inputs(seed: int = 0) -> dict:
    key = jax.random.key(seed)
    k1, k2, k3, k4 = jax.random.split(key, 4)
    h_idx = jax.random.randint(k1, (BATCH,), 0, NUM, dtype=jnp.int64) if jax.config.jax_enable_x64 else jax.random.randint(k1, (BATCH,), 0, NUM).astype(jnp.int32)
    r_idx = jax.random.randint(k2, (BATCH,), 0, NUM).astype(h_idx.dtype)
    t_idx = jax.random.randint(k3, (BATCH,), 0, NUM).astype(h_idx.dtype)
    # Embedding table, initialized like nn.Embedding (N(0,1))
    table = jax.random.normal(k4, (NUM, EMBED_DIM), dtype=jnp.float32)
    return {"h_idx": h_idx, "r_idx": r_idx, "t_idx": t_idx, "table": table}

def reference(h_idx, r_idx, t_idx, table):
    # h = self.embedding(h_idx); r = self.embedding(r_idx); t = self.embedding(t_idx)
    h = jnp.take(table, h_idx, axis=0)
    r = jnp.take(table, r_idx, axis=0)
    t = jnp.take(table, t_idx, axis=0)
    # hr = h + r  (the original forward computes this; `nn.Loss` is a no-op attribute access)
    hr = h + r
    return hr

if __name__ == "__main__":
    import jax
    _d = setup_inputs()
    print(jax.jit(kernel)(*tuple(_d.values())))

</pallas_src>

<mosaic_0001>
#map = affine_map<(d0, d1) -> (0, 0)>
module attributes {stable_mosaic.version = 14 : i64} {
  func.func @k(%arg0: i32, %arg1: i32, %arg2: memref<128x128xi32, #tpu.memory_space<hbm>>, %arg3: memref<128x128xi32, #tpu.memory_space<hbm>>, %arg4: memref<128x128xi32, #tpu.memory_space<hbm>>, %arg5: memref<128x128xi32, #tpu.memory_space<hbm>>, %arg6: memref<501760x128xf32, #tpu.memory_space<hbm>>, %arg7: memref<16384x64xf32, #tpu.memory_space<hbm>>, %arg8: memref<4x128xi32, #tpu.memory_space<vmem>>, %arg9: memref<4x128xi32, #tpu.memory_space<vmem>>, %arg10: memref<4x128xi32, #tpu.memory_space<vmem>>, %arg11: memref<4x128xi32, #tpu.memory_space<vmem>>, %arg12: memref<256x128xf32, #tpu.memory_space<vmem>>, %arg13: memref<256x128xf32, #tpu.memory_space<vmem>>, %arg14: memref<256x64xf32, #tpu.memory_space<vmem>>, %arg15: memref<!tpu.dma_semaphore, #tpu.memory_space<semaphore_mem>>) attributes {dimension_semantics = [#tpu.dimension_semantics<core_parallel>, #tpu.dimension_semantics<subcore_parallel>], iteration_bounds = array<i64: 2, 16>, scalar_prefetch = 0 : i64, scratch_operands = 8 : i64, tpu.core_type = #tpu.core_type<sc_vector_subcore>, window_params = [{transform_indices = #map}, {transform_indices = #map}, {transform_indices = #map}, {transform_indices = #map}, {transform_indices = #map}, {transform_indices = #map}]} {
    %mul3A = arith.constant 2 : i32
    %mul3A_0 = arith.muli %arg1, %mul3A : i32
    %add3A = arith.addi %mul3A_0, %arg0 : i32
    %mul3A_1 = arith.constant 4 : i32
    %mul3A_2 = arith.muli %add3A, %mul3A_1 : i32
    "tpu.region"() ({
      %run_scoped3A = tpu.sem_alloc : memref<!tpu.dma_semaphore, #tpu.memory_space<semaphore_mem>>
      %dma_start3A_182 = arith.constant 0 : i32
      %dma_start3A_183 = tpu.memref_slice %arg2[%mul3A_2, %dma_start3A_182] : memref<128x128xi32, #tpu.memory_space<hbm>> -> memref<4x128xi32, #tpu.memory_space<hbm>>
      %dma_start3A_184 = arith.constant 0 : i32
      %dma_start3A_185 = tpu.memref_slice %arg2[%mul3A_2, %dma_start3A_184] : memref<128x128xi32, #tpu.memory_space<hbm>> -> memref<4x128xi32, #tpu.memory_space<hbm>>
      tpu.enqueue_dma source(%dma_start3A_185 : memref<4x128xi32, #tpu.memory_space<hbm>>) target(%arg8 : memref<4x128xi32, #tpu.memory_space<vmem>>) target_semaphore(%run_scoped3A : memref<!tpu.dma_semaphore, #tpu.memory_space<semaphore_mem>>)
      %dma_wait3A_186 = arith.constant 0 : i32
      %dma_wait3A_187 = tpu.memref_slice %arg2[%mul3A_2, %dma_wait3A_186] : memref<128x128xi32, #tpu.memory_space<hbm>> -> memref<4x128xi32, #tpu.memory_space<hbm>>
      %dma_wait3A_188 = arith.constant 0 : i32
      %dma_wait3A_189 = tpu.memref_slice %arg2[%mul3A_2, %dma_wait3A_188] : memref<128x128xi32, #tpu.memory_space<hbm>> -> memref<4x128xi32, #tpu.memory_space<hbm>>
      tpu.wait_dma2 semaphore(%run_scoped3A : memref<!tpu.dma_semaphore, #tpu.memory_space<semaphore_mem>>) src(%dma_wait3A_189 : memref<4x128xi32, #tpu.memory_space<hbm>>) dst(%arg8 : memref<4x128xi32, #tpu.memory_space<vmem>>)
      tpu.yield
    }) : () -> ()
    "tpu.region"() ({
      %run_scoped3A = tpu.sem_alloc : memref<!tpu.dma_semaphore, #tpu.memory_space<semaphore_mem>>
      %dma_start3A_182 = arith.constant 0 : i32
      %dma_start3A_183 = tpu.memref_slice %arg3[%mul3A_2, %dma_start3A_182] : memref<128x128xi32, #tpu.memory_space<hbm>> -> memref<4x128xi32, #tpu.memory_space<hbm>>
      %dma_start3A_184 = arith.constant 0 : i32
      %dma_start3A_185 = tpu.memref_slice %arg3[%mul3A_2, %dma_start3A_184] : memref<128x128xi32, #tpu.memory_space<hbm>> -> memref<4x128xi32, #tpu.memory_space<hbm>>
      tpu.enqueue_dma source(%dma_start3A_185 : memref<4x128xi32, #tpu.memory_space<hbm>>) target(%arg9 : memref<4x128xi32, #tpu.memory_space<vmem>>) target_semaphore(%run_scoped3A : memref<!tpu.dma_semaphore, #tpu.memory_space<semaphore_mem>>)
      %dma_wait3A_186 = arith.constant 0 : i32
      %dma_wait3A_187 = tpu.memref_slice %arg3[%mul3A_2, %dma_wait3A_186] : memref<128x128xi32, #tpu.memory_space<hbm>> -> memref<4x128xi32, #tpu.memory_space<hbm>>
      %dma_wait3A_188 = arith.constant 0 : i32
      %dma_wait3A_189 = tpu.memref_slice %arg3[%mul3A_2, %dma_wait3A_188] : memref<128x128xi32, #tpu.memory_space<hbm>> -> memref<4x128xi32, #tpu.memory_space<hbm>>
      tpu.wait_dma2 semaphore(%run_scoped3A : memref<!tpu.dma_semaphore, #tpu.memory_space<semaphore_mem>>) src(%dma_wait3A_189 : memref<4x128xi32, #tpu.memory_space<hbm>>) dst(%arg9 : memref<4x128xi32, #tpu.memory_space<vmem>>)
      tpu.yield
    }) : () -> ()
    "tpu.region"() ({
      %run_scoped3A = tpu.sem_alloc : memref<!tpu.dma_semaphore, #tpu.memory_space<semaphore_mem>>
      %dma_start3A_182 = arith.constant 0 : i32
      %dma_start3A_183 = tpu.memref_slice %arg4[%mul3A_2, %dma_start3A_182] : memref<128x128xi32, #tpu.memory_space<hbm>> -> memref<4x128xi32, #tpu.memory_space<hbm>>
      %dma_start3A_184 = arith.constant 0 : i32
      %dma_start3A_185 = tpu.memref_slice %arg4[%mul3A_2, %dma_start3A_184] : memref<128x128xi32, #tpu.memory_space<hbm>> -> memref<4x128xi32, #tpu.memory_space<hbm>>
      tpu.enqueue_dma source(%dma_start3A_185 : memref<4x128xi32, #tpu.memory_space<hbm>>) target(%arg10 : memref<4x128xi32, #tpu.memory_space<vmem>>) target_semaphore(%run_scoped3A : memref<!tpu.dma_semaphore, #tpu.memory_space<semaphore_mem>>)
      %dma_wait3A_186 = arith.constant 0 : i32
      %dma_wait3A_187 = tpu.memref_slice %arg4[%mul3A_2, %dma_wait3A_186] : memref<128x128xi32, #tpu.memory_space<hbm>> -> memref<4x128xi32, #tpu.memory_space<hbm>>
      %dma_wait3A_188 = arith.constant 0 : i32
      %dma_wait3A_189 = tpu.memref_slice %arg4[%mul3A_2, %dma_wait3A_188] : memref<128x128xi32, #tpu.memory_space<hbm>> -> memref<4x128xi32, #tpu.memory_space<hbm>>
      tpu.wait_dma2 semaphore(%run_scoped3A : memref<!tpu.dma_semaphore, #tpu.memory_space<semaphore_mem>>) src(%dma_wait3A_189 : memref<4x128xi32, #tpu.memory_space<hbm>>) dst(%arg10 : memref<4x128xi32, #tpu.memory_space<vmem>>)
      tpu.yield
    }) : () -> ()
    "tpu.region"() ({
      %run_scoped3A = tpu.sem_alloc : memref<!tpu.dma_semaphore, #tpu.memory_space<semaphore_mem>>
      %dma_start3A_182 = arith.constant 0 : i32
      %dma_start3A_183 = tpu.memref_slice %arg5[%mul3A_2, %dma_start3A_182] : memref<128x128xi32, #tpu.memory_space<hbm>> -> memref<4x128xi32, #tpu.memory_space<hbm>>
      %dma_start3A_184 = arith.constant 0 : i32
      %dma_start3A_185 = tpu.memref_slice %arg5[%mul3A_2, %dma_start3A_184] : memref<128x128xi32, #tpu.memory_space<hbm>> -> memref<4x128xi32, #tpu.memory_space<hbm>>
      tpu.enqueue_dma source(%dma_start3A_185 : memref<4x128xi32, #tpu.memory_space<hbm>>) target(%arg11 : memref<4x128xi32, #tpu.memory_space<vmem>>) target_semaphore(%run_scoped3A : memref<!tpu.dma_semaphore, #tpu.memory_space<semaphore_mem>>)
      %dma_wait3A_186 = arith.constant 0 : i32
      %dma_wait3A_187 = tpu.memref_slice %arg5[%mul3A_2, %dma_wait3A_186] : memref<128x128xi32, #tpu.memory_space<hbm>> -> memref<4x128xi32, #tpu.memory_space<hbm>>
      %dma_wait3A_188 = arith.constant 0 : i32
      %dma_wait3A_189 = tpu.memref_slice %arg5[%mul3A_2, %dma_wait3A_188] : memref<128x128xi32, #tpu.memory_space<hbm>> -> memref<4x128xi32, #tpu.memory_space<hbm>>
      tpu.wait_dma2 semaphore(%run_scoped3A : memref<!tpu.dma_semaphore, #tpu.memory_space<semaphore_mem>>) src(%dma_wait3A_189 : memref<4x128xi32, #tpu.memory_space<hbm>>) dst(%arg11 : memref<4x128xi32, #tpu.memory_space<vmem>>)
      tpu.yield
    }) : () -> ()
    %iota3A = tpu.iota {dimensions = array<i32: 0>} : vector<16xi32>
    %dma_start3A = arith.constant 0 : i32
    %dma_start3A_3 = arith.constant 0 : i32
    %dma_start3A_4 = arith.constant 0 : i32
    %dma_start3A_5 = tpu.memref_slice %arg12[%dma_start3A_3, %dma_start3A_4] : memref<256x128xf32, #tpu.memory_space<vmem>> -> memref<128x128xf32, #tpu.memory_space<vmem>>
    %dma_start3A_6 = arith.constant 0 : i32
    %dma_start3A_7 = tpu.memref_slice %arg8[%dma_start3A, %dma_start3A_6] : memref<4x128xi32, #tpu.memory_space<vmem>> -> memref<1x128xi32, #tpu.memory_space<vmem>>
    %dma_start3A_8 = tpu.memref_squeeze %dma_start3A_7 : memref<1x128xi32, #tpu.memory_space<vmem>> -> memref<128xi32, #tpu.memory_space<vmem>>
    %dma_start3A_9 = arith.constant 0 : i32
    %dma_start3A_10 = arith.constant 0 : i32
    %dma_start3A_11 = tpu.memref_slice %arg6[%dma_start3A_9, %dma_start3A_10] : memref<501760x128xf32, #tpu.memory_space<hbm>> -> memref<501760x128xf32, #tpu.memory_space<hbm>>
    tpu.enqueue_indirect_dma source(%dma_start3A_11 : memref<501760x128xf32, #tpu.memory_space<hbm>>) target(%dma_start3A_5 : memref<128x128xf32, #tpu.memory_space<vmem>>) offsets(%dma_start3A_8 : memref<128xi32, #tpu.memory_space<vmem>>) semaphore(%arg15 : memref<!tpu.dma_semaphore, #tpu.memory_space<semaphore_mem>>)
    %dma_start3A_12 = arith.constant 0 : i32
    %dma_start3A_13 = arith.constant 0 : i32
    %dma_start3A_14 = arith.constant 0 : i32
    %dma_start3A_15 = tpu.memref_slice %arg13[%dma_start3A_13, %dma_start3A_14] : memref<256x128xf32, #tpu.memory_space<vmem>> -> memref<128x128xf32, #tpu.memory_space<vmem>>
    %dma_start3A_16 = arith.constant 0 : i32
    %dma_start3A_17 = tpu.memref_slice %arg9[%dma_start3A_12, %dma_start3A_16] : memref<4x128xi32, #tpu.memory_space<vmem>> -> memref<1x128xi32, #tpu.memory_space<vmem>>
    %dma_start3A_18 = tpu.memref_squeeze %dma_start3A_17 : memref<1x128xi32, #tpu.memory_space<vmem>> -> memref<128xi32, #tpu.memory_space<vmem>>
    %dma_start3A_19 = arith.constant 0 : i32
    %dma_start3A_20 = arith.constant 0 : i32
    %dma_start3A_21 = tpu.memref_slice %arg6[%dma_start3A_19, %dma_start3A_20] : memref<501760x128xf32, #tpu.memory_space<hbm>> -> memref<501760x128xf32, #tpu.memory_space<hbm>>
    tpu.enqueue_indirect_dma source(%dma_start3A_21 : memref<501760x128xf32, #tpu.memory_space<hbm>>) target(%dma_start3A_15 : memref<128x128xf32, #tpu.memory_space<vmem>>) offsets(%dma_start3A_18 : memref<128xi32, #tpu.memory_space<vmem>>) semaphore(%arg15 : memref<!tpu.dma_semaphore, #tpu.memory_space<semaphore_mem>>)
    %dma_start3A_22 = arith.constant 1 : i32
    %dma_start3A_23 = arith.constant 128 : i32
    %dma_start3A_24 = arith.constant 0 : i32
    %dma_start3A_25 = tpu.memref_slice %arg12[%dma_start3A_23, %dma_start3A_24] : memref<256x128xf32, #tpu.memory_space<vmem>> -> memref<128x128xf32, #tpu.memory_space<vmem>>
    %dma_start3A_26 = arith.constant 0 : i32
    %dma_start3A_27 = tpu.memref_slice %arg8[%dma_start3A_22, %dma_start3A_26] : memref<4x128xi32, #tpu.memory_space<vmem>> -> memref<1x128xi32, #tpu.memory_space<vmem>>
    %dma_start3A_28 = tpu.memref_squeeze %dma_start3A_27 : memref<1x128xi32, #tpu.memory_space<vmem>> -> memref<128xi32, #tpu.memory_space<vmem>>
    %dma_start3A_29 = arith.constant 0 : i32
    %dma_start3A_30 = arith.constant 0 : i32
    %dma_start3A_31 = tpu.memref_slice %arg6[%dma_start3A_29, %dma_start3A_30] : memref<501760x128xf32, #tpu.memory_space<hbm>> -> memref<501760x128xf32, #tpu.memory_space<hbm>>
    tpu.enqueue_indirect_dma source(%dma_start3A_31 : memref<501760x128xf32, #tpu.memory_space<hbm>>) target(%dma_start3A_25 : memref<128x128xf32, #tpu.memory_space<vmem>>) offsets(%dma_start3A_28 : memref<128xi32, #tpu.memory_space<vmem>>) semaphore(%arg15 : memref<!tpu.dma_semaphore, #tpu.memory_space<semaphore_mem>>)
    %dma_start3A_32 = arith.constant 1 : i32
    %dma_start3A_33 = arith.constant 128 : i32
    %dma_start3A_34 = arith.constant 0 : i32
    %dma_start3A_35 = tpu.memref_slice %arg13[%dma_start3A_33, %dma_start3A_34] : memref<256x128xf32, #tpu.memory_space<vmem>> -> memref<128x128xf32, #tpu.memory_space<vmem>>
    %dma_start3A_36 = arith.constant 0 : i32
    %dma_start3A_37 = tpu.memref_slice %arg9[%dma_start3A_32, %dma_start3A_36] : memref<4x128xi32, #tpu.memory_space<vmem>> -> memref<1x128xi32, #tpu.memory_space<vmem>>
    %dma_start3A_38 = tpu.memref_squeeze %dma_start3A_37 : memref<1x128xi32, #tpu.memory_space<vmem>> -> memref<128xi32, #tpu.memory_space<vmem>>
    %dma_start3A_39 = arith.constant 0 : i32
    %dma_start3A_40 = arith.constant 0 : i32
    %dma_start3A_41 = tpu.memref_slice %arg6[%dma_start3A_39, %dma_start3A_40] : memref<501760x128xf32, #tpu.memory_space<hbm>> -> memref<501760x128xf32, #tpu.memory_space<hbm>>
    tpu.enqueue_indirect_dma source(%dma_start3A_41 : memref<501760x128xf32, #tpu.memory_space<hbm>>) target(%dma_start3A_35 : memref<128x128xf32, #tpu.memory_space<vmem>>) offsets(%dma_start3A_38 : memref<128xi32, #tpu.memory_space<vmem>>) semaphore(%arg15 : memref<!tpu.dma_semaphore, #tpu.memory_space<semaphore_mem>>)
    %dma_wait3A = arith.constant 0 : i32
    %dma_wait3A_42 = arith.constant 0 : i32
    %dma_wait3A_43 = arith.constant 0 : i32
    %dma_wait3A_44 = tpu.memref_slice %arg12[%dma_wait3A_42, %dma_wait3A_43] : memref<256x128xf32, #tpu.memory_space<vmem>> -> memref<128x128xf32, #tpu.memory_space<vmem>>
    %dma_wait3A_45 = arith.constant 0 : i32
    %dma_wait3A_46 = tpu.memref_slice %arg8[%dma_wait3A, %dma_wait3A_45] : memref<4x128xi32, #tpu.memory_space<vmem>> -> memref<1x128xi32, #tpu.memory_space<vmem>>
    %dma_wait3A_47 = tpu.memref_squeeze %dma_wait3A_46 : memref<1x128xi32, #tpu.memory_space<vmem>> -> memref<128xi32, #tpu.memory_space<vmem>>
    %dma_wait3A_48 = arith.constant 0 : i32
    %dma_wait3A_49 = arith.constant 0 : i32
    %dma_wait3A_50 = tpu.memref_slice %arg6[%dma_wait3A_48, %dma_wait3A_49] : memref<501760x128xf32, #tpu.memory_space<hbm>> -> memref<501760x128xf32, #tpu.memory_space<hbm>>
    tpu.wait_indirect_dma semaphore(%arg15 : memref<!tpu.dma_semaphore, #tpu.memory_space<semaphore_mem>>) src(%dma_wait3A_50 : memref<501760x128xf32, #tpu.memory_space<hbm>>) dst(%dma_wait3A_44 : memref<128x128xf32, #tpu.memory_space<vmem>>)
    %dma_wait3A_51 = arith.constant 0 : i32
    %dma_wait3A_52 = arith.constant 0 : i32
    %dma_wait3A_53 = arith.constant 0 : i32
    %dma_wait3A_54 = tpu.memref_slice %arg13[%dma_wait3A_52, %dma_wait3A_53] : memref<256x128xf32, #tpu.memory_space<vmem>> -> memref<128x128xf32, #tpu.memory_space<vmem>>
    %dma_wait3A_55 = arith.constant 0 : i32
    %dma_wait3A_56 = tpu.memref_slice %arg9[%dma_wait3A_51, %dma_wait3A_55] : memref<4x128xi32, #tpu.memory_space<vmem>> -> memref<1x128xi32, #tpu.memory_space<vmem>>
    %dma_wait3A_57 = tpu.memref_squeeze %dma_wait3A_56 : memref<1x128xi32, #tpu.memory_space<vmem>> -> memref<128xi32, #tpu.memory_space<vmem>>
    %dma_wait3A_58 = arith.constant 0 : i32
    %dma_wait3A_59 = arith.constant 0 : i32
    %dma_wait3A_60 = tpu.memref_slice %arg6[%dma_wait3A_58, %dma_wait3A_59] : memref<501760x128xf32, #tpu.memory_space<hbm>> -> memref<501760x128xf32, #tpu.memory_space<hbm>>
    tpu.wait_indirect_dma semaphore(%arg15 : memref<!tpu.dma_semaphore, #tpu.memory_space<semaphore_mem>>) src(%dma_wait3A_60 : memref<501760x128xf32, #tpu.memory_space<hbm>>) dst(%dma_wait3A_54 : memref<128x128xf32, #tpu.memory_space<vmem>>)
    %dma_wait3A_61 = arith.constant 1 : i32
    %dma_wait3A_62 = arith.constant 128 : i32
    %dma_wait3A_63 = arith.constant 0 : i32
    %dma_wait3A_64 = tpu.memref_slice %arg12[%dma_wait3A_62, %dma_wait3A_63] : memref<256x128xf32, #tpu.memory_space<vmem>> -> memref<128x128xf32, #tpu.memory_space<vmem>>
    %dma_wait3A_65 = arith.constant 0 : i32
    %dma_wait3A_66 = tpu.memref_slice %arg8[%dma_wait3A_61, %dma_wait3A_65] : memref<4x128xi32, #tpu.memory_space<vmem>> -> memref<1x128xi32, #tpu.memory_space<vmem>>
    %dma_wait3A_67 = tpu.memref_squeeze %dma_wait3A_66 : memref<1x128xi32, #tpu.memory_space<vmem>> -> memref<128xi32, #tpu.memory_space<vmem>>
    %dma_wait3A_68 = arith.constant 0 : i32
    %dma_wait3A_69 = arith.constant 0 : i32
    %dma_wait3A_70 = tpu.memref_slice %arg6[%dma_wait3A_68, %dma_wait3A_69] : memref<501760x128xf32, #tpu.memory_space<hbm>> -> memref<501760x128xf32, #tpu.memory_space<hbm>>
    tpu.wait_indirect_dma semaphore(%arg15 : memref<!tpu.dma_semaphore, #tpu.memory_space<semaphore_mem>>) src(%dma_wait3A_70 : memref<501760x128xf32, #tpu.memory_space<hbm>>) dst(%dma_wait3A_64 : memref<128x128xf32, #tpu.memory_space<vmem>>)
    %dma_wait3A_71 = arith.constant 1 : i32
    %dma_wait3A_72 = arith.constant 128 : i32
    %dma_wait3A_73 = arith.constant 0 : i32
    %dma_wait3A_74 = tpu.memref_slice %arg13[%dma_wait3A_72, %dma_wait3A_73] : memref<256x128xf32, #tpu.memory_space<vmem>> -> memref<128x128xf32, #tpu.memory_space<vmem>>
    %dma_wait3A_75 = arith.constant 0 : i32
    %dma_wait3A_76 = tpu.memref_slice %arg9[%dma_wait3A_71, %dma_wait3A_75] : memref<4x128xi32, #tpu.memory_space<vmem>> -> memref<1x128xi32, #tpu.memory_space<vmem>>
    %dma_wait3A_77 = tpu.memref_squeeze %dma_wait3A_76 : memref<1x128xi32, #tpu.memory_space<vmem>> -> memref<128xi32, #tpu.memory_space<vmem>>
    %dma_wait3A_78 = arith.constant 0 : i32
    %dma_wait3A_79 = arith.constant 0 : i32
    %dma_wait3A_80 = tpu.memref_slice %arg6[%dma_wait3A_78, %dma_wait3A_79] : memref<501760x128xf32, #tpu.memory_space<hbm>> -> memref<501760x128xf32, #tpu.memory_space<hbm>>
    tpu.wait_indirect_dma semaphore(%arg15 : memref<!tpu.dma_semaphore, #tpu.memory_space<semaphore_mem>>) src(%dma_wait3A_80 : memref<501760x128xf32, #tpu.memory_space<hbm>>) dst(%dma_wait3A_74 : memref<128x128xf32, #tpu.memory_space<vmem>>)
    %scan3A = arith.constant 0 : i32
    %scan3A_81 = arith.constant 0 : i32
    %scan3A_82 = arith.constant 16 : i32
    %scan3A_83 = arith.addi %scan3A_81, %scan3A_82 : i32
    %scan3A_84 = arith.constant 1 : i32
    %scan3A_85 = scf.for %scan3A_182 = %scan3A_81 to %scan3A_83 step %scan3A_84 iter_args(%scan3A_183 = %scan3A) -> (i32)  : i32 {
      %mul3A_184 = arith.constant 16 : i32
      %mul3A_185 = arith.muli %scan3A_182, %mul3A_184 : i32
      %add3A_186 = arith.constant 0 : i32
      %add3A_187 = arith.addi %add3A_186, %mul3A_185 : i32
      %jit3A = arith.constant 128 : i32
      %div3A = arith.divsi %add3A_187, %jit3A : i32
      %sign3A = arith.constant 0 : i32
      %sign3A_188 = arith.cmpi sgt, %add3A_187, %sign3A : i32
      %sign3A_189 = arith.extui %sign3A_188 : i1 to i32
      %sign3A_190 = arith.constant 0 : i32
      %sign3A_191 = arith.cmpi slt, %add3A_187, %sign3A_190 : i32
      %sign3A_192 = arith.extui %sign3A_191 : i1 to i32
      %sign3A_193 = arith.subi %sign3A_189, %sign3A_192 : i32
      %sign3A_194 = arith.constant 0 : i32
      %sign3A_195 = arith.cmpi sgt, %jit3A, %sign3A_194 : i32
      %sign3A_196 = arith.extui %sign3A_195 : i1 to i32
      %sign3A_197 = arith.constant 0 : i32
      %sign3A_198 = arith.cmpi slt, %jit3A, %sign3A_197 : i32
      %sign3A_199 = arith.extui %sign3A_198 : i1 to i32
      %sign3A_200 = arith.subi %sign3A_196, %sign3A_199 : i32
      %ne3A = arith.cmpi ne, %sign3A_193, %sign3A_200 : i32
      %rem3A = arith.remsi %add3A_187, %jit3A : i32
      %ne3A_201 = arith.constant 0 : i32
      %ne3A_202 = arith.cmpi ne, %rem3A, %ne3A_201 : i32
      %and3A = arith.andi %ne3A, %ne3A_202 : i1
      %sub3A = arith.constant 1 : i32
      %sub3A_203 = arith.subi %div3A, %sub3A : i32
      %select_n3A = arith.select %and3A, %sub3A_203, %div3A : i32
      %mul3A_204 = arith.constant 16 : i32
      %mul3A_205 = arith.muli %scan3A_182, %mul3A_204 : i32
      %add3A_206 = arith.constant 0 : i32
      %add3A_207 = arith.addi %add3A_206, %mul3A_205 : i32
      %jit3A_208 = arith.constant 128 : i32
      %eq3A = arith.constant 0 : i32
      %eq3A_209 = arith.cmpi eq, %jit3A_208, %eq3A : i32
      %jit3A_210 = arith.constant 1 : i32
      %select_n3A_211 = arith.select %eq3A_209, %jit3A_210, %jit3A_208 : i32
      %rem3A_212 = arith.remsi %add3A_207, %select_n3A_211 : i32
      %ne3A_213 = arith.constant 0 : i32
      %ne3A_214 = arith.cmpi ne, %rem3A_212, %ne3A_213 : i32
      %lt3A = arith.constant 0 : i32
      %lt3A_215 = arith.cmpi slt, %rem3A_212, %lt3A : i32
      %lt3A_216 = arith.constant 0 : i32
      %lt3A_217 = arith.cmpi slt, %select_n3A_211, %lt3A_216 : i32
      %ne3A_218 = arith.xori %lt3A_215, %lt3A_217 : i1
      %and3A_219 = arith.andi %ne3A_218, %ne3A_214 : i1
      %add3A_220 = arith.addi %rem3A_212, %select_n3A_211 : i32
      %select_n3A_221 = arith.select %and3A_219, %add3A_220, %rem3A_212 : i32
      %get3A = arith.index_cast %select_n3A : i32 to index
      %get3A_222 = arith.index_cast %select_n3A_221 : i32 to index
      %get3A_223 = tpu.vector_load %arg10[%get3A, %get3A_222] {strides = array<i32>} : memref<4x128xi32, #tpu.memory_space<vmem>>, vector<16xi32>,
      %get3A_224 = arith.index_cast %select_n3A : i32 to index
      %get3A_225 = arith.index_cast %select_n3A_221 : i32 to index
      %get3A_226 = tpu.vector_load %arg11[%get3A_224, %get3A_225] {strides = array<i32>} : memref<4x128xi32, #tpu.memory_space<vmem>>, vector<16xi32>,
      %mul3A_227 = arith.constant 16 : i32
      %mul3A_228 = arith.muli %scan3A_182, %mul3A_227 : i32
      %add3A_229 = arith.constant 0 : i32
      %add3A_230 = arith.addi %mul3A_228, %add3A_229 : i32
      %broadcast_in_dim3A = vector.broadcast %add3A_230 : i32 to vector<16xi32>
      %slice3A = vector.extract_strided_slice %get3A_223 {offsets = [0], sizes = [1], strides = [1]} : vector<16xi32> to vector<1xi32>
      %squeeze3A = vector.extract %slice3A[0] : i32 from vector<1xi32>
      %add3A_231 = arith.constant 0 : i32
      %add3A_232 = arith.addi %squeeze3A, %add3A_231 : i32
      %add3A_233 = vector.broadcast %add3A_232 : i32 to vector<16xi32>
      %add3A_234 = arith.addi %add3A_233, %iota3A : vector<16xi32>
      %gather3A = tpu.vector_load_idx %arg12[%broadcast_in_dim3A, %add3A_234] : memref<256x128xf32, #tpu.memory_space<vmem>>[vector<16xi32>, vector<16xi32>], vector<16xf32>,
      %slice3A_235 = vector.extract_strided_slice %get3A_226 {offsets = [0], sizes = [1], strides = [1]} : vector<16xi32> to vector<1xi32>
      %squeeze3A_236 = vector.extract %slice3A_235[0] : i32 from vector<1xi32>
      %add3A_237 = arith.constant 0 : i32
      %add3A_238 = arith.addi %squeeze3A_236, %add3A_237 : i32
      %add3A_239 = vector.broadcast %add3A_238 : i32 to vector<16xi32>
      %add3A_240 = arith.addi %add3A_239, %iota3A : vector<16xi32>
      %gather3A_241 = tpu.vector_load_idx %arg13[%broadcast_in_dim3A, %add3A_240] : memref<256x128xf32, #tpu.memory_space<vmem>>[vector<16xi32>, vector<16xi32>], vector<16xf32>,
      %add3A_242 = arith.addf %gather3A, %gather3A_241 : vector<16xf32>
      %add3A_243 = arith.constant 0 : i32
      %add3A_244 = arith.addi %mul3A_228, %add3A_243 : i32
      %swap3A = arith.index_cast %add3A_244 : i32 to index
      %swap3A_245 = arith.constant 0 : index
      %swap3A_246 = tpu.vector_load %arg14[%swap3A, %swap3A_245] {strides = array<i32>} : memref<256x64xf32, #tpu.memory_space<vmem>>, vector<16xf32>,
      tpu.vector_store %arg14[%swap3A, %swap3A_245], %add3A_242 {strides = array<i32>} : memref<256x64xf32, #tpu.memory_space<vmem>>, vector<16xf32>,
      %slice3A_247 = vector.extract_strided_slice %get3A_223 {offsets = [0], sizes = [1], strides = [1]} : vector<16xi32> to vector<1xi32>
      %squeeze3A_248 = vector.extract %slice3A_247[0] : i32 from vector<1xi32>
      %add3A_249 = arith.constant 16 : i32
      %add3A_250 = arith.addi %squeeze3A_248, %add3A_249 : i32
      %add3A_251 = vector.broadcast %add3A_250 : i32 to vector<16xi32>
      %add3A_252 = arith.addi %add3A_251, %iota3A : vector<16xi32>
      %gather3A_253 = tpu.vector_load_idx %arg12[%broadcast_in_dim3A, %add3A_252] : memref<256x128xf32, #tpu.memory_space<vmem>>[vector<16xi32>, vector<16xi32>], vector<16xf32>,
      %slice3A_254 = vector.extract_strided_slice %get3A_226 {offsets = [0], sizes = [1], strides = [1]} : vector<16xi32> to vector<1xi32>
      %squeeze3A_255 = vector.extract %slice3A_254[0] : i32 from vector<1xi32>
      %add3A_256 = arith.constant 16 : i32
      %add3A_257 = arith.addi %squeeze3A_255, %add3A_256 : i32
      %add3A_258 = vector.broadcast %add3A_257 : i32 to vector<16xi32>
      %add3A_259 = arith.addi %add3A_258, %iota3A : vector<16xi32>
      %gather3A_260 = tpu.vector_load_idx %arg13[%broadcast_in_dim3A, %add3A_259] : memref<256x128xf32, #tpu.memory_space<vmem>>[vector<16xi32>, vector<16xi32>], vector<16xf32>,
      %add3A_261 = arith.addf %gather3A_253, %gather3A_260 : vector<16xf32>
      %add3A_262 = arith.constant 0 : i32
      %add3A_263 = arith.addi %mul3A_228, %add3A_262 : i32
      %swap3A_264 = arith.index_cast %add3A_263 : i32 to index
      %swap3A_265 = arith.constant 16 : index
      %swap3A_266 = tpu.vector_load %arg14[%swap3A_264, %swap3A_265] {strides = array<i32>} : memref<256x64xf32, #tpu.memory_space<vmem>>, vector<16xf32>,
      tpu.vector_store %arg14[%swap3A_264, %swap3A_265], %add3A_261 {strides = array<i32>} : memref<256x64xf32, #tpu.memory_space<vmem>>, vector<16xf32>,
      %slice3A_267 = vector.extract_strided_slice %get3A_223 {offsets = [0], sizes = [1], strides = [1]} : vector<16xi32> to vector<1xi32>
      %squeeze3A_268 = vector.extract %slice3A_267[0] : i32 from vector<1xi32>
      %add3A_269 = arith.constant 32 : i32
      %add3A_270 = arith.addi %squeeze3A_268, %add3A_269 : i32
      %add3A_271 = vector.broadcast %add3A_270 : i32 to vector<16xi32>
      %add3A_272 = arith.addi %add3A_271, %iota3A : vector<16xi32>
      %gather3A_273 = tpu.vector_load_idx %arg12[%broadcast_in_dim3A, %add3A_272] : memref<256x128xf32, #tpu.memory_space<vmem>>[vector<16xi32>, vector<16xi32>], vector<16xf32>,
      %slice3A_274 = vector.extract_strided_slice %get3A_226 {offsets = [0], sizes = [1], strides = [1]} : vector<16xi32> to vector<1xi32>
      %squeeze3A_275 = vector.extract %slice3A_274[0] : i32 from vector<1xi32>
      %add3A_276 = arith.constant 32 : i32
      %add3A_277 = arith.addi %squeeze3A_275, %add3A_276 : i32
      %add3A_278 = vector.broadcast %add3A_277 : i32 to vector<16xi32>
      %add3A_279 = arith.addi %add3A_278, %iota3A : vector<16xi32>
      %gather3A_280 = tpu.vector_load_idx %arg13[%broadcast_in_dim3A, %add3A_279] : memref<256x128xf32, #tpu.memory_space<vmem>>[vector<16xi32>, vector<16xi32>], vector<16xf32>,
      %add3A_281 = arith.addf %gather3A_273, %gather3A_280 : vector<16xf32>
      %add3A_282 = arith.constant 0 : i32
      %add3A_283 = arith.addi %mul3A_228, %add3A_282 : i32
      %swap3A_284 = arith.index_cast %add3A_283 : i32 to index
      %swap3A_285 = arith.constant 32 : index
      %swap3A_286 = tpu.vector_load %arg14[%swap3A_284, %swap3A_285] {strides = array<i32>} : memref<256x64xf32, #tpu.memory_space<vmem>>, vector<16xf32>,
      tpu.vector_store %arg14[%swap3A_284, %swap3A_285], %add3A_281 {strides = array<i32>} : memref<256x64xf32, #tpu.memory_space<vmem>>, vector<16xf32>,
      %slice3A_287 = vector.extract_strided_slice %get3A_223 {offsets = [0], sizes = [1], strides = [1]} : vector<16xi32> to vector<1xi32>
      %squeeze3A_288 = vector.extract %slice3A_287[0] : i32 from vector<1xi32>
      %add3A_289 = arith.constant 48 : i32
      %add3A_290 = arith.addi %squeeze3A_288, %add3A_289 : i32
      %add3A_291 = vector.broadcast %add3A_290 : i32 to vector<16xi32>
      %add3A_292 = arith.addi %add3A_291, %iota3A : vector<16xi32>
      %gather3A_293 = tpu.vector_load_idx %arg12[%broadcast_in_dim3A, %add3A_292] : memref<256x128xf32, #tpu.memory_space<vmem>>[vector<16xi32>, vector<16xi32>], vector<16xf32>,
      %slice3A_294 = vector.extract_strided_slice %get3A_226 {offsets = [0], sizes = [1], strides = [1]} : vector<16xi32> to vector<1xi32>
      %squeeze3A_295 = vector.extract %slice3A_294[0] : i32 from vector<1xi32>
      %add3A_296 = arith.constant 48 : i32
      %add3A_297 = arith.addi %squeeze3A_295, %add3A_296 : i32
      %add3A_298 = vector.broadcast %add3A_297 : i32 to vector<16xi32>
      %add3A_299 = arith.addi %add3A_298, %iota3A : vector<16xi32>
      %gather3A_300 = tpu.vector_load_idx %arg13[%broadcast_in_dim3A, %add3A_299] : memref<256x128xf32, #tpu.memory_space<vmem>>[vector<16xi32>, vector<16xi32>], vector<16xf32>,
      %add3A_301 = arith.addf %gather3A_293, %gather3A_300 : vector<16xf32>
      %add3A_302 = arith.constant 0 : i32
      %add3A_303 = arith.addi %mul3A_228, %add3A_302 : i32
      %swap3A_304 = arith.index_cast %add3A_303 : i32 to index
      %swap3A_305 = arith.constant 48 : index
      %swap3A_306 = tpu.vector_load %arg14[%swap3A_304, %swap3A_305] {strides = array<i32>} : memref<256x64xf32, #tpu.memory_space<vmem>>, vector<16xf32>,
      tpu.vector_store %arg14[%swap3A_304, %swap3A_305], %add3A_301 {strides = array<i32>} : memref<256x64xf32, #tpu.memory_space<vmem>>, vector<16xf32>,
      %add3A_307 = arith.constant 1 : i32
      %add3A_308 = arith.addi %mul3A_228, %add3A_307 : i32
      %broadcast_in_dim3A_309 = vector.broadcast %add3A_308 : i32 to vector<16xi32>
      %slice3A_310 = vector.extract_strided_slice %get3A_223 {offsets = [1], sizes = [1], strides = [1]} : vector<16xi32> to vector<1xi32>
      %squeeze3A_311 = vector.extract %slice3A_310[0] : i32 from vector<1xi32>
      %add3A_312 = arith.constant 0 : i32
      %add3A_313 = arith.addi %squeeze3A_311, %add3A_312 : i32
      %add3A_314 = vector.broadcast %add3A_313 : i32 to vector<16xi32>
      %add3A_315 = arith.addi %add3A_314, %iota3A : vector<16xi32>
      %gather3A_316 = tpu.vector_load_idx %arg12[%broadcast_in_dim3A_309, %add3A_315] : memref<256x128xf32, #tpu.memory_space<vmem>>[vector<16xi32>, vector<16xi32>], vector<16xf32>,
      %slice3A_317 = vector.extract_strided_slice %get3A_226 {offsets = [1], sizes = [1], strides = [1]} : vector<16xi32> to vector<1xi32>
      %squeeze3A_318 = vector.extract %slice3A_317[0] : i32 from vector<1xi32>
      %add3A_319 = arith.constant 0 : i32
      %add3A_320 = arith.addi %squeeze3A_318, %add3A_319 : i32
      %add3A_321 = vector.broadcast %add3A_320 : i32 to vector<16xi32>
      %add3A_322 = arith.addi %add3A_321, %iota3A : vector<16xi32>
      %gather3A_323 = tpu.vector_load_idx %arg13[%broadcast_in_dim3A_309, %add3A_322] : memref<256x128xf32, #tpu.memory_space<vmem>>[vector<16xi32>, vector<16xi32>], vector<16xf32>,
      %add3A_324 = arith.addf %gather3A_316, %gather3A_323 : vector<16xf32>
      %add3A_325 = arith.constant 1 : i32
      %add3A_326 = arith.addi %mul3A_228, %add3A_325 : i32
      %swap3A_327 = arith.index_cast %add3A_326 : i32 to index
      %swap3A_328 = arith.constant 0 : index
      %swap3A_329 = tpu.vector_load %arg14[%swap3A_327, %swap3A_328] {strides = array<i32>} : memref<256x64xf32, #tpu.memory_space<vmem>>, vector<16xf32>,
      tpu.vector_store %arg14[%swap3A_327, %swap3A_328], %add3A_324 {strides = array<i32>} : memref<256x64xf32, #tpu.memory_space<vmem>>, vector<16xf32>,
      %slice3A_330 = vector.extract_strided_slice %get3A_223 {offsets = [1], sizes = [1], strides = [1]} : vector<16xi32> to vector<1xi32>
      %squeeze3A_331 = vector.extract %slice3A_330[0] : i32 from vector<1xi32>
      %add3A_332 = arith.constant 16 : i32
      %add3A_333 = arith.addi %squeeze3A_331, %add3A_332 : i32
      %add3A_334 = vector.broadcast %add3A_333 : i32 to vector<16xi32>
      %add3A_335 = arith.addi %add3A_334, %iota3A : vector<16xi32>
      %gather3A_336 = tpu.vector_load_idx %arg12[%broadcast_in_dim3A_309, %add3A_335] : memref<256x128xf32, #tpu.memory_space<vmem>>[vector<16xi32>, vector<16xi32>], vector<16xf32>,
      %slice3A_337 = vector.extract_strided_slice %get3A_226 {offsets = [1], sizes = [1], strides = [1]} : vector<16xi32> to vector<1xi32>
      %squeeze3A_338 = vector.extract %slice3A_337[0] : i32 from vector<1xi32>
      %add3A_339 = arith.constant 16 : i32
      %add3A_340 = arith.addi %squeeze3A_338, %add3A_339 : i32
      %add3A_341 = vector.broadcast %add3A_340 : i32 to vector<16xi32>
      %add3A_342 = arith.addi %add3A_341, %iota3A : vector<16xi32>
      %gather3A_343 = tpu.vector_load_idx %arg13[%broadcast_in_dim3A_309, %add3A_342] : memref<256x128xf32, #tpu.memory_space<vmem>>[vector<16xi32>, vector<16xi32>], vector<16xf32>,
      %add3A_344 = arith.addf %gather3A_336, %gather3A_343 : vector<16xf32>
      %add3A_345 = arith.constant 1 : i32
      %add3A_346 = arith.addi %mul3A_228, %add3A_345 : i32
      %swap3A_347 = arith.index_cast %add3A_346 : i32 to index
      %swap3A_348 = arith.constant 16 : index
      %swap3A_349 = tpu.vector_load %arg14[%swap3A_347, %swap3A_348] {strides = array<i32>} : memref<256x64xf32, #tpu.memory_space<vmem>>, vector<16xf32>,
      tpu.vector_store %arg14[%swap3A_347, %swap3A_348], %add3A_344 {strides = array<i32>} : memref<256x64xf32, #tpu.memory_space<vmem>>, vector<16xf32>,
      %slice3A_350 = vector.extract_strided_slice %get3A_223 {offsets = [1], sizes = [1], strides = [1]} : vector<16xi32> to vector<1xi32>
      %squeeze3A_351 = vector.extract %slice3A_350[0] : i32 from vector<1xi32>
      %add3A_352 = arith.constant 32 : i32
      %add3A_353 = arith.addi %squeeze3A_351, %add3A_352 : i32
      %add3A_354 = vector.broadcast %add3A_353 : i32 to vector<16xi32>
      %add3A_355 = arith.addi %add3A_354, %iota3A : vector<16xi32>
      %gather3A_356 = tpu.vector_load_idx %arg12[%broadcast_in_dim3A_309, %add3A_355] : memref<256x128xf32, #tpu.memory_space<vmem>>[vector<16xi32>, vector<16xi32>], vector<16xf32>,
      %slice3A_357 = vector.extract_strided_slice %get3A_226 {offsets = [1], sizes = [1], strides = [1]} : vector<16xi32> to vector<1xi32>
      %squeeze3A_358 = vector.extract %slice3A_357[0] : i32 from vector<1xi32>
      %add3A_359 = arith.constant 32 : i32
      %add3A_360 = arith.addi %squeeze3A_358, %add3A_359 : i32
      %add3A_361 = vector.broadcast %add3A_360 : i32 to vector<16xi32>
      %add3A_362 = arith.addi %add3A_361, %iota3A : vector<16xi32>
      %gather3A_363 = tpu.vector_load_idx %arg13[%broadcast_in_dim3A_309, %add3A_362] : memref<256x128xf32, #tpu.memory_space<vmem>>[vector<16xi32>, vector<16xi32>], vector<16xf32>,
      %add3A_364 = arith.addf %gather3A_356, %gather3A_363 : vector<16xf32>
      %add3A_365 = arith.constant 1 : i32
      %add3A_366 = arith.addi %mul3A_228, %add3A_365 : i32
      %swap3A_367 = arith.index_cast %add3A_366 : i32 to index
      %swap3A_368 = arith.constant 32 : index
      %swap3A_369 = tpu.vector_load %arg14[%swap3A_367, %swap3A_368] {strides = array<i32>} : memref<256x64xf32, #tpu.memory_space<vmem>>, vector<16xf32>,
      tpu.vector_store %arg14[%swap3A_367, %swap3A_368], %add3A_364 {strides = array<i32>} : memref<256x64xf32, #tpu.memory_space<vmem>>, vector<16xf32>,
      %slice3A_370 = vector.extract_strided_slice %get3A_223 {offsets = [1], sizes = [1], strides = [1]} : vector<16xi32> to vector<1xi32>
      %squeeze3A_371 = vector.extract %slice3A_370[0] : i32 from vector<1xi32>
      %add3A_372 = arith.constant 48 : i32
      %add3A_373 = arith.addi %squeeze3A_371, %add3A_372 : i32
      %add3A_374 = vector.broadcast %add3A_373 : i32 to vector<16xi32>
      %add3A_375 = arith.addi %add3A_374, %iota3A : vector<16xi32>
      %gather3A_376 = tpu.vector_load_idx %arg12[%broadcast_in_dim3A_309, %add3A_375] : memref<256x128xf32, #tpu.memory_space<vmem>>[vector<16xi32>, vector<16xi32>], vector<16xf32>,
      %slice3A_377 = vector.extract_strided_slice %get3A_226 {offsets = [1], sizes = [1], strides = [1]} : vector<16xi32> to vector<1xi32>
      %squeeze3A_378 = vector.extract %slice3A_377[0] : i32 from vector<1xi32>
      %add3A_379 = arith.constant 48 : i32
      %add3A_380 = arith.addi %squeeze3A_378, %add3A_379 : i32
      %add3A_381 = vector.broadcast %add3A_380 : i32 to vector<16xi32>
      %add3A_382 = arith.addi %add3A_381, %iota3A : vector<16xi32>
      %gather3A_383 = tpu.vector_load_idx %arg13[%broadcast_in_dim3A_309, %add3A_382] : memref<256x128xf32, #tpu.memory_space<vmem>>[vector<16xi32>, vector<16xi32>], vector<16xf32>,
      %add3A_384 = arith.addf %gather3A_376, %gather3A_383 : vector<16xf32>
      %add3A_385 = arith.constant 1 : i32
      %add3A_386 = arith.addi %mul3A_228, %add3A_385 : i32
      %swap3A_387 = arith.index_cast %add3A_386 : i32 to index
      %swap3A_388 = arith.constant 48 : index
      %swap3A_389 = tpu.vector_load %arg14[%swap3A_387, %swap3A_388] {strides = array<i32>} : memref<256x64xf32, #tpu.memory_space<vmem>>, vector<16xf32>,
      tpu.vector_store %arg14[%swap3A_387, %swap3A_388], %add3A_384 {strides = array<i32>} : memref<256x64xf32, #tpu.memory_space<vmem>>, vector<16xf32>,
      %add3A_390 = arith.constant 2 : i32
      %add3A_391 = arith.addi %mul3A_228, %add3A_390 : i32
      %broadcast_in_dim3A_392 = vector.broadcast %add3A_391 : i32 to vector<16xi32>
      %slice3A_393 = vector.extract_strided_slice %get3A_223 {offsets = [2], sizes = [1], strides = [1]} : vector<16xi32> to vector<1xi32>
      %squeeze3A_394 = vector.extract %slice3A_393[0] : i32 from vector<1xi32>
      %add3A_395 = arith.constant 0 : i32
      %add3A_396 = arith.addi %squeeze3A_394, %add3A_395 : i32
      %add3A_397 = vector.broadcast %add3A_396 : i32 to vector<16xi32>
      %add3A_398 = arith.addi %add3A_397, %iota3A : vector<16xi32>
      %gather3A_399 = tpu.vector_load_idx %arg12[%broadcast_in_dim3A_392, %add3A_398] : memref<256x128xf32, #tpu.memory_space<vmem>>[vector<16xi32>, vector<16xi32>], vector<16xf32>,
      %slice3A_400 = vector.extract_strided_slice %get3A_226 {offsets = [2], sizes = [1], strides = [1]} : vector<16xi32> to vector<1xi32>
      %squeeze3A_401 = vector.extract %slice3A_400[0] : i32 from vector<1xi32>
      %add3A_402 = arith.constant 0 : i32
      %add3A_403 = arith.addi %squeeze3A_401, %add3A_402 : i32
      %add3A_404 = vector.broadcast %add3A_403 : i32 to vector<16xi32>
      %add3A_405 = arith.addi %add3A_404, %iota3A : vector<16xi32>
      %gather3A_406 = tpu.vector_load_idx %arg13[%broadcast_in_dim3A_392, %add3A_405] : memref<256x128xf32, #tpu.memory_space<vmem>>[vector<16xi32>, vector<16xi32>], vector<16xf32>,
      %add3A_407 = arith.addf %gather3A_399, %gather3A_406 : vector<16xf32>
      %add3A_408 = arith.constant 2 : i32
      %add3A_409 = arith.addi %mul3A_228, %add3A_408 : i32
      %swap3A_410 = arith.index_cast %add3A_409 : i32 to index
      %swap3A_411 = arith.constant 0 : index
      %swap3A_412 = tpu.vector_load %arg14[%swap3A_410, %swap3A_411] {strides = array<i32>} : memref<256x64xf32, #tpu.memory_space<vmem>>, vector<16xf32>,
      tpu.vector_store %arg14[%swap3A_410, %swap3A_411], %add3A_407 {strides = array<i32>} : memref<256x64xf32, #tpu.memory_space<vmem>>, vector<16xf32>,
      %slice3A_413 = vector.extract_strided_slice %get3A_223 {offsets = [2], sizes = [1], strides = [1]} : vector<16xi32> to vector<1xi32>
      %squeeze3A_414 = vector.extract %slice3A_413[0] : i32 from vector<1xi32>
      %add3A_415 = arith.constant 16 : i32
      %add3A_416 = arith.addi %squeeze3A_414, %add3A_415 : i32
      %add3A_417 = vector.broadcast %add3A_416 : i32 to vector<16xi32>
      %add3A_418 = arith.addi %add3A_417, %iota3A : vector<16xi32>
      %gather3A_419 = tpu.vector_load_idx %arg12[%broadcast_in_dim3A_392, %add3A_418] : memref<256x128xf32, #tpu.memory_space<vmem>>[vector<16xi32>, vector<16xi32>], vector<16xf32>,
      %slice3A_420 = vector.extract_strided_slice %get3A_226 {offsets = [2], sizes = [1], strides = [1]} : vector<16xi32> to vector<1xi32>
      %squeeze3A_421 = vector.extract %slice3A_420[0] : i32 from vector<1xi32>
      %add3A_422 = arith.constant 16 : i32
      %add3A_423 = arith.addi %squeeze3A_421, %add3A_422 : i32
      %add3A_424 = vector.broadcast %add3A_423 : i32 to vector<16xi32>
      %add3A_425 = arith.addi %add3A_424, %iota3A : vector<16xi32>
      %gather3A_426 = tpu.vector_load_idx %arg13[%broadcast_in_dim3A_392, %add3A_425] : memref<256x128xf32, #tpu.memory_space<vmem>>[vector<16xi32>, vector<16xi32>], vector<16xf32>,
      %add3A_427 = arith.addf %gather3A_419, %gather3A_426 : vector<16xf32>
      %add3A_428 = arith.constant 2 : i32
      %add3A_429 = arith.addi %mul3A_228, %add3A_428 : i32
      %swap3A_430 = arith.index_cast %add3A_429 : i32 to index
      %swap3A_431 = arith.constant 16 : index
      %swap3A_432 = tpu.vector_load %arg14[%swap3A_430, %swap3A_431] {strides = array<i32>} : memref<256x64xf32, #tpu.memory_space<vmem>>, vector<16xf32>,
      tpu.vector_store %arg14[%swap3A_430, %swap3A_431], %add3A_427 {strides = array<i32>} : memref<256x64xf32, #tpu.memory_space<vmem>>, vector<16xf32>,
      %slice3A_433 = vector.extract_strided_slice %get3A_223 {offsets = [2], sizes = [1], strides = [1]} : vector<16xi32> to vector<1xi32>
      %squeeze3A_434 = vector.extract %slice3A_433[0] : i32 from vector<1xi32>
      %add3A_435 = arith.constant 32 : i32
      %add3A_436 = arith.addi %squeeze3A_434, %add3A_435 : i32
      %add3A_437 = vector.broadcast %add3A_436 : i32 to vector<16xi32>
      %add3A_438 = arith.addi %add3A_437, %iota3A : vector<16xi32>
      %gather3A_439 = tpu.vector_load_idx %arg12[%broadcast_in_dim3A_392, %add3A_438] : memref<256x128xf32, #tpu.memory_space<vmem>>[vector<16xi32>, vector<16xi32>], vector<16xf32>,
      %slice3A_440 = vector.extract_strided_slice %get3A_226 {offsets = [2], sizes = [1], strides = [1]} : vector<16xi32> to vector<1xi32>
      %squeeze3A_441 = vector.extract %slice3A_440[0] : i32 from vector<1xi32>
      %add3A_442 = arith.constant 32 : i32
      %add3A_443 = arith.addi %squeeze3A_441, %add3A_442 : i32
      %add3A_444 = vector.broadcast %add3A_443 : i32 to vector<16xi32>
      %add3A_445 = arith.addi %add3A_444, %iota3A : vector<16xi32>
      %gather3A_446 = tpu.vector_load_idx %arg13[%broadcast_in_dim3A_392, %add3A_445] : memref<256x128xf32, #tpu.memory_space<vmem>>[vector<16xi32>, vector<16xi32>], vector<16xf32>,
      %add3A_447 = arith.addf %gather3A_439, %gather3A_446 : vector<16xf32>
      %add3A_448 = arith.constant 2 : i32
      %add3A_449 = arith.addi %mul3A_228, %add3A_448 : i32
      %swap3A_450 = arith.index_cast %add3A_449 : i32 to index
      %swap3A_451 = arith.constant 32 : index
      %swap3A_452 = tpu.vector_load %arg14[%swap3A_450, %swap3A_451] {strides = array<i32>} : memref<256x64xf32, #tpu.memory_space<vmem>>, vector<16xf32>,
      tpu.vector_store %arg14[%swap3A_450, %swap3A_451], %add3A_447 {strides = array<i32>} : memref<256x64xf32, #tpu.memory_space<vmem>>, vector<16xf32>,
      %slice3A_453 = vector.extract_strided_slice %get3A_223 {offsets = [2], sizes = [1], strides = [1]} : vector<16xi32> to vector<1xi32>
      %squeeze3A_454 = vector.extract %slice3A_453[0] : i32 from vector<1xi32>
      %add3A_455 = arith.constant 48 : i32
      %add3A_456 = arith.addi %squeeze3A_454, %add3A_455 : i32
      %add3A_457 = vector.broadcast %add3A_456 : i32 to vector<16xi32>
      %add3A_458 = arith.addi %add3A_457, %iota3A : vector<16xi32>
      %gather3A_459 = tpu.vector_load_idx %arg12[%broadcast_in_dim3A_392, %add3A_458] : memref<256x128xf32, #tpu.memory_space<vmem>>[vector<16xi32>, vector<16xi32>], vector<16xf32>,
      %slice3A_460 = vector.extract_strided_slice %get3A_226 {offsets = [2], sizes = [1], strides = [1]} : vector<16xi32> to vector<1xi32>
      %squeeze3A_461 = vector.extract %slice3A_460[0] : i32 from vector<1xi32>
      %add3A_462 = arith.constant 48 : i32
      %add3A_463 = arith.addi %squeeze3A_461, %add3A_462 : i32
      %add3A_464 = vector.broadcast %add3A_463 : i32 to vector<16xi32>
      %add3A_465 = arith.addi %add3A_464, %iota3A : vector<16xi32>
      %gather3A_466 = tpu.vector_load_idx %arg13[%broadcast_in_dim3A_392, %add3A_465] : memref<256x128xf32, #tpu.memory_space<vmem>>[vector<16xi32>, vector<16xi32>], vector<16xf32>,
      %add3A_467 = arith.addf %gather3A_459, %gather3A_466 : vector<16xf32>
      %add3A_468 = arith.constant 2 : i32
      %add3A_469 = arith.addi %mul3A_228, %add3A_468 : i32
      %swap3A_470 = arith.index_cast %add3A_469 : i32 to index
      %swap3A_471 = arith.constant 48 : index
      %swap3A_472 = tpu.vector_load %arg14[%swap3A_470, %swap3A_471] {strides = array<i32>} : memref<256x64xf32, #tpu.memory_space<vmem>>, vector<16xf32>,
      tpu.vector_store %arg14[%swap3A_470, %swap3A_471], %add3A_467 {strides = array<i32>} : memref<256x64xf32, #tpu.memory_space<vmem>>, vector<16xf32>,
      %add3A_473 = arith.constant 3 : i32
      %add3A_474 = arith.addi %mul3A_228, %add3A_473 : i32
      %broadcast_in_dim3A_475 = vector.broadcast %add3A_474 : i32 to vector<16xi32>
      %slice3A_476 = vector.extract_strided_slice %get3A_223 {offsets = [3], sizes = [1], strides = [1]} : vector<16xi32> to vector<1xi32>
      %squeeze3A_477 = vector.extract %slice3A_476[0] : i32 from vector<1xi32>
      %add3A_478 = arith.constant 0 : i32
      %add3A_479 = arith.addi %squeeze3A_477, %add3A_478 : i32
      %add3A_480 = vector.broadcast %add3A_479 : i32 to vector<16xi32>
      %add3A_481 = arith.addi %add3A_480, %iota3A : vector<16xi32>
      %gather3A_482 = tpu.vector_load_idx %arg12[%broadcast_in_dim3A_475, %add3A_481] : memref<256x128xf32, #tpu.memory_space<vmem>>[vector<16xi32>, vector<16xi32>], vector<16xf32>,
      %slice3A_483 = vector.extract_strided_slice %get3A_226 {offsets = [3], sizes = [1], strides = [1]} : vector<16xi32> to vector<1xi32>
      %squeeze3A_484 = vector.extract %slice3A_483[0] : i32 from vector<1xi32>
      %add3A_485 = arith.constant 0 : i32
      %add3A_486 = arith.addi %squeeze3A_484, %add3A_485 : i32
      %add3A_487 = vector.broadcast %add3A_486 : i32 to vector<16xi32>
      %add3A_488 = arith.addi %add3A_487, %iota3A : vector<16xi32>
      %gather3A_489 = tpu.vector_load_idx %arg13[%broadcast_in_dim3A_475, %add3A_488] : memref<256x128xf32, #tpu.memory_space<vmem>>[vector<16xi32>, vector<16xi32>], vector<16xf32>,
      %add3A_490 = arith.addf %gather3A_482, %gather3A_489 : vector<16xf32>
      %add3A_491 = arith.constant 3 : i32
      %add3A_492 = arith.addi %mul3A_228, %add3A_491 : i32
      %swap3A_493 = arith.index_cast %add3A_492 : i32 to index
      %swap3A_494 = arith.constant 0 : index
      %swap3A_495 = tpu.vector_load %arg14[%swap3A_493, %swap3A_494] {strides = array<i32>} : memref<256x64xf32, #tpu.memory_space<vmem>>, vector<16xf32>,
      tpu.vector_store %arg14[%swap3A_493, %swap3A_494], %add3A_490 {strides = array<i32>} : memref<256x64xf32, #tpu.memory_space<vmem>>, vector<16xf32>,
      %slice3A_496 = vector.extract_strided_slice %get3A_223 {offsets = [3], sizes = [1], strides = [1]} : vector<16xi32> to vector<1xi32>
      %squeeze3A_497 = vector.extract %slice3A_496[0] : i32 from vector<1xi32>
      %add3A_498 = arith.constant 16 : i32
      %add3A_499 = arith.addi %squeeze3A_497, %add3A_498 : i32
      %add3A_500 = vector.broadcast %add3A_499 : i32 to vector<16xi32>
      %add3A_501 = arith.addi %add3A_500, %iota3A : vector<16xi32>
      %gather3A_502 = tpu.vector_load_idx %arg12[%broadcast_in_dim3A_475, %add3A_501] : memref<256x128xf32, #tpu.memory_space<vmem>>[vector<16xi32>, vector<16xi32>], vector<16xf32>,
      %slice3A_503 = vector.extract_strided_slice %get3A_226 {offsets = [3], sizes = [1], strides = [1]} : vector<16xi32> to vector<1xi32>
      %squeeze3A_504 = vector.extract %slice3A_503[0] : i32 from vector<1xi32>
      %add3A_505 = arith.constant 16 : i32
      %add3A_506 = arith.addi %squeeze3A_504, %add3A_505 : i32
      %add3A_507 = vector.broadcast %add3A_506 : i32 to vector<16xi32>
      %add3A_508 = arith.addi %add3A_507, %iota3A : vector<16xi32>
      %gather3A_509 = tpu.vector_load_idx %arg13[%broadcast_in_dim3A_475, %add3A_508] : memref<256x128xf32, #tpu.memory_space<vmem>>[vector<16xi32>, vector<16xi32>], vector<16xf32>,
      %add3A_510 = arith.addf %gather3A_502, %gather3A_509 : vector<16xf32>
      %add3A_511 = arith.constant 3 : i32
      %add3A_512 = arith.addi %mul3A_228, %add3A_511 : i32
      %swap3A_513 = arith.index_cast %add3A_512 : i32 to index
      %swap3A_514 = arith.constant 16 : index
      %swap3A_515 = tpu.vector_load %arg14[%swap3A_513, %swap3A_514] {strides = array<i32>} : memref<256x64xf32, #tpu.memory_space<vmem>>, vector<16xf32>,
      tpu.vector_store %arg14[%swap3A_513, %swap3A_514], %add3A_510 {strides = array<i32>} : memref<256x64xf32, #tpu.memory_space<vmem>>, vector<16xf32>,
      %slice3A_516 = vector.extract_strided_slice %get3A_223 {offsets = [3], sizes = [1], strides = [1]} : vector<16xi32> to vector<1xi32>
      %squeeze3A_517 = vector.extract %slice3A_516[0] : i32 from vector<1xi32>
      %add3A_518 = arith.constant 32 : i32
      %add3A_519 = arith.addi %squeeze3A_517, %add3A_518 : i32
      %add3A_520 = vector.broadcast %add3A_519 : i32 to vector<16xi32>
      %add3A_521 = arith.addi %add3A_520, %iota3A : vector<16xi32>
      %gather3A_522 = tpu.vector_load_idx %arg12[%broadcast_in_dim3A_475, %add3A_521] : memref<256x128xf32, #tpu.memory_space<vmem>>[vector<16xi32>, vector<16xi32>], vector<16xf32>,
      %slice3A_523 = vector.extract_strided_slice %get3A_226 {offsets = [3], sizes = [1], strides = [1]} : vector<16xi32> to vector<1xi32>
      %squeeze3A_524 = vector.extract %slice3A_523[0] : i32 from vector<1xi32>
      %add3A_525 = arith.constant 32 : i32
      %add3A_526 = arith.addi %squeeze3A_524, %add3A_525 : i32
      %add3A_527 = vector.broadcast %add3A_526 : i32 to vector<16xi32>
      %add3A_528 = arith.addi %add3A_527, %iota3A : vector<16xi32>
      %gather3A_529 = tpu.vector_load_idx %arg13[%broadcast_in_dim3A_475, %add3A_528] : memref<256x128xf32, #tpu.memory_space<vmem>>[vector<16xi32>, vector<16xi32>], vector<16xf32>,
      %add3A_530 = arith.addf %gather3A_522, %gather3A_529 : vector<16xf32>
      %add3A_531 = arith.constant 3 : i32
      %add3A_532 = arith.addi %mul3A_228, %add3A_531 : i32
      %swap3A_533 = arith.index_cast %add3A_532 : i32 to index
      %swap3A_534 = arith.constant 32 : index
      %swap3A_535 = tpu.vector_load %arg14[%swap3A_533, %swap3A_534] {strides = array<i32>} : memref<256x64xf32, #tpu.memory_space<vmem>>, vector<16xf32>,
      tpu.vector_store %arg14[%swap3A_533, %swap3A_534], %add3A_530 {strides = array<i32>} : memref<256x64xf32, #tpu.memory_space<vmem>>, vector<16xf32>,
      %slice3A_536 = vector.extract_strided_slice %get3A_223 {offsets = [3], sizes = [1], strides = [1]} : vector<16xi32> to vector<1xi32>
      %squeeze3A_537 = vector.extract %slice3A_536[0] : i32 from vector<1xi32>
      %add3A_538 = arith.constant 48 : i32
      %add3A_539 = arith.addi %squeeze3A_537, %add3A_538 : i32
      %add3A_540 = vector.broadcast %add3A_539 : i32 to vector<16xi32>
      %add3A_541 = arith.addi %add3A_540, %iota3A : vector<16xi32>
      %gather3A_542 = tpu.vector_load_idx %arg12[%broadcast_in_dim3A_475, %add3A_541] : memref<256x128xf32, #tpu.memory_space<vmem>>[vector<16xi32>, vector<16xi32>], vector<16xf32>,
      %slice3A_543 = vector.extract_strided_slice %get3A_226 {offsets = [3], sizes = [1], strides = [1]} : vector<16xi32> to vector<1xi32>
      %squeeze3A_544 = vector.extract %slice3A_543[0] : i32 from vector<1xi32>
      %add3A_545 = arith.constant 48 : i32
      %add3A_546 = arith.addi %squeeze3A_544, %add3A_545 : i32
      %add3A_547 = vector.broadcast %add3A_546 : i32 to vector<16xi32>
      %add3A_548 = arith.addi %add3A_547, %iota3A : vector<16xi32>
      %gather3A_549 = tpu.vector_load_idx %arg13[%broadcast_in_dim3A_475, %add3A_548] : memref<256x128xf32, #tpu.memory_space<vmem>>[vector<16xi32>, vector<16xi32>], vector<16xf32>,
      %add3A_550 = arith.addf %gather3A_542, %gather3A_549 : vector<16xf32>
      %add3A_551 = arith.constant 3 : i32
      %add3A_552 = arith.addi %mul3A_228, %add3A_551 : i32
      %swap3A_553 = arith.index_cast %add3A_552 : i32 to index
      %swap3A_554 = arith.constant 48 : index
      %swap3A_555 = tpu.vector_load %arg14[%swap3A_553, %swap3A_554] {strides = array<i32>} : memref<256x64xf32, #tpu.memory_space<vmem>>, vector<16xf32>,
      tpu.vector_store %arg14[%swap3A_553, %swap3A_554], %add3A_550 {strides = array<i32>} : memref<256x64xf32, #tpu.memory_space<vmem>>, vector<16xf32>,
      %add3A_556 = arith.constant 4 : i32
      %add3A_557 = arith.addi %mul3A_228, %add3A_556 : i32
      %broadcast_in_dim3A_558 = vector.broadcast %add3A_557 : i32 to vector<16xi32>
      %slice3A_559 = vector.extract_strided_slice %get3A_223 {offsets = [4], sizes = [1], strides = [1]} : vector<16xi32> to vector<1xi32>
      %squeeze3A_560 = vector.extract %slice3A_559[0] : i32 from vector<1xi32>
      %add3A_561 = arith.constant 0 : i32
      %add3A_562 = arith.addi %squeeze3A_560, %add3A_561 : i32
      %add3A_563 = vector.broadcast %add3A_562 : i32 to vector<16xi32>
      %add3A_564 = arith.addi %add3A_563, %iota3A : vector<16xi32>
      %gather3A_565 = tpu.vector_load_idx %arg12[%broadcast_in_dim3A_558, %add3A_564] : memref<256x128xf32, #tpu.memory_space<vmem>>[vector<16xi32>, vector<16xi32>], vector<16xf32>,
      %slice3A_566 = vector.extract_strided_slice %get3A_226 {offsets = [4], sizes = [1], strides = [1]} : vector<16xi32> to vector<1xi32>
      %squeeze3A_567 = vector.extract %slice3A_566[0] : i32 from vector<1xi32>
      %add3A_568 = arith.constant 0 : i32
      %add3A_569 = arith.addi %squeeze3A_567, %add3A_568 : i32
      %add3A_570 = vector.broadcast %add3A_569 : i32 to vector<16xi32>
      %add3A_571 = arith.addi %add3A_570, %iota3A : vector<16xi32>
      %gather3A_572 = tpu.vector_load_idx %arg13[%broadcast_in_dim3A_558, %add3A_571] : memref<256x128xf32, #tpu.memory_space<vmem>>[vector<16xi32>, vector<16xi32>], vector<16xf32>,
      %add3A_573 = arith.addf %gather3A_565, %gather3A_572 : vector<16xf32>
      %add3A_574 = arith.constant 4 : i32
      %add3A_575 = arith.addi %mul3A_228, %add3A_574 : i32
      %swap3A_576 = arith.index_cast %add3A_575 : i32 to index
      %swap3A_577 = arith.constant 0 : index
      %swap3A_578 = tpu.vector_load %arg14[%swap3A_576, %swap3A_577] {strides = array<i32>} : memref<256x64xf32, #tpu.memory_space<vmem>>, vector<16xf32>,
      tpu.vector_store %arg14[%swap3A_576, %swap3A_577], %add3A_573 {strides = array<i32>} : memref<256x64xf32, #tpu.memory_space<vmem>>, vector<16xf32>,
      %slice3A_579 = vector.extract_strided_slice %get3A_223 {offsets = [4], sizes = [1], strides = [1]} : vector<16xi32> to vector<1xi32>
      %squeeze3A_580 = vector.extract %slice3A_579[0] : i32 from vector<1xi32>
      %add3A_581 = arith.constant 16 : i32
      %add3A_582 = arith.addi %squeeze3A_580, %add3A_581 : i32
      %add3A_583 = vector.broadcast %add3A_582 : i32 to vector<16xi32>
      %add3A_584 = arith.addi %add3A_583, %iota3A : vector<16xi32>
      %gather3A_585 = tpu.vector_load_idx %arg12[%broadcast_in_dim3A_558, %add3A_584] : memref<256x128xf32, #tpu.memory_space<vmem>>[vector<16xi32>, vector<16xi32>], vector<16xf32>,
      %slice3A_586 = vector.extract_strided_slice %get3A_226 {offsets = [4], sizes = [1], strides = [1]} : vector<16xi32> to vector<1xi32>
      %squeeze3A_587 = vector.extract %slice3A_586[0] : i32 from vector<1xi32>
      %add3A_588 = arith.constant 16 : i32
      %add3A_589 = arith.addi %squeeze3A_587, %add3A_588 : i32
      %add3A_590 = vector.broadcast %add3A_589 : i32 to vector<16xi32>
      %add3A_591 = arith.addi %add3A_590, %iota3A : vector<16xi32>
      %gather3A_592 = tpu.vector_load_idx %arg13[%broadcast_in_dim3A_558, %add3A_591] : memref<256x128xf32, #tpu.memory_space<vmem>>[vector<16xi32>, vector<16xi32>], vector<16xf32>,
      %add3A_593 = arith.addf %gather3A_585, %gather3A_592 : vector<16xf32>
      %add3A_594 = arith.constant 4 : i32
      %add3A_595 = arith.addi %mul3A_228, %add3A_594 : i32
      %swap3A_596 = arith.index_cast %add3A_595 : i32 to index
      %swap3A_597 = arith.constant 16 : index
      %swap3A_598 = tpu.vector_load %arg14[%swap3A_596, %swap3A_597] {strides = array<i32>} : memref<256x64xf32, #tpu.memory_space<vmem>>, vector<16xf32>,
      tpu.vector_store %arg14[%swap3A_596, %swap3A_597], %add3A_593 {strides = array<i32>} : memref<256x64xf32, #tpu.memory_space<vmem>>, vector<16xf32>,
      %slice3A_599 = vector.extract_strided_slice %get3A_223 {offsets = [4], sizes = [1], strides = [1]} : vector<16xi32> to vector<1xi32>
      %squeeze3A_600 = vector.extract %slice3A_599[0] : i32 from vector<1xi32>
      %add3A_601 = arith.constant 32 : i32
      %add3A_602 = arith.addi %squeeze3A_600, %add3A_601 : i32
      %add3A_603 = vector.broadcast %add3A_602 : i32 to vector<16xi32>
      %add3A_604 = arith.addi %add3A_603, %iota3A : vector<16xi32>
      %gather3A_605 = tpu.vector_load_idx %arg12[%broadcast_in_dim3A_558, %add3A_604] : memref<256x128xf32, #tpu.memory_space<vmem>>[vector<16xi32>, vector<16xi32>], vector<16xf32>,
      %slice3A_606 = vector.extract_strided_slice %get3A_226 {offsets = [4], sizes = [1], strides = [1]} : vector<16xi32> to vector<1xi32>
      %squeeze3A_607 = vector.extract %slice3A_606[0] : i32 from vector<1xi32>
      %add3A_608 = arith.constant 32 : i32
      %add3A_609 = arith.addi %squeeze3A_607, %add3A_608 : i32
      %add3A_610 = vector.broadcast %add3A_609 : i32 to vector<16xi32>
      %add3A_611 = arith.addi %add3A_610, %iota3A : vector<16xi32>
      %gather3A_612 = tpu.vector_load_idx %arg13[%broadcast_in_dim3A_558, %add3A_611] : memref<256x128xf32, #tpu.memory_space<vmem>>[vector<16xi32>, vector<16xi32>], vector<16xf32>,
      %add3A_613 = arith.addf %gather3A_605, %gather3A_612 : vector<16xf32>
      %add3A_614 = arith.constant 4 : i32
      %add3A_615 = arith.addi %mul3A_228, %add3A_614 : i32
      %swap3A_616 = arith.index_cast %add3A_615 : i32 to index
      %swap3A_617 = arith.constant 32 : index
      %swap3A_618 = tpu.vector_load %arg14[%swap3A_616, %swap3A_617] {strides = array<i32>} : memref<256x64xf32, #tpu.memory_space<vmem>>, vector<16xf32>,
      tpu.vector_store %arg14[%swap3A_616, %swap3A_617], %add3A_613 {strides = array<i32>} : memref<256x64xf32, #tpu.memory_space<vmem>>, vector<16xf32>,
      %slice3A_619 = vector.extract_strided_slice %get3A_223 {offsets = [4], sizes = [1], strides = [1]} : vector<16xi32> to vector<1xi32>
      %squeeze3A_620 = vector.extract %slice3A_619[0] : i32 from vector<1xi32>
      %add3A_621 = arith.constant 48 : i32
      %add3A_622 = arith.addi %squeeze3A_620, %add3A_621 : i32
      %add3A_623 = vector.broadcast %add3A_622 : i32 to vector<16xi32>
      %add3A_624 = arith.addi %add3A_623, %iota3A : vector<16xi32>
      %gather3A_625 = tpu.vector_load_idx %arg12[%broadcast_in_dim3A_558, %add3A_624] : memref<256x128xf32, #tpu.memory_space<vmem>>[vector<16xi32>, vector<16xi32>], vector<16xf32>,
      %slice3A_626 = vector.extract_strided_slice %get3A_226 {offsets = [4], sizes = [1], strides = [1]} : vector<16xi32> to vector<1xi32>
      %squeeze3A_627 = vector.extract %slice3A_626[0] : i32 from vector<1xi32>
      %add3A_628 = arith.constant 48 : i32
      %add3A_629 = arith.addi %squeeze3A_627, %add3A_628 : i32
      %add3A_630 = vector.broadcast %add3A_629 : i32 to vector<16xi32>
      %add3A_631 = arith.addi %add3A_630, %iota3A : vector<16xi32>
      %gather3A_632 = tpu.vector_load_idx %arg13[%broadcast_in_dim3A_558, %add3A_631] : memref<256x128xf32, #tpu.memory_space<vmem>>[vector<16xi32>, vector<16xi32>], vector<16xf32>,
      %add3A_633 = arith.addf %gather3A_625, %gather3A_632 : vector<16xf32>
      %add3A_634 = arith.constant 4 : i32
      %add3A_635 = arith.addi %mul3A_228, %add3A_634 : i32
      %swap3A_636 = arith.index_cast %add3A_635 : i32 to index
      %swap3A_637 = arith.constant 48 : index
      %swap3A_638 = tpu.vector_load %arg14[%swap3A_636, %swap3A_637] {strides = array<i32>} : memref<256x64xf32, #tpu.memory_space<vmem>>, vector<16xf32>,
      tpu.vector_store %arg14[%swap3A_636, %swap3A_637], %add3A_633 {strides = array<i32>} : memref<256x64xf32, #tpu.memory_space<vmem>>, vector<16xf32>,
      %add3A_639 = arith.constant 5 : i32
      %add3A_640 = arith.addi %mul3A_228, %add3A_639 : i32
      %broadcast_in_dim3A_641 = vector.broadcast %add3A_640 : i32 to vector<16xi32>
      %slice3A_642 = vector.extract_strided_slice %get3A_223 {offsets = [5], sizes = [1], strides = [1]} : vector<16xi32> to vector<1xi32>
      %squeeze3A_643 = vector.extract %slice3A_642[0] : i32 from vector<1xi32>
      %add3A_644 = arith.constant 0 : i32
      %add3A_645 = arith.addi %squeeze3A_643, %add3A_644 : i32
      %add3A_646 = vector.broadcast %add3A_645 : i32 to vector<16xi32>
      %add3A_647 = arith.addi %add3A_646, %iota3A : vector<16xi32>
      %gather3A_648 = tpu.vector_load_idx %arg12[%broadcast_in_dim3A_641, %add3A_647] : memref<256x128xf32, #tpu.memory_space<vmem>>[vector<16xi32>, vector<16xi32>], vector<16xf32>,
      %slice3A_649 = vector.extract_strided_slice %get3A_226 {offsets = [5], sizes = [1], strides = [1]} : vector<16xi32> to vector<1xi32>
      %squeeze3A_650 = vector.extract %slice3A_649[0] : i32 from vector<1xi32>
      %add3A_651 = arith.constant 0 : i32
      %add3A_652 = arith.addi %squeeze3A_650, %add3A_651 : i32
      %add3A_653 = vector.broadcast %add3A_652 : i32 to vector<16xi32>
      %add3A_654 = arith.addi %add3A_653, %iota3A : vector<16xi32>
      %gather3A_655 = tpu.vector_load_idx %arg13[%broadcast_in_dim3A_641, %add3A_654] : memref<256x128xf32, #tpu.memory_space<vmem>>[vector<16xi32>, vector<16xi32>], vector<16xf32>,
      %add3A_656 = arith.addf %gather3A_648, %gather3A_655 : vector<16xf32>
      %add3A_657 = arith.constant 5 : i32
      %add3A_658 = arith.addi %mul3A_228, %add3A_657 : i32
      %swap3A_659 = arith.index_cast %add3A_658 : i32 to index
      %swap3A_660 = arith.constant 0 : index
      %swap3A_661 = tpu.vector_load %arg14[%swap3A_659, %swap3A_660] {strides = array<i32>} : memref<256x64xf32, #tpu.memory_space<vmem>>, vector<16xf32>,
      tpu.vector_store %arg14[%swap3A_659, %swap3A_660], %add3A_656 {strides = array<i32>} : memref<256x64xf32, #tpu.memory_space<vmem>>, vector<16xf32>,
      %slice3A_662 = vector.extract_strided_slice %get3A_223 {offsets = [5], sizes = [1], strides = [1]} : vector<16xi32> to vector<1xi32>
      %squeeze3A_663 = vector.extract %slice3A_662[0] : i32 from vector<1xi32>
      %add3A_664 = arith.constant 16 : i32
      %add3A_665 = arith.addi %squeeze3A_663, %add3A_664 : i32
      %add3A_666 = vector.broadcast %add3A_665 : i32 to vector<16xi32>
      %add3A_667 = arith.addi %add3A_666, %iota3A : vector<16xi32>
      %gather3A_668 = tpu.vector_load_idx %arg12[%broadcast_in_dim3A_641, %add3A_667] : memref<256x128xf32, #tpu.memory_space<vmem>>[vector<16xi32>, vector<16xi32>], vector<16xf32>,
      %slice3A_669 = vector.extract_strided_slice %get3A_226 {offsets = [5], sizes = [1], strides = [1]} : vector<16xi32> to vector<1xi32>
      %squeeze3A_670 = vector.extract %slice3A_669[0] : i32 from vector<1xi32>
      %add3A_671 = arith.constant 16 : i32
      %add3A_672 = arith.addi %squeeze3A_670, %add3A_671 : i32
      %add3A_673 = vector.broadcast %add3A_672 : i32 to vector<16xi32>
      %add3A_674 = arith.addi %add3A_673, %iota3A : vector<16xi32>
      %gather3A_675 = tpu.vector_load_idx %arg13[%broadcast_in_dim3A_641, %add3A_674] : memref<256x128xf32, #tpu.memory_space<vmem>>[vector<16xi32>, vector<16xi32>], vector<16xf32>,
      %add3A_676 = arith.addf %gather3A_668, %gather3A_675 : vector<16xf32>
      %add3A_677 = arith.constant 5 : i32
      %add3A_678 = arith.addi %mul3A_228, %add3A_677 : i32
      %swap3A_679 = arith.index_cast %add3A_678 : i32 to index
      %swap3A_680 = arith.constant 16 : index
      %swap3A_681 = tpu.vector_load %arg14[%swap3A_679, %swap3A_680] {strides = array<i32>} : memref<256x64xf32, #tpu.memory_space<vmem>>, vector<16xf32>,
      tpu.vector_store %arg14[%swap3A_679, %swap3A_680], %add3A_676 {strides = array<i32>} : memref<256x64xf32, #tpu.memory_space<vmem>>, vector<16xf32>,
      %slice3A_682 = vector.extract_strided_slice %get3A_223 {offsets = [5], sizes = [1], strides = [1]} : vector<16xi32> to vector<1xi32>
      %squeeze3A_683 = vector.extract %slice3A_682[0] : i32 from vector<1xi32>
      %add3A_684 = arith.constant 32 : i32
      %add3A_685 = arith.addi %squeeze3A_683, %add3A_684 : i32
      %add3A_686 = vector.broadcast %add3A_685 : i32 to vector<16xi32>
      %add3A_687 = arith.addi %add3A_686, %iota3A : vector<16xi32>
      %gather3A_688 = tpu.vector_load_idx %arg12[%broadcast_in_dim3A_641, %add3A_687] : memref<256x128xf32, #tpu.memory_space<vmem>>[vector<16xi32>, vector<16xi32>], vector<16xf32>,
      %slice3A_689 = vector.extract_strided_slice %get3A_226 {offsets = [5], sizes = [1], strides = [1]} : vector<16xi32> to vector<1xi32>
      %squeeze3A_690 = vector.extract %slice3A_689[0] : i32 from vector<1xi32>
      %add3A_691 = arith.constant 32 : i32
      %add3A_692 = arith.addi %squeeze3A_690, %add3A_691 : i32
      %add3A_693 = vector.broadcast %add3A_692 : i32 to vector<16xi32>
      %add3A_694 = arith.addi %add3A_693, %iota3A : vector<16xi32>
      %gather3A_695 = tpu.vector_load_idx %arg13[%broadcast_in_dim3A_641, %add3A_694] : memref<256x128xf32, #tpu.memory_space<vmem>>[vector<16xi32>, vector<16xi32>], vector<16xf32>,
      %add3A_696 = arith.addf %gather3A_688, %gather3A_695 : vector<16xf32>
      %add3A_697 = arith.constant 5 : i32
      %add3A_698 = arith.addi %mul3A_228, %add3A_697 : i32
      %swap3A_699 = arith.index_cast %add3A_698 : i32 to index
      %swap3A_700 = arith.constant 32 : index
      %swap3A_701 = tpu.vector_load %arg14[%swap3A_699, %swap3A_700] {strides = array<i32>} : memref<256x64xf32, #tpu.memory_space<vmem>>, vector<16xf32>,
      tpu.vector_store %arg14[%swap3A_699, %swap3A_700], %add3A_696 {strides = array<i32>} : memref<256x64xf32, #tpu.memory_space<vmem>>, vector<16xf32>,
      %slice3A_702 = vector.extract_strided_slice %get3A_223 {offsets = [5], sizes = [1], strides = [1]} : vector<16xi32> to vector<1xi32>
      %squeeze3A_703 = vector.extract %slice3A_702[0] : i32 from vector<1xi32>
      %add3A_704 = arith.constant 48 : i32
      %add3A_705 = arith.addi %squeeze3A_703, %add3A_704 : i32
      %add3A_706 = vector.broadcast %add3A_705 : i32 to vector<16xi32>
      %add3A_707 = arith.addi %add3A_706, %iota3A : vector<16xi32>
      %gather3A_708 = tpu.vector_load_idx %arg12[%broadcast_in_dim3A_641, %add3A_707] : memref<256x128xf32, #tpu.memory_space<vmem>>[vector<16xi32>, vector<16xi32>], vector<16xf32>,
      %slice3A_709 = vector.extract_strided_slice %get3A_226 {offsets = [5], sizes = [1], strides = [1]} : vector<16xi32> to vector<1xi32>
      %squeeze3A_710 = vector.extract %slice3A_709[0] : i32 from vector<1xi32>
      %add3A_711 = arith.constant 48 : i32
      %add3A_712 = arith.addi %squeeze3A_710, %add3A_711 : i32
      %add3A_713 = vector.broadcast %add3A_712 : i32 to vector<16xi32>
      %add3A_714 = arith.addi %add3A_713, %iota3A : vector<16xi32>
      %gather3A_715 = tpu.vector_load_idx %arg13[%broadcast_in_dim3A_641, %add3A_714] : memref<256x128xf32, #tpu.memory_space<vmem>>[vector<16xi32>, vector<16xi32>], vector<16xf32>,
      %add3A_716 = arith.addf %gather3A_708, %gather3A_715 : vector<16xf32>
      %add3A_717 = arith.constant 5 : i32
      %add3A_718 = arith.addi %mul3A_228, %add3A_717 : i32
      %swap3A_719 = arith.index_cast %add3A_718 : i32 to index
      %swap3A_720 = arith.constant 48 : index
      %swap3A_721 = tpu.vector_load %arg14[%swap3A_719, %swap3A_720] {strides = array<i32>} : memref<256x64xf32, #tpu.memory_space<vmem>>, vector<16xf32>,
      tpu.vector_store %arg14[%swap3A_719, %swap3A_720], %add3A_716 {strides = array<i32>} : memref<256x64xf32, #tpu.memory_space<vmem>>, vector<16xf32>,
      %add3A_722 = arith.constant 6 : i32
      %add3A_723 = arith.addi %mul3A_228, %add3A_722 : i32
      %broadcast_in_dim3A_724 = vector.broadcast %add3A_723 : i32 to vector<16xi32>
      %slice3A_725 = vector.extract_strided_slice %get3A_223 {offsets = [6], sizes = [1], strides = [1]} : vector<16xi32> to vector<1xi32>
      %squeeze3A_726 = vector.extract %slice3A_725[0] : i32 from vector<1xi32>
      %add3A_727 = arith.constant 0 : i32
      %add3A_728 = arith.addi %squeeze3A_726, %add3A_727 : i32
      %add3A_729 = vector.broadcast %add3A_728 : i32 to vector<16xi32>
      %add3A_730 = arith.addi %add3A_729, %iota3A : vector<16xi32>
      %gather3A_731 = tpu.vector_load_idx %arg12[%broadcast_in_dim3A_724, %add3A_730] : memref<256x128xf32, #tpu.memory_space<vmem>>[vector<16xi32>, vector<16xi32>], vector<16xf32>,
      %slice3A_732 = vector.extract_strided_slice %get3A_226 {offsets = [6], sizes = [1], strides = [1]} : vector<16xi32> to vector<1xi32>
      %squeeze3A_733 = vector.extract %slice3A_732[0] : i32 from vector<1xi32>
      %add3A_734 = arith.constant 0 : i32
      %add3A_735 = arith.addi %squeeze3A_733, %add3A_734 : i32
      %add3A_736 = vector.broadcast %add3A_735 : i32 to vector<16xi32>
      %add3A_737 = arith.addi %add3A_736, %iota3A : vector<16xi32>
      %gather3A_738 = tpu.vector_load_idx %arg13[%broadcast_in_dim3A_724, %add3A_737] : memref<256x128xf32, #tpu.memory_space<vmem>>[vector<16xi32>, vector<16xi32>], vector<16xf32>,
      %add3A_739 = arith.addf %gather3A_731, %gather3A_738 : vector<16xf32>
      %add3A_740 = arith.constant 6 : i32
      %add3A_741 = arith.addi %mul3A_228, %add3A_740 : i32
      %swap3A_742 = arith.index_cast %add3A_741 : i32 to index
      %swap3A_743 = arith.constant 0 : index
      %swap3A_744 = tpu.vector_load %arg14[%swap3A_742, %swap3A_743] {strides = array<i32>} : memref<256x64xf32, #tpu.memory_space<vmem>>, vector<16xf32>,
      tpu.vector_store %arg14[%swap3A_742, %swap3A_743], %add3A_739 {strides = array<i32>} : memref<256x64xf32, #tpu.memory_space<vmem>>, vector<16xf32>,
      %slice3A_745 = vector.extract_strided_slice %get3A_223 {offsets = [6], sizes = [1], strides = [1]} : vector<16xi32> to vector<1xi32>
      %squeeze3A_746 = vector.extract %slice3A_745[0] : i32 from vector<1xi32>
      %add3A_747 = arith.constant 16 : i32
      %add3A_748 = arith.addi %squeeze3A_746, %add3A_747 : i32
      %add3A_749 = vector.broadcast %add3A_748 : i32 to vector<16xi32>
      %add3A_750 = arith.addi %add3A_749, %iota3A : vector<16xi32>
      %gather3A_751 = tpu.vector_load_idx %arg12[%broadcast_in_dim3A_724, %add3A_750] : memref<256x128xf32, #tpu.memory_space<vmem>>[vector<16xi32>, vector<16xi32>], vector<16xf32>,
      %slice3A_752 = vector.extract_strided_slice %get3A_226 {offsets = [6], sizes = [1], strides = [1]} : vector<16xi32> to vector<1xi32>
      %squeeze3A_753 = vector.extract %slice3A_752[0] : i32 from vector<1xi32>
      %add3A_754 = arith.constant 16 : i32
      %add3A_755 = arith.addi %squeeze3A_753, %add3A_754 : i32
      %add3A_756 = vector.broadcast %add3A_755 : i32 to vector<16xi32>
      %add3A_757 = arith.addi %add3A_756, %iota3A : vector<16xi32>
      %gather3A_758 = tpu.vector_load_idx %arg13[%broadcast_in_dim3A_724, %add3A_757] : memref<256x128xf32, #tpu.memory_space<vmem>>[vector<16xi32>, vector<16xi32>], vector<16xf32>,
      %add3A_759 = arith.addf %gather3A_751, %gather3A_758 : vector<16xf32>
      %add3A_760 = arith.constant 6 : i32
      %add3A_761 = arith.addi %mul3A_228, %add3A_760 : i32
      %swap3A_762 = arith.index_cast %add3A_761 : i32 to index
      %swap3A_763 = arith.constant 16 : index
      %swap3A_764 = tpu.vector_load %arg14[%swap3A_762, %swap3A_763] {strides = array<i32>} : memref<256x64xf32, #tpu.memory_space<vmem>>, vector<16xf32>,
      tpu.vector_store %arg14[%swap3A_762, %swap3A_763], %add3A_759 {strides = array<i32>} : memref<256x64xf32, #tpu.memory_space<vmem>>, vector<16xf32>,
      %slice3A_765 = vector.extract_strided_slice %get3A_223 {offsets = [6], sizes = [1], strides = [1]} : vector<16xi32> to vector<1xi32>
      %squeeze3A_766 = vector.extract %slice3A_765[0] : i32 from vector<1xi32>
      %add3A_767 = arith.constant 32 : i32
      %add3A_768 = arith.addi %squeeze3A_766, %add3A_767 : i32
      %add3A_769 = vector.broadcast %add3A_768 : i32 to vector<16xi32>
      %add3A_770 = arith.addi %add3A_769, %iota3A : vector<16xi32>
      %gather3A_771 = tpu.vector_load_idx %arg12[%broadcast_in_dim3A_724, %add3A_770] : memref<256x128xf32, #tpu.memory_space<vmem>>[vector<16xi32>, vector<16xi32>], vector<16xf32>,
      %slice3A_772 = vector.extract_strided_slice %get3A_226 {offsets = [6], sizes = [1], strides = [1]} : vector<16xi32> to vector<1xi32>
      %squeeze3A_773 = vector.extract %slice3A_772[0] : i32 from vector<1xi32>
      %add3A_774 = arith.constant 32 : i32
      %add3A_775 = arith.addi %squeeze3A_773, %add3A_774 : i32
      %add3A_776 = vector.broadcast %add3A_775 : i32 to vector<16xi32>
      %add3A_777 = arith.addi %add3A_776, %iota3A : vector<16xi32>
      %gather3A_778 = tpu.vector_load_idx %arg13[%broadcast_in_dim3A_724, %add3A_777] : memref<256x128xf32, #tpu.memory_space<vmem>>[vector<16xi32>, vector<16xi32>], vector<16xf32>,
      %add3A_779 = arith.addf %gather3A_771, %gather3A_778 : vector<16xf32>
      %add3A_780 = arith.constant 6 : i32
      %add3A_781 = arith.addi %mul3A_228, %add3A_780 : i32
      %swap3A_782 = arith.index_cast %add3A_781 : i32 to index
      %swap3A_783 = arith.constant 32 : index
      %swap3A_784 = tpu.vector_load %arg14[%swap3A_782, %swap3A_783] {strides = array<i32>} : memref<256x64xf32, #tpu.memory_space<vmem>>, vector<16xf32>,
      tpu.vector_store %arg14[%swap3A_782, %swap3A_783], %add3A_779 {strides = array<i32>} : memref<256x64xf32, #tpu.memory_space<vmem>>, vector<16xf32>,
      %slice3A_785 = vector.extract_strided_slice %get3A_223 {offsets = [6], sizes = [1], strides = [1]} : vector<16xi32> to vector<1xi32>
      %squeeze3A_786 = vector.extract %slice3A_785[0] : i32 from vector<1xi32>
      %add3A_787 = arith.constant 48 : i32
      %add3A_788 = arith.addi %squeeze3A_786, %add3A_787 : i32
      %add3A_789 = vector.broadcast %add3A_788 : i32 to vector<16xi32>
      %add3A_790 = arith.addi %add3A_789, %iota3A : vector<16xi32>
      %gather3A_791 = tpu.vector_load_idx %arg12[%broadcast_in_dim3A_724, %add3A_790] : memref<256x128xf32, #tpu.memory_space<vmem>>[vector<16xi32>, vector<16xi32>], vector<16xf32>,
      %slice3A_792 = vector.extract_strided_slice %get3A_226 {offsets = [6], sizes = [1], strides = [1]} : vector<16xi32> to vector<1xi32>
      %squeeze3A_793 = vector.extract %slice3A_792[0] : i32 from vector<1xi32>
      %add3A_794 = arith.constant 48 : i32
      %add3A_795 = arith.addi %squeeze3A_793, %add3A_794 : i32
      %add3A_796 = vector.broadcast %add3A_795 : i32 to vector<16xi32>
      %add3A_797 = arith.addi %add3A_796, %iota3A : vector<16xi32>
      %gather3A_798 = tpu.vector_load_idx %arg13[%broadcast_in_dim3A_724, %add3A_797] : memref<256x128xf32, #tpu.memory_space<vmem>>[vector<16xi32>, vector<16xi32>], vector<16xf32>,
      %add3A_799 = arith.addf %gather3A_791, %gather3A_798 : vector<16xf32>
      %add3A_800 = arith.constant 6 : i32
      %add3A_801 = arith.addi %mul3A_228, %add3A_800 : i32
      %swap3A_802 = arith.index_cast %add3A_801 : i32 to index
      %swap3A_803 = arith.constant 48 : index
      %swap3A_804 = tpu.vector_load %arg14[%swap3A_802, %swap3A_803] {strides = array<i32>} : memref<256x64xf32, #tpu.memory_space<vmem>>, vector<16xf32>,
      tpu.vector_store %arg14[%swap3A_802, %swap3A_803], %add3A_799 {strides = array<i32>} : memref<256x64xf32, #tpu.memory_space<vmem>>, vector<16xf32>,
      %add3A_805 = arith.constant 7 : i32
      %add3A_806 = arith.addi %mul3A_228, %add3A_805 : i32
      %broadcast_in_dim3A_807 = vector.broadcast %add3A_806 : i32 to vector<16xi32>
      %slice3A_808 = vector.extract_strided_slice %get3A_223 {offsets = [7], sizes = [1], strides = [1]} : vector<16xi32> to vector<1xi32>
      %squeeze3A_809 = vector.extract %slice3A_808[0] : i32 from vector<1xi32>
      %add3A_810 = arith.constant 0 : i32
      %add3A_811 = arith.addi %squeeze3A_809, %add3A_810 : i32
      %add3A_812 = vector.broadcast %add3A_811 : i32 to vector<16xi32>
      %add3A_813 = arith.addi %add3A_812, %iota3A : vector<16xi32>
      %gather3A_814 = tpu.vector_load_idx %arg12[%broadcast_in_dim3A_807, %add3A_813] : memref<256x128xf32, #tpu.memory_space<vmem>>[vector<16xi32>, vector<16xi32>], vector<16xf32>,
      %slice3A_815 = vector.extract_strided_slice %get3A_226 {offsets = [7], sizes = [1], strides = [1]} : vector<16xi32> to vector<1xi32>
      %squeeze3A_816 = vector.extract %slice3A_815[0] : i32 from vector<1xi32>
      %add3A_817 = arith.constant 0 : i32
      %add3A_818 = arith.addi %squeeze3A_816, %add3A_817 : i32
      %add3A_819 = vector.broadcast %add3A_818 : i32 to vector<16xi32>
      %add3A_820 = arith.addi %add3A_819, %iota3A : vector<16xi32>
      %gather3A_821 = tpu.vector_load_idx %arg13[%broadcast_in_dim3A_807, %add3A_820] : memref<256x128xf32, #tpu.memory_space<vmem>>[vector<16xi32>, vector<16xi32>], vector<16xf32>,
      %add3A_822 = arith.addf %gather3A_814, %gather3A_821 : vector<16xf32>
      %add3A_823 = arith.constant 7 : i32
      %add3A_824 = arith.addi %mul3A_228, %add3A_823 : i32
      %swap3A_825 = arith.index_cast %add3A_824 : i32 to index
      %swap3A_826 = arith.constant 0 : index
      %swap3A_827 = tpu.vector_load %arg14[%swap3A_825, %swap3A_826] {strides = array<i32>} : memref<256x64xf32, #tpu.memory_space<vmem>>, vector<16xf32>,
      tpu.vector_store %arg14[%swap3A_825, %swap3A_826], %add3A_822 {strides = array<i32>} : memref<256x64xf32, #tpu.memory_space<vmem>>, vector<16xf32>,
      %slice3A_828 = vector.extract_strided_slice %get3A_223 {offsets = [7], sizes = [1], strides = [1]} : vector<16xi32> to vector<1xi32>
      %squeeze3A_829 = vector.extract %slice3A_828[0] : i32 from vector<1xi32>
      %add3A_830 = arith.constant 16 : i32
      %add3A_831 = arith.addi %squeeze3A_829, %add3A_830 : i32
      %add3A_832 = vector.broadcast %add3A_831 : i32 to vector<16xi32>
      %add3A_833 = arith.addi %add3A_832, %iota3A : vector<16xi32>
      %gather3A_834 = tpu.vector_load_idx %arg12[%broadcast_in_dim3A_807, %add3A_833] : memref<256x128xf32, #tpu.memory_space<vmem>>[vector<16xi32>, vector<16xi32>], vector<16xf32>,
      %slice3A_835 = vector.extract_strided_slice %get3A_226 {offsets = [7], sizes = [1], strides = [1]} : vector<16xi32> to vector<1xi32>
      %squeeze3A_836 = vector.extract %slice3A_835[0] : i32 from vector<1xi32>
      %add3A_837 = arith.constant 16 : i32
      %add3A_838 = arith.addi %squeeze3A_836, %add3A_837 : i32
      %add3A_839 = vector.broadcast %add3A_838 : i32 to vector<16xi32>
      %add3A_840 = arith.addi %add3A_839, %iota3A : vector<16xi32>
      %gather3A_841 = tpu.vector_load_idx %arg13[%broadcast_in_dim3A_807, %add3A_840] : memref<256x128xf32, #tpu.memory_space<vmem>>[vector<16xi32>, vector<16xi32>], vector<16xf32>,
      %add3A_842 = arith.addf %gather3A_834, %gather3A_841 : vector<16xf32>
      %add3A_843 = arith.constant 7 : i32
      %add3A_844 = arith.addi %mul3A_228, %add3A_843 : i32
      %swap3A_845 = arith.index_cast %add3A_844 : i32 to index
      %swap3A_846 = arith.constant 16 : index
      %swap3A_847 = tpu.vector_load %arg14[%swap3A_845, %swap3A_846] {strides = array<i32>} : memref<256x64xf32, #tpu.memory_space<vmem>>, vector<16xf32>,
      tpu.vector_store %arg14[%swap3A_845, %swap3A_846], %add3A_842 {strides = array<i32>} : memref<256x64xf32, #tpu.memory_space<vmem>>, vector<16xf32>,
      %slice3A_848 = vector.extract_strided_slice %get3A_223 {offsets = [7], sizes = [1], strides = [1]} : vector<16xi32> to vector<1xi32>
      %squeeze3A_849 = vector.extract %slice3A_848[0] : i32 from vector<1xi32>
      %add3A_850 = arith.constant 32 : i32
      %add3A_851 = arith.addi %squeeze3A_849, %add3A_850 : i32
      %add3A_852 = vector.broadcast %add3A_851 : i32 to vector<16xi32>
      %add3A_853 = arith.addi %add3A_852, %iota3A : vector<16xi32>
      %gather3A_854 = tpu.vector_load_idx %arg12[%broadcast_in_dim3A_807, %add3A_853] : memref<256x128xf32, #tpu.memory_space<vmem>>[vector<16xi32>, vector<16xi32>], vector<16xf32>,
      %slice3A_855 = vector.extract_strided_slice %get3A_226 {offsets = [7], sizes = [1], strides = [1]} : vector<16xi32> to vector<1xi32>
      %squeeze3A_856 = vector.extract %slice3A_855[0] : i32 from vector<1xi32>
      %add3A_857 = arith.constant 32 : i32
      %add3A_858 = arith.addi %squeeze3A_856, %add3A_857 : i32
      %add3A_859 = vector.broadcast %add3A_858 : i32 to vector<16xi32>
      %add3A_860 = arith.addi %add3A_859, %iota3A : vector<16xi32>
      %gather3A_861 = tpu.vector_load_idx %arg13[%broadcast_in_dim3A_807, %add3A_860] : memref<256x128xf32, #tpu.memory_space<vmem>>[vector<16xi32>, vector<16xi32>], vector<16xf32>,
      %add3A_862 = arith.addf %gather3A_854, %gather3A_861 : vector<16xf32>
      %add3A_863 = arith.constant 7 : i32
      %add3A_864 = arith.addi %mul3A_228, %add3A_863 : i32
      %swap3A_865 = arith.index_cast %add3A_864 : i32 to index
      %swap3A_866 = arith.constant 32 : index
      %swap3A_867 = tpu.vector_load %arg14[%swap3A_865, %swap3A_866] {strides = array<i32>} : memref<256x64xf32, #tpu.memory_space<vmem>>, vector<16xf32>,
      tpu.vector_store %arg14[%swap3A_865, %swap3A_866], %add3A_862 {strides = array<i32>} : memref<256x64xf32, #tpu.memory_space<vmem>>, vector<16xf32>,
      %slice3A_868 = vector.extract_strided_slice %get3A_223 {offsets = [7], sizes = [1], strides = [1]} : vector<16xi32> to vector<1xi32>
      %squeeze3A_869 = vector.extract %slice3A_868[0] : i32 from vector<1xi32>
      %add3A_870 = arith.constant 48 : i32
      %add3A_871 = arith.addi %squeeze3A_869, %add3A_870 : i32
      %add3A_872 = vector.broadcast %add3A_871 : i32 to vector<16xi32>
      %add3A_873 = arith.addi %add3A_872, %iota3A : vector<16xi32>
      %gather3A_874 = tpu.vector_load_idx %arg12[%broadcast_in_dim3A_807, %add3A_873] : memref<256x128xf32, #tpu.memory_space<vmem>>[vector<16xi32>, vector<16xi32>], vector<16xf32>,
      %slice3A_875 = vector.extract_strided_slice %get3A_226 {offsets = [7], sizes = [1], strides = [1]} : vector<16xi32> to vector<1xi32>
      %squeeze3A_876 = vector.extract %slice3A_875[0] : i32 from vector<1xi32>
      %add3A_877 = arith.constant 48 : i32
      %add3A_878 = arith.addi %squeeze3A_876, %add3A_877 : i32
      %add3A_879 = vector.broadcast %add3A_878 : i32 to vector<16xi32>
      %add3A_880 = arith.addi %add3A_879, %iota3A : vector<16xi32>
      %gather3A_881 = tpu.vector_load_idx %arg13[%broadcast_in_dim3A_807, %add3A_880] : memref<256x128xf32, #tpu.memory_space<vmem>>[vector<16xi32>, vector<16xi32>], vector<16xf32>,
      %add3A_882 = arith.addf %gather3A_874, %gather3A_881 : vector<16xf32>
      %add3A_883 = arith.constant 7 : i32
      %add3A_884 = arith.addi %mul3A_228, %add3A_883 : i32
      %swap3A_885 = arith.index_cast %add3A_884 : i32 to index
      %swap3A_886 = arith.constant 48 : index
      %swap3A_887 = tpu.vector_load %arg14[%swap3A_885, %swap3A_886] {strides = array<i32>} : memref<256x64xf32, #tpu.memory_space<vmem>>, vector<16xf32>,
      tpu.vector_store %arg14[%swap3A_885, %swap3A_886], %add3A_882 {strides = array<i32>} : memref<256x64xf32, #tpu.memory_space<vmem>>, vector<16xf32>,
      %add3A_888 = arith.constant 8 : i32
      %add3A_889 = arith.addi %mul3A_228, %add3A_888 : i32
      %broadcast_in_dim3A_890 = vector.broadcast %add3A_889 : i32 to vector<16xi32>
      %slice3A_891 = vector.extract_strided_slice %get3A_223 {offsets = [8], sizes = [1], strides = [1]} : vector<16xi32> to vector<1xi32>
      %squeeze3A_892 = vector.extract %slice3A_891[0] : i32 from vector<1xi32>
      %add3A_893 = arith.constant 0 : i32
      %add3A_894 = arith.addi %squeeze3A_892, %add3A_893 : i32
      %add3A_895 = vector.broadcast %add3A_894 : i32 to vector<16xi32>
      %add3A_896 = arith.addi %add3A_895, %iota3A : vector<16xi32>
      %gather3A_897 = tpu.vector_load_idx %arg12[%broadcast_in_dim3A_890, %add3A_896] : memref<256x128xf32, #tpu.memory_space<vmem>>[vector<16xi32>, vector<16xi32>], vector<16xf32>,
      %slice3A_898 = vector.extract_strided_slice %get3A_226 {offsets = [8], sizes = [1], strides = [1]} : vector<16xi32> to vector<1xi32>
      %squeeze3A_899 = vector.extract %slice3A_898[0] : i32 from vector<1xi32>
      %add3A_900 = arith.constant 0 : i32
      %add3A_901 = arith.addi %squeeze3A_899, %add3A_900 : i32
      %add3A_902 = vector.broadcast %add3A_901 : i32 to vector<16xi32>
      %add3A_903 = arith.addi %add3A_902, %iota3A : vector<16xi32>
      %gather3A_904 = tpu.vector_load_idx %arg13[%broadcast_in_dim3A_890, %add3A_903] : memref<256x128xf32, #tpu.memory_space<vmem>>[vector<16xi32>, vector<16xi32>], vector<16xf32>,
      %add3A_905 = arith.addf %gather3A_897, %gather3A_904 : vector<16xf32>
      %add3A_906 = arith.constant 8 : i32
      %add3A_907 = arith.addi %mul3A_228, %add3A_906 : i32
      %swap3A_908 = arith.index_cast %add3A_907 : i32 to index
      %swap3A_909 = arith.constant 0 : index
      %swap3A_910 = tpu.vector_load %arg14[%swap3A_908, %swap3A_909] {strides = array<i32>} : memref<256x64xf32, #tpu.memory_space<vmem>>, vector<16xf32>,
      tpu.vector_store %arg14[%swap3A_908, %swap3A_909], %add3A_905 {strides = array<i32>} : memref<256x64xf32, #tpu.memory_space<vmem>>, vector<16xf32>,
      %slice3A_911 = vector.extract_strided_slice %get3A_223 {offsets = [8], sizes = [1], strides = [1]} : vector<16xi32> to vector<1xi32>
      %squeeze3A_912 = vector.extract %slice3A_911[0] : i32 from vector<1xi32>
      %add3A_913 = arith.constant 16 : i32
      %add3A_914 = arith.addi %squeeze3A_912, %add3A_913 : i32
      %add3A_915 = vector.broadcast %add3A_914 : i32 to vector<16xi32>
      %add3A_916 = arith.addi %add3A_915, %iota3A : vector<16xi32>
      %gather3A_917 = tpu.vector_load_idx %arg12[%broadcast_in_dim3A_890, %add3A_916] : memref<256x128xf32, #tpu.memory_space<vmem>>[vector<16xi32>, vector<16xi32>], vector<16xf32>,
      %slice3A_918 = vector.extract_strided_slice %get3A_226 {offsets = [8], sizes = [1], strides = [1]} : vector<16xi32> to vector<1xi32>
      %squeeze3A_919 = vector.extract %slice3A_918[0] : i32 from vector<1xi32>
      %add3A_920 = arith.constant 16 : i32
      %add3A_921 = arith.addi %squeeze3A_919, %add3A_920 : i32
      %add3A_922 = vector.broadcast %add3A_921 : i32 to vector<16xi32>
      %add3A_923 = arith.addi %add3A_922, %iota3A : vector<16xi32>
      %gather3A_924 = tpu.vector_load_idx %arg13[%broadcast_in_dim3A_890, %add3A_923] : memref<256x128xf32, #tpu.memory_space<vmem>>[vector<16xi32>, vector<16xi32>], vector<16xf32>,
      %add3A_925 = arith.addf %gather3A_917, %gather3A_924 : vector<16xf32>
      %add3A_926 = arith.constant 8 : i32
      %add3A_927 = arith.addi %mul3A_228, %add3A_926 : i32
      %swap3A_928 = arith.index_cast %add3A_927 : i32 to index
      %swap3A_929 = arith.constant 16 : index
      %swap3A_930 = tpu.vector_load %arg14[%swap3A_928, %swap3A_929] {strides = array<i32>} : memref<256x64xf32, #tpu.memory_space<vmem>>, vector<16xf32>,
      tpu.vector_store %arg14[%swap3A_928, %swap3A_929], %add3A_925 {strides = array<i32>} : memref<256x64xf32, #tpu.memory_space<vmem>>, vector<16xf32>,
      %slice3A_931 = vector.extract_strided_slice %get3A_223 {offsets = [8], sizes = [1], strides = [1]} : vector<16xi32> to vector<1xi32>
      %squeeze3A_932 = vector.extract %slice3A_931[0] : i32 from vector<1xi32>
      %add3A_933 = arith.constant 32 : i32
      %add3A_934 = arith.addi %squeeze3A_932, %add3A_933 : i32
      %add3A_935 = vector.broadcast %add3A_934 : i32 to vector<16xi32>
      %add3A_936 = arith.addi %add3A_935, %iota3A : vector<16xi32>
      %gather3A_937 = tpu.vector_load_idx %arg12[%broadcast_in_dim3A_890, %add3A_936] : memref<256x128xf32, #tpu.memory_space<vmem>>[vector<16xi32>, vector<16xi32>], vector<16xf32>,
      %slice3A_938 = vector.extract_strided_slice %get3A_226 {offsets = [8], sizes = [1], strides = [1]} : vector<16xi32> to vector<1xi32>
      %squeeze3A_939 = vector.extract %slice3A_938[0] : i32 from vector<1xi32>
      %add3A_940 = arith.constant 32 : i32
      %add3A_941 = arith.addi %squeeze3A_939, %add3A_940 : i32
      %add3A_942 = vector.broadcast %add3A_941 : i32 to vector<16xi32>
      %add3A_943 = arith.addi %add3A_942, %iota3A : vector<16xi32>
      %gather3A_944 = tpu.vector_load_idx %arg13[%broadcast_in_dim3A_890, %add3A_943] : memref<256x128xf32, #tpu.memory_space<vmem>>[vector<16xi32>, vector<16xi32>], vector<16xf32>,
      %add3A_945 = arith.addf %gather3A_937, %gather3A_944 : vector<16xf32>
      %add3A_946 = arith.constant 8 : i32
      %add3A_947 = arith.addi %mul3A_228, %add3A_946 : i32
      %swap3A_948 = arith.index_cast %add3A_947 : i32 to index
      %swap3A_949 = arith.constant 32 : index
      %swap3A_950 = tpu.vector_load %arg14[%swap3A_948, %swap3A_949] {strides = array<i32>} : memref<256x64xf32, #tpu.memory_space<vmem>>, vector<16xf32>,
      tpu.vector_store %arg14[%swap3A_948, %swap3A_949], %add3A_945 {strides = array<i32>} : memref<256x64xf32, #tpu.memory_space<vmem>>, vector<16xf32>,
      %slice3A_951 = vector.extract_strided_slice %get3A_223 {offsets = [8], sizes = [1], strides = [1]} : vector<16xi32> to vector<1xi32>
      %squeeze3A_952 = vector.extract %slice3A_951[0] : i32 from vector<1xi32>
      %add3A_953 = arith.constant 48 : i32
      %add3A_954 = arith.addi %squeeze3A_952, %add3A_953 : i32
      %add3A_955 = vector.broadcast %add3A_954 : i32 to vector<16xi32>
      %add3A_956 = arith.addi %add3A_955, %iota3A : vector<16xi32>
      %gather3A_957 = tpu.vector_load_idx %arg12[%broadcast_in_dim3A_890, %add3A_956] : memref<256x128xf32, #tpu.memory_space<vmem>>[vector<16xi32>, vector<16xi32>], vector<16xf32>,
      %slice3A_958 = vector.extract_strided_slice %get3A_226 {offsets = [8], sizes = [1], strides = [1]} : vector<16xi32> to vector<1xi32>
      %squeeze3A_959 = vector.extract %slice3A_958[0] : i32 from vector<1xi32>
      %add3A_960 = arith.constant 48 : i32
      %add3A_961 = arith.addi %squeeze3A_959, %add3A_960 : i32
      %add3A_962 = vector.broadcast %add3A_961 : i32 to vector<16xi32>
      %add3A_963 = arith.addi %add3A_962, %iota3A : vector<16xi32>
      %gather3A_964 = tpu.vector_load_idx %arg13[%broadcast_in_dim3A_890, %add3A_963] : memref<256x128xf32, #tpu.memory_space<vmem>>[vector<16xi32>, vector<16xi32>], vector<16xf32>,
      %add3A_965 = arith.addf %gather3A_957, %gather3A_964 : vector<16xf32>
      %add3A_966 = arith.constant 8 : i32
      %add3A_967 = arith.addi %mul3A_228, %add3A_966 : i32
      %swap3A_968 = arith.index_cast %add3A_967 : i32 to index
      %swap3A_969 = arith.constant 48 : index
      %swap3A_970 = tpu.vector_load %arg14[%swap3A_968, %swap3A_969] {strides = array<i32>} : memref<256x64xf32, #tpu.memory_space<vmem>>, vector<16xf32>,
      tpu.vector_store %arg14[%swap3A_968, %swap3A_969], %add3A_965 {strides = array<i32>} : memref<256x64xf32, #tpu.memory_space<vmem>>, vector<16xf32>,
      %add3A_971 = arith.constant 9 : i32
      %add3A_972 = arith.addi %mul3A_228, %add3A_971 : i32
      %broadcast_in_dim3A_973 = vector.broadcast %add3A_972 : i32 to vector<16xi32>
      %slice3A_974 = vector.extract_strided_slice %get3A_223 {offsets = [9], sizes = [1], strides = [1]} : vector<16xi32> to vector<1xi32>
      %squeeze3A_975 = vector.extract %slice3A_974[0] : i32 from vector<1xi32>
      %add3A_976 = arith.constant 0 : i32
      %add3A_977 = arith.addi %squeeze3A_975, %add3A_976 : i32
      %add3A_978 = vector.broadcast %add3A_977 : i32 to vector<16xi32>
      %add3A_979 = arith.addi %add3A_978, %iota3A : vector<16xi32>
      %gather3A_980 = tpu.vector_load_idx %arg12[%broadcast_in_dim3A_973, %add3A_979] : memref<256x128xf32, #tpu.memory_space<vmem>>[vector<16xi32>, vector<16xi32>], vector<16xf32>,
      %slice3A_981 = vector.extract_strided_slice %get3A_226 {offsets = [9], sizes = [1], strides = [1]} : vector<16xi32> to vector<1xi32>
      %squeeze3A_982 = vector.extract %slice3A_981[0] : i32 from vector<1xi32>
      %add3A_983 = arith.constant 0 : i32
      %add3A_984 = arith.addi %squeeze3A_982, %add3A_983 : i32
      %add3A_985 = vector.broadcast %add3A_984 : i32 to vector<16xi32>
      %add3A_986 = arith.addi %add3A_985, %iota3A : vector<16xi32>
      %gather3A_987 = tpu.vector_load_idx %arg13[%broadcast_in_dim3A_973, %add3A_986] : memref<256x128xf32, #tpu.memory_space<vmem>>[vector<16xi32>, vector<16xi32>], vector<16xf32>,
      %add3A_988 = arith.addf %gather3A_980, %gather3A_987 : vector<16xf32>
      %add3A_989 = arith.constant 9 : i32
      %add3A_990 = arith.addi %mul3A_228, %add3A_989 : i32
      %swap3A_991 = arith.index_cast %add3A_990 : i32 to index
      %swap3A_992 = arith.constant 0 : index
      %swap3A_993 = tpu.vector_load %arg14[%swap3A_991, %swap3A_992] {strides = array<i32>} : memref<256x64xf32, #tpu.memory_space<vmem>>, vector<16xf32>,
      tpu.vector_store %arg14[%swap3A_991, %swap3A_992], %add3A_988 {strides = array<i32>} : memref<256x64xf32, #tpu.memory_space<vmem>>, vector<16xf32>,
      %slice3A_994 = vector.extract_strided_slice %get3A_223 {offsets = [9], sizes = [1], strides = [1]} : vector<16xi32> to vector<1xi32>
      %squeeze3A_995 = vector.extract %slice3A_994[0] : i32 from vector<1xi32>
      %add3A_996 = arith.constant 16 : i32
      %add3A_997 = arith.addi %squeeze3A_995, %add3A_996 : i32
      %add3A_998 = vector.broadcast %add3A_997 : i32 to vector<16xi32>
      %add3A_999 = arith.addi %add3A_998, %iota3A : vector<16xi32>
      %gather3A_1000 = tpu.vector_load_idx %arg12[%broadcast_in_dim3A_973, %add3A_999] : memref<256x128xf32, #tpu.memory_space<vmem>>[vector<16xi32>, vector<16xi32>], vector<16xf32>,
      %slice3A_1001 = vector.extract_strided_slice %get3A_226 {offsets = [9], sizes = [1], strides = [1]} : vector<16xi32> to vector<1xi32>
      %squeeze3A_1002 = vector.extract %slice3A_1001[0] : i32 from vector<1xi32>
      %add3A_1003 = arith.constant 16 : i32
      %add3A_1004 = arith.addi %squeeze3A_1002, %add3A_1003 : i32
      %add3A_1005 = vector.broadcast %add3A_1004 : i32 to vector<16xi32>
      %add3A_1006 = arith.addi %add3A_1005, %iota3A : vector<16xi32>
      %gather3A_1007 = tpu.vector_load_idx %arg13[%broadcast_in_dim3A_973, %add3A_1006] : memref<256x128xf32, #tpu.memory_space<vmem>>[vector<16xi32>, vector<16xi32>], vector<16xf32>,
      %add3A_1008 = arith.addf %gather3A_1000, %gather3A_1007 : vector<16xf32>
      %add3A_1009 = arith.constant 9 : i32
      %add3A_1010 = arith.addi %mul3A_228, %add3A_1009 : i32
      %swap3A_1011 = arith.index_cast %add3A_1010 : i32 to index
      %swap3A_1012 = arith.constant 16 : index
      %swap3A_1013 = tpu.vector_load %arg14[%swap3A_1011, %swap3A_1012] {strides = array<i32>} : memref<256x64xf32, #tpu.memory_space<vmem>>, vector<16xf32>,
      tpu.vector_store %arg14[%swap3A_1011, %swap3A_1012], %add3A_1008 {strides = array<i32>} : memref<256x64xf32, #tpu.memory_space<vmem>>, vector<16xf32>,
      %slice3A_1014 = vector.extract_strided_slice %get3A_223 {offsets = [9], sizes = [1], strides = [1]} : vector<16xi32> to vector<1xi32>
      %squeeze3A_1015 = vector.extract %slice3A_1014[0] : i32 from vector<1xi32>
      %add3A_1016 = arith.constant 32 : i32
      %add3A_1017 = arith.addi %squeeze3A_1015, %add3A_1016 : i32
      %add3A_1018 = vector.broadcast %add3A_1017 : i32 to vector<16xi32>
      %add3A_1019 = arith.addi %add3A_1018, %iota3A : vector<16xi32>
      %gather3A_1020 = tpu.vector_load_idx %arg12[%broadcast_in_dim3A_973, %add3A_1019] : memref<256x128xf32, #tpu.memory_space<vmem>>[vector<16xi32>, vector<16xi32>], vector<16xf32>,
      %slice3A_1021 = vector.extract_strided_slice %get3A_226 {offsets = [9], sizes = [1], strides = [1]} : vector<16xi32> to vector<1xi32>
      %squeeze3A_1022 = vector.extract %slice3A_1021[0] : i32 from vector<1xi32>
      %add3A_1023 = arith.constant 32 : i32
      %add3A_1024 = arith.addi %squeeze3A_1022, %add3A_1023 : i32
      %add3A_1025 = vector.broadcast %add3A_1024 : i32 to vector<16xi32>
      %add3A_1026 = arith.addi %add3A_1025, %iota3A : vector<16xi32>
      %gather3A_1027 = tpu.vector_load_idx %arg13[%broadcast_in_dim3A_973, %add3A_1026] : memref<256x128xf32, #tpu.memory_space<vmem>>[vector<16xi32>, vector<16xi32>], vector<16xf32>,
      %add3A_1028 = arith.addf %gather3A_1020, %gather3A_1027 : vector<16xf32>
      %add3A_1029 = arith.constant 9 : i32
      %add3A_1030 = arith.addi %mul3A_228, %add3A_1029 : i32
      %swap3A_1031 = arith.index_cast %add3A_1030 : i32 to index
      %swap3A_1032 = arith.constant 32 : index
      %swap3A_1033 = tpu.vector_load %arg14[%swap3A_1031, %swap3A_1032] {strides = array<i32>} : memref<256x64xf32, #tpu.memory_space<vmem>>, vector<16xf32>,
      tpu.vector_store %arg14[%swap3A_1031, %swap3A_1032], %add3A_1028 {strides = array<i32>} : memref<256x64xf32, #tpu.memory_space<vmem>>, vector<16xf32>,
      %slice3A_1034 = vector.extract_strided_slice %get3A_223 {offsets = [9], sizes = [1], strides = [1]} : vector<16xi32> to vector<1xi32>
      %squeeze3A_1035 = vector.extract %slice3A_1034[0] : i32 from vector<1xi32>
      %add3A_1036 = arith.constant 48 : i32
      %add3A_1037 = arith.addi %squeeze3A_1035, %add3A_1036 : i32
      %add3A_1038 = vector.broadcast %add3A_1037 : i32 to vector<16xi32>
      %add3A_1039 = arith.addi %add3A_1038, %iota3A : vector<16xi32>
      %gather3A_1040 = tpu.vector_load_idx %arg12[%broadcast_in_dim3A_973, %add3A_1039] : memref<256x128xf32, #tpu.memory_space<vmem>>[vector<16xi32>, vector<16xi32>], vector<16xf32>,
      %slice3A_1041 = vector.extract_strided_slice %get3A_226 {offsets = [9], sizes = [1], strides = [1]} : vector<16xi32> to vector<1xi32>
      %squeeze3A_1042 = vector.extract %slice3A_1041[0] : i32 from vector<1xi32>
      %add3A_1043 = arith.constant 48 : i32
      %add3A_1044 = arith.addi %squeeze3A_1042, %add3A_1043 : i32
      %add3A_1045 = vector.broadcast %add3A_1044 : i32 to vector<16xi32>
      %add3A_1046 = arith.addi %add3A_1045, %iota3A : vector<16xi32>
      %gather3A_1047 = tpu.vector_load_idx %arg13[%broadcast_in_dim3A_973, %add3A_1046] : memref<256x128xf32, #tpu.memory_space<vmem>>[vector<16xi32>, vector<16xi32>], vector<16xf32>,
      %add3A_1048 = arith.addf %gather3A_1040, %gather3A_1047 : vector<16xf32>
      %add3A_1049 = arith.constant 9 : i32
      %add3A_1050 = arith.addi %mul3A_228, %add3A_1049 : i32
      %swap3A_1051 = arith.index_cast %add3A_1050 : i32 to index
      %swap3A_1052 = arith.constant 48 : index
      %swap3A_1053 = tpu.vector_load %arg14[%swap3A_1051, %swap3A_1052] {strides = array<i32>} : memref<256x64xf32, #tpu.memory_space<vmem>>, vector<16xf32>,
      tpu.vector_store %arg14[%swap3A_1051, %swap3A_1052], %add3A_1048 {strides = array<i32>} : memref<256x64xf32, #tpu.memory_space<vmem>>, vector<16xf32>,
      %add3A_1054 = arith.constant 10 : i32
      %add3A_1055 = arith.addi %mul3A_228, %add3A_1054 : i32
      %broadcast_in_dim3A_1056 = vector.broadcast %add3A_1055 : i32 to vector<16xi32>
      %slice3A_1057 = vector.extract_strided_slice %get3A_223 {offsets = [10], sizes = [1], strides = [1]} : vector<16xi32> to vector<1xi32>
      %squeeze3A_1058 = vector.extract %slice3A_1057[0] : i32 from vector<1xi32>
      %add3A_1059 = arith.constant 0 : i32
      %add3A_1060 = arith.addi %squeeze3A_1058, %add3A_1059 : i32
      %add3A_1061 = vector.broadcast %add3A_1060 : i32 to vector<16xi32>
      %add3A_1062 = arith.addi %add3A_1061, %iota3A : vector<16xi32>
      %gather3A_1063 = tpu.vector_load_idx %arg12[%broadcast_in_dim3A_1056, %add3A_1062] : memref<256x128xf32, #tpu.memory_space<vmem>>[vector<16xi32>, vector<16xi32>], vector<16xf32>,
      %slice3A_1064 = vector.extract_strided_slice %get3A_226 {offsets = [10], sizes = [1], strides = [1]} : vector<16xi32> to vector<1xi32>
      %squeeze3A_1065 = vector.extract %slice3A_1064[0] : i32 from vector<1xi32>
      %add3A_1066 = arith.constant 0 : i32
      %add3A_1067 = arith.addi %squeeze3A_1065, %add3A_1066 : i32
      %add3A_1068 = vector.broadcast %add3A_1067 : i32 to vector<16xi32>
      %add3A_1069 = arith.addi %add3A_1068, %iota3A : vector<16xi32>
      %gather3A_1070 = tpu.vector_load_idx %arg13[%broadcast_in_dim3A_1056, %add3A_1069] : memref<256x128xf32, #tpu.memory_space<vmem>>[vector<16xi32>, vector<16xi32>], vector<16xf32>,
      %add3A_1071 = arith.addf %gather3A_1063, %gather3A_1070 : vector<16xf32>
      %add3A_1072 = arith.constant 10 : i32
      %add3A_1073 = arith.addi %mul3A_228, %add3A_1072 : i32
      %swap3A_1074 = arith.index_cast %add3A_1073 : i32 to index
      %swap3A_1075 = arith.constant 0 : index
      %swap3A_1076 = tpu.vector_load %arg14[%swap3A_1074, %swap3A_1075] {strides = array<i32>} : memref<256x64xf32, #tpu.memory_space<vmem>>, vector<16xf32>,
      tpu.vector_store %arg14[%swap3A_1074, %swap3A_1075], %add3A_1071 {strides = array<i32>} : memref<256x64xf32, #tpu.memory_space<vmem>>, vector<16xf32>,
      %slice3A_1077 = vector.extract_strided_slice %get3A_223 {offsets = [10], sizes = [1], strides = [1]} : vector<16xi32> to vector<1xi32>
      %squeeze3A_1078 = vector.extract %slice3A_1077[0] : i32 from vector<1xi32>
      %add3A_1079 = arith.constant 16 : i32
      %add3A_1080 = arith.addi %squeeze3A_1078, %add3A_1079 : i32
      %add3A_1081 = vector.broadcast %add3A_1080 : i32 to vector<16xi32>
      %add3A_1082 = arith.addi %add3A_1081, %iota3A : vector<16xi32>
      %gather3A_1083 = tpu.vector_load_idx %arg12[%broadcast_in_dim3A_1056, %add3A_1082] : memref<256x128xf32, #tpu.memory_space<vmem>>[vector<16xi32>, vector<16xi32>], vector<16xf32>,
      %slice3A_1084 = vector.extract_strided_slice %get3A_226 {offsets = [10], sizes = [1], strides = [1]} : vector<16xi32> to vector<1xi32>
      %squeeze3A_1085 = vector.extract %slice3A_1084[0] : i32 from vector<1xi32>
      %add3A_1086 = arith.constant 16 : i32
      %add3A_1087 = arith.addi %squeeze3A_1085, %add3A_1086 : i32
      %add3A_1088 = vector.broadcast %add3A_1087 : i32 to vector<16xi32>
      %add3A_1089 = arith.addi %add3A_1088, %iota3A : vector<16xi32>
      %gather3A_1090 = tpu.vector_load_idx %arg13[%broadcast_in_dim3A_1056, %add3A_1089] : memref<256x128xf32, #tpu.memory_space<vmem>>[vector<16xi32>, vector<16xi32>], vector<16xf32>,
      %add3A_1091 = arith.addf %gather3A_1083, %gather3A_1090 : vector<16xf32>
      %add3A_1092 = arith.constant 10 : i32
      %add3A_1093 = arith.addi %mul3A_228, %add3A_1092 : i32
      %swap3A_1094 = arith.index_cast %add3A_1093 : i32 to index
      %swap3A_1095 = arith.constant 16 : index
      %swap3A_1096 = tpu.vector_load %arg14[%swap3A_1094, %swap3A_1095] {strides = array<i32>} : memref<256x64xf32, #tpu.memory_space<vmem>>, vector<16xf32>,
      tpu.vector_store %arg14[%swap3A_1094, %swap3A_1095], %add3A_1091 {strides = array<i32>} : memref<256x64xf32, #tpu.memory_space<vmem>>, vector<16xf32>,
      %slice3A_1097 = vector.extract_strided_slice %get3A_223 {offsets = [10], sizes = [1], strides = [1]} : vector<16xi32> to vector<1xi32>
      %squeeze3A_1098 = vector.extract %slice3A_1097[0] : i32 from vector<1xi32>
      %add3A_1099 = arith.constant 32 : i32
      %add3A_1100 = arith.addi %squeeze3A_1098, %add3A_1099 : i32
      %add3A_1101 = vector.broadcast %add3A_1100 : i32 to vector<16xi32>
      %add3A_1102 = arith.addi %add3A_1101, %iota3A : vector<16xi32>
      %gather3A_1103 = tpu.vector_load_idx %arg12[%broadcast_in_dim3A_1056, %add3A_1102] : memref<256x128xf32, #tpu.memory_space<vmem>>[vector<16xi32>, vector<16xi32>], vector<16xf32>,
      %slice3A_1104 = vector.extract_strided_slice %get3A_226 {offsets = [10], sizes = [1], strides = [1]} : vector<16xi32> to vector<1xi32>
      %squeeze3A_1105 = vector.extract %slice3A_1104[0] : i32 from vector<1xi32>
      %add3A_1106 = arith.constant 32 : i32
      %add3A_1107 = arith.addi %squeeze3A_1105, %add3A_1106 : i32
      %add3A_1108 = vector.broadcast %add3A_1107 : i32 to vector<16xi32>
      %add3A_1109 = arith.addi %add3A_1108, %iota3A : vector<16xi32>
      %gather3A_1110 = tpu.vector_load_idx %arg13[%broadcast_in_dim3A_1056, %add3A_1109] : memref<256x128xf32, #tpu.memory_space<vmem>>[vector<16xi32>, vector<16xi32>], vector<16xf32>,
      %add3A_1111 = arith.addf %gather3A_1103, %gather3A_1110 : vector<16xf32>
      %add3A_1112 = arith.constant 10 : i32
      %add3A_1113 = arith.addi %mul3A_228, %add3A_1112 : i32
      %swap3A_1114 = arith.index_cast %add3A_1113 : i32 to index
      %swap3A_1115 = arith.constant 32 : index
      %swap3A_1116 = tpu.vector_load %arg14[%swap3A_1114, %swap3A_1115] {strides = array<i32>} : memref<256x64xf32, #tpu.memory_space<vmem>>, vector<16xf32>,
      tpu.vector_store %arg14[%swap3A_1114, %swap3A_1115], %add3A_1111 {strides = array<i32>} : memref<256x64xf32, #tpu.memory_space<vmem>>, vector<16xf32>,
      %slice3A_1117 = vector.extract_strided_slice %get3A_223 {offsets = [10], sizes = [1], strides = [1]} : vector<16xi32> to vector<1xi32>
      %squeeze3A_1118 = vector.extract %slice3A_1117[0] : i32 from vector<1xi32>
      %add3A_1119 = arith.constant 48 : i32
      %add3A_1120 = arith.addi %squeeze3A_1118, %add3A_1119 : i32
      %add3A_1121 = vector.broadcast %add3A_1120 : i32 to vector<16xi32>
      %add3A_1122 = arith.addi %add3A_1121, %iota3A : vector<16xi32>
      %gather3A_1123 = tpu.vector_load_idx %arg12[%broadcast_in_dim3A_1056, %add3A_1122] : memref<256x128xf32, #tpu.memory_space<vmem>>[vector<16xi32>, vector<16xi32>], vector<16xf32>,
      %slice3A_1124 = vector.extract_strided_slice %get3A_226 {offsets = [10], sizes = [1], strides = [1]} : vector<16xi32> to vector<1xi32>
      %squeeze3A_1125 = vector.extract %slice3A_1124[0] : i32 from vector<1xi32>
      %add3A_1126 = arith.constant 48 : i32
      %add3A_1127 = arith.addi %squeeze3A_1125, %add3A_1126 : i32
      %add3A_1128 = vector.broadcast %add3A_1127 : i32 to vector<16xi32>
      %add3A_1129 = arith.addi %add3A_1128, %iota3A : vector<16xi32>
      %gather3A_1130 = tpu.vector_load_idx %arg13[%broadcast_in_dim3A_1056, %add3A_1129] : memref<256x128xf32, #tpu.memory_space<vmem>>[vector<16xi32>, vector<16xi32>], vector<16xf32>,
      %add3A_1131 = arith.addf %gather3A_1123, %gather3A_1130 : vector<16xf32>
      %add3A_1132 = arith.constant 10 : i32
      %add3A_1133 = arith.addi %mul3A_228, %add3A_1132 : i32
      %swap3A_1134 = arith.index_cast %add3A_1133 : i32 to index
      %swap3A_1135 = arith.constant 48 : index
      %swap3A_1136 = tpu.vector_load %arg14[%swap3A_1134, %swap3A_1135] {strides = array<i32>} : memref<256x64xf32, #tpu.memory_space<vmem>>, vector<16xf32>,
      tpu.vector_store %arg14[%swap3A_1134, %swap3A_1135], %add3A_1131 {strides = array<i32>} : memref<256x64xf32, #tpu.memory_space<vmem>>, vector<16xf32>,
      %add3A_1137 = arith.constant 11 : i32
      %add3A_1138 = arith.addi %mul3A_228, %add3A_1137 : i32
      %broadcast_in_dim3A_1139 = vector.broadcast %add3A_1138 : i32 to vector<16xi32>
      %slice3A_1140 = vector.extract_strided_slice %get3A_223 {offsets = [11], sizes = [1], strides = [1]} : vector<16xi32> to vector<1xi32>
      %squeeze3A_1141 = vector.extract %slice3A_1140[0] : i32 from vector<1xi32>
      %add3A_1142 = arith.constant 0 : i32
      %add3A_1143 = arith.addi %squeeze3A_1141, %add3A_1142 : i32
      %add3A_1144 = vector.broadcast %add3A_1143 : i32 to vector<16xi32>
      %add3A_1145 = arith.addi %add3A_1144, %iota3A : vector<16xi32>
      %gather3A_1146 = tpu.vector_load_idx %arg12[%broadcast_in_dim3A_1139, %add3A_1145] : memref<256x128xf32, #tpu.memory_space<vmem>>[vector<16xi32>, vector<16xi32>], vector<16xf32>,
      %slice3A_1147 = vector.extract_strided_slice %get3A_226 {offsets = [11], sizes = [1], strides = [1]} : vector<16xi32> to vector<1xi32>
      %squeeze3A_1148 = vector.extract %slice3A_1147[0] : i32 from vector<1xi32>
      %add3A_1149 = arith.constant 0 : i32
      %add3A_1150 = arith.addi %squeeze3A_1148, %add3A_1149 : i32
      %add3A_1151 = vector.broadcast %add3A_1150 : i32 to vector<16xi32>
      %add3A_1152 = arith.addi %add3A_1151, %iota3A : vector<16xi32>
      %gather3A_1153 = tpu.vector_load_idx %arg13[%broadcast_in_dim3A_1139, %add3A_1152] : memref<256x128xf32, #tpu.memory_space<vmem>>[vector<16xi32>, vector<16xi32>], vector<16xf32>,
      %add3A_1154 = arith.addf %gather3A_1146, %gather3A_1153 : vector<16xf32>
      %add3A_1155 = arith.constant 11 : i32
      %add3A_1156 = arith.addi %mul3A_228, %add3A_1155 : i32
      %swap3A_1157 = arith.index_cast %add3A_1156 : i32 to index
      %swap3A_1158 = arith.constant 0 : index
      %swap3A_1159 = tpu.vector_load %arg14[%swap3A_1157, %swap3A_1158] {strides = array<i32>} : memref<256x64xf32, #tpu.memory_space<vmem>>, vector<16xf32>,
      tpu.vector_store %arg14[%swap3A_1157, %swap3A_1158], %add3A_1154 {strides = array<i32>} : memref<256x64xf32, #tpu.memory_space<vmem>>, vector<16xf32>,
      %slice3A_1160 = vector.extract_strided_slice %get3A_223 {offsets = [11], sizes = [1], strides = [1]} : vector<16xi32> to vector<1xi32>
      %squeeze3A_1161 = vector.extract %slice3A_1160[0] : i32 from vector<1xi32>
      %add3A_1162 = arith.constant 16 : i32
      %add3A_1163 = arith.addi %squeeze3A_1161, %add3A_1162 : i32
      %add3A_1164 = vector.broadcast %add3A_1163 : i32 to vector<16xi32>
      %add3A_1165 = arith.addi %add3A_1164, %iota3A : vector<16xi32>
      %gather3A_1166 = tpu.vector_load_idx %arg12[%broadcast_in_dim3A_1139, %add3A_1165] : memref<256x128xf32, #tpu.memory_space<vmem>>[vector<16xi32>, vector<16xi32>], vector<16xf32>,
      %slice3A_1167 = vector.extract_strided_slice %get3A_226 {offsets = [11], sizes = [1], strides = [1]} : vector<16xi32> to vector<1xi32>
      %squeeze3A_1168 = vector.extract %slice3A_1167[0] : i32 from vector<1xi32>
      %add3A_1169 = arith.constant 16 : i32
      %add3A_1170 = arith.addi %squeeze3A_1168, %add3A_1169 : i32
      %add3A_1171 = vector.broadcast %add3A_1170 : i32 to vector<16xi32>
      %add3A_1172 = arith.addi %add3A_1171, %iota3A : vector<16xi32>
      %gather3A_1173 = tpu.vector_load_idx %arg13[%broadcast_in_dim3A_1139, %add3A_1172] : memref<256x128xf32, #tpu.memory_space<vmem>>[vector<16xi32>, vector<16xi32>], vector<16xf32>,
      %add3A_1174 = arith.addf %gather3A_1166, %gather3A_1173 : vector<16xf32>
      %add3A_1175 = arith.constant 11 : i32
      %add3A_1176 = arith.addi %mul3A_228, %add3A_1175 : i32
      %swap3A_1177 = arith.index_cast %add3A_1176 : i32 to index
      %swap3A_1178 = arith.constant 16 : index
      %swap3A_1179 = tpu.vector_load %arg14[%swap3A_1177, %swap3A_1178] {strides = array<i32>} : memref<256x64xf32, #tpu.memory_space<vmem>>, vector<16xf32>,
      tpu.vector_store %arg14[%swap3A_1177, %swap3A_1178], %add3A_1174 {strides = array<i32>} : memref<256x64xf32, #tpu.memory_space<vmem>>, vector<16xf32>,
      %slice3A_1180 = vector.extract_strided_slice %get3A_223 {offsets = [11], sizes = [1], strides = [1]} : vector<16xi32> to vector<1xi32>
      %squeeze3A_1181 = vector.extract %slice3A_1180[0] : i32 from vector<1xi32>
      %add3A_1182 = arith.constant 32 : i32
      %add3A_1183 = arith.addi %squeeze3A_1181, %add3A_1182 : i32
      %add3A_1184 = vector.broadcast %add3A_1183 : i32 to vector<16xi32>
      %add3A_1185 = arith.addi %add3A_1184, %iota3A : vector<16xi32>
      %gather3A_1186 = tpu.vector_load_idx %arg12[%broadcast_in_dim3A_1139, %add3A_1185] : memref<256x128xf32, #tpu.memory_space<vmem>>[vector<16xi32>, vector<16xi32>], vector<16xf32>,
      %slice3A_1187 = vector.extract_strided_slice %get3A_226 {offsets = [11], sizes = [1], strides = [1]} : vector<16xi32> to vector<1xi32>
      %squeeze3A_1188 = vector.extract %slice3A_1187[0] : i32 from vector<1xi32>
      %add3A_1189 = arith.constant 32 : i32
      %add3A_1190 = arith.addi %squeeze3A_1188, %add3A_1189 : i32
      %add3A_1191 = vector.broadcast %add3A_1190 : i32 to vector<16xi32>
      %add3A_1192 = arith.addi %add3A_1191, %iota3A : vector<16xi32>
      %gather3A_1193 = tpu.vector_load_idx %arg13[%broadcast_in_dim3A_1139, %add3A_1192] : memref<256x128xf32, #tpu.memory_space<vmem>>[vector<16xi32>, vector<16xi32>], vector<16xf32>,
      %add3A_1194 = arith.addf %gather3A_1186, %gather3A_1193 : vector<16xf32>
      %add3A_1195 = arith.constant 11 : i32
      %add3A_1196 = arith.addi %mul3A_228, %add3A_1195 : i32
      %swap3A_1197 = arith.index_cast %add3A_1196 : i32 to index
      %swap3A_1198 = arith.constant 32 : index
      %swap3A_1199 = tpu.vector_load %arg14[%swap3A_1197, %swap3A_1198] {strides = array<i32>} : memref<256x64xf32, #tpu.memory_space<vmem>>, vector<16xf32>,
      tpu.vector_store %arg14[%swap3A_1197, %swap3A_1198], %add3A_1194 {strides = array<i32>} : memref<256x64xf32, #tpu.memory_space<vmem>>, vector<16xf32>,
      %slice3A_1200 = vector.extract_strided_slice %get3A_223 {offsets = [11], sizes = [1], strides = [1]} : vector<16xi32> to vector<1xi32>
      %squeeze3A_1201 = vector.extract %slice3A_1200[0] : i32 from vector<1xi32>
      %add3A_1202 = arith.constant 48 : i32
      %add3A_1203 = arith.addi %squeeze3A_1201, %add3A_1202 : i32
      %add3A_1204 = vector.broadcast %add3A_1203 : i32 to vector<16xi32>
      %add3A_1205 = arith.addi %add3A_1204, %iota3A : vector<16xi32>
      %gather3A_1206 = tpu.vector_load_idx %arg12[%broadcast_in_dim3A_1139, %add3A_1205] : memref<256x128xf32, #tpu.memory_space<vmem>>[vector<16xi32>, vector<16xi32>], vector<16xf32>,
      %slice3A_1207 = vector.extract_strided_slice %get3A_226 {offsets = [11], sizes = [1], strides = [1]} : vector<16xi32> to vector<1xi32>
      %squeeze3A_1208 = vector.extract %slice3A_1207[0] : i32 from vector<1xi32>
      %add3A_1209 = arith.constant 48 : i32
      %add3A_1210 = arith.addi %squeeze3A_1208, %add3A_1209 : i32
      %add3A_1211 = vector.broadcast %add3A_1210 : i32 to vector<16xi32>
      %add3A_1212 = arith.addi %add3A_1211, %iota3A : vector<16xi32>
      %gather3A_1213 = tpu.vector_load_idx %arg13[%broadcast_in_dim3A_1139, %add3A_1212] : memref<256x128xf32, #tpu.memory_space<vmem>>[vector<16xi32>, vector<16xi32>], vector<16xf32>,
      %add3A_1214 = arith.addf %gather3A_1206, %gather3A_1213 : vector<16xf32>
      %add3A_1215 = arith.constant 11 : i32
      %add3A_1216 = arith.addi %mul3A_228, %add3A_1215 : i32
      %swap3A_1217 = arith.index_cast %add3A_1216 : i32 to index
      %swap3A_1218 = arith.constant 48 : index
      %swap3A_1219 = tpu.vector_load %arg14[%swap3A_1217, %swap3A_1218] {strides = array<i32>} : memref<256x64xf32, #tpu.memory_space<vmem>>, vector<16xf32>,
      tpu.vector_store %arg14[%swap3A_1217, %swap3A_1218], %add3A_1214 {strides = array<i32>} : memref<256x64xf32, #tpu.memory_space<vmem>>, vector<16xf32>,
      %add3A_1220 = arith.constant 12 : i32
      %add3A_1221 = arith.addi %mul3A_228, %add3A_1220 : i32
      %broadcast_in_dim3A_1222 = vector.broadcast %add3A_1221 : i32 to vector<16xi32>
      %slice3A_1223 = vector.extract_strided_slice %get3A_223 {offsets = [12], sizes = [1], strides = [1]} : vector<16xi32> to vector<1xi32>
      %squeeze3A_1224 = vector.extract %slice3A_1223[0] : i32 from vector<1xi32>
      %add3A_1225 = arith.constant 0 : i32
      %add3A_1226 = arith.addi %squeeze3A_1224, %add3A_1225 : i32
      %add3A_1227 = vector.broadcast %add3A_1226 : i32 to vector<16xi32>
      %add3A_1228 = arith.addi %add3A_1227, %iota3A : vector<16xi32>
      %gather3A_1229 = tpu.vector_load_idx %arg12[%broadcast_in_dim3A_1222, %add3A_1228] : memref<256x128xf32, #tpu.memory_space<vmem>>[vector<16xi32>, vector<16xi32>], vector<16xf32>,
      %slice3A_1230 = vector.extract_strided_slice %get3A_226 {offsets = [12], sizes = [1], strides = [1]} : vector<16xi32> to vector<1xi32>
      %squeeze3A_1231 = vector.extract %slice3A_1230[0] : i32 from vector<1xi32>
      %add3A_1232 = arith.constant 0 : i32
      %add3A_1233 = arith.addi %squeeze3A_1231, %add3A_1232 : i32
      %add3A_1234 = vector.broadcast %add3A_1233 : i32 to vector<16xi32>
      %add3A_1235 = arith.addi %add3A_1234, %iota3A : vector<16xi32>
      %gather3A_1236 = tpu.vector_load_idx %arg13[%broadcast_in_dim3A_1222, %add3A_1235] : memref<256x128xf32, #tpu.memory_space<vmem>>[vector<16xi32>, vector<16xi32>], vector<16xf32>,
      %add3A_1237 = arith.addf %gather3A_1229, %gather3A_1236 : vector<16xf32>
      %add3A_1238 = arith.constant 12 : i32
      %add3A_1239 = arith.addi %mul3A_228, %add3A_1238 : i32
      %swap3A_1240 = arith.index_cast %add3A_1239 : i32 to index
      %swap3A_1241 = arith.constant 0 : index
      %swap3A_1242 = tpu.vector_load %arg14[%swap3A_1240, %swap3A_1241] {strides = array<i32>} : memref<256x64xf32, #tpu.memory_space<vmem>>, vector<16xf32>,
      tpu.vector_store %arg14[%swap3A_1240, %swap3A_1241], %add3A_1237 {strides = array<i32>} : memref<256x64xf32, #tpu.memory_space<vmem>>, vector<16xf32>,
      %slice3A_1243 = vector.extract_strided_slice %get3A_223 {offsets = [12], sizes = [1], strides = [1]} : vector<16xi32> to vector<1xi32>
      %squeeze3A_1244 = vector.extract %slice3A_1243[0] : i32 from vector<1xi32>
      %add3A_1245 = arith.constant 16 : i32
      %add3A_1246 = arith.addi %squeeze3A_1244, %add3A_1245 : i32
      %add3A_1247 = vector.broadcast %add3A_1246 : i32 to vector<16xi32>
      %add3A_1248 = arith.addi %add3A_1247, %iota3A : vector<16xi32>
      %gather3A_1249 = tpu.vector_load_idx %arg12[%broadcast_in_dim3A_1222, %add3A_1248] : memref<256x128xf32, #tpu.memory_space<vmem>>[vector<16xi32>, vector<16xi32>], vector<16xf32>,
      %slice3A_1250 = vector.extract_strided_slice %get3A_226 {offsets = [12], sizes = [1], strides = [1]} : vector<16xi32> to vector<1xi32>
      %squeeze3A_1251 = vector.extract %slice3A_1250[0] : i32 from vector<1xi32>
      %add3A_1252 = arith.constant 16 : i32
      %add3A_1253 = arith.addi %squeeze3A_1251, %add3A_1252 : i32
      %add3A_1254 = vector.broadcast %add3A_1253 : i32 to vector<16xi32>
      %add3A_1255 = arith.addi %add3A_1254, %iota3A : vector<16xi32>
      %gather3A_1256 = tpu.vector_load_idx %arg13[%broadcast_in_dim3A_1222, %add3A_1255] : memref<256x128xf32, #tpu.memory_space<vmem>>[vector<16xi32>, vector<16xi32>], vector<16xf32>,
      %add3A_1257 = arith.addf %gather3A_1249, %gather3A_1256 : vector<16xf32>
      %add3A_1258 = arith.constant 12 : i32
      %add3A_1259 = arith.addi %mul3A_228, %add3A_1258 : i32
      %swap3A_1260 = arith.index_cast %add3A_1259 : i32 to index
      %swap3A_1261 = arith.constant 16 : index
      %swap3A_1262 = tpu.vector_load %arg14[%swap3A_1260, %swap3A_1261] {strides = array<i32>} : memref<256x64xf32, #tpu.memory_space<vmem>>, vector<16xf32>,
      tpu.vector_store %arg14[%swap3A_1260, %swap3A_1261], %add3A_1257 {strides = array<i32>} : memref<256x64xf32, #tpu.memory_space<vmem>>, vector<16xf32>,
      %slice3A_1263 = vector.extract_strided_slice %get3A_223 {offsets = [12], sizes = [1], strides = [1]} : vector<16xi32> to vector<1xi32>
      %squeeze3A_1264 = vector.extract %slice3A_1263[0] : i32 from vector<1xi32>
      %add3A_1265 = arith.constant 32 : i32
      %add3A_1266 = arith.addi %squeeze3A_1264, %add3A_1265 : i32
      %add3A_1267 = vector.broadcast %add3A_1266 : i32 to vector<16xi32>
      %add3A_1268 = arith.addi %add3A_1267, %iota3A : vector<16xi32>
      %gather3A_1269 = tpu.vector_load_idx %arg12[%broadcast_in_dim3A_1222, %add3A_1268] : memref<256x128xf32, #tpu.memory_space<vmem>>[vector<16xi32>, vector<16xi32>], vector<16xf32>,
      %slice3A_1270 = vector.extract_strided_slice %get3A_226 {offsets = [12], sizes = [1], strides = [1]} : vector<16xi32> to vector<1xi32>
      %squeeze3A_1271 = vector.extract %slice3A_1270[0] : i32 from vector<1xi32>
      %add3A_1272 = arith.constant 32 : i32
      %add3A_1273 = arith.addi %squeeze3A_1271, %add3A_1272 : i32
      %add3A_1274 = vector.broadcast %add3A_1273 : i32 to vector<16xi32>
      %add3A_1275 = arith.addi %add3A_1274, %iota3A : vector<16xi32>
      %gather3A_1276 = tpu.vector_load_idx %arg13[%broadcast_in_dim3A_1222, %add3A_1275] : memref<256x128xf32, #tpu.memory_space<vmem>>[vector<16xi32>, vector<16xi32>], vector<16xf32>,
      %add3A_1277 = arith.addf %gather3A_1269, %gather3A_1276 : vector<16xf32>
      %add3A_1278 = arith.constant 12 : i32
      %add3A_1279 = arith.addi %mul3A_228, %add3A_1278 : i32
      %swap3A_1280 = arith.index_cast %add3A_1279 : i32 to index
      %swap3A_1281 = arith.constant 32 : index
      %swap3A_1282 = tpu.vector_load %arg14[%swap3A_1280, %swap3A_1281] {strides = array<i32>} : memref<256x64xf32, #tpu.memory_space<vmem>>, vector<16xf32>,
      tpu.vector_store %arg14[%swap3A_1280, %swap3A_1281], %add3A_1277 {strides = array<i32>} : memref<256x64xf32, #tpu.memory_space<vmem>>, vector<16xf32>,
      %slice3A_1283 = vector.extract_strided_slice %get3A_223 {offsets = [12], sizes = [1], strides = [1]} : vector<16xi32> to vector<1xi32>
      %squeeze3A_1284 = vector.extract %slice3A_1283[0] : i32 from vector<1xi32>
      %add3A_1285 = arith.constant 48 : i32
      %add3A_1286 = arith.addi %squeeze3A_1284, %add3A_1285 : i32
      %add3A_1287 = vector.broadcast %add3A_1286 : i32 to vector<16xi32>
      %add3A_1288 = arith.addi %add3A_1287, %iota3A : vector<16xi32>
      %gather3A_1289 = tpu.vector_load_idx %arg12[%broadcast_in_dim3A_1222, %add3A_1288] : memref<256x128xf32, #tpu.memory_space<vmem>>[vector<16xi32>, vector<16xi32>], vector<16xf32>,
      %slice3A_1290 = vector.extract_strided_slice %get3A_226 {offsets = [12], sizes = [1], strides = [1]} : vector<16xi32> to vector<1xi32>
      %squeeze3A_1291 = vector.extract %slice3A_1290[0] : i32 from vector<1xi32>
      %add3A_1292 = arith.constant 48 : i32
      %add3A_1293 = arith.addi %squeeze3A_1291, %add3A_1292 : i32
      %add3A_1294 = vector.broadcast %add3A_1293 : i32 to vector<16xi32>
      %add3A_1295 = arith.addi %add3A_1294, %iota3A : vector<16xi32>
      %gather3A_1296 = tpu.vector_load_idx %arg13[%broadcast_in_dim3A_1222, %add3A_1295] : memref<256x128xf32, #tpu.memory_space<vmem>>[vector<16xi32>, vector<16xi32>], vector<16xf32>,
      %add3A_1297 = arith.addf %gather3A_1289, %gather3A_1296 : vector<16xf32>
      %add3A_1298 = arith.constant 12 : i32
      %add3A_1299 = arith.addi %mul3A_228, %add3A_1298 : i32
      %swap3A_1300 = arith.index_cast %add3A_1299 : i32 to index
      %swap3A_1301 = arith.constant 48 : index
      %swap3A_1302 = tpu.vector_load %arg14[%swap3A_1300, %swap3A_1301] {strides = array<i32>} : memref<256x64xf32, #tpu.memory_space<vmem>>, vector<16xf32>,
      tpu.vector_store %arg14[%swap3A_1300, %swap3A_1301], %add3A_1297 {strides = array<i32>} : memref<256x64xf32, #tpu.memory_space<vmem>>, vector<16xf32>,
      %add3A_1303 = arith.constant 13 : i32
      %add3A_1304 = arith.addi %mul3A_228, %add3A_1303 : i32
      %broadcast_in_dim3A_1305 = vector.broadcast %add3A_1304 : i32 to vector<16xi32>
      %slice3A_1306 = vector.extract_strided_slice %get3A_223 {offsets = [13], sizes = [1], strides = [1]} : vector<16xi32> to vector<1xi32>
      %squeeze3A_1307 = vector.extract %slice3A_1306[0] : i32 from vector<1xi32>
      %add3A_1308 = arith.constant 0 : i32
      %add3A_1309 = arith.addi %squeeze3A_1307, %add3A_1308 : i32
      %add3A_1310 = vector.broadcast %add3A_1309 : i32 to vector<16xi32>
      %add3A_1311 = arith.addi %add3A_1310, %iota3A : vector<16xi32>
      %gather3A_1312 = tpu.vector_load_idx %arg12[%broadcast_in_dim3A_1305, %add3A_1311] : memref<256x128xf32, #tpu.memory_space<vmem>>[vector<16xi32>, vector<16xi32>], vector<16xf32>,
      %slice3A_1313 = vector.extract_strided_slice %get3A_226 {offsets = [13], sizes = [1], strides = [1]} : vector<16xi32> to vector<1xi32>
      %squeeze3A_1314 = vector.extract %slice3A_1313[0] : i32 from vector<1xi32>
      %add3A_1315 = arith.constant 0 : i32
      %add3A_1316 = arith.addi %squeeze3A_1314, %add3A_1315 : i32
      %add3A_1317 = vector.broadcast %add3A_1316 : i32 to vector<16xi32>
      %add3A_1318 = arith.addi %add3A_1317, %iota3A : vector<16xi32>
      %gather3A_1319 = tpu.vector_load_idx %arg13[%broadcast_in_dim3A_1305, %add3A_1318] : memref<256x128xf32, #tpu.memory_space<vmem>>[vector<16xi32>, vector<16xi32>], vector<16xf32>,
      %add3A_1320 = arith.addf %gather3A_1312, %gather3A_1319 : vector<16xf32>
      %add3A_1321 = arith.constant 13 : i32
      %add3A_1322 = arith.addi %mul3A_228, %add3A_1321 : i32
      %swap3A_1323 = arith.index_cast %add3A_1322 : i32 to index
      %swap3A_1324 = arith.constant 0 : index
      %swap3A_1325 = tpu.vector_load %arg14[%swap3A_1323, %swap3A_1324] {strides = array<i32>} : memref<256x64xf32, #tpu.memory_space<vmem>>, vector<16xf32>,
      tpu.vector_store %arg14[%swap3A_1323, %swap3A_1324], %add3A_1320 {strides = array<i32>} : memref<256x64xf32, #tpu.memory_space<vmem>>, vector<16xf32>,
      %slice3A_1326 = vector.extract_strided_slice %get3A_223 {offsets = [13], sizes = [1], strides = [1]} : vector<16xi32> to vector<1xi32>
      %squeeze3A_1327 = vector.extract %slice3A_1326[0] : i32 from vector<1xi32>
      %add3A_1328 = arith.constant 16 : i32
      %add3A_1329 = arith.addi %squeeze3A_1327, %add3A_1328 : i32
      %add3A_1330 = vector.broadcast %add3A_1329 : i32 to vector<16xi32>
      %add3A_1331 = arith.addi %add3A_1330, %iota3A : vector<16xi32>
      %gather3A_1332 = tpu.vector_load_idx %arg12[%broadcast_in_dim3A_1305, %add3A_1331] : memref<256x128xf32, #tpu.memory_space<vmem>>[vector<16xi32>, vector<16xi32>], vector<16xf32>,
      %slice3A_1333 = vector.extract_strided_slice %get3A_226 {offsets = [13], sizes = [1], strides = [1]} : vector<16xi32> to vector<1xi32>
      %squeeze3A_1334 = vector.extract %slice3A_1333[0] : i32 from vector<1xi32>
      %add3A_1335 = arith.constant 16 : i32
      %add3A_1336 = arith.addi %squeeze3A_1334, %add3A_1335 : i32
      %add3A_1337 = vector.broadcast %add3A_1336 : i32 to vector<16xi32>
      %add3A_1338 = arith.addi %add3A_1337, %iota3A : vector<16xi32>
      %gather3A_1339 = tpu.vector_load_idx %arg13[%broadcast_in_dim3A_1305, %add3A_1338] : memref<256x128xf32, #tpu.memory_space<vmem>>[vector<16xi32>, vector<16xi32>], vector<16xf32>,
      %add3A_1340 = arith.addf %gather3A_1332, %gather3A_1339 : vector<16xf32>
      %add3A_1341 = arith.constant 13 : i32
      %add3A_1342 = arith.addi %mul3A_228, %add3A_1341 : i32
      %swap3A_1343 = arith.index_cast %add3A_1342 : i32 to index
      %swap3A_1344 = arith.constant 16 : index
      %swap3A_1345 = tpu.vector_load %arg14[%swap3A_1343, %swap3A_1344] {strides = array<i32>} : memref<256x64xf32, #tpu.memory_space<vmem>>, vector<16xf32>,
      tpu.vector_store %arg14[%swap3A_1343, %swap3A_1344], %add3A_1340 {strides = array<i32>} : memref<256x64xf32, #tpu.memory_space<vmem>>, vector<16xf32>,
      %slice3A_1346 = vector.extract_strided_slice %get3A_223 {offsets = [13], sizes = [1], strides = [1]} : vector<16xi32> to vector<1xi32>
      %squeeze3A_1347 = vector.extract %slice3A_1346[0] : i32 from vector<1xi32>
      %add3A_1348 = arith.constant 32 : i32
      %add3A_1349 = arith.addi %squeeze3A_1347, %add3A_1348 : i32
      %add3A_1350 = vector.broadcast %add3A_1349 : i32 to vector<16xi32>
      %add3A_1351 = arith.addi %add3A_1350, %iota3A : vector<16xi32>
      %gather3A_1352 = tpu.vector_load_idx %arg12[%broadcast_in_dim3A_1305, %add3A_1351] : memref<256x128xf32, #tpu.memory_space<vmem>>[vector<16xi32>, vector<16xi32>], vector<16xf32>,
      %slice3A_1353 = vector.extract_strided_slice %get3A_226 {offsets = [13], sizes = [1], strides = [1]} : vector<16xi32> to vector<1xi32>
      %squeeze3A_1354 = vector.extract %slice3A_1353[0] : i32 from vector<1xi32>
      %add3A_1355 = arith.constant 32 : i32
      %add3A_1356 = arith.addi %squeeze3A_1354, %add3A_1355 : i32
      %add3A_1357 = vector.broadcast %add3A_1356 : i32 to vector<16xi32>
      %add3A_1358 = arith.addi %add3A_1357, %iota3A : vector<16xi32>
      %gather3A_1359 = tpu.vector_load_idx %arg13[%broadcast_in_dim3A_1305, %add3A_1358] : memref<256x128xf32, #tpu.memory_space<vmem>>[vector<16xi32>, vector<16xi32>], vector<16xf32>,
      %add3A_1360 = arith.addf %gather3A_1352, %gather3A_1359 : vector<16xf32>
      %add3A_1361 = arith.constant 13 : i32
      %add3A_1362 = arith.addi %mul3A_228, %add3A_1361 : i32
      %swap3A_1363 = arith.index_cast %add3A_1362 : i32 to index
      %swap3A_1364 = arith.constant 32 : index
      %swap3A_1365 = tpu.vector_load %arg14[%swap3A_1363, %swap3A_1364] {strides = array<i32>} : memref<256x64xf32, #tpu.memory_space<vmem>>, vector<16xf32>,
      tpu.vector_store %arg14[%swap3A_1363, %swap3A_1364], %add3A_1360 {strides = array<i32>} : memref<256x64xf32, #tpu.memory_space<vmem>>, vector<16xf32>,
      %slice3A_1366 = vector.extract_strided_slice %get3A_223 {offsets = [13], sizes = [1], strides = [1]} : vector<16xi32> to vector<1xi32>
      %squeeze3A_1367 = vector.extract %slice3A_1366[0] : i32 from vector<1xi32>
      %add3A_1368 = arith.constant 48 : i32
      %add3A_1369 = arith.addi %squeeze3A_1367, %add3A_1368 : i32
      %add3A_1370 = vector.broadcast %add3A_1369 : i32 to vector<16xi32>
      %add3A_1371 = arith.addi %add3A_1370, %iota3A : vector<16xi32>
      %gather3A_1372 = tpu.vector_load_idx %arg12[%broadcast_in_dim3A_1305, %add3A_1371] : memref<256x128xf32, #tpu.memory_space<vmem>>[vector<16xi32>, vector<16xi32>], vector<16xf32>,
      %slice3A_1373 = vector.extract_strided_slice %get3A_226 {offsets = [13], sizes = [1], strides = [1]} : vector<16xi32> to vector<1xi32>
      %squeeze3A_1374 = vector.extract %slice3A_1373[0] : i32 from vector<1xi32>
      %add3A_1375 = arith.constant 48 : i32
      %add3A_1376 = arith.addi %squeeze3A_1374, %add3A_1375 : i32
      %add3A_1377 = vector.broadcast %add3A_1376 : i32 to vector<16xi32>
      %add3A_1378 = arith.addi %add3A_1377, %iota3A : vector<16xi32>
      %gather3A_1379 = tpu.vector_load_idx %arg13[%broadcast_in_dim3A_1305, %add3A_1378] : memref<256x128xf32, #tpu.memory_space<vmem>>[vector<16xi32>, vector<16xi32>], vector<16xf32>,
      %add3A_1380 = arith.addf %gather3A_1372, %gather3A_1379 : vector<16xf32>
      %add3A_1381 = arith.constant 13 : i32
      %add3A_1382 = arith.addi %mul3A_228, %add3A_1381 : i32
      %swap3A_1383 = arith.index_cast %add3A_1382 : i32 to index
      %swap3A_1384 = arith.constant 48 : index
      %swap3A_1385 = tpu.vector_load %arg14[%swap3A_1383, %swap3A_1384] {strides = array<i32>} : memref<256x64xf32, #tpu.memory_space<vmem>>, vector<16xf32>,
      tpu.vector_store %arg14[%swap3A_1383, %swap3A_1384], %add3A_1380 {strides = array<i32>} : memref<256x64xf32, #tpu.memory_space<vmem>>, vector<16xf32>,
      %add3A_1386 = arith.constant 14 : i32
      %add3A_1387 = arith.addi %mul3A_228, %add3A_1386 : i32
      %broadcast_in_dim3A_1388 = vector.broadcast %add3A_1387 : i32 to vector<16xi32>
      %slice3A_1389 = vector.extract_strided_slice %get3A_223 {offsets = [14], sizes = [1], strides = [1]} : vector<16xi32> to vector<1xi32>
      %squeeze3A_1390 = vector.extract %slice3A_1389[0] : i32 from vector<1xi32>
      %add3A_1391 = arith.constant 0 : i32
      %add3A_1392 = arith.addi %squeeze3A_1390, %add3A_1391 : i32
      %add3A_1393 = vector.broadcast %add3A_1392 : i32 to vector<16xi32>
      %add3A_1394 = arith.addi %add3A_1393, %iota3A : vector<16xi32>
      %gather3A_1395 = tpu.vector_load_idx %arg12[%broadcast_in_dim3A_1388, %add3A_1394] : memref<256x128xf32, #tpu.memory_space<vmem>>[vector<16xi32>, vector<16xi32>], vector<16xf32>,
      %slice3A_1396 = vector.extract_strided_slice %get3A_226 {offsets = [14], sizes = [1], strides = [1]} : vector<16xi32> to vector<1xi32>
      %squeeze3A_1397 = vector.extract %slice3A_1396[0] : i32 from vector<1xi32>
      %add3A_1398 = arith.constant 0 : i32
      %add3A_1399 = arith.addi %squeeze3A_1397, %add3A_1398 : i32
      %add3A_1400 = vector.broadcast %add3A_1399 : i32 to vector<16xi32>
      %add3A_1401 = arith.addi %add3A_1400, %iota3A : vector<16xi32>
      %gather3A_1402 = tpu.vector_load_idx %arg13[%broadcast_in_dim3A_1388, %add3A_1401] : memref<256x128xf32, #tpu.memory_space<vmem>>[vector<16xi32>, vector<16xi32>], vector<16xf32>,
      %add3A_1403 = arith.addf %gather3A_1395, %gather3A_1402 : vector<16xf32>
      %add3A_1404 = arith.constant 14 : i32
      %add3A_1405 = arith.addi %mul3A_228, %add3A_1404 : i32
      %swap3A_1406 = arith.index_cast %add3A_1405 : i32 to index
      %swap3A_1407 = arith.constant 0 : index
      %swap3A_1408 = tpu.vector_load %arg14[%swap3A_1406, %swap3A_1407] {strides = array<i32>} : memref<256x64xf32, #tpu.memory_space<vmem>>, vector<16xf32>,
      tpu.vector_store %arg14[%swap3A_1406, %swap3A_1407], %add3A_1403 {strides = array<i32>} : memref<256x64xf32, #tpu.memory_space<vmem>>, vector<16xf32>,
      %slice3A_1409 = vector.extract_strided_slice %get3A_223 {offsets = [14], sizes = [1], strides = [1]} : vector<16xi32> to vector<1xi32>
      %squeeze3A_1410 = vector.extract %slice3A_1409[0] : i32 from vector<1xi32>
      %add3A_1411 = arith.constant 16 : i32
      %add3A_1412 = arith.addi %squeeze3A_1410, %add3A_1411 : i32
      %add3A_1413 = vector.broadcast %add3A_1412 : i32 to vector<16xi32>
      %add3A_1414 = arith.addi %add3A_1413, %iota3A : vector<16xi32>
      %gather3A_1415 = tpu.vector_load_idx %arg12[%broadcast_in_dim3A_1388, %add3A_1414] : memref<256x128xf32, #tpu.memory_space<vmem>>[vector<16xi32>, vector<16xi32>], vector<16xf32>,
      %slice3A_1416 = vector.extract_strided_slice %get3A_226 {offsets = [14], sizes = [1], strides = [1]} : vector<16xi32> to vector<1xi32>
      %squeeze3A_1417 = vector.extract %slice3A_1416[0] : i32 from vector<1xi32>
      %add3A_1418 = arith.constant 16 : i32
      %add3A_1419 = arith.addi %squeeze3A_1417, %add3A_1418 : i32
      %add3A_1420 = vector.broadcast %add3A_1419 : i32 to vector<16xi32>
      %add3A_1421 = arith.addi %add3A_1420, %iota3A : vector<16xi32>
      %gather3A_1422 = tpu.vector_load_idx %arg13[%broadcast_in_dim3A_1388, %add3A_1421] : memref<256x128xf32, #tpu.memory_space<vmem>>[vector<16xi32>, vector<16xi32>], vector<16xf32>,
      %add3A_1423 = arith.addf %gather3A_1415, %gather3A_1422 : vector<16xf32>
      %add3A_1424 = arith.constant 14 : i32
      %add3A_1425 = arith.addi %mul3A_228, %add3A_1424 : i32
      %swap3A_1426 = arith.index_cast %add3A_1425 : i32 to index
      %swap3A_1427 = arith.constant 16 : index
      %swap3A_1428 = tpu.vector_load %arg14[%swap3A_1426, %swap3A_1427] {strides = array<i32>} : memref<256x64xf32, #tpu.memory_space<vmem>>, vector<16xf32>,
      tpu.vector_store %arg14[%swap3A_1426, %swap3A_1427], %add3A_1423 {strides = array<i32>} : memref<256x64xf32, #tpu.memory_space<vmem>>, vector<16xf32>,
      %slice3A_1429 = vector.extract_strided_slice %get3A_223 {offsets = [14], sizes = [1], strides = [1]} : vector<16xi32> to vector<1xi32>
      %squeeze3A_1430 = vector.extract %slice3A_1429[0] : i32 from vector<1xi32>
      %add3A_1431 = arith.constant 32 : i32
      %add3A_1432 = arith.addi %squeeze3A_1430, %add3A_1431 : i32
      %add3A_1433 = vector.broadcast %add3A_1432 : i32 to vector<16xi32>
      %add3A_1434 = arith.addi %add3A_1433, %iota3A : vector<16xi32>
      %gather3A_1435 = tpu.vector_load_idx %arg12[%broadcast_in_dim3A_1388, %add3A_1434] : memref<256x128xf32, #tpu.memory_space<vmem>>[vector<16xi32>, vector<16xi32>], vector<16xf32>,
      %slice3A_1436 = vector.extract_strided_slice %get3A_226 {offsets = [14], sizes = [1], strides = [1]} : vector<16xi32> to vector<1xi32>
      %squeeze3A_1437 = vector.extract %slice3A_1436[0] : i32 from vector<1xi32>
      %add3A_1438 = arith.constant 32 : i32
      %add3A_1439 = arith.addi %squeeze3A_1437, %add3A_1438 : i32
      %add3A_1440 = vector.broadcast %add3A_1439 : i32 to vector<16xi32>
      %add3A_1441 = arith.addi %add3A_1440, %iota3A : vector<16xi32>
      %gather3A_1442 = tpu.vector_load_idx %arg13[%broadcast_in_dim3A_1388, %add3A_1441] : memref<256x128xf32, #tpu.memory_space<vmem>>[vector<16xi32>, vector<16xi32>], vector<16xf32>,
      %add3A_1443 = arith.addf %gather3A_1435, %gather3A_1442 : vector<16xf32>
      %add3A_1444 = arith.constant 14 : i32
      %add3A_1445 = arith.addi %mul3A_228, %add3A_1444 : i32
      %swap3A_1446 = arith.index_cast %add3A_1445 : i32 to index
      %swap3A_1447 = arith.constant 32 : index
      %swap3A_1448 = tpu.vector_load %arg14[%swap3A_1446, %swap3A_1447] {strides = array<i32>} : memref<256x64xf32, #tpu.memory_space<vmem>>, vector<16xf32>,
      tpu.vector_store %arg14[%swap3A_1446, %swap3A_1447], %add3A_1443 {strides = array<i32>} : memref<256x64xf32, #tpu.memory_space<vmem>>, vector<16xf32>,
      %slice3A_1449 = vector.extract_strided_slice %get3A_223 {offsets = [14], sizes = [1], strides = [1]} : vector<16xi32> to vector<1xi32>
      %squeeze3A_1450 = vector.extract %slice3A_1449[0] : i32 from vector<1xi32>
      %add3A_1451 = arith.constant 48 : i32
      %add3A_1452 = arith.addi %squeeze3A_1450, %add3A_1451 : i32
      %add3A_1453 = vector.broadcast %add3A_1452 : i32 to vector<16xi32>
      %add3A_1454 = arith.addi %add3A_1453, %iota3A : vector<16xi32>
      %gather3A_1455 = tpu.vector_load_idx %arg12[%broadcast_in_dim3A_1388, %add3A_1454] : memref<256x128xf32, #tpu.memory_space<vmem>>[vector<16xi32>, vector<16xi32>], vector<16xf32>,
      %slice3A_1456 = vector.extract_strided_slice %get3A_226 {offsets = [14], sizes = [1], strides = [1]} : vector<16xi32> to vector<1xi32>
      %squeeze3A_1457 = vector.extract %slice3A_1456[0] : i32 from vector<1xi32>
      %add3A_1458 = arith.constant 48 : i32
      %add3A_1459 = arith.addi %squeeze3A_1457, %add3A_1458 : i32
      %add3A_1460 = vector.broadcast %add3A_1459 : i32 to vector<16xi32>
      %add3A_1461 = arith.addi %add3A_1460, %iota3A : vector<16xi32>
      %gather3A_1462 = tpu.vector_load_idx %arg13[%broadcast_in_dim3A_1388, %add3A_1461] : memref<256x128xf32, #tpu.memory_space<vmem>>[vector<16xi32>, vector<16xi32>], vector<16xf32>,
      %add3A_1463 = arith.addf %gather3A_1455, %gather3A_1462 : vector<16xf32>
      %add3A_1464 = arith.constant 14 : i32
      %add3A_1465 = arith.addi %mul3A_228, %add3A_1464 : i32
      %swap3A_1466 = arith.index_cast %add3A_1465 : i32 to index
      %swap3A_1467 = arith.constant 48 : index
      %swap3A_1468 = tpu.vector_load %arg14[%swap3A_1466, %swap3A_1467] {strides = array<i32>} : memref<256x64xf32, #tpu.memory_space<vmem>>, vector<16xf32>,
      tpu.vector_store %arg14[%swap3A_1466, %swap3A_1467], %add3A_1463 {strides = array<i32>} : memref<256x64xf32, #tpu.memory_space<vmem>>, vector<16xf32>,
      %add3A_1469 = arith.constant 15 : i32
      %add3A_1470 = arith.addi %mul3A_228, %add3A_1469 : i32
      %broadcast_in_dim3A_1471 = vector.broadcast %add3A_1470 : i32 to vector<16xi32>
      %slice3A_1472 = vector.extract_strided_slice %get3A_223 {offsets = [15], sizes = [1], strides = [1]} : vector<16xi32> to vector<1xi32>
      %squeeze3A_1473 = vector.extract %slice3A_1472[0] : i32 from vector<1xi32>
      %add3A_1474 = arith.constant 0 : i32
      %add3A_1475 = arith.addi %squeeze3A_1473, %add3A_1474 : i32
      %add3A_1476 = vector.broadcast %add3A_1475 : i32 to vector<16xi32>
      %add3A_1477 = arith.addi %add3A_1476, %iota3A : vector<16xi32>
      %gather3A_1478 = tpu.vector_load_idx %arg12[%broadcast_in_dim3A_1471, %add3A_1477] : memref<256x128xf32, #tpu.memory_space<vmem>>[vector<16xi32>, vector<16xi32>], vector<16xf32>,
      %slice3A_1479 = vector.extract_strided_slice %get3A_226 {offsets = [15], sizes = [1], strides = [1]} : vector<16xi32> to vector<1xi32>
      %squeeze3A_1480 = vector.extract %slice3A_1479[0] : i32 from vector<1xi32>
      %add3A_1481 = arith.constant 0 : i32
      %add3A_1482 = arith.addi %squeeze3A_1480, %add3A_1481 : i32
      %add3A_1483 = vector.broadcast %add3A_1482 : i32 to vector<16xi32>
      %add3A_1484 = arith.addi %add3A_1483, %iota3A : vector<16xi32>
      %gather3A_1485 = tpu.vector_load_idx %arg13[%broadcast_in_dim3A_1471, %add3A_1484] : memref<256x128xf32, #tpu.memory_space<vmem>>[vector<16xi32>, vector<16xi32>], vector<16xf32>,
      %add3A_1486 = arith.addf %gather3A_1478, %gather3A_1485 : vector<16xf32>
      %add3A_1487 = arith.constant 15 : i32
      %add3A_1488 = arith.addi %mul3A_228, %add3A_1487 : i32
      %swap3A_1489 = arith.index_cast %add3A_1488 : i32 to index
      %swap3A_1490 = arith.constant 0 : index
      %swap3A_1491 = tpu.vector_load %arg14[%swap3A_1489, %swap3A_1490] {strides = array<i32>} : memref<256x64xf32, #tpu.memory_space<vmem>>, vector<16xf32>,
      tpu.vector_store %arg14[%swap3A_1489, %swap3A_1490], %add3A_1486 {strides = array<i32>} : memref<256x64xf32, #tpu.memory_space<vmem>>, vector<16xf32>,
      %slice3A_1492 = vector.extract_strided_slice %get3A_223 {offsets = [15], sizes = [1], strides = [1]} : vector<16xi32> to vector<1xi32>
      %squeeze3A_1493 = vector.extract %slice3A_1492[0] : i32 from vector<1xi32>
      %add3A_1494 = arith.constant 16 : i32
      %add3A_1495 = arith.addi %squeeze3A_1493, %add3A_1494 : i32
      %add3A_1496 = vector.broadcast %add3A_1495 : i32 to vector<16xi32>
      %add3A_1497 = arith.addi %add3A_1496, %iota3A : vector<16xi32>
      %gather3A_1498 = tpu.vector_load_idx %arg12[%broadcast_in_dim3A_1471, %add3A_1497] : memref<256x128xf32, #tpu.memory_space<vmem>>[vector<16xi32>, vector<16xi32>], vector<16xf32>,
      %slice3A_1499 = vector.extract_strided_slice %get3A_226 {offsets = [15], sizes = [1], strides = [1]} : vector<16xi32> to vector<1xi32>
      %squeeze3A_1500 = vector.extract %slice3A_1499[0] : i32 from vector<1xi32>
      %add3A_1501 = arith.constant 16 : i32
      %add3A_1502 = arith.addi %squeeze3A_1500, %add3A_1501 : i32
      %add3A_1503 = vector.broadcast %add3A_1502 : i32 to vector<16xi32>
      %add3A_1504 = arith.addi %add3A_1503, %iota3A : vector<16xi32>
      %gather3A_1505 = tpu.vector_load_idx %arg13[%broadcast_in_dim3A_1471, %add3A_1504] : memref<256x128xf32, #tpu.memory_space<vmem>>[vector<16xi32>, vector<16xi32>], vector<16xf32>,
      %add3A_1506 = arith.addf %gather3A_1498, %gather3A_1505 : vector<16xf32>
      %add3A_1507 = arith.constant 15 : i32
      %add3A_1508 = arith.addi %mul3A_228, %add3A_1507 : i32
      %swap3A_1509 = arith.index_cast %add3A_1508 : i32 to index
      %swap3A_1510 = arith.constant 16 : index
      %swap3A_1511 = tpu.vector_load %arg14[%swap3A_1509, %swap3A_1510] {strides = array<i32>} : memref<256x64xf32, #tpu.memory_space<vmem>>, vector<16xf32>,
      tpu.vector_store %arg14[%swap3A_1509, %swap3A_1510], %add3A_1506 {strides = array<i32>} : memref<256x64xf32, #tpu.memory_space<vmem>>, vector<16xf32>,
      %slice3A_1512 = vector.extract_strided_slice %get3A_223 {offsets = [15], sizes = [1], strides = [1]} : vector<16xi32> to vector<1xi32>
      %squeeze3A_1513 = vector.extract %slice3A_1512[0] : i32 from vector<1xi32>
      %add3A_1514 = arith.constant 32 : i32
      %add3A_1515 = arith.addi %squeeze3A_1513, %add3A_1514 : i32
      %add3A_1516 = vector.broadcast %add3A_1515 : i32 to vector<16xi32>
      %add3A_1517 = arith.addi %add3A_1516, %iota3A : vector<16xi32>
      %gather3A_1518 = tpu.vector_load_idx %arg12[%broadcast_in_dim3A_1471, %add3A_1517] : memref<256x128xf32, #tpu.memory_space<vmem>>[vector<16xi32>, vector<16xi32>], vector<16xf32>,
      %slice3A_1519 = vector.extract_strided_slice %get3A_226 {offsets = [15], sizes = [1], strides = [1]} : vector<16xi32> to vector<1xi32>
      %squeeze3A_1520 = vector.extract %slice3A_1519[0] : i32 from vector<1xi32>
      %add3A_1521 = arith.constant 32 : i32
      %add3A_1522 = arith.addi %squeeze3A_1520, %add3A_1521 : i32
      %add3A_1523 = vector.broadcast %add3A_1522 : i32 to vector<16xi32>
      %add3A_1524 = arith.addi %add3A_1523, %iota3A : vector<16xi32>
      %gather3A_1525 = tpu.vector_load_idx %arg13[%broadcast_in_dim3A_1471, %add3A_1524] : memref<256x128xf32, #tpu.memory_space<vmem>>[vector<16xi32>, vector<16xi32>], vector<16xf32>,
      %add3A_1526 = arith.addf %gather3A_1518, %gather3A_1525 : vector<16xf32>
      %add3A_1527 = arith.constant 15 : i32
      %add3A_1528 = arith.addi %mul3A_228, %add3A_1527 : i32
      %swap3A_1529 = arith.index_cast %add3A_1528 : i32 to index
      %swap3A_1530 = arith.constant 32 : index
      %swap3A_1531 = tpu.vector_load %arg14[%swap3A_1529, %swap3A_1530] {strides = array<i32>} : memref<256x64xf32, #tpu.memory_space<vmem>>, vector<16xf32>,
      tpu.vector_store %arg14[%swap3A_1529, %swap3A_1530], %add3A_1526 {strides = array<i32>} : memref<256x64xf32, #tpu.memory_space<vmem>>, vector<16xf32>,
      %slice3A_1532 = vector.extract_strided_slice %get3A_223 {offsets = [15], sizes = [1], strides = [1]} : vector<16xi32> to vector<1xi32>
      %squeeze3A_1533 = vector.extract %slice3A_1532[0] : i32 from vector<1xi32>
      %add3A_1534 = arith.constant 48 : i32
      %add3A_1535 = arith.addi %squeeze3A_1533, %add3A_1534 : i32
      %add3A_1536 = vector.broadcast %add3A_1535 : i32 to vector<16xi32>
      %add3A_1537 = arith.addi %add3A_1536, %iota3A : vector<16xi32>
      %gather3A_1538 = tpu.vector_load_idx %arg12[%broadcast_in_dim3A_1471, %add3A_1537] : memref<256x128xf32, #tpu.memory_space<vmem>>[vector<16xi32>, vector<16xi32>], vector<16xf32>,
      %slice3A_1539 = vector.extract_strided_slice %get3A_226 {offsets = [15], sizes = [1], strides = [1]} : vector<16xi32> to vector<1xi32>
      %squeeze3A_1540 = vector.extract %slice3A_1539[0] : i32 from vector<1xi32>
      %add3A_1541 = arith.constant 48 : i32
      %add3A_1542 = arith.addi %squeeze3A_1540, %add3A_1541 : i32
      %add3A_1543 = vector.broadcast %add3A_1542 : i32 to vector<16xi32>
      %add3A_1544 = arith.addi %add3A_1543, %iota3A : vector<16xi32>
      %gather3A_1545 = tpu.vector_load_idx %arg13[%broadcast_in_dim3A_1471, %add3A_1544] : memref<256x128xf32, #tpu.memory_space<vmem>>[vector<16xi32>, vector<16xi32>], vector<16xf32>,
      %add3A_1546 = arith.addf %gather3A_1538, %gather3A_1545 : vector<16xf32>
      %add3A_1547 = arith.constant 15 : i32
      %add3A_1548 = arith.addi %mul3A_228, %add3A_1547 : i32
      %swap3A_1549 = arith.index_cast %add3A_1548 : i32 to index
      %swap3A_1550 = arith.constant 48 : index
      %swap3A_1551 = tpu.vector_load %arg14[%swap3A_1549, %swap3A_1550] {strides = array<i32>} : memref<256x64xf32, #tpu.memory_space<vmem>>, vector<16xf32>,
      tpu.vector_store %arg14[%swap3A_1549, %swap3A_1550], %add3A_1546 {strides = array<i32>} : memref<256x64xf32, #tpu.memory_space<vmem>>, vector<16xf32>,
      %scan3A_1552 = arith.constant 0 : i32
      scf.yield %scan3A_1552 : i32
    }
    %scan3A_86 = arith.constant 16 : i32
    %mul3A_87 = arith.constant 512 : i32
    %mul3A_88 = arith.muli %add3A, %mul3A_87 : i32
    %add3A_89 = arith.constant 0 : i32
    %add3A_90 = arith.addi %mul3A_88, %add3A_89 : i32
    "tpu.region"() ({
      %run_scoped3A = tpu.sem_alloc : memref<!tpu.dma_semaphore, #tpu.memory_space<semaphore_mem>>
      %dma_start3A_182 = arith.constant 0 : i32
      %dma_start3A_183 = tpu.memref_slice %arg7[%add3A_90, %dma_start3A_182] : memref<16384x64xf32, #tpu.memory_space<hbm>> -> memref<256x64xf32, #tpu.memory_space<hbm>>
      %dma_start3A_184 = arith.constant 0 : i32
      %dma_start3A_185 = tpu.memref_slice %arg7[%add3A_90, %dma_start3A_184] : memref<16384x64xf32, #tpu.memory_space<hbm>> -> memref<256x64xf32, #tpu.memory_space<hbm>>
      tpu.enqueue_dma source(%arg14 : memref<256x64xf32, #tpu.memory_space<vmem>>) target(%dma_start3A_185 : memref<256x64xf32, #tpu.memory_space<hbm>>) target_semaphore(%run_scoped3A : memref<!tpu.dma_semaphore, #tpu.memory_space<semaphore_mem>>)
      %dma_wait3A_186 = arith.constant 0 : i32
      %dma_wait3A_187 = tpu.memref_slice %arg7[%add3A_90, %dma_wait3A_186] : memref<16384x64xf32, #tpu.memory_space<hbm>> -> memref<256x64xf32, #tpu.memory_space<hbm>>
      %dma_wait3A_188 = arith.constant 0 : i32
      %dma_wait3A_189 = tpu.memref_slice %arg7[%add3A_90, %dma_wait3A_188] : memref<16384x64xf32, #tpu.memory_space<hbm>> -> memref<256x64xf32, #tpu.memory_space<hbm>>
      tpu.wait_dma2 semaphore(%run_scoped3A : memref<!tpu.dma_semaphore, #tpu.memory_space<semaphore_mem>>) src(%arg14 : memref<256x64xf32, #tpu.memory_space<vmem>>) dst(%dma_wait3A_189 : memref<256x64xf32, #tpu.memory_space<hbm>>)
      tpu.yield
    }) : () -> ()
    %dma_start3A_91 = arith.constant 2 : i32
    %dma_start3A_92 = arith.constant 0 : i32
    %dma_start3A_93 = arith.constant 0 : i32
    %dma_start3A_94 = tpu.memref_slice %arg12[%dma_start3A_92, %dma_start3A_93] : memref<256x128xf32, #tpu.memory_space<vmem>> -> memref<128x128xf32, #tpu.memory_space<vmem>>
    %dma_start3A_95 = arith.constant 0 : i32
    %dma_start3A_96 = tpu.memref_slice %arg8[%dma_start3A_91, %dma_start3A_95] : memref<4x128xi32, #tpu.memory_space<vmem>> -> memref<1x128xi32, #tpu.memory_space<vmem>>
    %dma_start3A_97 = tpu.memref_squeeze %dma_start3A_96 : memref<1x128xi32, #tpu.memory_space<vmem>> -> memref<128xi32, #tpu.memory_space<vmem>>
    %dma_start3A_98 = arith.constant 0 : i32
    %dma_start3A_99 = arith.constant 0 : i32
    %dma_start3A_100 = tpu.memref_slice %arg6[%dma_start3A_98, %dma_start3A_99] : memref<501760x128xf32, #tpu.memory_space<hbm>> -> memref<501760x128xf32, #tpu.memory_space<hbm>>
    tpu.enqueue_indirect_dma source(%dma_start3A_100 : memref<501760x128xf32, #tpu.memory_space<hbm>>) target(%dma_start3A_94 : memref<128x128xf32, #tpu.memory_space<vmem>>) offsets(%dma_start3A_97 : memref<128xi32, #tpu.memory_space<vmem>>) semaphore(%arg15 : memref<!tpu.dma_semaphore, #tpu.memory_space<semaphore_mem>>)
    %dma_start3A_101 = arith.constant 2 : i32
    %dma_start3A_102 = arith.constant 0 : i32
    %dma_start3A_103 = arith.constant 0 : i32
    %dma_start3A_104 = tpu.memref_slice %arg13[%dma_start3A_102, %dma_start3A_103] : memref<256x128xf32, #tpu.memory_space<vmem>> -> memref<128x128xf32, #tpu.memory_space<vmem>>
    %dma_start3A_105 = arith.constant 0 : i32
    %dma_start3A_106 = tpu.memref_slice %arg9[%dma_start3A_101, %dma_start3A_105] : memref<4x128xi32, #tpu.memory_space<vmem>> -> memref<1x128xi32, #tpu.memory_space<vmem>>
    %dma_start3A_107 = tpu.memref_squeeze %dma_start3A_106 : memref<1x128xi32, #tpu.memory_space<vmem>> -> memref<128xi32, #tpu.memory_space<vmem>>
    %dma_start3A_108 = arith.constant 0 : i32
    %dma_start3A_109 = arith.constant 0 : i32
    %dma_start3A_110 = tpu.memref_slice %arg6[%dma_start3A_108, %dma_start3A_109] : memref<501760x128xf32, #tpu.memory_space<hbm>> -> memref<501760x128xf32, #tpu.memory_space<hbm>>
    tpu.enqueue_indirect_dma source(%dma_start3A_110 : memref<501760x128xf32, #tpu.memory_space<hbm>>) target(%dma_start3A_104 : memref<128x128xf32, #tpu.memory_space<vmem>>) offsets(%dma_start3A_107 : memref<128xi32, #tpu.memory_space<vmem>>) semaphore(%arg15 : memref<!tpu.dma_semaphore, #tpu.memory_space<semaphore_mem>>)
    %dma_start3A_111 = arith.constant 3 : i32
    %dma_start3A_112 = arith.constant 128 : i32
    %dma_start3A_113 = arith.constant 0 : i32
    %dma_start3A_114 = tpu.memref_slice %arg12[%dma_start3A_112, %dma_start3A_113] : memref<256x128xf32, #tpu.memory_space<vmem>> -> memref<128x128xf32, #tpu.memory_space<vmem>>
    %dma_start3A_115 = arith.constant 0 : i32
    %dma_start3A_116 = tpu.memref_slice %arg8[%dma_start3A_111, %dma_start3A_115] : memref<4x128xi32, #tpu.memory_space<vmem>> -> memref<1x128xi32, #tpu.memory_space<vmem>>
    %dma_start3A_117 = tpu.memref_squeeze %dma_start3A_116 : memref<1x128xi32, #tpu.memory_space<vmem>> -> memref<128xi32, #tpu.memory_space<vmem>>
    %dma_start3A_118 = arith.constant 0 : i32
    %dma_start3A_119 = arith.constant 0 : i32
    %dma_start3A_120 = tpu.memref_slice %arg6[%dma_start3A_118, %dma_start3A_119] : memref<501760x128xf32, #tpu.memory_space<hbm>> -> memref<501760x128xf32, #tpu.memory_space<hbm>>
    tpu.enqueue_indirect_dma source(%dma_start3A_120 : memref<501760x128xf32, #tpu.memory_space<hbm>>) target(%dma_start3A_114 : memref<128x128xf32, #tpu.memory_space<vmem>>) offsets(%dma_start3A_117 : memref<128xi32, #tpu.memory_space<vmem>>) semaphore(%arg15 : memref<!tpu.dma_semaphore, #tpu.memory_space<semaphore_mem>>)
    %dma_start3A_121 = arith.constant 3 : i32
    %dma_start3A_122 = arith.constant 128 : i32
    %dma_start3A_123 = arith.constant 0 : i32
    %dma_start3A_124 = tpu.memref_slice %arg13[%dma_start3A_122, %dma_start3A_123] : memref<256x128xf32, #tpu.memory_space<vmem>> -> memref<128x128xf32, #tpu.memory_space<vmem>>
    %dma_start3A_125 = arith.constant 0 : i32
    %dma_start3A_126 = tpu.memref_slice %arg9[%dma_start3A_121, %dma_start3A_125] : memref<4x128xi32, #tpu.memory_space<vmem>> -> memref<1x128xi32, #tpu.memory_space<vmem>>
    %dma_start3A_127 = tpu.memref_squeeze %dma_start3A_126 : memref<1x128xi32, #tpu.memory_space<vmem>> -> memref<128xi32, #tpu.memory_space<vmem>>
    %dma_start3A_128 = arith.constant 0 : i32
    %dma_start3A_129 = arith.constant 0 : i32
    %dma_start3A_130 = tpu.memref_slice %arg6[%dma_start3A_128, %dma_start3A_129] : memref<501760x128xf32, #tpu.memory_space<hbm>> -> memref<501760x128xf32, #tpu.memory_space<hbm>>
    tpu.enqueue_indirect_dma source(%dma_start3A_130 : memref<501760x128xf32, #tpu.memory_space<hbm>>) target(%dma_start3A_124 : memref<128x128xf32, #tpu.memory_space<vmem>>) offsets(%dma_start3A_127 : memref<128xi32, #tpu.memory_space<vmem>>) semaphore(%arg15 : memref<!tpu.dma_semaphore, #tpu.memory_space<semaphore_mem>>)
    %dma_wait3A_131 = arith.constant 2 : i32
    %dma_wait3A_132 = arith.constant 0 : i32
    %dma_wait3A_133 = arith.constant 0 : i32
    %dma_wait3A_134 = tpu.memref_slice %arg12[%dma_wait3A_132, %dma_wait3A_133] : memref<256x128xf32, #tpu.memory_space<vmem>> -> memref<128x128xf32, #tpu.memory_space<vmem>>
    %dma_wait3A_135 = arith.constant 0 : i32
    %dma_wait3A_136 = tpu.memref_slice %arg8[%dma_wait3A_131, %dma_wait3A_135] : memref<4x128xi32, #tpu.memory_space<vmem>> -> memref<1x128xi32, #tpu.memory_space<vmem>>
    %dma_wait3A_137 = tpu.memref_squeeze %dma_wait3A_136 : memref<1x128xi32, #tpu.memory_space<vmem>> -> memref<128xi32, #tpu.memory_space<vmem>>
    %dma_wait3A_138 = arith.constant 0 : i32
    %dma_wait3A_139 = arith.constant 0 : i32
    %dma_wait3A_140 = tpu.memref_slice %arg6[%dma_wait3A_138, %dma_wait3A_139] : memref<501760x128xf32, #tpu.memory_space<hbm>> -> memref<501760x128xf32, #tpu.memory_space<hbm>>
    tpu.wait_indirect_dma semaphore(%arg15 : memref<!tpu.dma_semaphore, #tpu.memory_space<semaphore_mem>>) src(%dma_wait3A_140 : memref<501760x128xf32, #tpu.memory_space<hbm>>) dst(%dma_wait3A_134 : memref<128x128xf32, #tpu.memory_space<vmem>>)
    %dma_wait3A_141 = arith.constant 2 : i32
    %dma_wait3A_142 = arith.constant 0 : i32
    %dma_wait3A_143 = arith.constant 0 : i32
    %dma_wait3A_144 = tpu.memref_slice %arg13[%dma_wait3A_142, %dma_wait3A_143] : memref<256x128xf32, #tpu.memory_space<vmem>> -> memref<128x128xf32, #tpu.memory_space<vmem>>
    %dma_wait3A_145 = arith.constant 0 : i32
    %dma_wait3A_146 = tpu.memref_slice %arg9[%dma_wait3A_141, %dma_wait3A_145] : memref<4x128xi32, #tpu.memory_space<vmem>> -> memref<1x128xi32, #tpu.memory_space<vmem>>
    %dma_wait3A_147 = tpu.memref_squeeze %dma_wait3A_146 : memref<1x128xi32, #tpu.memory_space<vmem>> -> memref<128xi32, #tpu.memory_space<vmem>>
    %dma_wait3A_148 = arith.constant 0 : i32
    %dma_wait3A_149 = arith.constant 0 : i32
    %dma_wait3A_150 = tpu.memref_slice %arg6[%dma_wait3A_148, %dma_wait3A_149] : memref<501760x128xf32, #tpu.memory_space<hbm>> -> memref<501760x128xf32, #tpu.memory_space<hbm>>
    tpu.wait_indirect_dma semaphore(%arg15 : memref<!tpu.dma_semaphore, #tpu.memory_space<semaphore_mem>>) src(%dma_wait3A_150 : memref<501760x128xf32, #tpu.memory_space<hbm>>) dst(%dma_wait3A_144 : memref<128x128xf32, #tpu.memory_space<vmem>>)
    %dma_wait3A_151 = arith.constant 3 : i32
    %dma_wait3A_152 = arith.constant 128 : i32
    %dma_wait3A_153 = arith.constant 0 : i32
    %dma_wait3A_154 = tpu.memref_slice %arg12[%dma_wait3A_152, %dma_wait3A_153] : memref<256x128xf32, #tpu.memory_space<vmem>> -> memref<128x128xf32, #tpu.memory_space<vmem>>
    %dma_wait3A_155 = arith.constant 0 : i32
    %dma_wait3A_156 = tpu.memref_slice %arg8[%dma_wait3A_151, %dma_wait3A_155] : memref<4x128xi32, #tpu.memory_space<vmem>> -> memref<1x128xi32, #tpu.memory_space<vmem>>
    %dma_wait3A_157 = tpu.memref_squeeze %dma_wait3A_156 : memref<1x128xi32, #tpu.memory_space<vmem>> -> memref<128xi32, #tpu.memory_space<vmem>>
    %dma_wait3A_158 = arith.constant 0 : i32
    %dma_wait3A_159 = arith.constant 0 : i32
    %dma_wait3A_160 = tpu.memref_slice %arg6[%dma_wait3A_158, %dma_wait3A_159] : memref<501760x128xf32, #tpu.memory_space<hbm>> -> memref<501760x128xf32, #tpu.memory_space<hbm>>
    tpu.wait_indirect_dma semaphore(%arg15 : memref<!tpu.dma_semaphore, #tpu.memory_space<semaphore_mem>>) src(%dma_wait3A_160 : memref<501760x128xf32, #tpu.memory_space<hbm>>) dst(%dma_wait3A_154 : memref<128x128xf32, #tpu.memory_space<vmem>>)
    %dma_wait3A_161 = arith.constant 3 : i32
    %dma_wait3A_162 = arith.constant 128 : i32
    %dma_wait3A_163 = arith.constant 0 : i32
    %dma_wait3A_164 = tpu.memref_slice %arg13[%dma_wait3A_162, %dma_wait3A_163] : memref<256x128xf32, #tpu.memory_space<vmem>> -> memref<128x128xf32, #tpu.memory_space<vmem>>
    %dma_wait3A_165 = arith.constant 0 : i32
    %dma_wait3A_166 = tpu.memref_slice %arg9[%dma_wait3A_161, %dma_wait3A_165] : memref<4x128xi32, #tpu.memory_space<vmem>> -> memref<1x128xi32, #tpu.memory_space<vmem>>
    %dma_wait3A_167 = tpu.memref_squeeze %dma_wait3A_166 : memref<1x128xi32, #tpu.memory_space<vmem>> -> memref<128xi32, #tpu.memory_space<vmem>>
    %dma_wait3A_168 = arith.constant 0 : i32
    %dma_wait3A_169 = arith.constant 0 : i32
    %dma_wait3A_170 = tpu.memref_slice %arg6[%dma_wait3A_168, %dma_wait3A_169] : memref<501760x128xf32, #tpu.memory_space<hbm>> -> memref<501760x128xf32, #tpu.memory_space<hbm>>
    tpu.wait_indirect_dma semaphore(%arg15 : memref<!tpu.dma_semaphore, #tpu.memory_space<semaphore_mem>>) src(%dma_wait3A_170 : memref<501760x128xf32, #tpu.memory_space<hbm>>) dst(%dma_wait3A_164 : memref<128x128xf32, #tpu.memory_space<vmem>>)
    %scan3A_171 = arith.constant 0 : i32
    %scan3A_172 = arith.constant 0 : i32
    %scan3A_173 = arith.constant 16 : i32
    %scan3A_174 = arith.addi %scan3A_172, %scan3A_173 : i32
    %scan3A_175 = arith.constant 1 : i32
    %scan3A_176 = scf.for %scan3A_182 = %scan3A_172 to %scan3A_174 step %scan3A_175 iter_args(%scan3A_183 = %scan3A_171) -> (i32)  : i32 {
      %mul3A_184 = arith.constant 16 : i32
      %mul3A_185 = arith.muli %scan3A_182, %mul3A_184 : i32
      %add3A_186 = arith.constant 256 : i32
      %add3A_187 = arith.addi %add3A_186, %mul3A_185 : i32
      %jit3A = arith.constant 128 : i32
      %div3A = arith.divsi %add3A_187, %jit3A : i32
      %sign3A = arith.constant 0 : i32
      %sign3A_188 = arith.cmpi sgt, %add3A_187, %sign3A : i32
      %sign3A_189 = arith.extui %sign3A_188 : i1 to i32
      %sign3A_190 = arith.constant 0 : i32
      %sign3A_191 = arith.cmpi slt, %add3A_187, %sign3A_190 : i32
      %sign3A_192 = arith.extui %sign3A_191 : i1 to i32
      %sign3A_193 = arith.subi %sign3A_189, %sign3A_192 : i32
      %sign3A_194 = arith.constant 0 : i32
      %sign3A_195 = arith.cmpi sgt, %jit3A, %sign3A_194 : i32
      %sign3A_196 = arith.extui %sign3A_195 : i1 to i32
      %sign3A_197 = arith.constant 0 : i32
      %sign3A_198 = arith.cmpi slt, %jit3A, %sign3A_197 : i32
      %sign3A_199 = arith.extui %sign3A_198 : i1 to i32
      %sign3A_200 = arith.subi %sign3A_196, %sign3A_199 : i32
      %ne3A = arith.cmpi ne, %sign3A_193, %sign3A_200 : i32
      %rem3A = arith.remsi %add3A_187, %jit3A : i32
      %ne3A_201 = arith.constant 0 : i32
      %ne3A_202 = arith.cmpi ne, %rem3A, %ne3A_201 : i32
      %and3A = arith.andi %ne3A, %ne3A_202 : i1
      %sub3A = arith.constant 1 : i32
      %sub3A_203 = arith.subi %div3A, %sub3A : i32
      %select_n3A = arith.select %and3A, %sub3A_203, %div3A : i32
      %mul3A_204 = arith.constant 16 : i32
      %mul3A_205 = arith.muli %scan3A_182, %mul3A_204 : i32
      %add3A_206 = arith.constant 256 : i32
      %add3A_207 = arith.addi %add3A_206, %mul3A_205 : i32
      %jit3A_208 = arith.constant 128 : i32
      %eq3A = arith.constant 0 : i32
      %eq3A_209 = arith.cmpi eq, %jit3A_208, %eq3A : i32
      %jit3A_210 = arith.constant 1 : i32
      %select_n3A_211 = arith.select %eq3A_209, %jit3A_210, %jit3A_208 : i32
      %rem3A_212 = arith.remsi %add3A_207, %select_n3A_211 : i32
      %ne3A_213 = arith.constant 0 : i32
      %ne3A_214 = arith.cmpi ne, %rem3A_212, %ne3A_213 : i32
      %lt3A = arith.constant 0 : i32
      %lt3A_215 = arith.cmpi slt, %rem3A_212, %lt3A : i32
      %lt3A_216 = arith.constant 0 : i32
      %lt3A_217 = arith.cmpi slt, %select_n3A_211, %lt3A_216 : i32
      %ne3A_218 = arith.xori %lt3A_215, %lt3A_217 : i1
      %and3A_219 = arith.andi %ne3A_218, %ne3A_214 : i1
      %add3A_220 = arith.addi %rem3A_212, %select_n3A_211 : i32
      %select_n3A_221 = arith.select %and3A_219, %add3A_220, %rem3A_212 : i32
      %get3A = arith.index_cast %select_n3A : i32 to index
      %get3A_222 = arith.index_cast %select_n3A_221 : i32 to index
      %get3A_223 = tpu.vector_load %arg10[%get3A, %get3A_222] {strides = array<i32>} : memref<4x128xi32, #tpu.memory_space<vmem>>, vector<16xi32>,
      %get3A_224 = arith.index_cast %select_n3A : i32 to index
      %get3A_225 = arith.index_cast %select_n3A_221 : i32 to index
      %get3A_226 = tpu.vector_load %arg11[%get3A_224, %get3A_225] {strides = array<i32>} : memref<4x128xi32, #tpu.memory_space<vmem>>, vector<16xi32>,
      %mul3A_227 = arith.constant 16 : i32
      %mul3A_228 = arith.muli %scan3A_182, %mul3A_227 : i32
      %add3A_229 = arith.constant 0 : i32
      %add3A_230 = arith.addi %mul3A_228, %add3A_229 : i32
      %broadcast_in_dim3A = vector.broadcast %add3A_230 : i32 to vector<16xi32>
      %slice3A = vector.extract_strided_slice %get3A_223 {offsets = [0], sizes = [1], strides = [1]} : vector<16xi32> to vector<1xi32>
      %squeeze3A = vector.extract %slice3A[0] : i32 from vector<1xi32>
      %add3A_231 = arith.constant 0 : i32
      %add3A_232 = arith.addi %squeeze3A, %add3A_231 : i32
      %add3A_233 = vector.broadcast %add3A_232 : i32 to vector<16xi32>
      %add3A_234 = arith.addi %add3A_233, %iota3A : vector<16xi32>
      %gather3A = tpu.vector_load_idx %arg12[%broadcast_in_dim3A, %add3A_234] : memref<256x128xf32, #tpu.memory_space<vmem>>[vector<16xi32>, vector<16xi32>], vector<16xf32>,
      %slice3A_235 = vector.extract_strided_slice %get3A_226 {offsets = [0], sizes = [1], strides = [1]} : vector<16xi32> to vector<1xi32>
      %squeeze3A_236 = vector.extract %slice3A_235[0] : i32 from vector<1xi32>
      %add3A_237 = arith.constant 0 : i32
      %add3A_238 = arith.addi %squeeze3A_236, %add3A_237 : i32
      %add3A_239 = vector.broadcast %add3A_238 : i32 to vector<16xi32>
      %add3A_240 = arith.addi %add3A_239, %iota3A : vector<16xi32>
      %gather3A_241 = tpu.vector_load_idx %arg13[%broadcast_in_dim3A, %add3A_240] : memref<256x128xf32, #tpu.memory_space<vmem>>[vector<16xi32>, vector<16xi32>], vector<16xf32>,
      %add3A_242 = arith.addf %gather3A, %gather3A_241 : vector<16xf32>
      %add3A_243 = arith.constant 0 : i32
      %add3A_244 = arith.addi %mul3A_228, %add3A_243 : i32
      %swap3A = arith.index_cast %add3A_244 : i32 to index
      %swap3A_245 = arith.constant 0 : index
      %swap3A_246 = tpu.vector_load %arg14[%swap3A, %swap3A_245] {strides = array<i32>} : memref<256x64xf32, #tpu.memory_space<vmem>>, vector<16xf32>,
      tpu.vector_store %arg14[%swap3A, %swap3A_245], %add3A_242 {strides = array<i32>} : memref<256x64xf32, #tpu.memory_space<vmem>>, vector<16xf32>,
      %slice3A_247 = vector.extract_strided_slice %get3A_223 {offsets = [0], sizes = [1], strides = [1]} : vector<16xi32> to vector<1xi32>
      %squeeze3A_248 = vector.extract %slice3A_247[0] : i32 from vector<1xi32>
      %add3A_249 = arith.constant 16 : i32
      %add3A_250 = arith.addi %squeeze3A_248, %add3A_249 : i32
      %add3A_251 = vector.broadcast %add3A_250 : i32 to vector<16xi32>
      %add3A_252 = arith.addi %add3A_251, %iota3A : vector<16xi32>
      %gather3A_253 = tpu.vector_load_idx %arg12[%broadcast_in_dim3A, %add3A_252] : memref<256x128xf32, #tpu.memory_space<vmem>>[vector<16xi32>, vector<16xi32>], vector<16xf32>,
      %slice3A_254 = vector.extract_strided_slice %get3A_226 {offsets = [0], sizes = [1], strides = [1]} : vector<16xi32> to vector<1xi32>
      %squeeze3A_255 = vector.extract %slice3A_254[0] : i32 from vector<1xi32>
      %add3A_256 = arith.constant 16 : i32
      %add3A_257 = arith.addi %squeeze3A_255, %add3A_256 : i32
      %add3A_258 = vector.broadcast %add3A_257 : i32 to vector<16xi32>
      %add3A_259 = arith.addi %add3A_258, %iota3A : vector<16xi32>
      %gather3A_260 = tpu.vector_load_idx %arg13[%broadcast_in_dim3A, %add3A_259] : memref<256x128xf32, #tpu.memory_space<vmem>>[vector<16xi32>, vector<16xi32>], vector<16xf32>,
      %add3A_261 = arith.addf %gather3A_253, %gather3A_260 : vector<16xf32>
      %add3A_262 = arith.constant 0 : i32
      %add3A_263 = arith.addi %mul3A_228, %add3A_262 : i32
      %swap3A_264 = arith.index_cast %add3A_263 : i32 to index
      %swap3A_265 = arith.constant 16 : index
      %swap3A_266 = tpu.vector_load %arg14[%swap3A_264, %swap3A_265] {strides = array<i32>} : memref<256x64xf32, #tpu.memory_space<vmem>>, vector<16xf32>,
      tpu.vector_store %arg14[%swap3A_264, %swap3A_265], %add3A_261 {strides = array<i32>} : memref<256x64xf32, #tpu.memory_space<vmem>>, vector<16xf32>,
      %slice3A_267 = vector.extract_strided_slice %get3A_223 {offsets = [0], sizes = [1], strides = [1]} : vector<16xi32> to vector<1xi32>
      %squeeze3A_268 = vector.extract %slice3A_267[0] : i32 from vector<1xi32>
      %add3A_269 = arith.constant 32 : i32
      %add3A_270 = arith.addi %squeeze3A_268, %add3A_269 : i32
      %add3A_271 = vector.broadcast %add3A_270 : i32 to vector<16xi32>
      %add3A_272 = arith.addi %add3A_271, %iota3A : vector<16xi32>
      %gather3A_273 = tpu.vector_load_idx %arg12[%broadcast_in_dim3A, %add3A_272] : memref<256x128xf32, #tpu.memory_space<vmem>>[vector<16xi32>, vector<16xi32>], vector<16xf32>,
      %slice3A_274 = vector.extract_strided_slice %get3A_226 {offsets = [0], sizes = [1], strides = [1]} : vector<16xi32> to vector<1xi32>
      %squeeze3A_275 = vector.extract %slice3A_274[0] : i32 from vector<1xi32>
      %add3A_276 = arith.constant 32 : i32
      %add3A_277 = arith.addi %squeeze3A_275, %add3A_276 : i32
      %add3A_278 = vector.broadcast %add3A_277 : i32 to vector<16xi32>
      %add3A_279 = arith.addi %add3A_278, %iota3A : vector<16xi32>
      %gather3A_280 = tpu.vector_load_idx %arg13[%broadcast_in_dim3A, %add3A_279] : memref<256x128xf32, #tpu.memory_space<vmem>>[vector<16xi32>, vector<16xi32>], vector<16xf32>,
      %add3A_281 = arith.addf %gather3A_273, %gather3A_280 : vector<16xf32>
      %add3A_282 = arith.constant 0 : i32
      %add3A_283 = arith.addi %mul3A_228, %add3A_282 : i32
      %swap3A_284 = arith.index_cast %add3A_283 : i32 to index
      %swap3A_285 = arith.constant 32 : index
      %swap3A_286 = tpu.vector_load %arg14[%swap3A_284, %swap3A_285] {strides = array<i32>} : memref<256x64xf32, #tpu.memory_space<vmem>>, vector<16xf32>,
      tpu.vector_store %arg14[%swap3A_284, %swap3A_285], %add3A_281 {strides = array<i32>} : memref<256x64xf32, #tpu.memory_space<vmem>>, vector<16xf32>,
      %slice3A_287 = vector.extract_strided_slice %get3A_223 {offsets = [0], sizes = [1], strides = [1]} : vector<16xi32> to vector<1xi32>
      %squeeze3A_288 = vector.extract %slice3A_287[0] : i32 from vector<1xi32>
      %add3A_289 = arith.constant 48 : i32
      %add3A_290 = arith.addi %squeeze3A_288, %add3A_289 : i32
      %add3A_291 = vector.broadcast %add3A_290 : i32 to vector<16xi32>
      %add3A_292 = arith.addi %add3A_291, %iota3A : vector<16xi32>
      %gather3A_293 = tpu.vector_load_idx %arg12[%broadcast_in_dim3A, %add3A_292] : memref<256x128xf32, #tpu.memory_space<vmem>>[vector<16xi32>, vector<16xi32>], vector<16xf32>,
      %slice3A_294 = vector.extract_strided_slice %get3A_226 {offsets = [0], sizes = [1], strides = [1]} : vector<16xi32> to vector<1xi32>
      %squeeze3A_295 = vector.extract %slice3A_294[0] : i32 from vector<1xi32>
      %add3A_296 = arith.constant 48 : i32
      %add3A_297 = arith.addi %squeeze3A_295, %add3A_296 : i32
      %add3A_298 = vector.broadcast %add3A_297 : i32 to vector<16xi32>
      %add3A_299 = arith.addi %add3A_298, %iota3A : vector<16xi32>
      %gather3A_300 = tpu.vector_load_idx %arg13[%broadcast_in_dim3A, %add3A_299] : memref<256x128xf32, #tpu.memory_space<vmem>>[vector<16xi32>, vector<16xi32>], vector<16xf32>,
      %add3A_301 = arith.addf %gather3A_293, %gather3A_300 : vector<16xf32>
      %add3A_302 = arith.constant 0 : i32
      %add3A_303 = arith.addi %mul3A_228, %add3A_302 : i32
      %swap3A_304 = arith.index_cast %add3A_303 : i32 to index
      %swap3A_305 = arith.constant 48 : index
      %swap3A_306 = tpu.vector_load %arg14[%swap3A_304, %swap3A_305] {strides = array<i32>} : memref<256x64xf32, #tpu.memory_space<vmem>>, vector<16xf32>,
      tpu.vector_store %arg14[%swap3A_304, %swap3A_305], %add3A_301 {strides = array<i32>} : memref<256x64xf32, #tpu.memory_space<vmem>>, vector<16xf32>,
      %add3A_307 = arith.constant 1 : i32
      %add3A_308 = arith.addi %mul3A_228, %add3A_307 : i32
      %broadcast_in_dim3A_309 = vector.broadcast %add3A_308 : i32 to vector<16xi32>
      %slice3A_310 = vector.extract_strided_slice %get3A_223 {offsets = [1], sizes = [1], strides = [1]} : vector<16xi32> to vector<1xi32>
      %squeeze3A_311 = vector.extract %slice3A_310[0] : i32 from vector<1xi32>
      %add3A_312 = arith.constant 0 : i32
      %add3A_313 = arith.addi %squeeze3A_311, %add3A_312 : i32
      %add3A_314 = vector.broadcast %add3A_313 : i32 to vector<16xi32>
      %add3A_315 = arith.addi %add3A_314, %iota3A : vector<16xi32>
      %gather3A_316 = tpu.vector_load_idx %arg12[%broadcast_in_dim3A_309, %add3A_315] : memref<256x128xf32, #tpu.memory_space<vmem>>[vector<16xi32>, vector<16xi32>], vector<16xf32>,
      %slice3A_317 = vector.extract_strided_slice %get3A_226 {offsets = [1], sizes = [1], strides = [1]} : vector<16xi32> to vector<1xi32>
      %squeeze3A_318 = vector.extract %slice3A_317[0] : i32 from vector<1xi32>
      %add3A_319 = arith.constant 0 : i32
      %add3A_320 = arith.addi %squeeze3A_318, %add3A_319 : i32
      %add3A_321 = vector.broadcast %add3A_320 : i32 to vector<16xi32>
      %add3A_322 = arith.addi %add3A_321, %iota3A : vector<16xi32>
      %gather3A_323 = tpu.vector_load_idx %arg13[%broadcast_in_dim3A_309, %add3A_322] : memref<256x128xf32, #tpu.memory_space<vmem>>[vector<16xi32>, vector<16xi32>], vector<16xf32>,
      %add3A_324 = arith.addf %gather3A_316, %gather3A_323 : vector<16xf32>
      %add3A_325 = arith.constant 1 : i32
      %add3A_326 = arith.addi %mul3A_228, %add3A_325 : i32
      %swap3A_327 = arith.index_cast %add3A_326 : i32 to index
      %swap3A_328 = arith.constant 0 : index
      %swap3A_329 = tpu.vector_load %arg14[%swap3A_327, %swap3A_328] {strides = array<i32>} : memref<256x64xf32, #tpu.memory_space<vmem>>, vector<16xf32>,
      tpu.vector_store %arg14[%swap3A_327, %swap3A_328], %add3A_324 {strides = array<i32>} : memref<256x64xf32, #tpu.memory_space<vmem>>, vector<16xf32>,
      %slice3A_330 = vector.extract_strided_slice %get3A_223 {offsets = [1], sizes = [1], strides = [1]} : vector<16xi32> to vector<1xi32>
      %squeeze3A_331 = vector.extract %slice3A_330[0] : i32 from vector<1xi32>
      %add3A_332 = arith.constant 16 : i32
      %add3A_333 = arith.addi %squeeze3A_331, %add3A_332 : i32
      %add3A_334 = vector.broadcast %add3A_333 : i32 to vector<16xi32>
      %add3A_335 = arith.addi %add3A_334, %iota3A : vector<16xi32>
      %gather3A_336 = tpu.vector_load_idx %arg12[%broadcast_in_dim3A_309, %add3A_335] : memref<256x128xf32, #tpu.memory_space<vmem>>[vector<16xi32>, vector<16xi32>], vector<16xf32>,
      %slice3A_337 = vector.extract_strided_slice %get3A_226 {offsets = [1], sizes = [1], strides = [1]} : vector<16xi32> to vector<1xi32>
      %squeeze3A_338 = vector.extract %slice3A_337[0] : i32 from vector<1xi32>
      %add3A_339 = arith.constant 16 : i32
      %add3A_340 = arith.addi %squeeze3A_338, %add3A_339 : i32
      %add3A_341 = vector.broadcast %add3A_340 : i32 to vector<16xi32>
      %add3A_342 = arith.addi %add3A_341, %iota3A : vector<16xi32>
      %gather3A_343 = tpu.vector_load_idx %arg13[%broadcast_in_dim3A_309, %add3A_342] : memref<256x128xf32, #tpu.memory_space<vmem>>[vector<16xi32>, vector<16xi32>], vector<16xf32>,
      %add3A_344 = arith.addf %gather3A_336, %gather3A_343 : vector<16xf32>
      %add3A_345 = arith.constant 1 : i32
      %add3A_346 = arith.addi %mul3A_228, %add3A_345 : i32
      %swap3A_347 = arith.index_cast %add3A_346 : i32 to index
      %swap3A_348 = arith.constant 16 : index
      %swap3A_349 = tpu.vector_load %arg14[%swap3A_347, %swap3A_348] {strides = array<i32>} : memref<256x64xf32, #tpu.memory_space<vmem>>, vector<16xf32>,
      tpu.vector_store %arg14[%swap3A_347, %swap3A_348], %add3A_344 {strides = array<i32>} : memref<256x64xf32, #tpu.memory_space<vmem>>, vector<16xf32>,
      %slice3A_350 = vector.extract_strided_slice %get3A_223 {offsets = [1], sizes = [1], strides = [1]} : vector<16xi32> to vector<1xi32>
      %squeeze3A_351 = vector.extract %slice3A_350[0] : i32 from vector<1xi32>
      %add3A_352 = arith.constant 32 : i32
      %add3A_353 = arith.addi %squeeze3A_351, %add3A_352 : i32
      %add3A_354 = vector.broadcast %add3A_353 : i32 to vector<16xi32>
      %add3A_355 = arith.addi %add3A_354, %iota3A : vector<16xi32>
      %gather3A_356 = tpu.vector_load_idx %arg12[%broadcast_in_dim3A_309, %add3A_355] : memref<256x128xf32, #tpu.memory_space<vmem>>[vector<16xi32>, vector<16xi32>], vector<16xf32>,
      %slice3A_357 = vector.extract_strided_slice %get3A_226 {offsets = [1], sizes = [1], strides = [1]} : vector<16xi32> to vector<1xi32>
      %squeeze3A_358 = vector.extract %slice3A_357[0] : i32 from vector<1xi32>
      %add3A_359 = arith.constant 32 : i32
      %add3A_360 = arith.addi %squeeze3A_358, %add3A_359 : i32
      %add3A_361 = vector.broadcast %add3A_360 : i32 to vector<16xi32>
      %add3A_362 = arith.addi %add3A_361, %iota3A : vector<16xi32>
      %gather3A_363 = tpu.vector_load_idx %arg13[%broadcast_in_dim3A_309, %add3A_362] : memref<256x128xf32, #tpu.memory_space<vmem>>[vector<16xi32>, vector<16xi32>], vector<16xf32>,
      %add3A_364 = arith.addf %gather3A_356, %gather3A_363 : vector<16xf32>
      %add3A_365 = arith.constant 1 : i32
      %add3A_366 = arith.addi %mul3A_228, %add3A_365 : i32
      %swap3A_367 = arith.index_cast %add3A_366 : i32 to index
      %swap3A_368 = arith.constant 32 : index
      %swap3A_369 = tpu.vector_load %arg14[%swap3A_367, %swap3A_368] {strides = array<i32>} : memref<256x64xf32, #tpu.memory_space<vmem>>, vector<16xf32>,
      tpu.vector_store %arg14[%swap3A_367, %swap3A_368], %add3A_364 {strides = array<i32>} : memref<256x64xf32, #tpu.memory_space<vmem>>, vector<16xf32>,
      %slice3A_370 = vector.extract_strided_slice %get3A_223 {offsets = [1], sizes = [1], strides = [1]} : vector<16xi32> to vector<1xi32>
      %squeeze3A_371 = vector.extract %slice3A_370[0] : i32 from vector<1xi32>
      %add3A_372 = arith.constant 48 : i32
      %add3A_373 = arith.addi %squeeze3A_371, %add3A_372 : i32
      %add3A_374 = vector.broadcast %add3A_373 : i32 to vector<16xi32>
      %add3A_375 = arith.addi %add3A_374, %iota3A : vector<16xi32>
      %gather3A_376 = tpu.vector_load_idx %arg12[%broadcast_in_dim3A_309, %add3A_375] : memref<256x128xf32, #tpu.memory_space<vmem>>[vector<16xi32>, vector<16xi32>], vector<16xf32>,
      %slice3A_377 = vector.extract_strided_slice %get3A_226 {offsets = [1], sizes = [1], strides = [1]} : vector<16xi32> to vector<1xi32>
      %squeeze3A_378 = vector.extract %slice3A_377[0] : i32 from vector<1xi32>
      %add3A_379 = arith.constant 48 : i32
      %add3A_380 = arith.addi %squeeze3A_378, %add3A_379 : i32
      %add3A_381 = vector.broadcast %add3A_380 : i32 to vector<16xi32>
      %add3A_382 = arith.addi %add3A_381, %iota3A : vector<16xi32>
      %gather3A_383 = tpu.vector_load_idx %arg13[%broadcast_in_dim3A_309, %add3A_382] : memref<256x128xf32, #tpu.memory_space<vmem>>[vector<16xi32>, vector<16xi32>], vector<16xf32>,
      %add3A_384 = arith.addf %gather3A_376, %gather3A_383 : vector<16xf32>
      %add3A_385 = arith.constant 1 : i32
      %add3A_386 = arith.addi %mul3A_228, %add3A_385 : i32
      %swap3A_387 = arith.index_cast %add3A_386 : i32 to index
      %swap3A_388 = arith.constant 48 : index
      %swap3A_389 = tpu.vector_load %arg14[%swap3A_387, %swap3A_388] {strides = array<i32>} : memref<256x64xf32, #tpu.memory_space<vmem>>, vector<16xf32>,
      tpu.vector_store %arg14[%swap3A_387, %swap3A_388], %add3A_384 {strides = array<i32>} : memref<256x64xf32, #tpu.memory_space<vmem>>, vector<16xf32>,
      %add3A_390 = arith.constant 2 : i32
      %add3A_391 = arith.addi %mul3A_228, %add3A_390 : i32
      %broadcast_in_dim3A_392 = vector.broadcast %add3A_391 : i32 to vector<16xi32>
      %slice3A_393 = vector.extract_strided_slice %get3A_223 {offsets = [2], sizes = [1], strides = [1]} : vector<16xi32> to vector<1xi32>
      %squeeze3A_394 = vector.extract %slice3A_393[0] : i32 from vector<1xi32>
      %add3A_395 = arith.constant 0 : i32
      %add3A_396 = arith.addi %squeeze3A_394, %add3A_395 : i32
      %add3A_397 = vector.broadcast %add3A_396 : i32 to vector<16xi32>
      %add3A_398 = arith.addi %add3A_397, %iota3A : vector<16xi32>
      %gather3A_399 = tpu.vector_load_idx %arg12[%broadcast_in_dim3A_392, %add3A_398] : memref<256x128xf32, #tpu.memory_space<vmem>>[vector<16xi32>, vector<16xi32>], vector<16xf32>,
      %slice3A_400 = vector.extract_strided_slice %get3A_226 {offsets = [2], sizes = [1], strides = [1]} : vector<16xi32> to vector<1xi32>
      %squeeze3A_401 = vector.extract %slice3A_400[0] : i32 from vector<1xi32>
      %add3A_402 = arith.constant 0 : i32
      %add3A_403 = arith.addi %squeeze3A_401, %add3A_402 : i32
      %add3A_404 = vector.broadcast %add3A_403 : i32 to vector<16xi32>
      %add3A_405 = arith.addi %add3A_404, %iota3A : vector<16xi32>
      %gather3A_406 = tpu.vector_load_idx %arg13[%broadcast_in_dim3A_392, %add3A_405] : memref<256x128xf32, #tpu.memory_space<vmem>>[vector<16xi32>, vector<16xi32>], vector<16xf32>,
      %add3A_407 = arith.addf %gather3A_399, %gather3A_406 : vector<16xf32>
      %add3A_408 = arith.constant 2 : i32
      %add3A_409 = arith.addi %mul3A_228, %add3A_408 : i32
      %swap3A_410 = arith.index_cast %add3A_409 : i32 to index
      %swap3A_411 = arith.constant 0 : index
      %swap3A_412 = tpu.vector_load %arg14[%swap3A_410, %swap3A_411] {strides = array<i32>} : memref<256x64xf32, #tpu.memory_space<vmem>>, vector<16xf32>,
      tpu.vector_store %arg14[%swap3A_410, %swap3A_411], %add3A_407 {strides = array<i32>} : memref<256x64xf32, #tpu.memory_space<vmem>>, vector<16xf32>,
      %slice3A_413 = vector.extract_strided_slice %get3A_223 {offsets = [2], sizes = [1], strides = [1]} : vector<16xi32> to vector<1xi32>
      %squeeze3A_414 = vector.extract %slice3A_413[0] : i32 from vector<1xi32>
      %add3A_415 = arith.constant 16 : i32
      %add3A_416 = arith.addi %squeeze3A_414, %add3A_415 : i32
      %add3A_417 = vector.broadcast %add3A_416 : i32 to vector<16xi32>
      %add3A_418 = arith.addi %add3A_417, %iota3A : vector<16xi32>
      %gather3A_419 = tpu.vector_load_idx %arg12[%broadcast_in_dim3A_392, %add3A_418] : memref<256x128xf32, #tpu.memory_space<vmem>>[vector<16xi32>, vector<16xi32>], vector<16xf32>,
      %slice3A_420 = vector.extract_strided_slice %get3A_226 {offsets = [2], sizes = [1], strides = [1]} : vector<16xi32> to vector<1xi32>
      %squeeze3A_421 = vector.extract %slice3A_420[0] : i32 from vector<1xi32>
      %add3A_422 = arith.constant 16 : i32
      %add3A_423 = arith.addi %squeeze3A_421, %add3A_422 : i32
      %add3A_424 = vector.broadcast %add3A_423 : i32 to vector<16xi32>
      %add3A_425 = arith.addi %add3A_424, %iota3A : vector<16xi32>
      %gather3A_426 = tpu.vector_load_idx %arg13[%broadcast_in_dim3A_392, %add3A_425] : memref<256x128xf32, #tpu.memory_space<vmem>>[vector<16xi32>, vector<16xi32>], vector<16xf32>,
      %add3A_427 = arith.addf %gather3A_419, %gather3A_426 : vector<16xf32>
      %add3A_428 = arith.constant 2 : i32
      %add3A_429 = arith.addi %mul3A_228, %add3A_428 : i32
      %swap3A_430 = arith.index_cast %add3A_429 : i32 to index
      %swap3A_431 = arith.constant 16 : index
      %swap3A_432 = tpu.vector_load %arg14[%swap3A_430, %swap3A_431] {strides = array<i32>} : memref<256x64xf32, #tpu.memory_space<vmem>>, vector<16xf32>,
      tpu.vector_store %arg14[%swap3A_430, %swap3A_431], %add3A_427 {strides = array<i32>} : memref<256x64xf32, #tpu.memory_space<vmem>>, vector<16xf32>,
      %slice3A_433 = vector.extract_strided_slice %get3A_223 {offsets = [2], sizes = [1], strides = [1]} : vector<16xi32> to vector<1xi32>
      %squeeze3A_434 = vector.extract %slice3A_433[0] : i32 from vector<1xi32>
      %add3A_435 = arith.constant 32 : i32
      %add3A_436 = arith.addi %squeeze3A_434, %add3A_435 : i32
      %add3A_437 = vector.broadcast %add3A_436 : i32 to vector<16xi32>
      %add3A_438 = arith.addi %add3A_437, %iota3A : vector<16xi32>
      %gather3A_439 = tpu.vector_load_idx %arg12[%broadcast_in_dim3A_392, %add3A_438] : memref<256x128xf32, #tpu.memory_space<vmem>>[vector<16xi32>, vector<16xi32>], vector<16xf32>,
      %slice3A_440 = vector.extract_strided_slice %get3A_226 {offsets = [2], sizes = [1], strides = [1]} : vector<16xi32> to vector<1xi32>
      %squeeze3A_441 = vector.extract %slice3A_440[0] : i32 from vector<1xi32>
      %add3A_442 = arith.constant 32 : i32
      %add3A_443 = arith.addi %squeeze3A_441, %add3A_442 : i32
      %add3A_444 = vector.broadcast %add3A_443 : i32 to vector<16xi32>
      %add3A_445 = arith.addi %add3A_444, %iota3A : vector<16xi32>
      %gather3A_446 = tpu.vector_load_idx %arg13[%broadcast_in_dim3A_392, %add3A_445] : memref<256x128xf32, #tpu.memory_space<vmem>>[vector<16xi32>, vector<16xi32>], vector<16xf32>,
      %add3A_447 = arith.addf %gather3A_439, %gather3A_446 : vector<16xf32>
      %add3A_448 = arith.constant 2 : i32
      %add3A_449 = arith.addi %mul3A_228, %add3A_448 : i32
      %swap3A_450 = arith.index_cast %add3A_449 : i32 to index
      %swap3A_451 = arith.constant 32 : index
      %swap3A_452 = tpu.vector_load %arg14[%swap3A_450, %swap3A_451] {strides = array<i32>} : memref<256x64xf32, #tpu.memory_space<vmem>>, vector<16xf32>,
      tpu.vector_store %arg14[%swap3A_450, %swap3A_451], %add3A_447 {strides = array<i32>} : memref<256x64xf32, #tpu.memory_space<vmem>>, vector<16xf32>,
      %slice3A_453 = vector.extract_strided_slice %get3A_223 {offsets = [2], sizes = [1], strides = [1]} : vector<16xi32> to vector<1xi32>
      %squeeze3A_454 = vector.extract %slice3A_453[0] : i32 from vector<1xi32>
      %add3A_455 = arith.constant 48 : i32
      %add3A_456 = arith.addi %squeeze3A_454, %add3A_455 : i32
      %add3A_457 = vector.broadcast %add3A_456 : i32 to vector<16xi32>
      %add3A_458 = arith.addi %add3A_457, %iota3A : vector<16xi32>
      %gather3A_459 = tpu.vector_load_idx %arg12[%broadcast_in_dim3A_392, %add3A_458] : memref<256x128xf32, #tpu.memory_space<vmem>>[vector<16xi32>, vector<16xi32>], vector<16xf32>,
      %slice3A_460 = vector.extract_strided_slice %get3A_226 {offsets = [2], sizes = [1], strides = [1]} : vector<16xi32> to vector<1xi32>
      %squeeze3A_461 = vector.extract %slice3A_460[0] : i32 from vector<1xi32>
      %add3A_462 = arith.constant 48 : i32
      %add3A_463 = arith.addi %squeeze3A_461, %add3A_462 : i32
      %add3A_464 = vector.broadcast %add3A_463 : i32 to vector<16xi32>
      %add3A_465 = arith.addi %add3A_464, %iota3A : vector<16xi32>
      %gather3A_466 = tpu.vector_load_idx %arg13[%broadcast_in_dim3A_392, %add3A_465] : memref<256x128xf32, #tpu.memory_space<vmem>>[vector<16xi32>, vector<16xi32>], vector<16xf32>,
      %add3A_467 = arith.addf %gather3A_459, %gather3A_466 : vector<16xf32>
      %add3A_468 = arith.constant 2 : i32
      %add3A_469 = arith.addi %mul3A_228, %add3A_468 : i32
      %swap3A_470 = arith.index_cast %add3A_469 : i32 to index
      %swap3A_471 = arith.constant 48 : index
      %swap3A_472 = tpu.vector_load %arg14[%swap3A_470, %swap3A_471] {strides = array<i32>} : memref<256x64xf32, #tpu.memory_space<vmem>>, vector<16xf32>,
      tpu.vector_store %arg14[%swap3A_470, %swap3A_471], %add3A_467 {strides = array<i32>} : memref<256x64xf32, #tpu.memory_space<vmem>>, vector<16xf32>,
      %add3A_473 = arith.constant 3 : i32
      %add3A_474 = arith.addi %mul3A_228, %add3A_473 : i32
      %broadcast_in_dim3A_475 = vector.broadcast %add3A_474 : i32 to vector<16xi32>
      %slice3A_476 = vector.extract_strided_slice %get3A_223 {offsets = [3], sizes = [1], strides = [1]} : vector<16xi32> to vector<1xi32>
      %squeeze3A_477 = vector.extract %slice3A_476[0] : i32 from vector<1xi32>
      %add3A_478 = arith.constant 0 : i32
      %add3A_479 = arith.addi %squeeze3A_477, %add3A_478 : i32
      %add3A_480 = vector.broadcast %add3A_479 : i32 to vector<16xi32>
      %add3A_481 = arith.addi %add3A_480, %iota3A : vector<16xi32>
      %gather3A_482 = tpu.vector_load_idx %arg12[%broadcast_in_dim3A_475, %add3A_481] : memref<256x128xf32, #tpu.memory_space<vmem>>[vector<16xi32>, vector<16xi32>], vector<16xf32>,
      %slice3A_483 = vector.extract_strided_slice %get3A_226 {offsets = [3], sizes = [1], strides = [1]} : vector<16xi32> to vector<1xi32>
      %squeeze3A_484 = vector.extract %slice3A_483[0] : i32 from vector<1xi32>
      %add3A_485 = arith.constant 0 : i32
      %add3A_486 = arith.addi %squeeze3A_484, %add3A_485 : i32
      %add3A_487 = vector.broadcast %add3A_486 : i32 to vector<16xi32>
      %add3A_488 = arith.addi %add3A_487, %iota3A : vector<16xi32>
      %gather3A_489 = tpu.vector_load_idx %arg13[%broadcast_in_dim3A_475, %add3A_488] : memref<256x128xf32, #tpu.memory_space<vmem>>[vector<16xi32>, vector<16xi32>], vector<16xf32>,
      %add3A_490 = arith.addf %gather3A_482, %gather3A_489 : vector<16xf32>
      %add3A_491 = arith.constant 3 : i32
      %add3A_492 = arith.addi %mul3A_228, %add3A_491 : i32
      %swap3A_493 = arith.index_cast %add3A_492 : i32 to index
      %swap3A_494 = arith.constant 0 : index
      %swap3A_495 = tpu.vector_load %arg14[%swap3A_493, %swap3A_494] {strides = array<i32>} : memref<256x64xf32, #tpu.memory_space<vmem>>, vector<16xf32>,
      tpu.vector_store %arg14[%swap3A_493, %swap3A_494], %add3A_490 {strides = array<i32>} : memref<256x64xf32, #tpu.memory_space<vmem>>, vector<16xf32>,
      %slice3A_496 = vector.extract_strided_slice %get3A_223 {offsets = [3], sizes = [1], strides = [1]} : vector<16xi32> to vector<1xi32>
      %squeeze3A_497 = vector.extract %slice3A_496[0] : i32 from vector<1xi32>
      %add3A_498 = arith.constant 16 : i32
      %add3A_499 = arith.addi %squeeze3A_497, %add3A_498 : i32
      %add3A_500 = vector.broadcast %add3A_499 : i32 to vector<16xi32>
      %add3A_501 = arith.addi %add3A_500, %iota3A : vector<16xi32>
      %gather3A_502 = tpu.vector_load_idx %arg12[%broadcast_in_dim3A_475, %add3A_501] : memref<256x128xf32, #tpu.memory_space<vmem>>[vector<16xi32>, vector<16xi32>], vector<16xf32>,
      %slice3A_503 = vector.extract_strided_slice %get3A_226 {offsets = [3], sizes = [1], strides = [1]} : vector<16xi32> to vector<1xi32>
      %squeeze3A_504 = vector.extract %slice3A_503[0] : i32 from vector<1xi32>
      %add3A_505 = arith.constant 16 : i32
      %add3A_506 = arith.addi %squeeze3A_504, %add3A_505 : i32
      %add3A_507 = vector.broadcast %add3A_506 : i32 to vector<16xi32>
      %add3A_508 = arith.addi %add3A_507, %iota3A : vector<16xi32>
      %gather3A_509 = tpu.vector_load_idx %arg13[%broadcast_in_dim3A_475, %add3A_508] : memref<256x128xf32, #tpu.memory_space<vmem>>[vector<16xi32>, vector<16xi32>], vector<16xf32>,
      %add3A_510 = arith.addf %gather3A_502, %gather3A_509 : vector<16xf32>
      %add3A_511 = arith.constant 3 : i32
      %add3A_512 = arith.addi %mul3A_228, %add3A_511 : i32
      %swap3A_513 = arith.index_cast %add3A_512 : i32 to index
      %swap3A_514 = arith.constant 16 : index
      %swap3A_515 = tpu.vector_load %arg14[%swap3A_513, %swap3A_514] {strides = array<i32>} : memref<256x64xf32, #tpu.memory_space<vmem>>, vector<16xf32>,
      tpu.vector_store %arg14[%swap3A_513, %swap3A_514], %add3A_510 {strides = array<i32>} : memref<256x64xf32, #tpu.memory_space<vmem>>, vector<16xf32>,
      %slice3A_516 = vector.extract_strided_slice %get3A_223 {offsets = [3], sizes = [1], strides = [1]} : vector<16xi32> to vector<1xi32>
      %squeeze3A_517 = vector.extract %slice3A_516[0] : i32 from vector<1xi32>
      %add3A_518 = arith.constant 32 : i32
      %add3A_519 = arith.addi %squeeze3A_517, %add3A_518 : i32
      %add3A_520 = vector.broadcast %add3A_519 : i32 to vector<16xi32>
      %add3A_521 = arith.addi %add3A_520, %iota3A : vector<16xi32>
      %gather3A_522 = tpu.vector_load_idx %arg12[%broadcast_in_dim3A_475, %add3A_521] : memref<256x128xf32, #tpu.memory_space<vmem>>[vector<16xi32>, vector<16xi32>], vector<16xf32>,
      %slice3A_523 = vector.extract_strided_slice %get3A_226 {offsets = [3], sizes = [1], strides = [1]} : vector<16xi32> to vector<1xi32>
      %squeeze3A_524 = vector.extract %slice3A_523[0] : i32 from vector<1xi32>
      %add3A_525 = arith.constant 32 : i32
      %add3A_526 = arith.addi %squeeze3A_524, %add3A_525 : i32
      %add3A_527 = vector.broadcast %add3A_526 : i32 to vector<16xi32>
      %add3A_528 = arith.addi %add3A_527, %iota3A : vector<16xi32>
      %gather3A_529 = tpu.vector_load_idx %arg13[%broadcast_in_dim3A_475, %add3A_528] : memref<256x128xf32, #tpu.memory_space<vmem>>[vector<16xi32>, vector<16xi32>], vector<16xf32>,
      %add3A_530 = arith.addf %gather3A_522, %gather3A_529 : vector<16xf32>
      %add3A_531 = arith.constant 3 : i32
      %add3A_532 = arith.addi %mul3A_228, %add3A_531 : i32
      %swap3A_533 = arith.index_cast %add3A_532 : i32 to index
      %swap3A_534 = arith.constant 32 : index
      %swap3A_535 = tpu.vector_load %arg14[%swap3A_533, %swap3A_534] {strides = array<i32>} : memref<256x64xf32, #tpu.memory_space<vmem>>, vector<16xf32>,
      tpu.vector_store %arg14[%swap3A_533, %swap3A_534], %add3A_530 {strides = array<i32>} : memref<256x64xf32, #tpu.memory_space<vmem>>, vector<16xf32>,
      %slice3A_536 = vector.extract_strided_slice %get3A_223 {offsets = [3], sizes = [1], strides = [1]} : vector<16xi32> to vector<1xi32>
      %squeeze3A_537 = vector.extract %slice3A_536[0] : i32 from vector<1xi32>
      %add3A_538 = arith.constant 48 : i32
      %add3A_539 = arith.addi %squeeze3A_537, %add3A_538 : i32
      %add3A_540 = vector.broadcast %add3A_539 : i32 to vector<16xi32>
      %add3A_541 = arith.addi %add3A_540, %iota3A : vector<16xi32>
      %gather3A_542 = tpu.vector_load_idx %arg12[%broadcast_in_dim3A_475, %add3A_541] : memref<256x128xf32, #tpu.memory_space<vmem>>[vector<16xi32>, vector<16xi32>], vector<16xf32>,
      %slice3A_543 = vector.extract_strided_slice %get3A_226 {offsets = [3], sizes = [1], strides = [1]} : vector<16xi32> to vector<1xi32>
      %squeeze3A_544 = vector.extract %slice3A_543[0] : i32 from vector<1xi32>
      %add3A_545 = arith.constant 48 : i32
      %add3A_546 = arith.addi %squeeze3A_544, %add3A_545 : i32
      %add3A_547 = vector.broadcast %add3A_546 : i32 to vector<16xi32>
      %add3A_548 = arith.addi %add3A_547, %iota3A : vector<16xi32>
      %gather3A_549 = tpu.vector_load_idx %arg13[%broadcast_in_dim3A_475, %add3A_548] : memref<256x128xf32, #tpu.memory_space<vmem>>[vector<16xi32>, vector<16xi32>], vector<16xf32>,
      %add3A_550 = arith.addf %gather3A_542, %gather3A_549 : vector<16xf32>
      %add3A_551 = arith.constant 3 : i32
      %add3A_552 = arith.addi %mul3A_228, %add3A_551 : i32
      %swap3A_553 = arith.index_cast %add3A_552 : i32 to index
      %swap3A_554 = arith.constant 48 : index
      %swap3A_555 = tpu.vector_load %arg14[%swap3A_553, %swap3A_554] {strides = array<i32>} : memref<256x64xf32, #tpu.memory_space<vmem>>, vector<16xf32>,
      tpu.vector_store %arg14[%swap3A_553, %swap3A_554], %add3A_550 {strides = array<i32>} : memref<256x64xf32, #tpu.memory_space<vmem>>, vector<16xf32>,
      %add3A_556 = arith.constant 4 : i32
      %add3A_557 = arith.addi %mul3A_228, %add3A_556 : i32
      %broadcast_in_dim3A_558 = vector.broadcast %add3A_557 : i32 to vector<16xi32>
      %slice3A_559 = vector.extract_strided_slice %get3A_223 {offsets = [4], sizes = [1], strides = [1]} : vector<16xi32> to vector<1xi32>
      %squeeze3A_560 = vector.extract %slice3A_559[0] : i32 from vector<1xi32>
      %add3A_561 = arith.constant 0 : i32
      %add3A_562 = arith.addi %squeeze3A_560, %add3A_561 : i32
      %add3A_563 = vector.broadcast %add3A_562 : i32 to vector<16xi32>
      %add3A_564 = arith.addi %add3A_563, %iota3A : vector<16xi32>
      %gather3A_565 = tpu.vector_load_idx %arg12[%broadcast_in_dim3A_558, %add3A_564] : memref<256x128xf32, #tpu.memory_space<vmem>>[vector<16xi32>, vector<16xi32>], vector<16xf32>,
      %slice3A_566 = vector.extract_strided_slice %get3A_226 {offsets = [4], sizes = [1], strides = [1]} : vector<16xi32> to vector<1xi32>
      %squeeze3A_567 = vector.extract %slice3A_566[0] : i32 from vector<1xi32>
      %add3A_568 = arith.constant 0 : i32
      %add3A_569 = arith.addi %squeeze3A_567, %add3A_568 : i32
      %add3A_570 = vector.broadcast %add3A_569 : i32 to vector<16xi32>
      %add3A_571 = arith.addi %add3A_570, %iota3A : vector<16xi32>
      %gather3A_572 = tpu.vector_load_idx %arg13[%broadcast_in_dim3A_558, %add3A_571] : memref<256x128xf32, #tpu.memory_space<vmem>>[vector<16xi32>, vector<16xi32>], vector<16xf32>,
      %add3A_573 = arith.addf %gather3A_565, %gather3A_572 : vector<16xf32>
      %add3A_574 = arith.constant 4 : i32
      %add3A_575 = arith.addi %mul3A_228, %add3A_574 : i32
      %swap3A_576 = arith.index_cast %add3A_575 : i32 to index
      %swap3A_577 = arith.constant 0 : index
      %swap3A_578 = tpu.vector_load %arg14[%swap3A_576, %swap3A_577] {strides = array<i32>} : memref<256x64xf32, #tpu.memory_space<vmem>>, vector<16xf32>,
      tpu.vector_store %arg14[%swap3A_576, %swap3A_577], %add3A_573 {strides = array<i32>} : memref<256x64xf32, #tpu.memory_space<vmem>>, vector<16xf32>,
      %slice3A_579 = vector.extract_strided_slice %get3A_223 {offsets = [4], sizes = [1], strides = [1]} : vector<16xi32> to vector<1xi32>
      %squeeze3A_580 = vector.extract %slice3A_579[0] : i32 from vector<1xi32>
      %add3A_581 = arith.constant 16 : i32
      %add3A_582 = arith.addi %squeeze3A_580, %add3A_581 : i32
      %add3A_583 = vector.broadcast %add3A_582 : i32 to vector<16xi32>
      %add3A_584 = arith.addi %add3A_583, %iota3A : vector<16xi32>
      %gather3A_585 = tpu.vector_load_idx %arg12[%broadcast_in_dim3A_558, %add3A_584] : memref<256x128xf32, #tpu.memory_space<vmem>>[vector<16xi32>, vector<16xi32>], vector<16xf32>,
      %slice3A_586 = vector.extract_strided_slice %get3A_226 {offsets = [4], sizes = [1], strides = [1]} : vector<16xi32> to vector<1xi32>
      %squeeze3A_587 = vector.extract %slice3A_586[0] : i32 from vector<1xi32>
      %add3A_588 = arith.constant 16 : i32
      %add3A_589 = arith.addi %squeeze3A_587, %add3A_588 : i32
      %add3A_590 = vector.broadcast %add3A_589 : i32 to vector<16xi32>
      %add3A_591 = arith.addi %add3A_590, %iota3A : vector<16xi32>
      %gather3A_592 = tpu.vector_load_idx %arg13[%broadcast_in_dim3A_558, %add3A_591] : memref<256x128xf32, #tpu.memory_space<vmem>>[vector<16xi32>, vector<16xi32>], vector<16xf32>,
      %add3A_593 = arith.addf %gather3A_585, %gather3A_592 : vector<16xf32>
      %add3A_594 = arith.constant 4 : i32
      %add3A_595 = arith.addi %mul3A_228, %add3A_594 : i32
      %swap3A_596 = arith.index_cast %add3A_595 : i32 to index
      %swap3A_597 = arith.constant 16 : index
      %swap3A_598 = tpu.vector_load %arg14[%swap3A_596, %swap3A_597] {strides = array<i32>} : memref<256x64xf32, #tpu.memory_space<vmem>>, vector<16xf32>,
      tpu.vector_store %arg14[%swap3A_596, %swap3A_597], %add3A_593 {strides = array<i32>} : memref<256x64xf32, #tpu.memory_space<vmem>>, vector<16xf32>,
      %slice3A_599 = vector.extract_strided_slice %get3A_223 {offsets = [4], sizes = [1], strides = [1]} : vector<16xi32> to vector<1xi32>
      %squeeze3A_600 = vector.extract %slice3A_599[0] : i32 from vector<1xi32>
      %add3A_601 = arith.constant 32 : i32
      %add3A_602 = arith.addi %squeeze3A_600, %add3A_601 : i32
      %add3A_603 = vector.broadcast %add3A_602 : i32 to vector<16xi32>
      %add3A_604 = arith.addi %add3A_603, %iota3A : vector<16xi32>
      %gather3A_605 = tpu.vector_load_idx %arg12[%broadcast_in_dim3A_558, %add3A_604] : memref<256x128xf32, #tpu.memory_space<vmem>>[vector<16xi32>, vector<16xi32>], vector<16xf32>,
      %slice3A_606 = vector.extract_strided_slice %get3A_226 {offsets = [4], sizes = [1], strides = [1]} : vector<16xi32> to vector<1xi32>
      %squeeze3A_607 = vector.extract %slice3A_606[0] : i32 from vector<1xi32>
      %add3A_608 = arith.constant 32 : i32
      %add3A_609 = arith.addi %squeeze3A_607, %add3A_608 : i32
      %add3A_610 = vector.broadcast %add3A_609 : i32 to vector<16xi32>
      %add3A_611 = arith.addi %add3A_610, %iota3A : vector<16xi32>
      %gather3A_612 = tpu.vector_load_idx %arg13[%broadcast_in_dim3A_558, %add3A_611] : memref<256x128xf32, #tpu.memory_space<vmem>>[vector<16xi32>, vector<16xi32>], vector<16xf32>,
      %add3A_613 = arith.addf %gather3A_605, %gather3A_612 : vector<16xf32>
      %add3A_614 = arith.constant 4 : i32
      %add3A_615 = arith.addi %mul3A_228, %add3A_614 : i32
      %swap3A_616 = arith.index_cast %add3A_615 : i32 to index
      %swap3A_617 = arith.constant 32 : index
      %swap3A_618 = tpu.vector_load %arg14[%swap3A_616, %swap3A_617] {strides = array<i32>} : memref<256x64xf32, #tpu.memory_space<vmem>>, vector<16xf32>,
      tpu.vector_store %arg14[%swap3A_616, %swap3A_617], %add3A_613 {strides = array<i32>} : memref<256x64xf32, #tpu.memory_space<vmem>>, vector<16xf32>,
      %slice3A_619 = vector.extract_strided_slice %get3A_223 {offsets = [4], sizes = [1], strides = [1]} : vector<16xi32> to vector<1xi32>
      %squeeze3A_620 = vector.extract %slice3A_619[0] : i32 from vector<1xi32>
      %add3A_621 = arith.constant 48 : i32
      %add3A_622 = arith.addi %squeeze3A_620, %add3A_621 : i32
      %add3A_623 = vector.broadcast %add3A_622 : i32 to vector<16xi32>
      %add3A_624 = arith.addi %add3A_623, %iota3A : vector<16xi32>
      %gather3A_625 = tpu.vector_load_idx %arg12[%broadcast_in_dim3A_558, %add3A_624] : memref<256x128xf32, #tpu.memory_space<vmem>>[vector<16xi32>, vector<16xi32>], vector<16xf32>,
      %slice3A_626 = vector.extract_strided_slice %get3A_226 {offsets = [4], sizes = [1], strides = [1]} : vector<16xi32> to vector<1xi32>
      %squeeze3A_627 = vector.extract %slice3A_626[0] : i32 from vector<1xi32>
      %add3A_628 = arith.constant 48 : i32
      %add3A_629 = arith.addi %squeeze3A_627, %add3A_628 : i32
      %add3A_630 = vector.broadcast %add3A_629 : i32 to vector<16xi32>
      %add3A_631 = arith.addi %add3A_630, %iota3A : vector<16xi32>
      %gather3A_632 = tpu.vector_load_idx %arg13[%broadcast_in_dim3A_558, %add3A_631] : memref<256x128xf32, #tpu.memory_space<vmem>>[vector<16xi32>, vector<16xi32>], vector<16xf32>,
      %add3A_633 = arith.addf %gather3A_625, %gather3A_632 : vector<16xf32>
      %add3A_634 = arith.constant 4 : i32
      %add3A_635 = arith.addi %mul3A_228, %add3A_634 : i32
      %swap3A_636 = arith.index_cast %add3A_635 : i32 to index
      %swap3A_637 = arith.constant 48 : index
      %swap3A_638 = tpu.vector_load %arg14[%swap3A_636, %swap3A_637] {strides = array<i32>} : memref<256x64xf32, #tpu.memory_space<vmem>>, vector<16xf32>,
      tpu.vector_store %arg14[%swap3A_636, %swap3A_637], %add3A_633 {strides = array<i32>} : memref<256x64xf32, #tpu.memory_space<vmem>>, vector<16xf32>,
      %add3A_639 = arith.constant 5 : i32
      %add3A_640 = arith.addi %mul3A_228, %add3A_639 : i32
      %broadcast_in_dim3A_641 = vector.broadcast %add3A_640 : i32 to vector<16xi32>
      %slice3A_642 = vector.extract_strided_slice %get3A_223 {offsets = [5], sizes = [1], strides = [1]} : vector<16xi32> to vector<1xi32>
      %squeeze3A_643 = vector.extract %slice3A_642[0] : i32 from vector<1xi32>
      %add3A_644 = arith.constant 0 : i32
      %add3A_645 = arith.addi %squeeze3A_643, %add3A_644 : i32
      %add3A_646 = vector.broadcast %add3A_645 : i32 to vector<16xi32>
      %add3A_647 = arith.addi %add3A_646, %iota3A : vector<16xi32>
      %gather3A_648 = tpu.vector_load_idx %arg12[%broadcast_in_dim3A_641, %add3A_647] : memref<256x128xf32, #tpu.memory_space<vmem>>[vector<16xi32>, vector<16xi32>], vector<16xf32>,
      %slice3A_649 = vector.extract_strided_slice %get3A_226 {offsets = [5], sizes = [1], strides = [1]} : vector<16xi32> to vector<1xi32>
      %squeeze3A_650 = vector.extract %slice3A_649[0] : i32 from vector<1xi32>
      %add3A_651 = arith.constant 0 : i32
      %add3A_652 = arith.addi %squeeze3A_650, %add3A_651 : i32
      %add3A_653 = vector.broadcast %add3A_652 : i32 to vector<16xi32>
      %add3A_654 = arith.addi %add3A_653, %iota3A : vector<16xi32>
      %gather3A_655 = tpu.vector_load_idx %arg13[%broadcast_in_dim3A_641, %add3A_654] : memref<256x128xf32, #tpu.memory_space<vmem>>[vector<16xi32>, vector<16xi32>], vector<16xf32>,
      %add3A_656 = arith.addf %gather3A_648, %gather3A_655 : vector<16xf32>
      %add3A_657 = arith.constant 5 : i32
      %add3A_658 = arith.addi %mul3A_228, %add3A_657 : i32
      %swap3A_659 = arith.index_cast %add3A_658 : i32 to index
      %swap3A_660 = arith.constant 0 : index
      %swap3A_661 = tpu.vector_load %arg14[%swap3A_659, %swap3A_660] {strides = array<i32>} : memref<256x64xf32, #tpu.memory_space<vmem>>, vector<16xf32>,
      tpu.vector_store %arg14[%swap3A_659, %swap3A_660], %add3A_656 {strides = array<i32>} : memref<256x64xf32, #tpu.memory_space<vmem>>, vector<16xf32>,
      %slice3A_662 = vector.extract_strided_slice %get3A_223 {offsets = [5], sizes = [1], strides = [1]} : vector<16xi32> to vector<1xi32>
      %squeeze3A_663 = vector.extract %slice3A_662[0] : i32 from vector<1xi32>
      %add3A_664 = arith.constant 16 : i32
      %add3A_665 = arith.addi %squeeze3A_663, %add3A_664 : i32
      %add3A_666 = vector.broadcast %add3A_665 : i32 to vector<16xi32>
      %add3A_667 = arith.addi %add3A_666, %iota3A : vector<16xi32>
      %gather3A_668 = tpu.vector_load_idx %arg12[%broadcast_in_dim3A_641, %add3A_667] : memref<256x128xf32, #tpu.memory_space<vmem>>[vector<16xi32>, vector<16xi32>], vector<16xf32>,
      %slice3A_669 = vector.extract_strided_slice %get3A_226 {offsets = [5], sizes = [1], strides = [1]} : vector<16xi32> to vector<1xi32>
      %squeeze3A_670 = vector.extract %slice3A_669[0] : i32 from vector<1xi32>
      %add3A_671 = arith.constant 16 : i32
      %add3A_672 = arith.addi %squeeze3A_670, %add3A_671 : i32
      %add3A_673 = vector.broadcast %add3A_672 : i32 to vector<16xi32>
      %add3A_674 = arith.addi %add3A_673, %iota3A : vector<16xi32>
      %gather3A_675 = tpu.vector_load_idx %arg13[%broadcast_in_dim3A_641, %add3A_674] : memref<256x128xf32, #tpu.memory_space<vmem>>[vector<16xi32>, vector<16xi32>], vector<16xf32>,
      %add3A_676 = arith.addf %gather3A_668, %gather3A_675 : vector<16xf32>
      %add3A_677 = arith.constant 5 : i32
      %add3A_678 = arith.addi %mul3A_228, %add3A_677 : i32
      %swap3A_679 = arith.index_cast %add3A_678 : i32 to index
      %swap3A_680 = arith.constant 16 : index
      %swap3A_681 = tpu.vector_load %arg14[%swap3A_679, %swap3A_680] {strides = array<i32>} : memref<256x64xf32, #tpu.memory_space<vmem>>, vector<16xf32>,
      tpu.vector_store %arg14[%swap3A_679, %swap3A_680], %add3A_676 {strides = array<i32>} : memref<256x64xf32, #tpu.memory_space<vmem>>, vector<16xf32>,
      %slice3A_682 = vector.extract_strided_slice %get3A_223 {offsets = [5], sizes = [1], strides = [1]} : vector<16xi32> to vector<1xi32>
      %squeeze3A_683 = vector.extract %slice3A_682[0] : i32 from vector<1xi32>
      %add3A_684 = arith.constant 32 : i32
      %add3A_685 = arith.addi %squeeze3A_683, %add3A_684 : i32
      %add3A_686 = vector.broadcast %add3A_685 : i32 to vector<16xi32>
      %add3A_687 = arith.addi %add3A_686, %iota3A : vector<16xi32>
      %gather3A_688 = tpu.vector_load_idx %arg12[%broadcast_in_dim3A_641, %add3A_687] : memref<256x128xf32, #tpu.memory_space<vmem>>[vector<16xi32>, vector<16xi32>], vector<16xf32>,
      %slice3A_689 = vector.extract_strided_slice %get3A_226 {offsets = [5], sizes = [1], strides = [1]} : vector<16xi32> to vector<1xi32>
      %squeeze3A_690 = vector.extract %slice3A_689[0] : i32 from vector<1xi32>
      %add3A_691 = arith.constant 32 : i32
      %add3A_692 = arith.addi %squeeze3A_690, %add3A_691 : i32
      %add3A_693 = vector.broadcast %add3A_692 : i32 to vector<16xi32>
      %add3A_694 = arith.addi %add3A_693, %iota3A : vector<16xi32>
      %gather3A_695 = tpu.vector_load_idx %arg13[%broadcast_in_dim3A_641, %add3A_694] : memref<256x128xf32, #tpu.memory_space<vmem>>[vector<16xi32>, vector<16xi32>], vector<16xf32>,
      %add3A_696 = arith.addf %gather3A_688, %gather3A_695 : vector<16xf32>
      %add3A_697 = arith.constant 5 : i32
      %add3A_698 = arith.addi %mul3A_228, %add3A_697 : i32
      %swap3A_699 = arith.index_cast %add3A_698 : i32 to index
      %swap3A_700 = arith.constant 32 : index
      %swap3A_701 = tpu.vector_load %arg14[%swap3A_699, %swap3A_700] {strides = array<i32>} : memref<256x64xf32, #tpu.memory_space<vmem>>, vector<16xf32>,
      tpu.vector_store %arg14[%swap3A_699, %swap3A_700], %add3A_696 {strides = array<i32>} : memref<256x64xf32, #tpu.memory_space<vmem>>, vector<16xf32>,
      %slice3A_702 = vector.extract_strided_slice %get3A_223 {offsets = [5], sizes = [1], strides = [1]} : vector<16xi32> to vector<1xi32>
      %squeeze3A_703 = vector.extract %slice3A_702[0] : i32 from vector<1xi32>
      %add3A_704 = arith.constant 48 : i32
      %add3A_705 = arith.addi %squeeze3A_703, %add3A_704 : i32
      %add3A_706 = vector.broadcast %add3A_705 : i32 to vector<16xi32>
      %add3A_707 = arith.addi %add3A_706, %iota3A : vector<16xi32>
      %gather3A_708 = tpu.vector_load_idx %arg12[%broadcast_in_dim3A_641, %add3A_707] : memref<256x128xf32, #tpu.memory_space<vmem>>[vector<16xi32>, vector<16xi32>], vector<16xf32>,
      %slice3A_709 = vector.extract_strided_slice %get3A_226 {offsets = [5], sizes = [1], strides = [1]} : vector<16xi32> to vector<1xi32>
      %squeeze3A_710 = vector.extract %slice3A_709[0] : i32 from vector<1xi32>
      %add3A_711 = arith.constant 48 : i32
      %add3A_712 = arith.addi %squeeze3A_710, %add3A_711 : i32
      %add3A_713 = vector.broadcast %add3A_712 : i32 to vector<16xi32>
      %add3A_714 = arith.addi %add3A_713, %iota3A : vector<16xi32>
      %gather3A_715 = tpu.vector_load_idx %arg13[%broadcast_in_dim3A_641, %add3A_714] : memref<256x128xf32, #tpu.memory_space<vmem>>[vector<16xi32>, vector<16xi32>], vector<16xf32>,
      %add3A_716 = arith.addf %gather3A_708, %gather3A_715 : vector<16xf32>
      %add3A_717 = arith.constant 5 : i32
      %add3A_718 = arith.addi %mul3A_228, %add3A_717 : i32
      %swap3A_719 = arith.index_cast %add3A_718 : i32 to index
      %swap3A_720 = arith.constant 48 : index
      %swap3A_721 = tpu.vector_load %arg14[%swap3A_719, %swap3A_720] {strides = array<i32>} : memref<256x64xf32, #tpu.memory_space<vmem>>, vector<16xf32>,
      tpu.vector_store %arg14[%swap3A_719, %swap3A_720], %add3A_716 {strides = array<i32>} : memref<256x64xf32, #tpu.memory_space<vmem>>, vector<16xf32>,
      %add3A_722 = arith.constant 6 : i32
      %add3A_723 = arith.addi %mul3A_228, %add3A_722 : i32
      %broadcast_in_dim3A_724 = vector.broadcast %add3A_723 : i32 to vector<16xi32>
      %slice3A_725 = vector.extract_strided_slice %get3A_223 {offsets = [6], sizes = [1], strides = [1]} : vector<16xi32> to vector<1xi32>
      %squeeze3A_726 = vector.extract %slice3A_725[0] : i32 from vector<1xi32>
      %add3A_727 = arith.constant 0 : i32
      %add3A_728 = arith.addi %squeeze3A_726, %add3A_727 : i32
      %add3A_729 = vector.broadcast %add3A_728 : i32 to vector<16xi32>
      %add3A_730 = arith.addi %add3A_729, %iota3A : vector<16xi32>
      %gather3A_731 = tpu.vector_load_idx %arg12[%broadcast_in_dim3A_724, %add3A_730] : memref<256x128xf32, #tpu.memory_space<vmem>>[vector<16xi32>, vector<16xi32>], vector<16xf32>,
      %slice3A_732 = vector.extract_strided_slice %get3A_226 {offsets = [6], sizes = [1], strides = [1]} : vector<16xi32> to vector<1xi32>
      %squeeze3A_733 = vector.extract %slice3A_732[0] : i32 from vector<1xi32>
      %add3A_734 = arith.constant 0 : i32
      %add3A_735 = arith.addi %squeeze3A_733, %add3A_734 : i32
      %add3A_736 = vector.broadcast %add3A_735 : i32 to vector<16xi32>
      %add3A_737 = arith.addi %add3A_736, %iota3A : vector<16xi32>
      %gather3A_738 = tpu.vector_load_idx %arg13[%broadcast_in_dim3A_724, %add3A_737] : memref<256x128xf32, #tpu.memory_space<vmem>>[vector<16xi32>, vector<16xi32>], vector<16xf32>,
      %add3A_739 = arith.addf %gather3A_731, %gather3A_738 : vector<16xf32>
      %add3A_740 = arith.constant 6 : i32
      %add3A_741 = arith.addi %mul3A_228, %add3A_740 : i32
      %swap3A_742 = arith.index_cast %add3A_741 : i32 to index
      %swap3A_743 = arith.constant 0 : index
      %swap3A_744 = tpu.vector_load %arg14[%swap3A_742, %swap3A_743] {strides = array<i32>} : memref<256x64xf32, #tpu.memory_space<vmem>>, vector<16xf32>,
      tpu.vector_store %arg14[%swap3A_742, %swap3A_743], %add3A_739 {strides = array<i32>} : memref<256x64xf32, #tpu.memory_space<vmem>>, vector<16xf32>,
      %slice3A_745 = vector.extract_strided_slice %get3A_223 {offsets = [6], sizes = [1], strides = [1]} : vector<16xi32> to vector<1xi32>
      %squeeze3A_746 = vector.extract %slice3A_745[0] : i32 from vector<1xi32>
      %add3A_747 = arith.constant 16 : i32
      %add3A_748 = arith.addi %squeeze3A_746, %add3A_747 : i32
      %add3A_749 = vector.broadcast %add3A_748 : i32 to vector<16xi32>
      %add3A_750 = arith.addi %add3A_749, %iota3A : vector<16xi32>
      %gather3A_751 = tpu.vector_load_idx %arg12[%broadcast_in_dim3A_724, %add3A_750] : memref<256x128xf32, #tpu.memory_space<vmem>>[vector<16xi32>, vector<16xi32>], vector<16xf32>,
      %slice3A_752 = vector.extract_strided_slice %get3A_226 {offsets = [6], sizes = [1], strides = [1]} : vector<16xi32> to vector<1xi32>
      %squeeze3A_753 = vector.extract %slice3A_752[0] : i32 from vector<1xi32>
      %add3A_754 = arith.constant 16 : i32
      %add3A_755 = arith.addi %squeeze3A_753, %add3A_754 : i32
      %add3A_756 = vector.broadcast %add3A_755 : i32 to vector<16xi32>
      %add3A_757 = arith.addi %add3A_756, %iota3A : vector<16xi32>
      %gather3A_758 = tpu.vector_load_idx %arg13[%broadcast_in_dim3A_724, %add3A_757] : memref<256x128xf32, #tpu.memory_space<vmem>>[vector<16xi32>, vector<16xi32>], vector<16xf32>,
      %add3A_759 = arith.addf %gather3A_751, %gather3A_758 : vector<16xf32>
      %add3A_760 = arith.constant 6 : i32
      %add3A_761 = arith.addi %mul3A_228, %add3A_760 : i32
      %swap3A_762 = arith.index_cast %add3A_761 : i32 to index
      %swap3A_763 = arith.constant 16 : index
      %swap3A_764 = tpu.vector_load %arg14[%swap3A_762, %swap3A_763] {strides = array<i32>} : memref<256x64xf32, #tpu.memory_space<vmem>>, vector<16xf32>,
      tpu.vector_store %arg14[%swap3A_762, %swap3A_763], %add3A_759 {strides = array<i32>} : memref<256x64xf32, #tpu.memory_space<vmem>>, vector<16xf32>,
      %slice3A_765 = vector.extract_strided_slice %get3A_223 {offsets = [6], sizes = [1], strides = [1]} : vector<16xi32> to vector<1xi32>
      %squeeze3A_766 = vector.extract %slice3A_765[0] : i32 from vector<1xi32>
      %add3A_767 = arith.constant 32 : i32
      %add3A_768 = arith.addi %squeeze3A_766, %add3A_767 : i32
      %add3A_769 = vector.broadcast %add3A_768 : i32 to vector<16xi32>
      %add3A_770 = arith.addi %add3A_769, %iota3A : vector<16xi32>
      %gather3A_771 = tpu.vector_load_idx %arg12[%broadcast_in_dim3A_724, %add3A_770] : memref<256x128xf32, #tpu.memory_space<vmem>>[vector<16xi32>, vector<16xi32>], vector<16xf32>,
      %slice3A_772 = vector.extract_strided_slice %get3A_226 {offsets = [6], sizes = [1], strides = [1]} : vector<16xi32> to vector<1xi32>
      %squeeze3A_773 = vector.extract %slice3A_772[0] : i32 from vector<1xi32>
      %add3A_774 = arith.constant 32 : i32
      %add3A_775 = arith.addi %squeeze3A_773, %add3A_774 : i32
      %add3A_776 = vector.broadcast %add3A_775 : i32 to vector<16xi32>
      %add3A_777 = arith.addi %add3A_776, %iota3A : vector<16xi32>
      %gather3A_778 = tpu.vector_load_idx %arg13[%broadcast_in_dim3A_724, %add3A_777] : memref<256x128xf32, #tpu.memory_space<vmem>>[vector<16xi32>, vector<16xi32>], vector<16xf32>,
      %add3A_779 = arith.addf %gather3A_771, %gather3A_778 : vector<16xf32>
      %add3A_780 = arith.constant 6 : i32
      %add3A_781 = arith.addi %mul3A_228, %add3A_780 : i32
      %swap3A_782 = arith.index_cast %add3A_781 : i32 to index
      %swap3A_783 = arith.constant 32 : index
      %swap3A_784 = tpu.vector_load %arg14[%swap3A_782, %swap3A_783] {strides = array<i32>} : memref<256x64xf32, #tpu.memory_space<vmem>>, vector<16xf32>,
      tpu.vector_store %arg14[%swap3A_782, %swap3A_783], %add3A_779 {strides = array<i32>} : memref<256x64xf32, #tpu.memory_space<vmem>>, vector<16xf32>,
      %slice3A_785 = vector.extract_strided_slice %get3A_223 {offsets = [6], sizes = [1], strides = [1]} : vector<16xi32> to vector<1xi32>
      %squeeze3A_786 = vector.extract %slice3A_785[0] : i32 from vector<1xi32>
      %add3A_787 = arith.constant 48 : i32
      %add3A_788 = arith.addi %squeeze3A_786, %add3A_787 : i32
      %add3A_789 = vector.broadcast %add3A_788 : i32 to vector<16xi32>
      %add3A_790 = arith.addi %add3A_789, %iota3A : vector<16xi32>
      %gather3A_791 = tpu.vector_load_idx %arg12[%broadcast_in_dim3A_724, %add3A_790] : memref<256x128xf32, #tpu.memory_space<vmem>>[vector<16xi32>, vector<16xi32>], vector<16xf32>,
      %slice3A_792 = vector.extract_strided_slice %get3A_226 {offsets = [6], sizes = [1], strides = [1]} : vector<16xi32> to vector<1xi32>
      %squeeze3A_793 = vector.extract %slice3A_792[0] : i32 from vector<1xi32>
      %add3A_794 = arith.constant 48 : i32
      %add3A_795 = arith.addi %squeeze3A_793, %add3A_794 : i32
      %add3A_796 = vector.broadcast %add3A_795 : i32 to vector<16xi32>
      %add3A_797 = arith.addi %add3A_796, %iota3A : vector<16xi32>
      %gather3A_798 = tpu.vector_load_idx %arg13[%broadcast_in_dim3A_724, %add3A_797] : memref<256x128xf32, #tpu.memory_space<vmem>>[vector<16xi32>, vector<16xi32>], vector<16xf32>,
      %add3A_799 = arith.addf %gather3A_791, %gather3A_798 : vector<16xf32>
      %add3A_800 = arith.constant 6 : i32
      %add3A_801 = arith.addi %mul3A_228, %add3A_800 : i32
      %swap3A_802 = arith.index_cast %add3A_801 : i32 to index
      %swap3A_803 = arith.constant 48 : index
      %swap3A_804 = tpu.vector_load %arg14[%swap3A_802, %swap3A_803] {strides = array<i32>} : memref<256x64xf32, #tpu.memory_space<vmem>>, vector<16xf32>,
      tpu.vector_store %arg14[%swap3A_802, %swap3A_803], %add3A_799 {strides = array<i32>} : memref<256x64xf32, #tpu.memory_space<vmem>>, vector<16xf32>,
      %add3A_805 = arith.constant 7 : i32
      %add3A_806 = arith.addi %mul3A_228, %add3A_805 : i32
      %broadcast_in_dim3A_807 = vector.broadcast %add3A_806 : i32 to vector<16xi32>
      %slice3A_808 = vector.extract_strided_slice %get3A_223 {offsets = [7], sizes = [1], strides = [1]} : vector<16xi32> to vector<1xi32>
      %squeeze3A_809 = vector.extract %slice3A_808[0] : i32 from vector<1xi32>
      %add3A_810 = arith.constant 0 : i32
      %add3A_811 = arith.addi %squeeze3A_809, %add3A_810 : i32
      %add3A_812 = vector.broadcast %add3A_811 : i32 to vector<16xi32>
      %add3A_813 = arith.addi %add3A_812, %iota3A : vector<16xi32>
      %gather3A_814 = tpu.vector_load_idx %arg12[%broadcast_in_dim3A_807, %add3A_813] : memref<256x128xf32, #tpu.memory_space<vmem>>[vector<16xi32>, vector<16xi32>], vector<16xf32>,
      %slice3A_815 = vector.extract_strided_slice %get3A_226 {offsets = [7], sizes = [1], strides = [1]} : vector<16xi32> to vector<1xi32>
      %squeeze3A_816 = vector.extract %slice3A_815[0] : i32 from vector<1xi32>
      %add3A_817 = arith.constant 0 : i32
      %add3A_818 = arith.addi %squeeze3A_816, %add3A_817 : i32
      %add3A_819 = vector.broadcast %add3A_818 : i32 to vector<16xi32>
      %add3A_820 = arith.addi %add3A_819, %iota3A : vector<16xi32>
      %gather3A_821 = tpu.vector_load_idx %arg13[%broadcast_in_dim3A_807, %add3A_820] : memref<256x128xf32, #tpu.memory_space<vmem>>[vector<16xi32>, vector<16xi32>], vector<16xf32>,
      %add3A_822 = arith.addf %gather3A_814, %gather3A_821 : vector<16xf32>
      %add3A_823 = arith.constant 7 : i32
      %add3A_824 = arith.addi %mul3A_228, %add3A_823 : i32
      %swap3A_825 = arith.index_cast %add3A_824 : i32 to index
      %swap3A_826 = arith.constant 0 : index
      %swap3A_827 = tpu.vector_load %arg14[%swap3A_825, %swap3A_826] {strides = array<i32>} : memref<256x64xf32, #tpu.memory_space<vmem>>, vector<16xf32>,
      tpu.vector_store %arg14[%swap3A_825, %swap3A_826], %add3A_822 {strides = array<i32>} : memref<256x64xf32, #tpu.memory_space<vmem>>, vector<16xf32>,
      %slice3A_828 = vector.extract_strided_slice %get3A_223 {offsets = [7], sizes = [1], strides = [1]} : vector<16xi32> to vector<1xi32>
      %squeeze3A_829 = vector.extract %slice3A_828[0] : i32 from vector<1xi32>
      %add3A_830 = arith.constant 16 : i32
      %add3A_831 = arith.addi %squeeze3A_829, %add3A_830 : i32
      %add3A_832 = vector.broadcast %add3A_831 : i32 to vector<16xi32>
      %add3A_833 = arith.addi %add3A_832, %iota3A : vector<16xi32>
      %gather3A_834 = tpu.vector_load_idx %arg12[%broadcast_in_dim3A_807, %add3A_833] : memref<256x128xf32, #tpu.memory_space<vmem>>[vector<16xi32>, vector<16xi32>], vector<16xf32>,
      %slice3A_835 = vector.extract_strided_slice %get3A_226 {offsets = [7], sizes = [1], strides = [1]} : vector<16xi32> to vector<1xi32>
      %squeeze3A_836 = vector.extract %slice3A_835[0] : i32 from vector<1xi32>
      %add3A_837 = arith.constant 16 : i32
      %add3A_838 = arith.addi %squeeze3A_836, %add3A_837 : i32
      %add3A_839 = vector.broadcast %add3A_838 : i32 to vector<16xi32>
      %add3A_840 = arith.addi %add3A_839, %iota3A : vector<16xi32>
      %gather3A_841 = tpu.vector_load_idx %arg13[%broadcast_in_dim3A_807, %add3A_840] : memref<256x128xf32, #tpu.memory_space<vmem>>[vector<16xi32>, vector<16xi32>], vector<16xf32>,
      %add3A_842 = arith.addf %gather3A_834, %gather3A_841 : vector<16xf32>
      %add3A_843 = arith.constant 7 : i32
      %add3A_844 = arith.addi %mul3A_228, %add3A_843 : i32
      %swap3A_845 = arith.index_cast %add3A_844 : i32 to index
      %swap3A_846 = arith.constant 16 : index
      %swap3A_847 = tpu.vector_load %arg14[%swap3A_845, %swap3A_846] {strides = array<i32>} : memref<256x64xf32, #tpu.memory_space<vmem>>, vector<16xf32>,
      tpu.vector_store %arg14[%swap3A_845, %swap3A_846], %add3A_842 {strides = array<i32>} : memref<256x64xf32, #tpu.memory_space<vmem>>, vector<16xf32>,
      %slice3A_848 = vector.extract_strided_slice %get3A_223 {offsets = [7], sizes = [1], strides = [1]} : vector<16xi32> to vector<1xi32>
      %squeeze3A_849 = vector.extract %slice3A_848[0] : i32 from vector<1xi32>
      %add3A_850 = arith.constant 32 : i32
      %add3A_851 = arith.addi %squeeze3A_849, %add3A_850 : i32
      %add3A_852 = vector.broadcast %add3A_851 : i32 to vector<16xi32>
      %add3A_853 = arith.addi %add3A_852, %iota3A : vector<16xi32>
      %gather3A_854 = tpu.vector_load_idx %arg12[%broadcast_in_dim3A_807, %add3A_853] : memref<256x128xf32, #tpu.memory_space<vmem>>[vector<16xi32>, vector<16xi32>], vector<16xf32>,
      %slice3A_855 = vector.extract_strided_slice %get3A_226 {offsets = [7], sizes = [1], strides = [1]} : vector<16xi32> to vector<1xi32>
      %squeeze3A_856 = vector.extract %slice3A_855[0] : i32 from vector<1xi32>
      %add3A_857 = arith.constant 32 : i32
      %add3A_858 = arith.addi %squeeze3A_856, %add3A_857 : i32
      %add3A_859 = vector.broadcast %add3A_858 : i32 to vector<16xi32>
      %add3A_860 = arith.addi %add3A_859, %iota3A : vector<16xi32>
      %gather3A_861 = tpu.vector_load_idx %arg13[%broadcast_in_dim3A_807, %add3A_860] : memref<256x128xf32, #tpu.memory_space<vmem>>[vector<16xi32>, vector<16xi32>], vector<16xf32>,
      %add3A_862 = arith.addf %gather3A_854, %gather3A_861 : vector<16xf32>
      %add3A_863 = arith.constant 7 : i32
      %add3A_864 = arith.addi %mul3A_228, %add3A_863 : i32
      %swap3A_865 = arith.index_cast %add3A_864 : i32 to index
      %swap3A_866 = arith.constant 32 : index
      %swap3A_867 = tpu.vector_load %arg14[%swap3A_865, %swap3A_866] {strides = array<i32>} : memref<256x64xf32, #tpu.memory_space<vmem>>, vector<16xf32>,
      tpu.vector_store %arg14[%swap3A_865, %swap3A_866], %add3A_862 {strides = array<i32>} : memref<256x64xf32, #tpu.memory_space<vmem>>, vector<16xf32>,
      %slice3A_868 = vector.extract_strided_slice %get3A_223 {offsets = [7], sizes = [1], strides = [1]} : vector<16xi32> to vector<1xi32>
      %squeeze3A_869 = vector.extract %slice3A_868[0] : i32 from vector<1xi32>
      %add3A_870 = arith.constant 48 : i32
      %add3A_871 = arith.addi %squeeze3A_869, %add3A_870 : i32
      %add3A_872 = vector.broadcast %add3A_871 : i32 to vector<16xi32>
      %add3A_873 = arith.addi %add3A_872, %iota3A : vector<16xi32>
      %gather3A_874 = tpu.vector_load_idx %arg12[%broadcast_in_dim3A_807, %add3A_873] : memref<256x128xf32, #tpu.memory_space<vmem>>[vector<16xi32>, vector<16xi32>], vector<16xf32>,
      %slice3A_875 = vector.extract_strided_slice %get3A_226 {offsets = [7], sizes = [1], strides = [1]} : vector<16xi32> to vector<1xi32>
      %squeeze3A_876 = vector.extract %slice3A_875[0] : i32 from vector<1xi32>
      %add3A_877 = arith.constant 48 : i32
      %add3A_878 = arith.addi %squeeze3A_876, %add3A_877 : i32
      %add3A_879 = vector.broadcast %add3A_878 : i32 to vector<16xi32>
      %add3A_880 = arith.addi %add3A_879, %iota3A : vector<16xi32>
      %gather3A_881 = tpu.vector_load_idx %arg13[%broadcast_in_dim3A_807, %add3A_880] : memref<256x128xf32, #tpu.memory_space<vmem>>[vector<16xi32>, vector<16xi32>], vector<16xf32>,
      %add3A_882 = arith.addf %gather3A_874, %gather3A_881 : vector<16xf32>
      %add3A_883 = arith.constant 7 : i32
      %add3A_884 = arith.addi %mul3A_228, %add3A_883 : i32
      %swap3A_885 = arith.index_cast %add3A_884 : i32 to index
      %swap3A_886 = arith.constant 48 : index
      %swap3A_887 = tpu.vector_load %arg14[%swap3A_885, %swap3A_886] {strides = array<i32>} : memref<256x64xf32, #tpu.memory_space<vmem>>, vector<16xf32>,
      tpu.vector_store %arg14[%swap3A_885, %swap3A_886], %add3A_882 {strides = array<i32>} : memref<256x64xf32, #tpu.memory_space<vmem>>, vector<16xf32>,
      %add3A_888 = arith.constant 8 : i32
      %add3A_889 = arith.addi %mul3A_228, %add3A_888 : i32
      %broadcast_in_dim3A_890 = vector.broadcast %add3A_889 : i32 to vector<16xi32>
      %slice3A_891 = vector.extract_strided_slice %get3A_223 {offsets = [8], sizes = [1], strides = [1]} : vector<16xi32> to vector<1xi32>
      %squeeze3A_892 = vector.extract %slice3A_891[0] : i32 from vector<1xi32>
      %add3A_893 = arith.constant 0 : i32
      %add3A_894 = arith.addi %squeeze3A_892, %add3A_893 : i32
      %add3A_895 = vector.broadcast %add3A_894 : i32 to vector<16xi32>
      %add3A_896 = arith.addi %add3A_895, %iota3A : vector<16xi32>
      %gather3A_897 = tpu.vector_load_idx %arg12[%broadcast_in_dim3A_890, %add3A_896] : memref<256x128xf32, #tpu.memory_space<vmem>>[vector<16xi32>, vector<16xi32>], vector<16xf32>,
      %slice3A_898 = vector.extract_strided_slice %get3A_226 {offsets = [8], sizes = [1], strides = [1]} : vector<16xi32> to vector<1xi32>
      %squeeze3A_899 = vector.extract %slice3A_898[0] : i32 from vector<1xi32>
      %add3A_900 = arith.constant 0 : i32
      %add3A_901 = arith.addi %squeeze3A_899, %add3A_900 : i32
      %add3A_902 = vector.broadcast %add3A_901 : i32 to vector<16xi32>
      %add3A_903 = arith.addi %add3A_902, %iota3A : vector<16xi32>
      %gather3A_904 = tpu.vector_load_idx %arg13[%broadcast_in_dim3A_890, %add3A_903] : memref<256x128xf32, #tpu.memory_space<vmem>>[vector<16xi32>, vector<16xi32>], vector<16xf32>,
      %add3A_905 = arith.addf %gather3A_897, %gather3A_904 : vector<16xf32>
      %add3A_906 = arith.constant 8 : i32
      %add3A_907 = arith.addi %mul3A_228, %add3A_906 : i32
      %swap3A_908 = arith.index_cast %add3A_907 : i32 to index
      %swap3A_909 = arith.constant 0 : index
      %swap3A_910 = tpu.vector_load %arg14[%swap3A_908, %swap3A_909] {strides = array<i32>} : memref<256x64xf32, #tpu.memory_space<vmem>>, vector<16xf32>,
      tpu.vector_store %arg14[%swap3A_908, %swap3A_909], %add3A_905 {strides = array<i32>} : memref<256x64xf32, #tpu.memory_space<vmem>>, vector<16xf32>,
      %slice3A_911 = vector.extract_strided_slice %get3A_223 {offsets = [8], sizes = [1], strides = [1]} : vector<16xi32> to vector<1xi32>
      %squeeze3A_912 = vector.extract %slice3A_911[0] : i32 from vector<1xi32>
      %add3A_913 = arith.constant 16 : i32
      %add3A_914 = arith.addi %squeeze3A_912, %add3A_913 : i32
      %add3A_915 = vector.broadcast %add3A_914 : i32 to vector<16xi32>
      %add3A_916 = arith.addi %add3A_915, %iota3A : vector<16xi32>
      %gather3A_917 = tpu.vector_load_idx %arg12[%broadcast_in_dim3A_890, %add3A_916] : memref<256x128xf32, #tpu.memory_space<vmem>>[vector<16xi32>, vector<16xi32>], vector<16xf32>,
      %slice3A_918 = vector.extract_strided_slice %get3A_226 {offsets = [8], sizes = [1], strides = [1]} : vector<16xi32> to vector<1xi32>
      %squeeze3A_919 = vector.extract %slice3A_918[0] : i32 from vector<1xi32>
      %add3A_920 = arith.constant 16 : i32
      %add3A_921 = arith.addi %squeeze3A_919, %add3A_920 : i32
      %add3A_922 = vector.broadcast %add3A_921 : i32 to vector<16xi32>
      %add3A_923 = arith.addi %add3A_922, %iota3A : vector<16xi32>
      %gather3A_924 = tpu.vector_load_idx %arg13[%broadcast_in_dim3A_890, %add3A_923] : memref<256x128xf32, #tpu.memory_space<vmem>>[vector<16xi32>, vector<16xi32>], vector<16xf32>,
      %add3A_925 = arith.addf %gather3A_917, %gather3A_924 : vector<16xf32>
      %add3A_926 = arith.constant 8 : i32
      %add3A_927 = arith.addi %mul3A_228, %add3A_926 : i32
      %swap3A_928 = arith.index_cast %add3A_927 : i32 to index
      %swap3A_929 = arith.constant 16 : index
      %swap3A_930 = tpu.vector_load %arg14[%swap3A_928, %swap3A_929] {strides = array<i32>} : memref<256x64xf32, #tpu.memory_space<vmem>>, vector<16xf32>,
      tpu.vector_store %arg14[%swap3A_928, %swap3A_929], %add3A_925 {strides = array<i32>} : memref<256x64xf32, #tpu.memory_space<vmem>>, vector<16xf32>,
      %slice3A_931 = vector.extract_strided_slice %get3A_223 {offsets = [8], sizes = [1], strides = [1]} : vector<16xi32> to vector<1xi32>
      %squeeze3A_932 = vector.extract %slice3A_931[0] : i32 from vector<1xi32>
      %add3A_933 = arith.constant 32 : i32
      %add3A_934 = arith.addi %squeeze3A_932, %add3A_933 : i32
      %add3A_935 = vector.broadcast %add3A_934 : i32 to vector<16xi32>
      %add3A_936 = arith.addi %add3A_935, %iota3A : vector<16xi32>
      %gather3A_937 = tpu.vector_load_idx %arg12[%broadcast_in_dim3A_890, %add3A_936] : memref<256x128xf32, #tpu.memory_space<vmem>>[vector<16xi32>, vector<16xi32>], vector<16xf32>,
      %slice3A_938 = vector.extract_strided_slice %get3A_226 {offsets = [8], sizes = [1], strides = [1]} : vector<16xi32> to vector<1xi32>
      %squeeze3A_939 = vector.extract %slice3A_938[0] : i32 from vector<1xi32>
      %add3A_940 = arith.constant 32 : i32
      %add3A_941 = arith.addi %squeeze3A_939, %add3A_940 : i32
      %add3A_942 = vector.broadcast %add3A_941 : i32 to vector<16xi32>
      %add3A_943 = arith.addi %add3A_942, %iota3A : vector<16xi32>
      %gather3A_944 = tpu.vector_load_idx %arg13[%broadcast_in_dim3A_890, %add3A_943] : memref<256x128xf32, #tpu.memory_space<vmem>>[vector<16xi32>, vector<16xi32>], vector<16xf32>,
      %add3A_945 = arith.addf %gather3A_937, %gather3A_944 : vector<16xf32>
      %add3A_946 = arith.constant 8 : i32
      %add3A_947 = arith.addi %mul3A_228, %add3A_946 : i32
      %swap3A_948 = arith.index_cast %add3A_947 : i32 to index
      %swap3A_949 = arith.constant 32 : index
      %swap3A_950 = tpu.vector_load %arg14[%swap3A_948, %swap3A_949] {strides = array<i32>} : memref<256x64xf32, #tpu.memory_space<vmem>>, vector<16xf32>,
      tpu.vector_store %arg14[%swap3A_948, %swap3A_949], %add3A_945 {strides = array<i32>} : memref<256x64xf32, #tpu.memory_space<vmem>>, vector<16xf32>,
      %slice3A_951 = vector.extract_strided_slice %get3A_223 {offsets = [8], sizes = [1], strides = [1]} : vector<16xi32> to vector<1xi32>
      %squeeze3A_952 = vector.extract %slice3A_951[0] : i32 from vector<1xi32>
      %add3A_953 = arith.constant 48 : i32
      %add3A_954 = arith.addi %squeeze3A_952, %add3A_953 : i32
      %add3A_955 = vector.broadcast %add3A_954 : i32 to vector<16xi32>
      %add3A_956 = arith.addi %add3A_955, %iota3A : vector<16xi32>
      %gather3A_957 = tpu.vector_load_idx %arg12[%broadcast_in_dim3A_890, %add3A_956] : memref<256x128xf32, #tpu.memory_space<vmem>>[vector<16xi32>, vector<16xi32>], vector<16xf32>,
      %slice3A_958 = vector.extract_strided_slice %get3A_226 {offsets = [8], sizes = [1], strides = [1]} : vector<16xi32> to vector<1xi32>
      %squeeze3A_959 = vector.extract %slice3A_958[0] : i32 from vector<1xi32>
      %add3A_960 = arith.constant 48 : i32
      %add3A_961 = arith.addi %squeeze3A_959, %add3A_960 : i32
      %add3A_962 = vector.broadcast %add3A_961 : i32 to vector<16xi32>
      %add3A_963 = arith.addi %add3A_962, %iota3A : vector<16xi32>
      %gather3A_964 = tpu.vector_load_idx %arg13[%broadcast_in_dim3A_890, %add3A_963] : memref<256x128xf32, #tpu.memory_space<vmem>>[vector<16xi32>, vector<16xi32>], vector<16xf32>,
      %add3A_965 = arith.addf %gather3A_957, %gather3A_964 : vector<16xf32>
      %add3A_966 = arith.constant 8 : i32
      %add3A_967 = arith.addi %mul3A_228, %add3A_966 : i32
      %swap3A_968 = arith.index_cast %add3A_967 : i32 to index
      %swap3A_969 = arith.constant 48 : index
      %swap3A_970 = tpu.vector_load %arg14[%swap3A_968, %swap3A_969] {strides = array<i32>} : memref<256x64xf32, #tpu.memory_space<vmem>>, vector<16xf32>,
      tpu.vector_store %arg14[%swap3A_968, %swap3A_969], %add3A_965 {strides = array<i32>} : memref<256x64xf32, #tpu.memory_space<vmem>>, vector<16xf32>,
      %add3A_971 = arith.constant 9 : i32
      %add3A_972 = arith.addi %mul3A_228, %add3A_971 : i32
      %broadcast_in_dim3A_973 = vector.broadcast %add3A_972 : i32 to vector<16xi32>
      %slice3A_974 = vector.extract_strided_slice %get3A_223 {offsets = [9], sizes = [1], strides = [1]} : vector<16xi32> to vector<1xi32>
      %squeeze3A_975 = vector.extract %slice3A_974[0] : i32 from vector<1xi32>
      %add3A_976 = arith.constant 0 : i32
      %add3A_977 = arith.addi %squeeze3A_975, %add3A_976 : i32
      %add3A_978 = vector.broadcast %add3A_977 : i32 to vector<16xi32>
      %add3A_979 = arith.addi %add3A_978, %iota3A : vector<16xi32>
      %gather3A_980 = tpu.vector_load_idx %arg12[%broadcast_in_dim3A_973, %add3A_979] : memref<256x128xf32, #tpu.memory_space<vmem>>[vector<16xi32>, vector<16xi32>], vector<16xf32>,
      %slice3A_981 = vector.extract_strided_slice %get3A_226 {offsets = [9], sizes = [1], strides = [1]} : vector<16xi32> to vector<1xi32>
      %squeeze3A_982 = vector.extract %slice3A_981[0] : i32 from vector<1xi32>
      %add3A_983 = arith.constant 0 : i32
      %add3A_984 = arith.addi %squeeze3A_982, %add3A_983 : i32
      %add3A_985 = vector.broadcast %add3A_984 : i32 to vector<16xi32>
      %add3A_986 = arith.addi %add3A_985, %iota3A : vector<16xi32>
      %gather3A_987 = tpu.vector_load_idx %arg13[%broadcast_in_dim3A_973, %add3A_986] : memref<256x128xf32, #tpu.memory_space<vmem>>[vector<16xi32>, vector<16xi32>], vector<16xf32>,
      %add3A_988 = arith.addf %gather3A_980, %gather3A_987 : vector<16xf32>
      %add3A_989 = arith.constant 9 : i32
      %add3A_990 = arith.addi %mul3A_228, %add3A_989 : i32
      %swap3A_991 = arith.index_cast %add3A_990 : i32 to index
      %swap3A_992 = arith.constant 0 : index
      %swap3A_993 = tpu.vector_load %arg14[%swap3A_991, %swap3A_992] {strides = array<i32>} : memref<256x64xf32, #tpu.memory_space<vmem>>, vector<16xf32>,
      tpu.vector_store %arg14[%swap3A_991, %swap3A_992], %add3A_988 {strides = array<i32>} : memref<256x64xf32, #tpu.memory_space<vmem>>, vector<16xf32>,
      %slice3A_994 = vector.extract_strided_slice %get3A_223 {offsets = [9], sizes = [1], strides = [1]} : vector<16xi32> to vector<1xi32>
      %squeeze3A_995 = vector.extract %slice3A_994[0] : i32 from vector<1xi32>
      %add3A_996 = arith.constant 16 : i32
      %add3A_997 = arith.addi %squeeze3A_995, %add3A_996 : i32
      %add3A_998 = vector.broadcast %add3A_997 : i32 to vector<16xi32>
      %add3A_999 = arith.addi %add3A_998, %iota3A : vector<16xi32>
      %gather3A_1000 = tpu.vector_load_idx %arg12[%broadcast_in_dim3A_973, %add3A_999] : memref<256x128xf32, #tpu.memory_space<vmem>>[vector<16xi32>, vector<16xi32>], vector<16xf32>,
      %slice3A_1001 = vector.extract_strided_slice %get3A_226 {offsets = [9], sizes = [1], strides = [1]} : vector<16xi32> to vector<1xi32>
      %squeeze3A_1002 = vector.extract %slice3A_1001[0] : i32 from vector<1xi32>
      %add3A_1003 = arith.constant 16 : i32
      %add3A_1004 = arith.addi %squeeze3A_1002, %add3A_1003 : i32
      %add3A_1005 = vector.broadcast %add3A_1004 : i32 to vector<16xi32>
      %add3A_1006 = arith.addi %add3A_1005, %iota3A : vector<16xi32>
      %gather3A_1007 = tpu.vector_load_idx %arg13[%broadcast_in_dim3A_973, %add3A_1006] : memref<256x128xf32, #tpu.memory_space<vmem>>[vector<16xi32>, vector<16xi32>], vector<16xf32>,
      %add3A_1008 = arith.addf %gather3A_1000, %gather3A_1007 : vector<16xf32>
      %add3A_1009 = arith.constant 9 : i32
      %add3A_1010 = arith.addi %mul3A_228, %add3A_1009 : i32
      %swap3A_1011 = arith.index_cast %add3A_1010 : i32 to index
      %swap3A_1012 = arith.constant 16 : index
      %swap3A_1013 = tpu.vector_load %arg14[%swap3A_1011, %swap3A_1012] {strides = array<i32>} : memref<256x64xf32, #tpu.memory_space<vmem>>, vector<16xf32>,
      tpu.vector_store %arg14[%swap3A_1011, %swap3A_1012], %add3A_1008 {strides = array<i32>} : memref<256x64xf32, #tpu.memory_space<vmem>>, vector<16xf32>,
      %slice3A_1014 = vector.extract_strided_slice %get3A_223 {offsets = [9], sizes = [1], strides = [1]} : vector<16xi32> to vector<1xi32>
      %squeeze3A_1015 = vector.extract %slice3A_1014[0] : i32 from vector<1xi32>
      %add3A_1016 = arith.constant 32 : i32
      %add3A_1017 = arith.addi %squeeze3A_1015, %add3A_1016 : i32
      %add3A_1018 = vector.broadcast %add3A_1017 : i32 to vector<16xi32>
      %add3A_1019 = arith.addi %add3A_1018, %iota3A : vector<16xi32>
      %gather3A_1020 = tpu.vector_load_idx %arg12[%broadcast_in_dim3A_973, %add3A_1019] : memref<256x128xf32, #tpu.memory_space<vmem>>[vector<16xi32>, vector<16xi32>], vector<16xf32>,
      %slice3A_1021 = vector.extract_strided_slice %get3A_226 {offsets = [9], sizes = [1], strides = [1]} : vector<16xi32> to vector<1xi32>
      %squeeze3A_1022 = vector.extract %slice3A_1021[0] : i32 from vector<1xi32>
      %add3A_1023 = arith.constant 32 : i32
      %add3A_1024 = arith.addi %squeeze3A_1022, %add3A_1023 : i32
      %add3A_1025 = vector.broadcast %add3A_1024 : i32 to vector<16xi32>
      %add3A_1026 = arith.addi %add3A_1025, %iota3A : vector<16xi32>
      %gather3A_1027 = tpu.vector_load_idx %arg13[%broadcast_in_dim3A_973, %add3A_1026] : memref<256x128xf32, #tpu.memory_space<vmem>>[vector<16xi32>, vector<16xi32>], vector<16xf32>,
      %add3A_1028 = arith.addf %gather3A_1020, %gather3A_1027 : vector<16xf32>
      %add3A_1029 = arith.constant 9 : i32
      %add3A_1030 = arith.addi %mul3A_228, %add3A_1029 : i32
      %swap3A_1031 = arith.index_cast %add3A_1030 : i32 to index
      %swap3A_1032 = arith.constant 32 : index
      %swap3A_1033 = tpu.vector_load %arg14[%swap3A_1031, %swap3A_1032] {strides = array<i32>} : memref<256x64xf32, #tpu.memory_space<vmem>>, vector<16xf32>,
      tpu.vector_store %arg14[%swap3A_1031, %swap3A_1032], %add3A_1028 {strides = array<i32>} : memref<256x64xf32, #tpu.memory_space<vmem>>, vector<16xf32>,
      %slice3A_1034 = vector.extract_strided_slice %get3A_223 {offsets = [9], sizes = [1], strides = [1]} : vector<16xi32> to vector<1xi32>
      %squeeze3A_1035 = vector.extract %slice3A_1034[0] : i32 from vector<1xi32>
      %add3A_1036 = arith.constant 48 : i32
      %add3A_1037 = arith.addi %squeeze3A_1035, %add3A_1036 : i32
      %add3A_1038 = vector.broadcast %add3A_1037 : i32 to vector<16xi32>
      %add3A_1039 = arith.addi %add3A_1038, %iota3A : vector<16xi32>
      %gather3A_1040 = tpu.vector_load_idx %arg12[%broadcast_in_dim3A_973, %add3A_1039] : memref<256x128xf32, #tpu.memory_space<vmem>>[vector<16xi32>, vector<16xi32>], vector<16xf32>,
      %slice3A_1041 = vector.extract_strided_slice %get3A_226 {offsets = [9], sizes = [1], strides = [1]} : vector<16xi32> to vector<1xi32>
      %squeeze3A_1042 = vector.extract %slice3A_1041[0] : i32 from vector<1xi32>
      %add3A_1043 = arith.constant 48 : i32
      %add3A_1044 = arith.addi %squeeze3A_1042, %add3A_1043 : i32
      %add3A_1045 = vector.broadcast %add3A_1044 : i32 to vector<16xi32>
      %add3A_1046 = arith.addi %add3A_1045, %iota3A : vector<16xi32>
      %gather3A_1047 = tpu.vector_load_idx %arg13[%broadcast_in_dim3A_973, %add3A_1046] : memref<256x128xf32, #tpu.memory_space<vmem>>[vector<16xi32>, vector<16xi32>], vector<16xf32>,
      %add3A_1048 = arith.addf %gather3A_1040, %gather3A_1047 : vector<16xf32>
      %add3A_1049 = arith.constant 9 : i32
      %add3A_1050 = arith.addi %mul3A_228, %add3A_1049 : i32
      %swap3A_1051 = arith.index_cast %add3A_1050 : i32 to index
      %swap3A_1052 = arith.constant 48 : index
      %swap3A_1053 = tpu.vector_load %arg14[%swap3A_1051, %swap3A_1052] {strides = array<i32>} : memref<256x64xf32, #tpu.memory_space<vmem>>, vector<16xf32>,
      tpu.vector_store %arg14[%swap3A_1051, %swap3A_1052], %add3A_1048 {strides = array<i32>} : memref<256x64xf32, #tpu.memory_space<vmem>>, vector<16xf32>,
      %add3A_1054 = arith.constant 10 : i32
      %add3A_1055 = arith.addi %mul3A_228, %add3A_1054 : i32
      %broadcast_in_dim3A_1056 = vector.broadcast %add3A_1055 : i32 to vector<16xi32>
      %slice3A_1057 = vector.extract_strided_slice %get3A_223 {offsets = [10], sizes = [1], strides = [1]} : vector<16xi32> to vector<1xi32>
      %squeeze3A_1058 = vector.extract %slice3A_1057[0] : i32 from vector<1xi32>
      %add3A_1059 = arith.constant 0 : i32
      %add3A_1060 = arith.addi %squeeze3A_1058, %add3A_1059 : i32
      %add3A_1061 = vector.broadcast %add3A_1060 : i32 to vector<16xi32>
      %add3A_1062 = arith.addi %add3A_1061, %iota3A : vector<16xi32>
      %gather3A_1063 = tpu.vector_load_idx %arg12[%broadcast_in_dim3A_1056, %add3A_1062] : memref<256x128xf32, #tpu.memory_space<vmem>>[vector<16xi32>, vector<16xi32>], vector<16xf32>,
      %slice3A_1064 = vector.extract_strided_slice %get3A_226 {offsets = [10], sizes = [1], strides = [1]} : vector<16xi32> to vector<1xi32>
      %squeeze3A_1065 = vector.extract %slice3A_1064[0] : i32 from vector<1xi32>
      %add3A_1066 = arith.constant 0 : i32
      %add3A_1067 = arith.addi %squeeze3A_1065, %add3A_1066 : i32
      %add3A_1068 = vector.broadcast %add3A_1067 : i32 to vector<16xi32>
      %add3A_1069 = arith.addi %add3A_1068, %iota3A : vector<16xi32>
      %gather3A_1070 = tpu.vector_load_idx %arg13[%broadcast_in_dim3A_1056, %add3A_1069] : memref<256x128xf32, #tpu.memory_space<vmem>>[vector<16xi32>, vector<16xi32>], vector<16xf32>,
      %add3A_1071 = arith.addf %gather3A_1063, %gather3A_1070 : vector<16xf32>
      %add3A_1072 = arith.constant 10 : i32
      %add3A_1073 = arith.addi %mul3A_228, %add3A_1072 : i32
      %swap3A_1074 = arith.index_cast %add3A_1073 : i32 to index
      %swap3A_1075 = arith.constant 0 : index
      %swap3A_1076 = tpu.vector_load %arg14[%swap3A_1074, %swap3A_1075] {strides = array<i32>} : memref<256x64xf32, #tpu.memory_space<vmem>>, vector<16xf32>,
      tpu.vector_store %arg14[%swap3A_1074, %swap3A_1075], %add3A_1071 {strides = array<i32>} : memref<256x64xf32, #tpu.memory_space<vmem>>, vector<16xf32>,
      %slice3A_1077 = vector.extract_strided_slice %get3A_223 {offsets = [10], sizes = [1], strides = [1]} : vector<16xi32> to vector<1xi32>
      %squeeze3A_1078 = vector.extract %slice3A_1077[0] : i32 from vector<1xi32>
      %add3A_1079 = arith.constant 16 : i32
      %add3A_1080 = arith.addi %squeeze3A_1078, %add3A_1079 : i32
      %add3A_1081 = vector.broadcast %add3A_1080 : i32 to vector<16xi32>
      %add3A_1082 = arith.addi %add3A_1081, %iota3A : vector<16xi32>
      %gather3A_1083 = tpu.vector_load_idx %arg12[%broadcast_in_dim3A_1056, %add3A_1082] : memref<256x128xf32, #tpu.memory_space<vmem>>[vector<16xi32>, vector<16xi32>], vector<16xf32>,
      %slice3A_1084 = vector.extract_strided_slice %get3A_226 {offsets = [10], sizes = [1], strides = [1]} : vector<16xi32> to vector<1xi32>
      %squeeze3A_1085 = vector.extract %slice3A_1084[0] : i32 from vector<1xi32>
      %add3A_1086 = arith.constant 16 : i32
      %add3A_1087 = arith.addi %squeeze3A_1085, %add3A_1086 : i32
      %add3A_1088 = vector.broadcast %add3A_1087 : i32 to vector<16xi32>
      %add3A_1089 = arith.addi %add3A_1088, %iota3A : vector<16xi32>
      %gather3A_1090 = tpu.vector_load_idx %arg13[%broadcast_in_dim3A_1056, %add3A_1089] : memref<256x128xf32, #tpu.memory_space<vmem>>[vector<16xi32>, vector<16xi32>], vector<16xf32>,
      %add3A_1091 = arith.addf %gather3A_1083, %gather3A_1090 : vector<16xf32>
      %add3A_1092 = arith.constant 10 : i32
      %add3A_1093 = arith.addi %mul3A_228, %add3A_1092 : i32
      %swap3A_1094 = arith.index_cast %add3A_1093 : i32 to index
      %swap3A_1095 = arith.constant 16 : index
      %swap3A_1096 = tpu.vector_load %arg14[%swap3A_1094, %swap3A_1095] {strides = array<i32>} : memref<256x64xf32, #tpu.memory_space<vmem>>, vector<16xf32>,
      tpu.vector_store %arg14[%swap3A_1094, %swap3A_1095], %add3A_1091 {strides = array<i32>} : memref<256x64xf32, #tpu.memory_space<vmem>>, vector<16xf32>,
      %slice3A_1097 = vector.extract_strided_slice %get3A_223 {offsets = [10], sizes = [1], strides = [1]} : vector<16xi32> to vector<1xi32>
      %squeeze3A_1098 = vector.extract %slice3A_1097[0] : i32 from vector<1xi32>
      %add3A_1099 = arith.constant 32 : i32
      %add3A_1100 = arith.addi %squeeze3A_1098, %add3A_1099 : i32
      %add3A_1101 = vector.broadcast %add3A_1100 : i32 to vector<16xi32>
      %add3A_1102 = arith.addi %add3A_1101, %iota3A : vector<16xi32>
      %gather3A_1103 = tpu.vector_load_idx %arg12[%broadcast_in_dim3A_1056, %add3A_1102] : memref<256x128xf32, #tpu.memory_space<vmem>>[vector<16xi32>, vector<16xi32>], vector<16xf32>,
      %slice3A_1104 = vector.extract_strided_slice %get3A_226 {offsets = [10], sizes = [1], strides = [1]} : vector<16xi32> to vector<1xi32>
      %squeeze3A_1105 = vector.extract %slice3A_1104[0] : i32 from vector<1xi32>
      %add3A_1106 = arith.constant 32 : i32
      %add3A_1107 = arith.addi %squeeze3A_1105, %add3A_1106 : i32
      %add3A_1108 = vector.broadcast %add3A_1107 : i32 to vector<16xi32>
      %add3A_1109 = arith.addi %add3A_1108, %iota3A : vector<16xi32>
      %gather3A_1110 = tpu.vector_load_idx %arg13[%broadcast_in_dim3A_1056, %add3A_1109] : memref<256x128xf32, #tpu.memory_space<vmem>>[vector<16xi32>, vector<16xi32>], vector<16xf32>,
      %add3A_1111 = arith.addf %gather3A_1103, %gather3A_1110 : vector<16xf32>
      %add3A_1112 = arith.constant 10 : i32
      %add3A_1113 = arith.addi %mul3A_228, %add3A_1112 : i32
      %swap3A_1114 = arith.index_cast %add3A_1113 : i32 to index
      %swap3A_1115 = arith.constant 32 : index
      %swap3A_1116 = tpu.vector_load %arg14[%swap3A_1114, %swap3A_1115] {strides = array<i32>} : memref<256x64xf32, #tpu.memory_space<vmem>>, vector<16xf32>,
      tpu.vector_store %arg14[%swap3A_1114, %swap3A_1115], %add3A_1111 {strides = array<i32>} : memref<256x64xf32, #tpu.memory_space<vmem>>, vector<16xf32>,
      %slice3A_1117 = vector.extract_strided_slice %get3A_223 {offsets = [10], sizes = [1], strides = [1]} : vector<16xi32> to vector<1xi32>
      %squeeze3A_1118 = vector.extract %slice3A_1117[0] : i32 from vector<1xi32>
      %add3A_1119 = arith.constant 48 : i32
      %add3A_1120 = arith.addi %squeeze3A_1118, %add3A_1119 : i32
      %add3A_1121 = vector.broadcast %add3A_1120 : i32 to vector<16xi32>
      %add3A_1122 = arith.addi %add3A_1121, %iota3A : vector<16xi32>
      %gather3A_1123 = tpu.vector_load_idx %arg12[%broadcast_in_dim3A_1056, %add3A_1122] : memref<256x128xf32, #tpu.memory_space<vmem>>[vector<16xi32>, vector<16xi32>], vector<16xf32>,
      %slice3A_1124 = vector.extract_strided_slice %get3A_226 {offsets = [10], sizes = [1], strides = [1]} : vector<16xi32> to vector<1xi32>
      %squeeze3A_1125 = vector.extract %slice3A_1124[0] : i32 from vector<1xi32>
      %add3A_1126 = arith.constant 48 : i32
      %add3A_1127 = arith.addi %squeeze3A_1125, %add3A_1126 : i32
      %add3A_1128 = vector.broadcast %add3A_1127 : i32 to vector<16xi32>
      %add3A_1129 = arith.addi %add3A_1128, %iota3A : vector<16xi32>
      %gather3A_1130 = tpu.vector_load_idx %arg13[%broadcast_in_dim3A_1056, %add3A_1129] : memref<256x128xf32, #tpu.memory_space<vmem>>[vector<16xi32>, vector<16xi32>], vector<16xf32>,
      %add3A_1131 = arith.addf %gather3A_1123, %gather3A_1130 : vector<16xf32>
      %add3A_1132 = arith.constant 10 : i32
      %add3A_1133 = arith.addi %mul3A_228, %add3A_1132 : i32
      %swap3A_1134 = arith.index_cast %add3A_1133 : i32 to index
      %swap3A_1135 = arith.constant 48 : index
      %swap3A_1136 = tpu.vector_load %arg14[%swap3A_1134, %swap3A_1135] {strides = array<i32>} : memref<256x64xf32, #tpu.memory_space<vmem>>, vector<16xf32>,
      tpu.vector_store %arg14[%swap3A_1134, %swap3A_1135], %add3A_1131 {strides = array<i32>} : memref<256x64xf32, #tpu.memory_space<vmem>>, vector<16xf32>,
      %add3A_1137 = arith.constant 11 : i32
      %add3A_1138 = arith.addi %mul3A_228, %add3A_1137 : i32
      %broadcast_in_dim3A_1139 = vector.broadcast %add3A_1138 : i32 to vector<16xi32>
      %slice3A_1140 = vector.extract_strided_slice %get3A_223 {offsets = [11], sizes = [1], strides = [1]} : vector<16xi32> to vector<1xi32>
      %squeeze3A_1141 = vector.extract %slice3A_1140[0] : i32 from vector<1xi32>
      %add3A_1142 = arith.constant 0 : i32
      %add3A_1143 = arith.addi %squeeze3A_1141, %add3A_1142 : i32
      %add3A_1144 = vector.broadcast %add3A_1143 : i32 to vector<16xi32>
      %add3A_1145 = arith.addi %add3A_1144, %iota3A : vector<16xi32>
      %gather3A_1146 = tpu.vector_load_idx %arg12[%broadcast_in_dim3A_1139, %add3A_1145] : memref<256x128xf32, #tpu.memory_space<vmem>>[vector<16xi32>, vector<16xi32>], vector<16xf32>,
      %slice3A_1147 = vector.extract_strided_slice %get3A_226 {offsets = [11], sizes = [1], strides = [1]} : vector<16xi32> to vector<1xi32>
      %squeeze3A_1148 = vector.extract %slice3A_1147[0] : i32 from vector<1xi32>
      %add3A_1149 = arith.constant 0 : i32
      %add3A_1150 = arith.addi %squeeze3A_1148, %add3A_1149 : i32
      %add3A_1151 = vector.broadcast %add3A_1150 : i32 to vector<16xi32>
      %add3A_1152 = arith.addi %add3A_1151, %iota3A : vector<16xi32>
      %gather3A_1153 = tpu.vector_load_idx %arg13[%broadcast_in_dim3A_1139, %add3A_1152] : memref<256x128xf32, #tpu.memory_space<vmem>>[vector<16xi32>, vector<16xi32>], vector<16xf32>,
      %add3A_1154 = arith.addf %gather3A_1146, %gather3A_1153 : vector<16xf32>
      %add3A_1155 = arith.constant 11 : i32
      %add3A_1156 = arith.addi %mul3A_228, %add3A_1155 : i32
      %swap3A_1157 = arith.index_cast %add3A_1156 : i32 to index
      %swap3A_1158 = arith.constant 0 : index
      %swap3A_1159 = tpu.vector_load %arg14[%swap3A_1157, %swap3A_1158] {strides = array<i32>} : memref<256x64xf32, #tpu.memory_space<vmem>>, vector<16xf32>,
      tpu.vector_store %arg14[%swap3A_1157, %swap3A_1158], %add3A_1154 {strides = array<i32>} : memref<256x64xf32, #tpu.memory_space<vmem>>, vector<16xf32>,
      %slice3A_1160 = vector.extract_strided_slice %get3A_223 {offsets = [11], sizes = [1], strides = [1]} : vector<16xi32> to vector<1xi32>
      %squeeze3A_1161 = vector.extract %slice3A_1160[0] : i32 from vector<1xi32>
      %add3A_1162 = arith.constant 16 : i32
      %add3A_1163 = arith.addi %squeeze3A_1161, %add3A_1162 : i32
      %add3A_1164 = vector.broadcast %add3A_1163 : i32 to vector<16xi32>
      %add3A_1165 = arith.addi %add3A_1164, %iota3A : vector<16xi32>
      %gather3A_1166 = tpu.vector_load_idx %arg12[%broadcast_in_dim3A_1139, %add3A_1165] : memref<256x128xf32, #tpu.memory_space<vmem>>[vector<16xi32>, vector<16xi32>], vector<16xf32>,
      %slice3A_1167 = vector.extract_strided_slice %get3A_226 {offsets = [11], sizes = [1], strides = [1]} : vector<16xi32> to vector<1xi32>
      %squeeze3A_1168 = vector.extract %slice3A_1167[0] : i32 from vector<1xi32>
      %add3A_1169 = arith.constant 16 : i32
      %add3A_1170 = arith.addi %squeeze3A_1168, %add3A_1169 : i32
      %add3A_1171 = vector.broadcast %add3A_1170 : i32 to vector<16xi32>
      %add3A_1172 = arith.addi %add3A_1171, %iota3A : vector<16xi32>
      %gather3A_1173 = tpu.vector_load_idx %arg13[%broadcast_in_dim3A_1139, %add3A_1172] : memref<256x128xf32, #tpu.memory_space<vmem>>[vector<16xi32>, vector<16xi32>], vector<16xf32>,
      %add3A_1174 = arith.addf %gather3A_1166, %gather3A_1173 : vector<16xf32>
      %add3A_1175 = arith.constant 11 : i32
      %add3A_1176 = arith.addi %mul3A_228, %add3A_1175 : i32
      %swap3A_1177 = arith.index_cast %add3A_1176 : i32 to index
      %swap3A_1178 = arith.constant 16 : index
      %swap3A_1179 = tpu.vector_load %arg14[%swap3A_1177, %swap3A_1178] {strides = array<i32>} : memref<256x64xf32, #tpu.memory_space<vmem>>, vector<16xf32>,
      tpu.vector_store %arg14[%swap3A_1177, %swap3A_1178], %add3A_1174 {strides = array<i32>} : memref<256x64xf32, #tpu.memory_space<vmem>>, vector<16xf32>,
      %slice3A_1180 = vector.extract_strided_slice %get3A_223 {offsets = [11], sizes = [1], strides = [1]} : vector<16xi32> to vector<1xi32>
      %squeeze3A_1181 = vector.extract %slice3A_1180[0] : i32 from vector<1xi32>
      %add3A_1182 = arith.constant 32 : i32
      %add3A_1183 = arith.addi %squeeze3A_1181, %add3A_1182 : i32
      %add3A_1184 = vector.broadcast %add3A_1183 : i32 to vector<16xi32>
      %add3A_1185 = arith.addi %add3A_1184, %iota3A : vector<16xi32>
      %gather3A_1186 = tpu.vector_load_idx %arg12[%broadcast_in_dim3A_1139, %add3A_1185] : memref<256x128xf32, #tpu.memory_space<vmem>>[vector<16xi32>, vector<16xi32>], vector<16xf32>,
      %slice3A_1187 = vector.extract_strided_slice %get3A_226 {offsets = [11], sizes = [1], strides = [1]} : vector<16xi32> to vector<1xi32>
      %squeeze3A_1188 = vector.extract %slice3A_1187[0] : i32 from vector<1xi32>
      %add3A_1189 = arith.constant 32 : i32
      %add3A_1190 = arith.addi %squeeze3A_1188, %add3A_1189 : i32
      %add3A_1191 = vector.broadcast %add3A_1190 : i32 to vector<16xi32>
      %add3A_1192 = arith.addi %add3A_1191, %iota3A : vector<16xi32>
      %gather3A_1193 = tpu.vector_load_idx %arg13[%broadcast_in_dim3A_1139, %add3A_1192] : memref<256x128xf32, #tpu.memory_space<vmem>>[vector<16xi32>, vector<16xi32>], vector<16xf32>,
      %add3A_1194 = arith.addf %gather3A_1186, %gather3A_1193 : vector<16xf32>
      %add3A_1195 = arith.constant 11 : i32
      %add3A_1196 = arith.addi %mul3A_228, %add3A_1195 : i32
      %swap3A_1197 = arith.index_cast %add3A_1196 : i32 to index
      %swap3A_1198 = arith.constant 32 : index
      %swap3A_1199 = tpu.vector_load %arg14[%swap3A_1197, %swap3A_1198] {strides = array<i32>} : memref<256x64xf32, #tpu.memory_space<vmem>>, vector<16xf32>,
      tpu.vector_store %arg14[%swap3A_1197, %swap3A_1198], %add3A_1194 {strides = array<i32>} : memref<256x64xf32, #tpu.memory_space<vmem>>, vector<16xf32>,
      %slice3A_1200 = vector.extract_strided_slice %get3A_223 {offsets = [11], sizes = [1], strides = [1]} : vector<16xi32> to vector<1xi32>
      %squeeze3A_1201 = vector.extract %slice3A_1200[0] : i32 from vector<1xi32>
      %add3A_1202 = arith.constant 48 : i32
      %add3A_1203 = arith.addi %squeeze3A_1201, %add3A_1202 : i32
      %add3A_1204 = vector.broadcast %add3A_1203 : i32 to vector<16xi32>
      %add3A_1205 = arith.addi %add3A_1204, %iota3A : vector<16xi32>
      %gather3A_1206 = tpu.vector_load_idx %arg12[%broadcast_in_dim3A_1139, %add3A_1205] : memref<256x128xf32, #tpu.memory_space<vmem>>[vector<16xi32>, vector<16xi32>], vector<16xf32>,
      %slice3A_1207 = vector.extract_strided_slice %get3A_226 {offsets = [11], sizes = [1], strides = [1]} : vector<16xi32> to vector<1xi32>
      %squeeze3A_1208 = vector.extract %slice3A_1207[0] : i32 from vector<1xi32>
      %add3A_1209 = arith.constant 48 : i32
      %add3A_1210 = arith.addi %squeeze3A_1208, %add3A_1209 : i32
      %add3A_1211 = vector.broadcast %add3A_1210 : i32 to vector<16xi32>
      %add3A_1212 = arith.addi %add3A_1211, %iota3A : vector<16xi32>
      %gather3A_1213 = tpu.vector_load_idx %arg13[%broadcast_in_dim3A_1139, %add3A_1212] : memref<256x128xf32, #tpu.memory_space<vmem>>[vector<16xi32>, vector<16xi32>], vector<16xf32>,
      %add3A_1214 = arith.addf %gather3A_1206, %gather3A_1213 : vector<16xf32>
      %add3A_1215 = arith.constant 11 : i32
      %add3A_1216 = arith.addi %mul3A_228, %add3A_1215 : i32
      %swap3A_1217 = arith.index_cast %add3A_1216 : i32 to index
      %swap3A_1218 = arith.constant 48 : index
      %swap3A_1219 = tpu.vector_load %arg14[%swap3A_1217, %swap3A_1218] {strides = array<i32>} : memref<256x64xf32, #tpu.memory_space<vmem>>, vector<16xf32>,
      tpu.vector_store %arg14[%swap3A_1217, %swap3A_1218], %add3A_1214 {strides = array<i32>} : memref<256x64xf32, #tpu.memory_space<vmem>>, vector<16xf32>,
      %add3A_1220 = arith.constant 12 : i32
      %add3A_1221 = arith.addi %mul3A_228, %add3A_1220 : i32
      %broadcast_in_dim3A_1222 = vector.broadcast %add3A_1221 : i32 to vector<16xi32>
      %slice3A_1223 = vector.extract_strided_slice %get3A_223 {offsets = [12], sizes = [1], strides = [1]} : vector<16xi32> to vector<1xi32>
      %squeeze3A_1224 = vector.extract %slice3A_1223[0] : i32 from vector<1xi32>
      %add3A_1225 = arith.constant 0 : i32
      %add3A_1226 = arith.addi %squeeze3A_1224, %add3A_1225 : i32
      %add3A_1227 = vector.broadcast %add3A_1226 : i32 to vector<16xi32>
      %add3A_1228 = arith.addi %add3A_1227, %iota3A : vector<16xi32>
      %gather3A_1229 = tpu.vector_load_idx %arg12[%broadcast_in_dim3A_1222, %add3A_1228] : memref<256x128xf32, #tpu.memory_space<vmem>>[vector<16xi32>, vector<16xi32>], vector<16xf32>,
      %slice3A_1230 = vector.extract_strided_slice %get3A_226 {offsets = [12], sizes = [1], strides = [1]} : vector<16xi32> to vector<1xi32>
      %squeeze3A_1231 = vector.extract %slice3A_1230[0] : i32 from vector<1xi32>
      %add3A_1232 = arith.constant 0 : i32
      %add3A_1233 = arith.addi %squeeze3A_1231, %add3A_1232 : i32
      %add3A_1234 = vector.broadcast %add3A_1233 : i32 to vector<16xi32>
      %add3A_1235 = arith.addi %add3A_1234, %iota3A : vector<16xi32>
      %gather3A_1236 = tpu.vector_load_idx %arg13[%broadcast_in_dim3A_1222, %add3A_1235] : memref<256x128xf32, #tpu.memory_space<vmem>>[vector<16xi32>, vector<16xi32>], vector<16xf32>,
      %add3A_1237 = arith.addf %gather3A_1229, %gather3A_1236 : vector<16xf32>
      %add3A_1238 = arith.constant 12 : i32
      %add3A_1239 = arith.addi %mul3A_228, %add3A_1238 : i32
      %swap3A_1240 = arith.index_cast %add3A_1239 : i32 to index
      %swap3A_1241 = arith.constant 0 : index
      %swap3A_1242 = tpu.vector_load %arg14[%swap3A_1240, %swap3A_1241] {strides = array<i32>} : memref<256x64xf32, #tpu.memory_space<vmem>>, vector<16xf32>,
      tpu.vector_store %arg14[%swap3A_1240, %swap3A_1241], %add3A_1237 {strides = array<i32>} : memref<256x64xf32, #tpu.memory_space<vmem>>, vector<16xf32>,
      %slice3A_1243 = vector.extract_strided_slice %get3A_223 {offsets = [12], sizes = [1], strides = [1]} : vector<16xi32> to vector<1xi32>
      %squeeze3A_1244 = vector.extract %slice3A_1243[0] : i32 from vector<1xi32>
      %add3A_1245 = arith.constant 16 : i32
      %add3A_1246 = arith.addi %squeeze3A_1244, %add3A_1245 : i32
      %add3A_1247 = vector.broadcast %add3A_1246 : i32 to vector<16xi32>
      %add3A_1248 = arith.addi %add3A_1247, %iota3A : vector<16xi32>
      %gather3A_1249 = tpu.vector_load_idx %arg12[%broadcast_in_dim3A_1222, %add3A_1248] : memref<256x128xf32, #tpu.memory_space<vmem>>[vector<16xi32>, vector<16xi32>], vector<16xf32>,
      %slice3A_1250 = vector.extract_strided_slice %get3A_226 {offsets = [12], sizes = [1], strides = [1]} : vector<16xi32> to vector<1xi32>
      %squeeze3A_1251 = vector.extract %slice3A_1250[0] : i32 from vector<1xi32>
      %add3A_1252 = arith.constant 16 : i32
      %add3A_1253 = arith.addi %squeeze3A_1251, %add3A_1252 : i32
      %add3A_1254 = vector.broadcast %add3A_1253 : i32 to vector<16xi32>
      %add3A_1255 = arith.addi %add3A_1254, %iota3A : vector<16xi32>
      %gather3A_1256 = tpu.vector_load_idx %arg13[%broadcast_in_dim3A_1222, %add3A_1255] : memref<256x128xf32, #tpu.memory_space<vmem>>[vector<16xi32>, vector<16xi32>], vector<16xf32>,
      %add3A_1257 = arith.addf %gather3A_1249, %gather3A_1256 : vector<16xf32>
      %add3A_1258 = arith.constant 12 : i32
      %add3A_1259 = arith.addi %mul3A_228, %add3A_1258 : i32
      %swap3A_1260 = arith.index_cast %add3A_1259 : i32 to index
      %swap3A_1261 = arith.constant 16 : index
      %swap3A_1262 = tpu.vector_load %arg14[%swap3A_1260, %swap3A_1261] {strides = array<i32>} : memref<256x64xf32, #tpu.memory_space<vmem>>, vector<16xf32>,
      tpu.vector_store %arg14[%swap3A_1260, %swap3A_1261], %add3A_1257 {strides = array<i32>} : memref<256x64xf32, #tpu.memory_space<vmem>>, vector<16xf32>,
      %slice3A_1263 = vector.extract_strided_slice %get3A_223 {offsets = [12], sizes = [1], strides = [1]} : vector<16xi32> to vector<1xi32>
      %squeeze3A_1264 = vector.extract %slice3A_1263[0] : i32 from vector<1xi32>
      %add3A_1265 = arith.constant 32 : i32
      %add3A_1266 = arith.addi %squeeze3A_1264, %add3A_1265 : i32
      %add3A_1267 = vector.broadcast %add3A_1266 : i32 to vector<16xi32>
      %add3A_1268 = arith.addi %add3A_1267, %iota3A : vector<16xi32>
      %gather3A_1269 = tpu.vector_load_idx %arg12[%broadcast_in_dim3A_1222, %add3A_1268] : memref<256x128xf32, #tpu.memory_space<vmem>>[vector<16xi32>, vector<16xi32>], vector<16xf32>,
      %slice3A_1270 = vector.extract_strided_slice %get3A_226 {offsets = [12], sizes = [1], strides = [1]} : vector<16xi32> to vector<1xi32>
      %squeeze3A_1271 = vector.extract %slice3A_1270[0] : i32 from vector<1xi32>
      %add3A_1272 = arith.constant 32 : i32
      %add3A_1273 = arith.addi %squeeze3A_1271, %add3A_1272 : i32
      %add3A_1274 = vector.broadcast %add3A_1273 : i32 to vector<16xi32>
      %add3A_1275 = arith.addi %add3A_1274, %iota3A : vector<16xi32>
      %gather3A_1276 = tpu.vector_load_idx %arg13[%broadcast_in_dim3A_1222, %add3A_1275] : memref<256x128xf32, #tpu.memory_space<vmem>>[vector<16xi32>, vector<16xi32>], vector<16xf32>,
      %add3A_1277 = arith.addf %gather3A_1269, %gather3A_1276 : vector<16xf32>
      %add3A_1278 = arith.constant 12 : i32
      %add3A_1279 = arith.addi %mul3A_228, %add3A_1278 : i32
      %swap3A_1280 = arith.index_cast %add3A_1279 : i32 to index
      %swap3A_1281 = arith.constant 32 : index
      %swap3A_1282 = tpu.vector_load %arg14[%swap3A_1280, %swap3A_1281] {strides = array<i32>} : memref<256x64xf32, #tpu.memory_space<vmem>>, vector<16xf32>,
      tpu.vector_store %arg14[%swap3A_1280, %swap3A_1281], %add3A_1277 {strides = array<i32>} : memref<256x64xf32, #tpu.memory_space<vmem>>, vector<16xf32>,
      %slice3A_1283 = vector.extract_strided_slice %get3A_223 {offsets = [12], sizes = [1], strides = [1]} : vector<16xi32> to vector<1xi32>
      %squeeze3A_1284 = vector.extract %slice3A_1283[0] : i32 from vector<1xi32>
      %add3A_1285 = arith.constant 48 : i32
      %add3A_1286 = arith.addi %squeeze3A_1284, %add3A_1285 : i32
      %add3A_1287 = vector.broadcast %add3A_1286 : i32 to vector<16xi32>
      %add3A_1288 = arith.addi %add3A_1287, %iota3A : vector<16xi32>
      %gather3A_1289 = tpu.vector_load_idx %arg12[%broadcast_in_dim3A_1222, %add3A_1288] : memref<256x128xf32, #tpu.memory_space<vmem>>[vector<16xi32>, vector<16xi32>], vector<16xf32>,
      %slice3A_1290 = vector.extract_strided_slice %get3A_226 {offsets = [12], sizes = [1], strides = [1]} : vector<16xi32> to vector<1xi32>
      %squeeze3A_1291 = vector.extract %slice3A_1290[0] : i32 from vector<1xi32>
      %add3A_1292 = arith.constant 48 : i32
      %add3A_1293 = arith.addi %squeeze3A_1291, %add3A_1292 : i32
      %add3A_1294 = vector.broadcast %add3A_1293 : i32 to vector<16xi32>
      %add3A_1295 = arith.addi %add3A_1294, %iota3A : vector<16xi32>
      %gather3A_1296 = tpu.vector_load_idx %arg13[%broadcast_in_dim3A_1222, %add3A_1295] : memref<256x128xf32, #tpu.memory_space<vmem>>[vector<16xi32>, vector<16xi32>], vector<16xf32>,
      %add3A_1297 = arith.addf %gather3A_1289, %gather3A_1296 : vector<16xf32>
      %add3A_1298 = arith.constant 12 : i32
      %add3A_1299 = arith.addi %mul3A_228, %add3A_1298 : i32
      %swap3A_1300 = arith.index_cast %add3A_1299 : i32 to index
      %swap3A_1301 = arith.constant 48 : index
      %swap3A_1302 = tpu.vector_load %arg14[%swap3A_1300, %swap3A_1301] {strides = array<i32>} : memref<256x64xf32, #tpu.memory_space<vmem>>, vector<16xf32>,
      tpu.vector_store %arg14[%swap3A_1300, %swap3A_1301], %add3A_1297 {strides = array<i32>} : memref<256x64xf32, #tpu.memory_space<vmem>>, vector<16xf32>,
      %add3A_1303 = arith.constant 13 : i32
      %add3A_1304 = arith.addi %mul3A_228, %add3A_1303 : i32
      %broadcast_in_dim3A_1305 = vector.broadcast %add3A_1304 : i32 to vector<16xi32>
      %slice3A_1306 = vector.extract_strided_slice %get3A_223 {offsets = [13], sizes = [1], strides = [1]} : vector<16xi32> to vector<1xi32>
      %squeeze3A_1307 = vector.extract %slice3A_1306[0] : i32 from vector<1xi32>
      %add3A_1308 = arith.constant 0 : i32
      %add3A_1309 = arith.addi %squeeze3A_1307, %add3A_1308 : i32
      %add3A_1310 = vector.broadcast %add3A_1309 : i32 to vector<16xi32>
      %add3A_1311 = arith.addi %add3A_1310, %iota3A : vector<16xi32>
      %gather3A_1312 = tpu.vector_load_idx %arg12[%broadcast_in_dim3A_1305, %add3A_1311] : memref<256x128xf32, #tpu.memory_space<vmem>>[vector<16xi32>, vector<16xi32>], vector<16xf32>,
      %slice3A_1313 = vector.extract_strided_slice %get3A_226 {offsets = [13], sizes = [1], strides = [1]} : vector<16xi32> to vector<1xi32>
      %squeeze3A_1314 = vector.extract %slice3A_1313[0] : i32 from vector<1xi32>
      %add3A_1315 = arith.constant 0 : i32
      %add3A_1316 = arith.addi %squeeze3A_1314, %add3A_1315 : i32
      %add3A_1317 = vector.broadcast %add3A_1316 : i32 to vector<16xi32>
      %add3A_1318 = arith.addi %add3A_1317, %iota3A : vector<16xi32>
      %gather3A_1319 = tpu.vector_load_idx %arg13[%broadcast_in_dim3A_1305, %add3A_1318] : memref<256x128xf32, #tpu.memory_space<vmem>>[vector<16xi32>, vector<16xi32>], vector<16xf32>,
      %add3A_1320 = arith.addf %gather3A_1312, %gather3A_1319 : vector<16xf32>
      %add3A_1321 = arith.constant 13 : i32
      %add3A_1322 = arith.addi %mul3A_228, %add3A_1321 : i32
      %swap3A_1323 = arith.index_cast %add3A_1322 : i32 to index
      %swap3A_1324 = arith.constant 0 : index
      %swap3A_1325 = tpu.vector_load %arg14[%swap3A_1323, %swap3A_1324] {strides = array<i32>} : memref<256x64xf32, #tpu.memory_space<vmem>>, vector<16xf32>,
      tpu.vector_store %arg14[%swap3A_1323, %swap3A_1324], %add3A_1320 {strides = array<i32>} : memref<256x64xf32, #tpu.memory_space<vmem>>, vector<16xf32>,
      %slice3A_1326 = vector.extract_strided_slice %get3A_223 {offsets = [13], sizes = [1], strides = [1]} : vector<16xi32> to vector<1xi32>
      %squeeze3A_1327 = vector.extract %slice3A_1326[0] : i32 from vector<1xi32>
      %add3A_1328 = arith.constant 16 : i32
      %add3A_1329 = arith.addi %squeeze3A_1327, %add3A_1328 : i32
      %add3A_1330 = vector.broadcast %add3A_1329 : i32 to vector<16xi32>
      %add3A_1331 = arith.addi %add3A_1330, %iota3A : vector<16xi32>
      %gather3A_1332 = tpu.vector_load_idx %arg12[%broadcast_in_dim3A_1305, %add3A_1331] : memref<256x128xf32, #tpu.memory_space<vmem>>[vector<16xi32>, vector<16xi32>], vector<16xf32>,
      %slice3A_1333 = vector.extract_strided_slice %get3A_226 {offsets = [13], sizes = [1], strides = [1]} : vector<16xi32> to vector<1xi32>
      %squeeze3A_1334 = vector.extract %slice3A_1333[0] : i32 from vector<1xi32>
      %add3A_1335 = arith.constant 16 : i32
      %add3A_1336 = arith.addi %squeeze3A_1334, %add3A_1335 : i32
      %add3A_1337 = vector.broadcast %add3A_1336 : i32 to vector<16xi32>
      %add3A_1338 = arith.addi %add3A_1337, %iota3A : vector<16xi32>
      %gather3A_1339 = tpu.vector_load_idx %arg13[%broadcast_in_dim3A_1305, %add3A_1338] : memref<256x128xf32, #tpu.memory_space<vmem>>[vector<16xi32>, vector<16xi32>], vector<16xf32>,
      %add3A_1340 = arith.addf %gather3A_1332, %gather3A_1339 : vector<16xf32>
      %add3A_1341 = arith.constant 13 : i32
      %add3A_1342 = arith.addi %mul3A_228, %add3A_1341 : i32
      %swap3A_1343 = arith.index_cast %add3A_1342 : i32 to index
      %swap3A_1344 = arith.constant 16 : index
      %swap3A_1345 = tpu.vector_load %arg14[%swap3A_1343, %swap3A_1344] {strides = array<i32>} : memref<256x64xf32, #tpu.memory_space<vmem>>, vector<16xf32>,
      tpu.vector_store %arg14[%swap3A_1343, %swap3A_1344], %add3A_1340 {strides = array<i32>} : memref<256x64xf32, #tpu.memory_space<vmem>>, vector<16xf32>,
      %slice3A_1346 = vector.extract_strided_slice %get3A_223 {offsets = [13], sizes = [1], strides = [1]} : vector<16xi32> to vector<1xi32>
      %squeeze3A_1347 = vector.extract %slice3A_1346[0] : i32 from vector<1xi32>
      %add3A_1348 = arith.constant 32 : i32
      %add3A_1349 = arith.addi %squeeze3A_1347, %add3A_1348 : i32
      %add3A_1350 = vector.broadcast %add3A_1349 : i32 to vector<16xi32>
      %add3A_1351 = arith.addi %add3A_1350, %iota3A : vector<16xi32>
      %gather3A_1352 = tpu.vector_load_idx %arg12[%broadcast_in_dim3A_1305, %add3A_1351] : memref<256x128xf32, #tpu.memory_space<vmem>>[vector<16xi32>, vector<16xi32>], vector<16xf32>,
      %slice3A_1353 = vector.extract_strided_slice %get3A_226 {offsets = [13], sizes = [1], strides = [1]} : vector<16xi32> to vector<1xi32>
      %squeeze3A_1354 = vector.extract %slice3A_1353[0] : i32 from vector<1xi32>
      %add3A_1355 = arith.constant 32 : i32
      %add3A_1356 = arith.addi %squeeze3A_1354, %add3A_1355 : i32
      %add3A_1357 = vector.broadcast %add3A_1356 : i32 to vector<16xi32>
      %add3A_1358 = arith.addi %add3A_1357, %iota3A : vector<16xi32>
      %gather3A_1359 = tpu.vector_load_idx %arg13[%broadcast_in_dim3A_1305, %add3A_1358] : memref<256x128xf32, #tpu.memory_space<vmem>>[vector<16xi32>, vector<16xi32>], vector<16xf32>,
      %add3A_1360 = arith.addf %gather3A_1352, %gather3A_1359 : vector<16xf32>
      %add3A_1361 = arith.constant 13 : i32
      %add3A_1362 = arith.addi %mul3A_228, %add3A_1361 : i32
      %swap3A_1363 = arith.index_cast %add3A_1362 : i32 to index
      %swap3A_1364 = arith.constant 32 : index
      %swap3A_1365 = tpu.vector_load %arg14[%swap3A_1363, %swap3A_1364] {strides = array<i32>} : memref<256x64xf32, #tpu.memory_space<vmem>>, vector<16xf32>,
      tpu.vector_store %arg14[%swap3A_1363, %swap3A_1364], %add3A_1360 {strides = array<i32>} : memref<256x64xf32, #tpu.memory_space<vmem>>, vector<16xf32>,
      %slice3A_1366 = vector.extract_strided_slice %get3A_223 {offsets = [13], sizes = [1], strides = [1]} : vector<16xi32> to vector<1xi32>
      %squeeze3A_1367 = vector.extract %slice3A_1366[0] : i32 from vector<1xi32>
      %add3A_1368 = arith.constant 48 : i32
      %add3A_1369 = arith.addi %squeeze3A_1367, %add3A_1368 : i32
      %add3A_1370 = vector.broadcast %add3A_1369 : i32 to vector<16xi32>
      %add3A_1371 = arith.addi %add3A_1370, %iota3A : vector<16xi32>
      %gather3A_1372 = tpu.vector_load_idx %arg12[%broadcast_in_dim3A_1305, %add3A_1371] : memref<256x128xf32, #tpu.memory_space<vmem>>[vector<16xi32>, vector<16xi32>], vector<16xf32>,
      %slice3A_1373 = vector.extract_strided_slice %get3A_226 {offsets = [13], sizes = [1], strides = [1]} : vector<16xi32> to vector<1xi32>
      %squeeze3A_1374 = vector.extract %slice3A_1373[0] : i32 from vector<1xi32>
      %add3A_1375 = arith.constant 48 : i32
      %add3A_1376 = arith.addi %squeeze3A_1374, %add3A_1375 : i32
      %add3A_1377 = vector.broadcast %add3A_1376 : i32 to vector<16xi32>
      %add3A_1378 = arith.addi %add3A_1377, %iota3A : vector<16xi32>
      %gather3A_1379 = tpu.vector_load_idx %arg13[%broadcast_in_dim3A_1305, %add3A_1378] : memref<256x128xf32, #tpu.memory_space<vmem>>[vector<16xi32>, vector<16xi32>], vector<16xf32>,
      %add3A_1380 = arith.addf %gather3A_1372, %gather3A_1379 : vector<16xf32>
      %add3A_1381 = arith.constant 13 : i32
      %add3A_1382 = arith.addi %mul3A_228, %add3A_1381 : i32
      %swap3A_1383 = arith.index_cast %add3A_1382 : i32 to index
      %swap3A_1384 = arith.constant 48 : index
      %swap3A_1385 = tpu.vector_load %arg14[%swap3A_1383, %swap3A_1384] {strides = array<i32>} : memref<256x64xf32, #tpu.memory_space<vmem>>, vector<16xf32>,
      tpu.vector_store %arg14[%swap3A_1383, %swap3A_1384], %add3A_1380 {strides = array<i32>} : memref<256x64xf32, #tpu.memory_space<vmem>>, vector<16xf32>,
      %add3A_1386 = arith.constant 14 : i32
      %add3A_1387 = arith.addi %mul3A_228, %add3A_1386 : i32
      %broadcast_in_dim3A_1388 = vector.broadcast %add3A_1387 : i32 to vector<16xi32>
      %slice3A_1389 = vector.extract_strided_slice %get3A_223 {offsets = [14], sizes = [1], strides = [1]} : vector<16xi32> to vector<1xi32>
      %squeeze3A_1390 = vector.extract %slice3A_1389[0] : i32 from vector<1xi32>
      %add3A_1391 = arith.constant 0 : i32
      %add3A_1392 = arith.addi %squeeze3A_1390, %add3A_1391 : i32
      %add3A_1393 = vector.broadcast %add3A_1392 : i32 to vector<16xi32>
      %add3A_1394 = arith.addi %add3A_1393, %iota3A : vector<16xi32>
      %gather3A_1395 = tpu.vector_load_idx %arg12[%broadcast_in_dim3A_1388, %add3A_1394] : memref<256x128xf32, #tpu.memory_space<vmem>>[vector<16xi32>, vector<16xi32>], vector<16xf32>,
      %slice3A_1396 = vector.extract_strided_slice %get3A_226 {offsets = [14], sizes = [1], strides = [1]} : vector<16xi32> to vector<1xi32>
      %squeeze3A_1397 = vector.extract %slice3A_1396[0] : i32 from vector<1xi32>
      %add3A_1398 = arith.constant 0 : i32
      %add3A_1399 = arith.addi %squeeze3A_1397, %add3A_1398 : i32
      %add3A_1400 = vector.broadcast %add3A_1399 : i32 to vector<16xi32>
      %add3A_1401 = arith.addi %add3A_1400, %iota3A : vector<16xi32>
      %gather3A_1402 = tpu.vector_load_idx %arg13[%broadcast_in_dim3A_1388, %add3A_1401] : memref<256x128xf32, #tpu.memory_space<vmem>>[vector<16xi32>, vector<16xi32>], vector<16xf32>,
      %add3A_1403 = arith.addf %gather3A_1395, %gather3A_1402 : vector<16xf32>
      %add3A_1404 = arith.constant 14 : i32
      %add3A_1405 = arith.addi %mul3A_228, %add3A_1404 : i32
      %swap3A_1406 = arith.index_cast %add3A_1405 : i32 to index
      %swap3A_1407 = arith.constant 0 : index
      %swap3A_1408 = tpu.vector_load %arg14[%swap3A_1406, %swap3A_1407] {strides = array<i32>} : memref<256x64xf32, #tpu.memory_space<vmem>>, vector<16xf32>,
      tpu.vector_store %arg14[%swap3A_1406, %swap3A_1407], %add3A_1403 {strides = array<i32>} : memref<256x64xf32, #tpu.memory_space<vmem>>, vector<16xf32>,
      %slice3A_1409 = vector.extract_strided_slice %get3A_223 {offsets = [14], sizes = [1], strides = [1]} : vector<16xi32> to vector<1xi32>
      %squeeze3A_1410 = vector.extract %slice3A_1409[0] : i32 from vector<1xi32>
      %add3A_1411 = arith.constant 16 : i32
      %add3A_1412 = arith.addi %squeeze3A_1410, %add3A_1411 : i32
      %add3A_1413 = vector.broadcast %add3A_1412 : i32 to vector<16xi32>
      %add3A_1414 = arith.addi %add3A_1413, %iota3A : vector<16xi32>
      %gather3A_1415 = tpu.vector_load_idx %arg12[%broadcast_in_dim3A_1388, %add3A_1414] : memref<256x128xf32, #tpu.memory_space<vmem>>[vector<16xi32>, vector<16xi32>], vector<16xf32>,
      %slice3A_1416 = vector.extract_strided_slice %get3A_226 {offsets = [14], sizes = [1], strides = [1]} : vector<16xi32> to vector<1xi32>
      %squeeze3A_1417 = vector.extract %slice3A_1416[0] : i32 from vector<1xi32>
      %add3A_1418 = arith.constant 16 : i32
      %add3A_1419 = arith.addi %squeeze3A_1417, %add3A_1418 : i32
      %add3A_1420 = vector.broadcast %add3A_1419 : i32 to vector<16xi32>
      %add3A_1421 = arith.addi %add3A_1420, %iota3A : vector<16xi32>
      %gather3A_1422 = tpu.vector_load_idx %arg13[%broadcast_in_dim3A_1388, %add3A_1421] : memref<256x128xf32, #tpu.memory_space<vmem>>[vector<16xi32>, vector<16xi32>], vector<16xf32>,
      %add3A_1423 = arith.addf %gather3A_1415, %gather3A_1422 : vector<16xf32>
      %add3A_1424 = arith.constant 14 : i32
      %add3A_1425 = arith.addi %mul3A_228, %add3A_1424 : i32
      %swap3A_1426 = arith.index_cast %add3A_1425 : i32 to index
      %swap3A_1427 = arith.constant 16 : index
      %swap3A_1428 = tpu.vector_load %arg14[%swap3A_1426, %swap3A_1427] {strides = array<i32>} : memref<256x64xf32, #tpu.memory_space<vmem>>, vector<16xf32>,
      tpu.vector_store %arg14[%swap3A_1426, %swap3A_1427], %add3A_1423 {strides = array<i32>} : memref<256x64xf32, #tpu.memory_space<vmem>>, vector<16xf32>,
      %slice3A_1429 = vector.extract_strided_slice %get3A_223 {offsets = [14], sizes = [1], strides = [1]} : vector<16xi32> to vector<1xi32>
      %squeeze3A_1430 = vector.extract %slice3A_1429[0] : i32 from vector<1xi32>
      %add3A_1431 = arith.constant 32 : i32
      %add3A_1432 = arith.addi %squeeze3A_1430, %add3A_1431 : i32
      %add3A_1433 = vector.broadcast %add3A_1432 : i32 to vector<16xi32>
      %add3A_1434 = arith.addi %add3A_1433, %iota3A : vector<16xi32>
      %gather3A_1435 = tpu.vector_load_idx %arg12[%broadcast_in_dim3A_1388, %add3A_1434] : memref<256x128xf32, #tpu.memory_space<vmem>>[vector<16xi32>, vector<16xi32>], vector<16xf32>,
      %slice3A_1436 = vector.extract_strided_slice %get3A_226 {offsets = [14], sizes = [1], strides = [1]} : vector<16xi32> to vector<1xi32>
      %squeeze3A_1437 = vector.extract %slice3A_1436[0] : i32 from vector<1xi32>
      %add3A_1438 = arith.constant 32 : i32
      %add3A_1439 = arith.addi %squeeze3A_1437, %add3A_1438 : i32
      %add3A_1440 = vector.broadcast %add3A_1439 : i32 to vector<16xi32>
      %add3A_1441 = arith.addi %add3A_1440, %iota3A : vector<16xi32>
      %gather3A_1442 = tpu.vector_load_idx %arg13[%broadcast_in_dim3A_1388, %add3A_1441] : memref<256x128xf32, #tpu.memory_space<vmem>>[vector<16xi32>, vector<16xi32>], vector<16xf32>,
      %add3A_1443 = arith.addf %gather3A_1435, %gather3A_1442 : vector<16xf32>
      %add3A_1444 = arith.constant 14 : i32
      %add3A_1445 = arith.addi %mul3A_228, %add3A_1444 : i32
      %swap3A_1446 = arith.index_cast %add3A_1445 : i32 to index
      %swap3A_1447 = arith.constant 32 : index
      %swap3A_1448 = tpu.vector_load %arg14[%swap3A_1446, %swap3A_1447] {strides = array<i32>} : memref<256x64xf32, #tpu.memory_space<vmem>>, vector<16xf32>,
      tpu.vector_store %arg14[%swap3A_1446, %swap3A_1447], %add3A_1443 {strides = array<i32>} : memref<256x64xf32, #tpu.memory_space<vmem>>, vector<16xf32>,
      %slice3A_1449 = vector.extract_strided_slice %get3A_223 {offsets = [14], sizes = [1], strides = [1]} : vector<16xi32> to vector<1xi32>
      %squeeze3A_1450 = vector.extract %slice3A_1449[0] : i32 from vector<1xi32>
      %add3A_1451 = arith.constant 48 : i32
      %add3A_1452 = arith.addi %squeeze3A_1450, %add3A_1451 : i32
      %add3A_1453 = vector.broadcast %add3A_1452 : i32 to vector<16xi32>
      %add3A_1454 = arith.addi %add3A_1453, %iota3A : vector<16xi32>
      %gather3A_1455 = tpu.vector_load_idx %arg12[%broadcast_in_dim3A_1388, %add3A_1454] : memref<256x128xf32, #tpu.memory_space<vmem>>[vector<16xi32>, vector<16xi32>], vector<16xf32>,
      %slice3A_1456 = vector.extract_strided_slice %get3A_226 {offsets = [14], sizes = [1], strides = [1]} : vector<16xi32> to vector<1xi32>
      %squeeze3A_1457 = vector.extract %slice3A_1456[0] : i32 from vector<1xi32>
      %add3A_1458 = arith.constant 48 : i32
      %add3A_1459 = arith.addi %squeeze3A_1457, %add3A_1458 : i32
      %add3A_1460 = vector.broadcast %add3A_1459 : i32 to vector<16xi32>
      %add3A_1461 = arith.addi %add3A_1460, %iota3A : vector<16xi32>
      %gather3A_1462 = tpu.vector_load_idx %arg13[%broadcast_in_dim3A_1388, %add3A_1461] : memref<256x128xf32, #tpu.memory_space<vmem>>[vector<16xi32>, vector<16xi32>], vector<16xf32>,
      %add3A_1463 = arith.addf %gather3A_1455, %gather3A_1462 : vector<16xf32>
      %add3A_1464 = arith.constant 14 : i32
      %add3A_1465 = arith.addi %mul3A_228, %add3A_1464 : i32
      %swap3A_1466 = arith.index_cast %add3A_1465 : i32 to index
      %swap3A_1467 = arith.constant 48 : index
      %swap3A_1468 = tpu.vector_load %arg14[%swap3A_1466, %swap3A_1467] {strides = array<i32>} : memref<256x64xf32, #tpu.memory_space<vmem>>, vector<16xf32>,
      tpu.vector_store %arg14[%swap3A_1466, %swap3A_1467], %add3A_1463 {strides = array<i32>} : memref<256x64xf32, #tpu.memory_space<vmem>>, vector<16xf32>,
      %add3A_1469 = arith.constant 15 : i32
      %add3A_1470 = arith.addi %mul3A_228, %add3A_1469 : i32
      %broadcast_in_dim3A_1471 = vector.broadcast %add3A_1470 : i32 to vector<16xi32>
      %slice3A_1472 = vector.extract_strided_slice %get3A_223 {offsets = [15], sizes = [1], strides = [1]} : vector<16xi32> to vector<1xi32>
      %squeeze3A_1473 = vector.extract %slice3A_1472[0] : i32 from vector<1xi32>
      %add3A_1474 = arith.constant 0 : i32
      %add3A_1475 = arith.addi %squeeze3A_1473, %add3A_1474 : i32
      %add3A_1476 = vector.broadcast %add3A_1475 : i32 to vector<16xi32>
      %add3A_1477 = arith.addi %add3A_1476, %iota3A : vector<16xi32>
      %gather3A_1478 = tpu.vector_load_idx %arg12[%broadcast_in_dim3A_1471, %add3A_1477] : memref<256x128xf32, #tpu.memory_space<vmem>>[vector<16xi32>, vector<16xi32>], vector<16xf32>,
      %slice3A_1479 = vector.extract_strided_slice %get3A_226 {offsets = [15], sizes = [1], strides = [1]} : vector<16xi32> to vector<1xi32>
      %squeeze3A_1480 = vector.extract %slice3A_1479[0] : i32 from vector<1xi32>
      %add3A_1481 = arith.constant 0 : i32
      %add3A_1482 = arith.addi %squeeze3A_1480, %add3A_1481 : i32
      %add3A_1483 = vector.broadcast %add3A_1482 : i32 to vector<16xi32>
      %add3A_1484 = arith.addi %add3A_1483, %iota3A : vector<16xi32>
      %gather3A_1485 = tpu.vector_load_idx %arg13[%broadcast_in_dim3A_1471, %add3A_1484] : memref<256x128xf32, #tpu.memory_space<vmem>>[vector<16xi32>, vector<16xi32>], vector<16xf32>,
      %add3A_1486 = arith.addf %gather3A_1478, %gather3A_1485 : vector<16xf32>
      %add3A_1487 = arith.constant 15 : i32
      %add3A_1488 = arith.addi %mul3A_228, %add3A_1487 : i32
      %swap3A_1489 = arith.index_cast %add3A_1488 : i32 to index
      %swap3A_1490 = arith.constant 0 : index
      %swap3A_1491 = tpu.vector_load %arg14[%swap3A_1489, %swap3A_1490] {strides = array<i32>} : memref<256x64xf32, #tpu.memory_space<vmem>>, vector<16xf32>,
      tpu.vector_store %arg14[%swap3A_1489, %swap3A_1490], %add3A_1486 {strides = array<i32>} : memref<256x64xf32, #tpu.memory_space<vmem>>, vector<16xf32>,
      %slice3A_1492 = vector.extract_strided_slice %get3A_223 {offsets = [15], sizes = [1], strides = [1]} : vector<16xi32> to vector<1xi32>
      %squeeze3A_1493 = vector.extract %slice3A_1492[0] : i32 from vector<1xi32>
      %add3A_1494 = arith.constant 16 : i32
      %add3A_1495 = arith.addi %squeeze3A_1493, %add3A_1494 : i32
      %add3A_1496 = vector.broadcast %add3A_1495 : i32 to vector<16xi32>
      %add3A_1497 = arith.addi %add3A_1496, %iota3A : vector<16xi32>
      %gather3A_1498 = tpu.vector_load_idx %arg12[%broadcast_in_dim3A_1471, %add3A_1497] : memref<256x128xf32, #tpu.memory_space<vmem>>[vector<16xi32>, vector<16xi32>], vector<16xf32>,
      %slice3A_1499 = vector.extract_strided_slice %get3A_226 {offsets = [15], sizes = [1], strides = [1]} : vector<16xi32> to vector<1xi32>
      %squeeze3A_1500 = vector.extract %slice3A_1499[0] : i32 from vector<1xi32>
      %add3A_1501 = arith.constant 16 : i32
      %add3A_1502 = arith.addi %squeeze3A_1500, %add3A_1501 : i32
      %add3A_1503 = vector.broadcast %add3A_1502 : i32 to vector<16xi32>
      %add3A_1504 = arith.addi %add3A_1503, %iota3A : vector<16xi32>
      %gather3A_1505 = tpu.vector_load_idx %arg13[%broadcast_in_dim3A_1471, %add3A_1504] : memref<256x128xf32, #tpu.memory_space<vmem>>[vector<16xi32>, vector<16xi32>], vector<16xf32>,
      %add3A_1506 = arith.addf %gather3A_1498, %gather3A_1505 : vector<16xf32>
      %add3A_1507 = arith.constant 15 : i32
      %add3A_1508 = arith.addi %mul3A_228, %add3A_1507 : i32
      %swap3A_1509 = arith.index_cast %add3A_1508 : i32 to index
      %swap3A_1510 = arith.constant 16 : index
      %swap3A_1511 = tpu.vector_load %arg14[%swap3A_1509, %swap3A_1510] {strides = array<i32>} : memref<256x64xf32, #tpu.memory_space<vmem>>, vector<16xf32>,
      tpu.vector_store %arg14[%swap3A_1509, %swap3A_1510], %add3A_1506 {strides = array<i32>} : memref<256x64xf32, #tpu.memory_space<vmem>>, vector<16xf32>,
      %slice3A_1512 = vector.extract_strided_slice %get3A_223 {offsets = [15], sizes = [1], strides = [1]} : vector<16xi32> to vector<1xi32>
      %squeeze3A_1513 = vector.extract %slice3A_1512[0] : i32 from vector<1xi32>
      %add3A_1514 = arith.constant 32 : i32
      %add3A_1515 = arith.addi %squeeze3A_1513, %add3A_1514 : i32
      %add3A_1516 = vector.broadcast %add3A_1515 : i32 to vector<16xi32>
      %add3A_1517 = arith.addi %add3A_1516, %iota3A : vector<16xi32>
      %gather3A_1518 = tpu.vector_load_idx %arg12[%broadcast_in_dim3A_1471, %add3A_1517] : memref<256x128xf32, #tpu.memory_space<vmem>>[vector<16xi32>, vector<16xi32>], vector<16xf32>,
      %slice3A_1519 = vector.extract_strided_slice %get3A_226 {offsets = [15], sizes = [1], strides = [1]} : vector<16xi32> to vector<1xi32>
      %squeeze3A_1520 = vector.extract %slice3A_1519[0] : i32 from vector<1xi32>
      %add3A_1521 = arith.constant 32 : i32
      %add3A_1522 = arith.addi %squeeze3A_1520, %add3A_1521 : i32
      %add3A_1523 = vector.broadcast %add3A_1522 : i32 to vector<16xi32>
      %add3A_1524 = arith.addi %add3A_1523, %iota3A : vector<16xi32>
      %gather3A_1525 = tpu.vector_load_idx %arg13[%broadcast_in_dim3A_1471, %add3A_1524] : memref<256x128xf32, #tpu.memory_space<vmem>>[vector<16xi32>, vector<16xi32>], vector<16xf32>,
      %add3A_1526 = arith.addf %gather3A_1518, %gather3A_1525 : vector<16xf32>
      %add3A_1527 = arith.constant 15 : i32
      %add3A_1528 = arith.addi %mul3A_228, %add3A_1527 : i32
      %swap3A_1529 = arith.index_cast %add3A_1528 : i32 to index
      %swap3A_1530 = arith.constant 32 : index
      %swap3A_1531 = tpu.vector_load %arg14[%swap3A_1529, %swap3A_1530] {strides = array<i32>} : memref<256x64xf32, #tpu.memory_space<vmem>>, vector<16xf32>,
      tpu.vector_store %arg14[%swap3A_1529, %swap3A_1530], %add3A_1526 {strides = array<i32>} : memref<256x64xf32, #tpu.memory_space<vmem>>, vector<16xf32>,
      %slice3A_1532 = vector.extract_strided_slice %get3A_223 {offsets = [15], sizes = [1], strides = [1]} : vector<16xi32> to vector<1xi32>
      %squeeze3A_1533 = vector.extract %slice3A_1532[0] : i32 from vector<1xi32>
      %add3A_1534 = arith.constant 48 : i32
      %add3A_1535 = arith.addi %squeeze3A_1533, %add3A_1534 : i32
      %add3A_1536 = vector.broadcast %add3A_1535 : i32 to vector<16xi32>
      %add3A_1537 = arith.addi %add3A_1536, %iota3A : vector<16xi32>
      %gather3A_1538 = tpu.vector_load_idx %arg12[%broadcast_in_dim3A_1471, %add3A_1537] : memref<256x128xf32, #tpu.memory_space<vmem>>[vector<16xi32>, vector<16xi32>], vector<16xf32>,
      %slice3A_1539 = vector.extract_strided_slice %get3A_226 {offsets = [15], sizes = [1], strides = [1]} : vector<16xi32> to vector<1xi32>
      %squeeze3A_1540 = vector.extract %slice3A_1539[0] : i32 from vector<1xi32>
      %add3A_1541 = arith.constant 48 : i32
      %add3A_1542 = arith.addi %squeeze3A_1540, %add3A_1541 : i32
      %add3A_1543 = vector.broadcast %add3A_1542 : i32 to vector<16xi32>
      %add3A_1544 = arith.addi %add3A_1543, %iota3A : vector<16xi32>
      %gather3A_1545 = tpu.vector_load_idx %arg13[%broadcast_in_dim3A_1471, %add3A_1544] : memref<256x128xf32, #tpu.memory_space<vmem>>[vector<16xi32>, vector<16xi32>], vector<16xf32>,
      %add3A_1546 = arith.addf %gather3A_1538, %gather3A_1545 : vector<16xf32>
      %add3A_1547 = arith.constant 15 : i32
      %add3A_1548 = arith.addi %mul3A_228, %add3A_1547 : i32
      %swap3A_1549 = arith.index_cast %add3A_1548 : i32 to index
      %swap3A_1550 = arith.constant 48 : index
      %swap3A_1551 = tpu.vector_load %arg14[%swap3A_1549, %swap3A_1550] {strides = array<i32>} : memref<256x64xf32, #tpu.memory_space<vmem>>, vector<16xf32>,
      tpu.vector_store %arg14[%swap3A_1549, %swap3A_1550], %add3A_1546 {strides = array<i32>} : memref<256x64xf32, #tpu.memory_space<vmem>>, vector<16xf32>,
      %scan3A_1552 = arith.constant 0 : i32
      scf.yield %scan3A_1552 : i32
    }
    %scan3A_177 = arith.constant 16 : i32
    %mul3A_178 = arith.constant 512 : i32
    %mul3A_179 = arith.muli %add3A, %mul3A_178 : i32
    %add3A_180 = arith.constant 256 : i32
    %add3A_181 = arith.addi %mul3A_179, %add3A_180 : i32
    "tpu.region"() ({
      %run_scoped3A = tpu.sem_alloc : memref<!tpu.dma_semaphore, #tpu.memory_space<semaphore_mem>>
      %dma_start3A_182 = arith.constant 0 : i32
      %dma_start3A_183 = tpu.memref_slice %arg7[%add3A_181, %dma_start3A_182] : memref<16384x64xf32, #tpu.memory_space<hbm>> -> memref<256x64xf32, #tpu.memory_space<hbm>>
      %dma_start3A_184 = arith.constant 0 : i32
      %dma_start3A_185 = tpu.memref_slice %arg7[%add3A_181, %dma_start3A_184] : memref<16384x64xf32, #tpu.memory_space<hbm>> -> memref<256x64xf32, #tpu.memory_space<hbm>>
      tpu.enqueue_dma source(%arg14 : memref<256x64xf32, #tpu.memory_space<vmem>>) target(%dma_start3A_185 : memref<256x64xf32, #tpu.memory_space<hbm>>) target_semaphore(%run_scoped3A : memref<!tpu.dma_semaphore, #tpu.memory_space<semaphore_mem>>)
      %dma_wait3A_186 = arith.constant 0 : i32
      %dma_wait3A_187 = tpu.memref_slice %arg7[%add3A_181, %dma_wait3A_186] : memref<16384x64xf32, #tpu.memory_space<hbm>> -> memref<256x64xf32, #tpu.memory_space<hbm>>
      %dma_wait3A_188 = arith.constant 0 : i32
      %dma_wait3A_189 = tpu.memref_slice %arg7[%add3A_181, %dma_wait3A_188] : memref<16384x64xf32, #tpu.memory_space<hbm>> -> memref<256x64xf32, #tpu.memory_space<hbm>>
      tpu.wait_dma2 semaphore(%run_scoped3A : memref<!tpu.dma_semaphore, #tpu.memory_space<semaphore_mem>>) src(%arg14 : memref<256x64xf32, #tpu.memory_space<vmem>>) dst(%dma_wait3A_189 : memref<256x64xf32, #tpu.memory_space<hbm>>)
      tpu.yield
    }) : () -> ()
    return
  }
}

module attributes {stable_mosaic.version = 14 : i64} {
  func.func @_transpose_kernel(%arg0: i32, %arg1: memref<64x4096xf32, #tpu.memory_space<vmem>>, %arg2: memref<2048x128xf32, #tpu.memory_space<vmem>>) attributes {dimension_semantics = [#tpu.dimension_semantics<parallel>], iteration_bounds = array<i64: 245>, scalar_prefetch = 0 : i64, scratch_operands = 0 : i64, tpu.core_type = #tpu.core_type<tc>, window_params = [{transform_indices = @transform_0, window_bounds = array<i64: 64, 4096>}, {transform_indices = @transform_1, window_bounds = array<i64: 2048, 128>}]} {
    %get3A = arith.constant 0 : index
    %get3A_0 = arith.constant 0 : index
    %get3A_1 = vector.load %arg1[%get3A, %get3A_0] : memref<64x4096xf32, #tpu.memory_space<vmem>>, vector<64x4096xf32>
    %transpose3A = tpu.transpose %get3A_1, [1, 0] : vector<64x4096xf32> -> vector<4096x64xf32>
    %slice3A = vector.extract_strided_slice %transpose3A {offsets = [0, 0], sizes = [2048, 64], strides = [1, 1]} : vector<4096x64xf32> to vector<2048x64xf32>
    %swap3A = arith.constant 0 : index
    %swap3A_2 = arith.constant 0 : index
    %swap3A_3 = vector.load %arg2[%swap3A, %swap3A_2] : memref<2048x128xf32, #tpu.memory_space<vmem>>, vector<2048x64xf32>
    tpu.vector_store %arg2[%swap3A, %swap3A_2], %slice3A {strides = array<i32>} : memref<2048x128xf32, #tpu.memory_space<vmem>>, vector<2048x64xf32>,
    %slice3A_4 = vector.extract_strided_slice %transpose3A {offsets = [2048, 0], sizes = [2048, 64], strides = [1, 1]} : vector<4096x64xf32> to vector<2048x64xf32>
    %swap3A_5 = arith.constant 0 : index
    %swap3A_6 = arith.constant 64 : index
    %swap3A_7 = vector.load %arg2[%swap3A_5, %swap3A_6] : memref<2048x128xf32, #tpu.memory_space<vmem>>, vector<2048x64xf32>
    tpu.vector_store %arg2[%swap3A_5, %swap3A_6], %slice3A_4 {strides = array<i32>} : memref<2048x128xf32, #tpu.memory_space<vmem>>, vector<2048x64xf32>,
    return
  }
  func.func @transform_0(%arg0: i32) -> (i32, i32) {
    %c0_i32 = arith.constant 0 : i32
    %c0_i32_0 = arith.constant 0 : i32
    return %c0_i32, %arg0 : i32, i32
  }
  func.func @transform_1(%arg0: i32) -> (i32, i32) {
    %c0_i32 = arith.constant 0 : i32
    %c0_i32_0 = arith.constant 0 : i32
    return %arg0, %c0_i32 : i32, i32
  }
}

</mosaic_0001>

<sc_bundles>
// kernel: _gather_add.4.cloned.1.call-start
scs
__scs_entry_jumppad:
0x0: {  	(pc) =	sbr.rel $0x88, $3  }
0x1: {  	(tag) =	ssettag $0x0;
	lr =	simm.s32 $0x1  }
0x2: {  	[smem:$0x3F9C] =	sst lr;
	_ =	strace $0xD0000000  }
0x3: {  	_ = 	snop  }
0x4: {  	_ = 	snop  }
0x5: {  	_ = 	snop  }
0x6: {  	_ = 	snop  }
0x7: {  	_ = 	snop  }
__scs_overlays_trampoline_lowered:
0x8: {  	[smem:$0x3FAB] =	sst s0  }
0x9: {  	[smem:$0x3FAC] =	sst s1  }
0xa: {  	[smem:$0x3FAD] =	sst s2  }
0xb: {  	[smem:$0x3FAE] =	sst s3  }
0xc: {  	[smem:$0x3FAF] =	sst s4  }
0xd: {  	[smem:$0x3FB0] =	sst s5  }
0xe: {  	[smem:$0x3FB1] =	sst s6  }
0xf: {  	[smem:$0x3FB2] =	sst s7  }
0x10: {  	[smem:$0x3FB3] =	sst s8  }
0x11: {  	[smem:$0x3FB4] =	sst s9;
	s0 =	simm.s32 @!p0 $0x0  }
0x12: {  	s1 =	sld [smem:$0x3F9A];
	s0 =	simm.s32 @p0 $0x1  }
0x13: {  	[smem:$0x3FB5] =	sst s0;
	s0 =	simm.s32 @!p1 $0x0  }
0x14: {  	s2 =	sld [smem:$0x3F99];
	s0 =	simm.s32 @p1 $0x1  }
0x15: {  	[smem:$0x3FB6] =	sst s0;
	s0 =	simm.s32 @!p2 $0x0  }
0x16: {  	s3 =	sld [smem:$0x3FDB];
	s0 =	simm.s32 @p2 $0x1  }
0x17: {  	s4 =	simm.s32 $0x1BF5;
	[smem:$0x3FB8] =	sst s0  }
0x18: {  	s0 =	sld [smem:$0x3F9B];
	_ =	swait.ge [sflag:s4], $0x0  }
0x19: {  	s7 =	sld [smem:$0x3F9C]  }
0x1a: {  	s8 =	sadd.s32 $0xFFFFE003, lr  }
0x1b: {  	s9 =	sadd.s32 $0xFFFFFEF7, lr;
	s5 =	simm.s32 $0xFFFFFFFF;
	p2 =	slt.u32 s8, $0xFFFFF086  }
0x1c: {  	p1 =	slt.u32 s9, $0xF7A;
	s5 =	simm.s32 @!p2 $0x0  }
0x1d: {  	s5 =	simm.s32 @p1 $0x1;
	p0 =	seq.s32 s7, s2  }
0x1e: {  	s7 =	smul.u32 @!p0 $0xF7A, s2;
	p2 =	seq.s32 @!p0 s5, $0x0  }
0x1f: {  	s9 =	smul.u32 $0xF7A, s1;
	s8 =	simm.s32 @!p0 $0x1BF5;
	p2 =	por !p2, p0  }
0x20: {  	[sflag:s8] =	ssyncset.s32 @!p0 $0xFFFFF086;
	s6 =	sadd.s32 @!p0 s3, s7;
	s7 =	simm.s32 @!p0 $0x108  }
0x21: {  	s3 =	sadd.s32 s3, s9;
	s6 =	sadd.s32 @!p0 $0x88, s6;
	s7 =	simm.s32 @p2 $0x1082  }
0x22: {  	[simem:s7], [sflag:s8] =	dma.local @!p0 [hbm:s6], $0xF7A  }
0x23: {  	s9 =	sor.u32 $0xD0000000, s2;
	s6 =	simm.s32 $0x108;
	_ =	swait.ge @!p0 [sflag:s8], $0x0  }
0x24: {  	s3 =	sadd.s32 $0x88, s3;
	s6 =	simm.s32 @!p1 $0x1082;
	[sflag:s4] =	ssyncset.s32 $0xFFFFF086  }
0x25: {  	[simem:s6], [sflag:s4] =	dma.local [hbm:s3], $0xF7A  }
0x26: {  	[smem:$0x3F9C] =	sst s1;
	(tag) =	ssettag s2;
	_ =	strace s9  }
0x27: {  	s1 =	sld [smem:$0x3FAC]  }
0x28: {  	s2 =	sld [smem:$0x3FAD]  }
0x29: {  	s4 =	sld [smem:$0x3FAF]  }
0x2a: {  	p0 =	seq.s32 s5, $0x0;
	s5 =	sld [smem:$0x3FB0]  }
0x2b: {  	s6 =	sld [smem:$0x3FB1]  }
0x2c: {  	s7 =	sld [smem:$0x3FB2]  }
0x2d: {  	s3 =	simm.s32 $0x108;
	s8 =	sld [smem:$0x3FB3]  }
0x2e: {  	s3 =	simm.s32 @!p0 $0x1082;
	s9 =	sld [smem:$0x3FB4]  }
0x2f: {  	lr =	sadd.s32 s0, s3;
	s0 =	sld [smem:$0x3FAB]  }
0x30: {  	s3 =	sld [smem:$0x3FAE]  }
0x31: {  	[smem:$0x3FB7] =	sst s10  }
0x32: {  	s10 =	sld [smem:$0x3FB5];
	_ =	sdelay $0x3  }
0x33: {  	p0 =	seq.s32 s10, $0x1;
	s10 =	sld [smem:$0x3FB7];
	_ =	sdelay $0x3  }
0x34: {  	[smem:$0x3FB7] =	sst s10  }
0x35: {  	s10 =	sld [smem:$0x3FB6];
	_ =	sdelay $0x3  }
0x36: {  	p1 =	seq.s32 s10, $0x1;
	s10 =	sld [smem:$0x3FB7];
	_ =	sdelay $0x3  }
0x37: {  	[smem:$0x3FB7] =	sst s10  }
0x38: {  	s10 =	sld [smem:$0x3FB8]  }
0x39: {  	_ = 	snop;
	(pc) =	sbr.ind lr, $3  }
0x3a: {  	_ = 	snop  }
0x3b: {  	_ = 	snop  }
0x3c: {  	p2 =	seq.s32 s10, $0x1;
	s10 =	sld [smem:$0x3FB7]  }
0x3d: {  	_ =	shalt  }
0x3e: {  	_ =	shalt  }
0x3f: {  	_ =	shalt  }
0x40: {  	_ =	shalt  }
0x41: {  	_ =	shalt  }
0x42: {  	_ =	shalt  }
0x43: {  	_ =	shalt  }
0x44: {  	_ =	shalt  }
0x45: {  	_ =	shalt  }
0x46: {  	_ =	shalt  }
0x47: {  	_ =	shalt  }
0x48: {  	_ =	shalt  }
0x49: {  	_ =	shalt  }
0x4a: {  	_ =	shalt  }
0x4b: {  	_ =	shalt  }
0x4c: {  	_ =	shalt  }
0x4d: {  	_ =	shalt  }
0x4e: {  	_ =	shalt  }
0x4f: {  	_ =	shalt  }
0x50: {  	_ =	shalt  }
0x51: {  	_ =	shalt  }
0x52: {  	_ =	shalt  }
0x53: {  	_ =	shalt  }
0x54: {  	_ =	shalt  }
0x55: {  	_ =	shalt  }
0x56: {  	_ =	shalt  }
0x57: {  	_ =	shalt  }
0x58: {  	_ =	shalt  }
0x59: {  	_ =	shalt  }
0x5a: {  	_ =	shalt  }
0x5b: {  	_ =	shalt  }
0x5c: {  	_ =	shalt  }
0x5d: {  	_ =	shalt  }
0x5e: {  	_ =	shalt  }
0x5f: {  	_ =	shalt  }
0x60: {  	_ =	shalt  }
0x61: {  	_ =	shalt  }
0x62: {  	_ =	shalt  }
0x63: {  	_ =	shalt  }
0x64: {  	_ =	shalt  }
0x65: {  	_ =	shalt  }
0x66: {  	_ =	shalt  }
0x67: {  	_ =	shalt  }
0x68: {  	_ =	shalt  }
0x69: {  	_ =	shalt  }
0x6a: {  	_ =	shalt  }
0x6b: {  	_ =	shalt  }
0x6c: {  	_ =	shalt  }
0x6d: {  	_ =	shalt  }
0x6e: {  	_ =	shalt  }
0x6f: {  	_ =	shalt  }
0x70: {  	_ =	shalt  }
0x71: {  	_ =	shalt  }
0x72: {  	_ =	shalt  }
0x73: {  	_ =	shalt  }
0x74: {  	_ =	shalt  }
0x75: {  	_ =	shalt  }
0x76: {  	_ =	shalt  }
0x77: {  	_ =	shalt  }
0x78: {  	_ =	shalt  }
0x79: {  	_ =	shalt  }
0x7a: {  	_ =	shalt  }
0x7b: {  	_ =	shalt  }
0x7c: {  	_ =	shalt  }
0x7d: {  	_ =	shalt  }
0x7e: {  	_ =	shalt  }
0x7f: {  	_ =	shalt  }
0x80: {  	_ =	shalt  }
0x81: {  	_ =	shalt  }
0x82: {  	_ =	shalt  }
0x83: {  	_ =	shalt  }
0x84: {  	_ =	shalt  }
0x85: {  	_ =	shalt  }
0x86: {  	_ =	shalt  }
0x87: {  	_ =	shalt  }
.Lfunc_end0:
.L_simem_size_0:
called_computation_lowered:
.L_overlay_start_0:
0x88: {  	s2 =	sld [smem:$0x3FD9]  }
0x89: {  	s3 =	sld [smem:$0x3FFE];
	_ =	sdelay $0x1  }
0x8a: {  	s1 =	srdreg.scid  }
0x8b: {  	s0 =	sand.u32 $0x1, s1  }
0x8c: {  	s17 =	sshll.u32 s0, $0xA;
	s2 =	sadd.s32 s3, s2  }
0x8d: {  	s2 =	sadd.s32 s2, s17  }
0x8e: {  	[smem:$0x3FC3] =	sst s2  }
0x8f: {  	_ = 	snop  }
0x90: {  	s2 =	sld [smem:$0x3FC9]  }
0x91: {  	s18 =	sld [smem:$0x3FC8]  }
0x92: {  	s4 =	sld [smem:$0x3FC7]  }
0x93: {  	s5 =	sld [smem:$0x3FC6];
	(tm) =	ssettm $0x1  }
0x94: {  	s6 =	sld [smem:$0x3FFB];
	_ =	sdelay $0x3  }
0x95: {  	_ =	strace s6  }
0x96: {  	s6 =	sld [smem:$0x3FFC];
	_ =	sdelay $0x3  }
0x97: {  	_ =	strace s6  }
0x98: {  	s6 =	sld [smem:$0x3FFD];
	_ =	sdelay $0x3  }
0x99: {  	_ =	strace s6  }
0x9a: {  	_ =	strace $0x8FFFFFFF  }
0x9b: {  	s19 =	sld [smem:$0x3FDB];
	_ =	sdelay $0x1  }
0x9c: {  	s7 =	simm.s32 $_scs_section_size  }
0x9d: {  	s8 =	simm.s32 $_size__tile_overlayer_lowered;
	s9 =	simm.s32 $_tile_overlayer_lowered  }
0x9e: {  	s22 =	simm.s32 $0x1BFF;
	s21 =	sshll.u32 s9, $0x1;
	s6 =	sadd.s32 s7, s19  }
0x9f: {  	s10 =	simm.s32 $0x0;
	s20 =	sshll.u32 s8, $0x1;
	s8 =	sadd.s32 s21, s6  }
0xa0: {  	[timem:s10], [sflag:s22] =	dma.local [hbm:s8], s20  }
0xa1: {  	_ =	swait.ge [sflag:s22], s20  }
0xa2: {  	s7 =	ssub.s32 $0x0, s20;
	[sflag:s22] =	ssyncset.done $0x0  }
0xa3: {  	[sflag:s22] =	ssyncadd.s32 s7;
	_ =	sdelay $0x1  }
0xa4: {  	s23 =	simm.s32 $0x1B8B  }
0xa5: {  	_ =	swait.ge [sflag:s23], $0x1  }
0xa6: {  	[sflag:s23] =	ssyncset.done $0x0  }
0xa7: {  	s25 =	simm.s32 $0x1B8E;
	s24 =	sld [smem:$0x3FFE];
	[sflag:s23] =	ssyncadd.s32 $0xFFFFFFFF  }
0xa8: {  	s26 =	simm.s32 $execute0_lowered;
	[smem:$0x3FD2] =	sst s25  }
0xa9: {  	s8 =	sshll.u32 s26, $0x1;
	_ =	strace $0x80000046;
	[dreg:$0x1] =	wrdreg $0xFFFFFFFF  }
0xaa: {  	s28 =	simm.s32 $_size_execute0_lowered;
	s6 =	sadd.s32 s6, s8;
	[dreg:$0x0] =	wrdreg $0x0  }
0xab: {  	s8 =	sshll.u32 s28, $0x1;
	[dreg:$0x2] =	wrdreg s6  }
0xac: {  	[dreg:$0x3] =	wrdreg s8  }
0xad: {  	[dreg:$0x4] =	wrdreg $0xC0  }
0xae: {  	_ =	task [dreg:s10], $0x5FFFF  }
0xaf: {  	[dreg:$0x1] =	wrdreg $0xFFFFFFFF  }
0xb0: {  	[dreg:$0x0] =	wrdreg $0x60  }
0xb1: {  	[dreg:$0x2] =	wrdreg s2  }
0xb2: {  	[dreg:$0x3] =	wrdreg s18  }
0xb3: {  	[dreg:$0x4] =	wrdreg s4  }
0xb4: {  	[dreg:$0x5] =	wrdreg s5  }
0xb5: {  	[dreg:$0x6] =	wrdreg s24  }
0xb6: {  	[dreg:$0x7] =	wrdreg $0x9  }
0xb7: {  	_ =	task.clear_ibuf [dreg:s10], $0x8FFFF;
	_ =	strace $0x90000046  }
0xb8: {  	s29 =	simm.s32 $0x9;
	_ =	strace $0x80000048  }
0xb9: {  	_ =	swait.ge [sflag:s29], $0x1  }
0xba: {  	[sflag:s29] =	ssyncadd.s32 $0xFFFFFFFF  }
0xbb: {  	_ =	strace $0x90000048  }
0xbc: {  	_ =	sfence  }
0xbd: {  	s30 =	sld [smem:$0x0];
	_ =	sdelay $0x2  }
0xbe: {  	s31 =	sshll.u32 s1, $0xD;
	s1 =	sshrl.u32 s1, $0x2  }
0xbf: {  	s3 =	sand.u32 $0x4000, s31;
	s1 =	sadd.s32 s1, s30  }
0xc0: {  	s0 =	sor.u32 s3, s0;
	s1 =	sshll.u32 s1, $0x11  }
0xc1: {  	s0 =	sor.u32 s1, s0  }
0xc2: {  	s0 =	sadd.s32 $0x8F2B, s0  }
0xc3: {  	[sflag:s0] =	ssyncadd.remote.s32 $0x1  }
0xc4: {  	_ =	sfence.sel $0xFFFF  }
0xc5: {  	[dreg:$0x0] =	wrdreg $0xFFFFFFFF;
	(pc) =	sbr.abs _section_cstart, $3  }
0xc6: {  	[dreg:$0x1] =	wrdreg $0xFFFFFFFF  }
0xc7: {  	_ =	task.clear_ibuf [dreg:s10], $0x2FFFF;
	_ =	strace $0x9FFFFFFF  }
0xc8: {  	(tm) =	ssettm $0x7FFFFFFF  }
0xc9: {  	_ =	shalt  }
tec
execute0_lowered:
.L_overlay_start_1:
0x0: {  	(tag) =	ssettag $0x1  }
0x1: {  	s4 =	rddreg [dreg:$0x0]  }
0x2: {  	s5 =	rddreg [dreg:$0x1]  }
0x3: {  	s6 =	rddreg [dreg:$0x2]  }
0x4: {  	s7 =	rddreg [dreg:$0x3]  }
0x5: {  	s8 =	rddreg [dreg:$0x4];
	s2 =	simm.s32 $0x0  }
0x6: {  	s3 =	srdreg.scid;
	s0 =	stileid.u32;
	s14 =	simm.s32 $0x800  }
0x7: {  	s15 =	simm.s32 $0x8800;
	s16 =	simm.s32 $0x4800;
	s18 =	simm.s32 $0xC800  }
0x8: {  	s19 =	simm.s32 $0x1;
	s20 =	simm.s32 $0x10800;
	s22 =	simm.s32 $0x300  }
0x9: {  	s23 =	simm.s32 $0x180;
	s24 =	simm.s32 $0x380;
	s25 =	simm.s32 $0x0  }
0xa: {  	[smem:$0x7FF] =	sst s2;
	s9 =	sand.u32 $0x1, s3;
	s3 =	sadd.s32 $0x400, s8  }
0xb: {  	s10 =	sshll.u32 s0, $0xE;
	s13 =	sshll.u32 s0, $0x7;
	_ =	strace $0x80000047  }
0xc: {  	s11 =	sshll.u32 s9, $0xD;
	s12 =	ssub.s32 $0x2, s9;
	s9 =	sshll.u32 s9, $0x6  }
0xd: {  	s10 =	sor.u32 s11, s10;
	s31 =	sshrl.u32 s12, $0x1;
	s9 =	sor.u32 s9, s13  }
0xe: {  	s13 =	simm.s32 $0x80;
	s10 =	sadd.s32 s10, s8;
	s11 =	ssub.s32 s12, s31  }
0xf: {  	s4 =	sadd.s32 s4, s9;
	s5 =	sadd.s32 s5, s9;
	s6 =	sadd.s32 s6, s9  }
0x10: {  	s7 =	sadd.s32 s7, s9;
	s12 =	simm.s32 $0x200;
	s8 =	sadd.s32 $0x7A8400, s10  }
0x11: {  	v0 =	vlaneseq.u32;
	s9 =	sadd.s32 $0x7A9400, s10;
	s10 =	smax.u32 s11, $0x1;
	s11 =	simm.s32 $0x2  }
.LBB2_1:
0x12: {  	[tilespmem:s2], [sflag:$0x2] =	stream.linear.gather [hbm4b:s4+s2], $0x200, $0x38;
	[tilespmem:$0x18800] =	vst v63  }
0x13: {  	_ =	swait.ge [sflag:s11], $0x200  }
0x14: {  	[sflag:s11] =	ssyncset.done $0x0  }
0x15: {  	[sflag:s11] =	ssyncadd.s32 $0xFFFFFE00  }
0x16: {  	[tilespmem:s12], [sflag:$0x2] =	stream.linear.gather [hbm4b:s5+s2], $0x200, $0x38;
	[tilespmem:$0x18800] =	vst v63  }
0x17: {  	_ =	swait.ge [sflag:s11], $0x200  }
0x18: {  	[sflag:s11] =	ssyncset.done $0x0  }
0x19: {  	s26 =	simm.s32 $0x400;
	[sflag:s11] =	ssyncadd.s32 $0xFFFFFE00  }
0x1a: {  	[tilespmem:s26], [sflag:$0x2] =	stream.linear.gather [hbm4b:s6+s2], $0x200, $0x38;
	[tilespmem:$0x18800] =	vst v63  }
0x1b: {  	_ =	swait.ge [sflag:s11], $0x200  }
0x1c: {  	[sflag:s11] =	ssyncset.done $0x0  }
0x1d: {  	s28 =	simm.s32 $0x600;
	[sflag:s11] =	ssyncadd.s32 $0xFFFFFE00  }
0x1e: {  	[tilespmem:s28], [sflag:$0x2] =	stream.linear.gather [hbm4b:s7+s2], $0x200, $0x38;
	[tilespmem:$0x18800] =	vst v63  }
0x1f: {  	_ =	swait.ge [sflag:s11], $0x200  }
0x20: {  	[sflag:s11] =	ssyncset.done $0x0  }
0x21: {  	[sflag:s11] =	ssyncadd.s32 $0xFFFFFE00  }
0x22: {  	[tilespmem:s14], [sflag:$0x1] =	stream.indirect.gather [hbm4b:s3+s13], $0x80, s2, s13, $0xb8;
	[tilespmem:$0x18800] =	vst v63  }
0x23: {  	_ = 	snop  }
0x24: {  	[tilespmem:s15], [sflag:$0x1] =	stream.indirect.gather [hbm4b:s3+s13], $0x80, s12, s13, $0xb8;
	[tilespmem:$0x18800] =	vst v63  }
0x25: {  	_ = 	snop  }
0x26: {  	[tilespmem:s16], [sflag:$0x1] =	stream.indirect.gather [hbm4b:s3+s13], $0x80, s13, s13, $0xb8;
	[tilespmem:$0x18800] =	vst v63  }
0x27: {  	s0 =	simm.s32 $0x280  }
0x28: {  	[tilespmem:s18], [sflag:$0x1] =	stream.indirect.gather [hbm4b:s3+s13], $0x80, s0, s13, $0xb8;
	[tilespmem:$0x18800] =	vst v63  }
0x29: {  	_ =	swait.ge [sflag:s19], $0x4000  }
0x2a: {  	[sflag:s19] =	ssyncset.done $0x0  }
0x2b: {  	[sflag:s19] =	ssyncadd.s32 $0xFFFFC000  }
0x2c: {  	_ =	swait.ge [sflag:s19], $0x4000  }
0x2d: {  	[sflag:s19] =	ssyncset.done $0x0  }
0x2e: {  	[sflag:s19] =	ssyncadd.s32 $0xFFFFC000  }
0x2f: {  	_ =	swait.ge [sflag:s19], $0x4000  }
0x30: {  	[sflag:s19] =	ssyncset.done $0x0  }
0x31: {  	[sflag:s19] =	ssyncadd.s32 $0xFFFFC000  }
0x32: {  	_ =	swait.ge [sflag:s19], $0x4000  }
0x33: {  	[sflag:s19] =	ssyncset.done $0x0  }
0x34: {  	s29 =	simm.s32 $0xF;
	s30 =	simm.s32 $0x10C00;
	[sflag:s19] =	ssyncadd.s32 $0xFFFFC000  }
.LBB2_2:
0x35: {  	v2 =	vld [tilespmem:s26+$0x0]  }
0x36: {  	v1 =	vld [tilespmem:s28+$0x0];
	_ =	sdelay $0x3  }
0x37: {  	(v2sf) =	vpush v2, $0x0  }
0x38: {  	(v2sf) =	vpush v1, $0x0;
	_ =	sdelay $0x4  }
0x39: {  	v3 =	vbroadcast v2, $0x0  }
0x3a: {  	v4 =	vbroadcast v1, $0x0  }
0x3b: {  	s31 =	sshll.u32 s29, $0x7;
	v3 =	vadd.s32 v0, v3  }
0x3c: {  	s0 =	sadd.s32 $0xFFFFF880, s31;
	v4 =	vadd.s32 v0, v4;
	v5 =	vand.u32 $0xFFFFFF80, v3  }
0x3d: {  	v3 =	vand.u32 $0x7F, v3;
	v6 =	vand.u32 $0xFFFFFF80, v4;
	v5 =	vadd.s32 s0, v5  }
0x3e: {  	v4 =	vand.u32 $0x7F, v4;
	v58 =	vadd.s32 s0, v6;
	v3 =	vor.u32 v3, v5  }
0x3f: {  	v4 =	vor.u32 v4, v58;
	_ =	sdelay $0x2  }
0x40: {  	s1 =	spop (v2sf)  }
0x41: {  	v3 =	vld.idx.msk [tilespmem:v3+s14+$0x0], $0xffff;
	s17 =	spop (v2sf);
	s21 =	sadd.s32 $0x10, s1  }
0x42: {  	v4 =	vld.idx.msk [tilespmem:v4+s15+$0x0], $0xffff;
	v59 =	vadd.s32 s21, v0;
	s21 =	sadd.s32 $0x10, s17  }
0x43: {  	v60 =	vand.u32 $0xFFFFFF80, v59;
	v7 =	vadd.s32 s21, v0  }
0x44: {  	v5 =	vand.u32 $0x7F, v59;
	v6 =	vadd.s32 s0, v60;
	v8 =	vand.u32 $0xFFFFFF80, v7  }
0x45: {  	v61 =	vand.u32 $0x7F, v7;
	v5 =	vor.u32 v5, v6;
	v62 =	vadd.s32 s0, v8  }
0x46: {  	v6 =	vor.u32 v61, v62  }
0x47: {  	v3 =	vadd.f32 v4, v3;
	_ =	sdelay $0x1  }
0x48: {  	[tilespmem:s30+$0xFFFFFC00] =	vst v3  }
0x49: {  	s21 =	sadd.s32 $0x20, s1;
	v3 =	vld.idx.msk [tilespmem:v5+s14+$0x0], $0xffff  }
0x4a: {  	v12 =	vadd.s32 s21, v0;
	s21 =	sadd.s32 $0x20, s17;
	v63 =	vld.idx.msk [tilespmem:v6+s15+$0x0], $0xffff  }
0x4b: {  	v13 =	vand.u32 $0xFFFFFF80, v12;
	v14 =	vadd.s32 s21, v0  }
0x4c: {  	v15 =	vand.u32 $0xFFFFFF80, v14;
	v5 =	vand.u32 $0x7F, v12;
	v6 =	vadd.s32 s0, v13  }
0x4d: {  	v16 =	vand.u32 $0x7F, v14;
	v17 =	vadd.s32 s0, v15;
	v5 =	vor.u32 v5, v6  }
0x4e: {  	v6 =	vor.u32 v16, v17  }
0x4f: {  	v3 =	vadd.f32 v63, v3;
	_ =	sdelay $0x1  }
0x50: {  	[tilespmem:s30+$0xFFFFFC10] =	vst v3  }
0x51: {  	s1 =	sadd.s32 $0x30, s1;
	v3 =	vld.idx.msk [tilespmem:v5+s14+$0x0], $0xffff  }
0x52: {  	(v2sf) =	vpush v2, $0x1;
	v18 =	vadd.s32 s1, v0;
	s17 =	sadd.s32 $0x30, s17;
	v19 =	vld.idx.msk [tilespmem:v6+s15+$0x0], $0xffff  }
0x53: {  	(v2sf) =	vpush v1, $0x1;
	v20 =	vand.u32 $0xFFFFFF80, v18;
	v21 =	vadd.s32 s17, v0  }
0x54: {  	v4 =	vand.u32 $0x7F, v18;
	v22 =	vand.u32 $0xFFFFFF80, v21;
	v6 =	vadd.s32 s0, v20  }
0x55: {  	v23 =	vand.u32 $0x7F, v21;
	v24 =	vadd.s32 s0, v22;
	v4 =	vor.u32 v4, v6  }
0x56: {  	v6 =	vor.u32 v23, v24  }
0x57: {  	v3 =	vadd.f32 v19, v3;
	_ =	sdelay $0x1  }
0x58: {  	v25 =	vbroadcast v1, $0x1;
	[tilespmem:s30+$0xFFFFFC20] =	vst v3  }
0x59: {  	v3 =	vbroadcast v2, $0x1;
	v4 =	vld.idx.msk [tilespmem:v4+s14+$0x0], $0xffff  }
0x5a: {  	v5 =	vadd.s32 v0, v25;
	v6 =	vld.idx.msk [tilespmem:v6+s15+$0x0], $0xffff  }
0x5b: {  	s0 =	sadd.s32 $0xFFFFF900, s31;
	v27 =	vand.u32 $0xFFFFFF80, v5;
	v3 =	vadd.s32 v0, v3  }
0x5c: {  	v5 =	vand.u32 $0x7F, v5;
	v28 =	vadd.s32 s0, v27;
	v26 =	vand.u32 $0xFFFFFF80, v3  }
0x5d: {  	v5 =	vor.u32 v5, v28;
	v3 =	vand.u32 $0x7F, v3;
	v7 =	vadd.s32 s0, v26  }
0x5e: {  	v3 =	vor.u32 v3, v7  }
0x5f: {  	v4 =	vadd.f32 v6, v4;
	_ =	sdelay $0x1  }
0x60: {  	s1 =	spop (v2sf);
	[tilespmem:s30+$0xFFFFFC30] =	vst v4  }
0x61: {  	s17 =	spop (v2sf);
	s21 =	sadd.s32 $0x10, s1;
	v4 =	vld.idx.msk [tilespmem:v5+s15+$0x0], $0xffff  }
0x62: {  	v29 =	vadd.s32 s21, v0;
	s21 =	sadd.s32 $0x10, s17;
	v3 =	vld.idx.msk [tilespmem:v3+s14+$0x0], $0xffff  }
0x63: {  	v30 =	vand.u32 $0xFFFFFF80, v29;
	v31 =	vadd.s32 s21, v0  }
0x64: {  	v32 =	vand.u32 $0xFFFFFF80, v31;
	v6 =	vadd.s32 s0, v30;
	v5 =	vand.u32 $0x7F, v29  }
0x65: {  	v33 =	vand.u32 $0x7F, v31;
	v34 =	vadd.s32 s0, v32;
	v5 =	vor.u32 v5, v6  }
0x66: {  	v6 =	vor.u32 v33, v34  }
0x67: {  	v3 =	vadd.f32 v4, v3;
	_ =	sdelay $0x1  }
0x68: {  	[tilespmem:s30+$0xFFFFFC80] =	vst v3  }
0x69: {  	s21 =	sadd.s32 $0x20, s1;
	v3 =	vld.idx.msk [tilespmem:v5+s14+$0x0], $0xffff  }
0x6a: {  	v36 =	vadd.s32 s21, v0;
	s21 =	sadd.s32 $0x20, s17;
	v35 =	vld.idx.msk [tilespmem:v6+s15+$0x0], $0xffff  }
0x6b: {  	v37 =	vand.u32 $0xFFFFFF80, v36;
	v38 =	vadd.s32 s21, v0  }
0x6c: {  	v39 =	vand.u32 $0xFFFFFF80, v38;
	v5 =	vand.u32 $0x7F, v36;
	v6 =	vadd.s32 s0, v37  }
0x6d: {  	v40 =	vand.u32 $0x7F, v38;
	v41 =	vadd.s32 s0, v39;
	v5 =	vor.u32 v5, v6  }
0x6e: {  	v6 =	vor.u32 v40, v41  }
0x6f: {  	v3 =	vadd.f32 v35, v3;
	_ =	sdelay $0x1  }
0x70: {  	[tilespmem:s30+$0xFFFFFC90] =	vst v3  }
0x71: {  	s1 =	sadd.s32 $0x30, s1;
	v3 =	vld.idx.msk [tilespmem:v5+s14+$0x0], $0xffff  }
0x72: {  	(v2sf) =	vpush v2, $0x2;
	v42 =	vadd.s32 s1, v0;
	s21 =	sadd.s32 $0x30, s17;
	v43 =	vld.idx.msk [tilespmem:v6+s15+$0x0], $0xffff  }
0x73: {  	(v2sf) =	vpush v1, $0x2;
	v44 =	vand.u32 $0xFFFFFF80, v42;
	v45 =	vadd.s32 s21, v0  }
0x74: {  	v46 =	vand.u32 $0xFFFFFF80, v45;
	v4 =	vand.u32 $0x7F, v42;
	v6 =	vadd.s32 s0, v44  }
0x75: {  	v47 =	vand.u32 $0x7F, v45;
	v48 =	vadd.s32 s0, v46;
	v4 =	vor.u32 v4, v6  }
0x76: {  	v6 =	vor.u32 v47, v48  }
0x77: {  	v3 =	vadd.f32 v43, v3;
	_ =	sdelay $0x1  }
0x78: {  	v49 =	vbroadcast v1, $0x2;
	[tilespmem:s30+$0xFFFFFCA0] =	vst v3  }
0x79: {  	v3 =	vbroadcast v2, $0x2;
	v4 =	vld.idx.msk [tilespmem:v4+s14+$0x0], $0xffff  }
0x7a: {  	v5 =	vadd.s32 v0, v49;
	v6 =	vld.idx.msk [tilespmem:v6+s15+$0x0], $0xffff  }
0x7b: {  	s0 =	sadd.s32 $0xFFFFF980, s31;
	v51 =	vand.u32 $0xFFFFFF80, v5;
	v3 =	vadd.s32 v0, v3  }
0x7c: {  	v5 =	vand.u32 $0x7F, v5;
	v52 =	vadd.s32 s0, v51;
	v50 =	vand.u32 $0xFFFFFF80, v3  }
0x7d: {  	v5 =	vor.u32 v5, v52;
	v3 =	vand.u32 $0x7F, v3;
	v7 =	vadd.s32 s0, v50  }
0x7e: {  	v3 =	vor.u32 v3, v7  }
0x7f: {  	v4 =	vadd.f32 v6, v4;
	_ =	sdelay $0x1  }
0x80: {  	s1 =	spop (v2sf);
	[tilespmem:s30+$0xFFFFFCB0] =	vst v4  }
0x81: {  	s17 =	spop (v2sf);
	s21 =	sadd.s32 $0x10, s1;
	v4 =	vld.idx.msk [tilespmem:v5+s15+$0x0], $0xffff  }
0x82: {  	v53 =	vadd.s32 s21, v0;
	s21 =	sadd.s32 $0x10, s17;
	v3 =	vld.idx.msk [tilespmem:v3+s14+$0x0], $0xffff  }
0x83: {  	v54 =	vand.u32 $0xFFFFFF80, v53;
	v55 =	vadd.s32 s21, v0  }
0x84: {  	v56 =	vand.u32 $0xFFFFFF80, v55;
	v6 =	vadd.s32 s0, v54;
	v5 =	vand.u32 $0x7F, v53  }
0x85: {  	v57 =	vand.u32 $0x7F, v55;
	v58 =	vadd.s32 s0, v56;
	v5 =	vor.u32 v5, v6  }
0x86: {  	v6 =	vor.u32 v57, v58  }
0x87: {  	v3 =	vadd.f32 v4, v3;
	_ =	sdelay $0x1  }
0x88: {  	[tilespmem:s30+$0xFFFFFD00] =	vst v3  }
0x89: {  	s21 =	sadd.s32 $0x20, s1;
	v3 =	vld.idx.msk [tilespmem:v5+s14+$0x0], $0xffff  }
0x8a: {  	v60 =	vadd.s32 s21, v0;
	s21 =	sadd.s32 $0x20, s17;
	v59 =	vld.idx.msk [tilespmem:v6+s15+$0x0], $0xffff  }
0x8b: {  	v61 =	vand.u32 $0xFFFFFF80, v60;
	v62 =	vadd.s32 s21, v0  }
0x8c: {  	v63 =	vand.u32 $0xFFFFFF80, v62;
	v5 =	vand.u32 $0x7F, v60;
	v6 =	vadd.s32 s0, v61  }
0x8d: {  	v9 =	vand.u32 $0x7F, v62;
	v10 =	vadd.s32 s0, v63;
	v5 =	vor.u32 v5, v6  }
0x8e: {  	v6 =	vor.u32 v9, v10  }
0x8f: {  	v3 =	vadd.f32 v59, v3;
	_ =	sdelay $0x1  }
0x90: {  	[tilespmem:s30+$0xFFFFFD10] =	vst v3  }
0x91: {  	s1 =	sadd.s32 $0x30, s1;
	v3 =	vld.idx.msk [tilespmem:v5+s14+$0x0], $0xffff  }
0x92: {  	(v2sf) =	vpush v2, $0x3;
	v11 =	vadd.s32 s1, v0;
	s17 =	sadd.s32 $0x30, s17;
	v12 =	vld.idx.msk [tilespmem:v6+s15+$0x0], $0xffff  }
0x93: {  	(v2sf) =	vpush v1, $0x3;
	v13 =	vand.u32 $0xFFFFFF80, v11;
	v14 =	vadd.s32 s17, v0  }
0x94: {  	v15 =	vand.u32 $0xFFFFFF80, v14;
	v4 =	vand.u32 $0x7F, v11;
	v6 =	vadd.s32 s0, v13  }
0x95: {  	v16 =	vand.u32 $0x7F, v14;
	v17 =	vadd.s32 s0, v15;
	v4 =	vor.u32 v4, v6  }
0x96: {  	v6 =	vor.u32 v16, v17  }
0x97: {  	v3 =	vadd.f32 v12, v3;
	_ =	sdelay $0x1  }
0x98: {  	v18 =	vbroadcast v1, $0x3;
	[tilespmem:s30+$0xFFFFFD20] =	vst v3  }
0x99: {  	v3 =	vbroadcast v2, $0x3;
	v4 =	vld.idx.msk [tilespmem:v4+s14+$0x0], $0xffff  }
0x9a: {  	v5 =	vadd.s32 v0, v18;
	v6 =	vld.idx.msk [tilespmem:v6+s15+$0x0], $0xffff  }
0x9b: {  	s0 =	sadd.s32 $0xFFFFFA00, s31;
	v20 =	vand.u32 $0xFFFFFF80, v5;
	v3 =	vadd.s32 v0, v3  }
0x9c: {  	v5 =	vand.u32 $0x7F, v5;
	v21 =	vadd.s32 s0, v20;
	v19 =	vand.u32 $0xFFFFFF80, v3  }
0x9d: {  	v5 =	vor.u32 v5, v21;
	v3 =	vand.u32 $0x7F, v3;
	v7 =	vadd.s32 s0, v19  }
0x9e: {  	v3 =	vor.u32 v3, v7  }
0x9f: {  	v4 =	vadd.f32 v6, v4;
	_ =	sdelay $0x1  }
0xa0: {  	s1 =	spop (v2sf);
	[tilespmem:s30+$0xFFFFFD30] =	vst v4  }
0xa1: {  	s17 =	spop (v2sf);
	s21 =	sadd.s32 $0x10, s1;
	v4 =	vld.idx.msk [tilespmem:v5+s15+$0x0], $0xffff  }
0xa2: {  	v22 =	vadd.s32 s21, v0;
	s21 =	sadd.s32 $0x10, s17;
	v3 =	vld.idx.msk [tilespmem:v3+s14+$0x0], $0xffff  }
0xa3: {  	v23 =	vand.u32 $0xFFFFFF80, v22;
	v24 =	vadd.s32 s21, v0  }
0xa4: {  	v25 =	vand.u32 $0xFFFFFF80, v24;
	v6 =	vadd.s32 s0, v23;
	v5 =	vand.u32 $0x7F, v22  }
0xa5: {  	v26 =	vand.u32 $0x7F, v24;
	v27 =	vadd.s32 s0, v25;
	v5 =	vor.u32 v5, v6  }
0xa6: {  	v6 =	vor.u32 v26, v27  }
0xa7: {  	v3 =	vadd.f32 v4, v3;
	_ =	sdelay $0x1  }
0xa8: {  	[tilespmem:s30+$0xFFFFFD80] =	vst v3  }
0xa9: {  	s21 =	sadd.s32 $0x20, s1;
	v3 =	vld.idx.msk [tilespmem:v5+s14+$0x0], $0xffff  }
0xaa: {  	v29 =	vadd.s32 s21, v0;
	s21 =	sadd.s32 $0x20, s17;
	v28 =	vld.idx.msk [tilespmem:v6+s15+$0x0], $0xffff  }
0xab: {  	v30 =	vand.u32 $0xFFFFFF80, v29;
	v31 =	vadd.s32 s21, v0  }
0xac: {  	v32 =	vand.u32 $0xFFFFFF80, v31;
	v5 =	vand.u32 $0x7F, v29;
	v6 =	vadd.s32 s0, v30  }
0xad: {  	v33 =	vand.u32 $0x7F, v31;
	v34 =	vadd.s32 s0, v32;
	v5 =	vor.u32 v5, v6  }
0xae: {  	v6 =	vor.u32 v33, v34  }
0xaf: {  	v3 =	vadd.f32 v28, v3;
	_ =	sdelay $0x1  }
0xb0: {  	[tilespmem:s30+$0xFFFFFD90] =	vst v3  }
0xb1: {  	s1 =	sadd.s32 $0x30, s1;
	v3 =	vld.idx.msk [tilespmem:v5+s14+$0x0], $0xffff  }
0xb2: {  	(v2sf) =	vpush v2, $0x4;
	v35 =	vadd.s32 s1, v0;
	s21 =	sadd.s32 $0x30, s17;
	v36 =	vld.idx.msk [tilespmem:v6+s15+$0x0], $0xffff  }
0xb3: {  	(v2sf) =	vpush v1, $0x4;
	v37 =	vand.u32 $0xFFFFFF80, v35;
	v38 =	vadd.s32 s21, v0  }
0xb4: {  	v39 =	vand.u32 $0xFFFFFF80, v38;
	v4 =	vand.u32 $0x7F, v35;
	v6 =	vadd.s32 s0, v37  }
0xb5: {  	v40 =	vand.u32 $0x7F, v38;
	v41 =	vadd.s32 s0, v39;
	v4 =	vor.u32 v4, v6  }
0xb6: {  	v6 =	vor.u32 v40, v41  }
0xb7: {  	v3 =	vadd.f32 v36, v3;
	_ =	sdelay $0x1  }
0xb8: {  	v42 =	vbroadcast v1, $0x4;
	[tilespmem:s30+$0xFFFFFDA0] =	vst v3  }
0xb9: {  	v3 =	vbroadcast v2, $0x4;
	v4 =	vld.idx.msk [tilespmem:v4+s14+$0x0], $0xffff  }
0xba: {  	v5 =	vadd.s32 v0, v42;
	v6 =	vld.idx.msk [tilespmem:v6+s15+$0x0], $0xffff  }
0xbb: {  	s0 =	sadd.s32 $0xFFFFFA80, s31;
	v44 =	vand.u32 $0xFFFFFF80, v5;
	v3 =	vadd.s32 v0, v3  }
0xbc: {  	v5 =	vand.u32 $0x7F, v5;
	v45 =	vadd.s32 s0, v44;
	v43 =	vand.u32 $0xFFFFFF80, v3  }
0xbd: {  	v5 =	vor.u32 v5, v45;
	v3 =	vand.u32 $0x7F, v3;
	v7 =	vadd.s32 s0, v43  }
0xbe: {  	v3 =	vor.u32 v3, v7  }
0xbf: {  	v4 =	vadd.f32 v6, v4;
	_ =	sdelay $0x1  }
0xc0: {  	s1 =	spop (v2sf);
	[tilespmem:s30+$0xFFFFFDB0] =	vst v4  }
0xc1: {  	s17 =	spop (v2sf);
	s21 =	sadd.s32 $0x10, s1;
	v4 =	vld.idx.msk [tilespmem:v5+s15+$0x0], $0xffff  }
0xc2: {  	v46 =	vadd.s32 s21, v0;
	s21 =	sadd.s32 $0x10, s17;
	v3 =	vld.idx.msk [tilespmem:v3+s14+$0x0], $0xffff  }
0xc3: {  	v47 =	vand.u32 $0xFFFFFF80, v46;
	v48 =	vadd.s32 s21, v0  }
0xc4: {  	v49 =	vand.u32 $0xFFFFFF80, v48;
	v6 =	vadd.s32 s0, v47;
	v5 =	vand.u32 $0x7F, v46  }
0xc5: {  	v50 =	vand.u32 $0x7F, v48;
	v51 =	vadd.s32 s0, v49;
	v5 =	vor.u32 v5, v6  }
0xc6: {  	v6 =	vor.u32 v50, v51  }
0xc7: {  	v3 =	vadd.f32 v4, v3;
	_ =	sdelay $0x1  }
0xc8: {  	[tilespmem:s30+$0xFFFFFE00] =	vst v3  }
0xc9: {  	s21 =	sadd.s32 $0x20, s1;
	v3 =	vld.idx.msk [tilespmem:v5+s14+$0x0], $0xffff  }
0xca: {  	v53 =	vadd.s32 s21, v0;
	s21 =	sadd.s32 $0x20, s17;
	v52 =	vld.idx.msk [tilespmem:v6+s15+$0x0], $0xffff  }
0xcb: {  	v54 =	vand.u32 $0xFFFFFF80, v53;
	v55 =	vadd.s32 s21, v0  }
0xcc: {  	v56 =	vand.u32 $0xFFFFFF80, v55;
	v5 =	vand.u32 $0x7F, v53;
	v6 =	vadd.s32 s0, v54  }
0xcd: {  	v57 =	vand.u32 $0x7F, v55;
	v58 =	vadd.s32 s0, v56;
	v5 =	vor.u32 v5, v6  }
0xce: {  	v6 =	vor.u32 v57, v58  }
0xcf: {  	v3 =	vadd.f32 v52, v3;
	_ =	sdelay $0x1  }
0xd0: {  	[tilespmem:s30+$0xFFFFFE10] =	vst v3  }
0xd1: {  	s1 =	sadd.s32 $0x30, s1;
	v3 =	vld.idx.msk [tilespmem:v5+s14+$0x0], $0xffff  }
0xd2: {  	(v2sf) =	vpush v2, $0x5;
	s17 =	sadd.s32 $0x30, s17;
	v59 =	vadd.s32 s1, v0;
	v60 =	vld.idx.msk [tilespmem:v6+s15+$0x0], $0xffff  }
0xd3: {  	(v2sf) =	vpush v1, $0x5;
	v62 =	vadd.s32 s17, v0;
	v61 =	vand.u32 $0xFFFFFF80, v59  }
0xd4: {  	v63 =	vand.u32 $0xFFFFFF80, v62;
	v4 =	vand.u32 $0x7F, v59;
	v6 =	vadd.s32 s0, v61  }
0xd5: {  	v11 =	vand.u32 $0x7F, v62;
	v12 =	vadd.s32 s0, v63;
	v4 =	vor.u32 v4, v6  }
0xd6: {  	v6 =	vor.u32 v11, v12  }
0xd7: {  	v3 =	vadd.f32 v60, v3;
	_ =	sdelay $0x1  }
0xd8: {  	v13 =	vbroadcast v1, $0x5;
	[tilespmem:s30+$0xFFFFFE20] =	vst v3  }
0xd9: {  	v3 =	vbroadcast v2, $0x5;
	v4 =	vld.idx.msk [tilespmem:v4+s14+$0x0], $0xffff  }
0xda: {  	v5 =	vadd.s32 v0, v13;
	v6 =	vld.idx.msk [tilespmem:v6+s15+$0x0], $0xffff  }
0xdb: {  	s0 =	sadd.s32 $0xFFFFFB00, s31;
	v15 =	vand.u32 $0xFFFFFF80, v5;
	v3 =	vadd.s32 v0, v3  }
0xdc: {  	v5 =	vand.u32 $0x7F, v5;
	v16 =	vadd.s32 s0, v15;
	v14 =	vand.u32 $0xFFFFFF80, v3  }
0xdd: {  	v5 =	vor.u32 v5, v16;
	v3 =	vand.u32 $0x7F, v3;
	v7 =	vadd.s32 s0, v14  }
0xde: {  	v3 =	vor.u32 v3, v7  }
0xdf: {  	v4 =	vadd.f32 v6, v4;
	_ =	sdelay $0x1  }
0xe0: {  	s1 =	spop (v2sf);
	[tilespmem:s30+$0xFFFFFE30] =	vst v4  }
0xe1: {  	s17 =	spop (v2sf);
	s21 =	sadd.s32 $0x10, s1;
	v4 =	vld.idx.msk [tilespmem:v5+s15+$0x0], $0xffff  }
0xe2: {  	v17 =	vadd.s32 s21, v0;
	s21 =	sadd.s32 $0x10, s17;
	v3 =	vld.idx.msk [tilespmem:v3+s14+$0x0], $0xffff  }
0xe3: {  	v18 =	vand.u32 $0xFFFFFF80, v17;
	v19 =	vadd.s32 s21, v0  }
0xe4: {  	v20 =	vand.u32 $0xFFFFFF80, v19;
	v6 =	vadd.s32 s0, v18;
	v5 =	vand.u32 $0x7F, v17  }
0xe5: {  	v21 =	vand.u32 $0x7F, v19;
	v22 =	vadd.s32 s0, v20;
	v5 =	vor.u32 v5, v6  }
0xe6: {  	v6 =	vor.u32 v21, v22  }
0xe7: {  	v3 =	vadd.f32 v4, v3;
	_ =	sdelay $0x1  }
0xe8: {  	[tilespmem:s30+$0xFFFFFE80] =	vst v3  }
0xe9: {  	s21 =	sadd.s32 $0x20, s1;
	v3 =	vld.idx.msk [tilespmem:v5+s14+$0x0], $0xffff  }
0xea: {  	v24 =	vadd.s32 s21, v0;
	s21 =	sadd.s32 $0x20, s17;
	v23 =	vld.idx.msk [tilespmem:v6+s15+$0x0], $0xffff  }
0xeb: {  	v25 =	vand.u32 $0xFFFFFF80, v24;
	v26 =	vadd.s32 s21, v0  }
0xec: {  	v27 =	vand.u32 $0xFFFFFF80, v26;
	v5 =	vand.u32 $0x7F, v24;
	v6 =	vadd.s32 s0, v25  }
0xed: {  	v28 =	vand.u32 $0x7F, v26;
	v29 =	vadd.s32 s0, v27;
	v5 =	vor.u32 v5, v6  }
0xee: {  	v6 =	vor.u32 v28, v29  }
0xef: {  	v3 =	vadd.f32 v23, v3;
	_ =	sdelay $0x1  }
0xf0: {  	[tilespmem:s30+$0xFFFFFE90] =	vst v3  }
0xf1: {  	s1 =	sadd.s32 $0x30, s1;
	v3 =	vld.idx.msk [tilespmem:v5+s14+$0x0], $0xffff  }
0xf2: {  	(v2sf) =	vpush v2, $0x6;
	s21 =	sadd.s32 $0x30, s17;
	v30 =	vadd.s32 s1, v0;
	v31 =	vld.idx.msk [tilespmem:v6+s15+$0x0], $0xffff  }
0xf3: {  	(v2sf) =	vpush v1, $0x6;
	v32 =	vand.u32 $0xFFFFFF80, v30;
	v33 =	vadd.s32 s21, v0  }
0xf4: {  	v34 =	vand.u32 $0xFFFFFF80, v33;
	v4 =	vand.u32 $0x7F, v30;
	v6 =	vadd.s32 s0, v32  }
0xf5: {  	v35 =	vand.u32 $0x7F, v33;
	v36 =	vadd.s32 s0, v34;
	v4 =	vor.u32 v4, v6  }
0xf6: {  	v6 =	vor.u32 v35, v36  }
0xf7: {  	v3 =	vadd.f32 v31, v3;
	_ =	sdelay $0x1  }
0xf8: {  	v37 =	vbroadcast v1, $0x6;
	[tilespmem:s30+$0xFFFFFEA0] =	vst v3  }
0xf9: {  	v3 =	vbroadcast v2, $0x6;
	v4 =	vld.idx.msk [tilespmem:v4+s14+$0x0], $0xffff  }
0xfa: {  	v5 =	vadd.s32 v0, v37;
	v6 =	vld.idx.msk [tilespmem:v6+s15+$0x0], $0xffff  }
0xfb: {  	s0 =	sadd.s32 $0xFFFFFB80, s31;
	v39 =	vand.u32 $0xFFFFFF80, v5;
	v3 =	vadd.s32 v0, v3  }
0xfc: {  	v5 =	vand.u32 $0x7F, v5;
	v40 =	vadd.s32 s0, v39;
	v38 =	vand.u32 $0xFFFFFF80, v3  }
0xfd: {  	v5 =	vor.u32 v5, v40;
	v3 =	vand.u32 $0x7F, v3;
	v7 =	vadd.s32 s0, v38  }
0xfe: {  	v3 =	vor.u32 v3, v7  }
0xff: {  	v4 =	vadd.f32 v6, v4;
	_ =	sdelay $0x1  }
0x100: {  	s1 =	spop (v2sf);
	[tilespmem:s30+$0xFFFFFEB0] =	vst v4  }
0x101: {  	s17 =	spop (v2sf);
	s21 =	sadd.s32 $0x10, s1;
	v4 =	vld.idx.msk [tilespmem:v5+s15+$0x0], $0xffff  }
0x102: {  	v41 =	vadd.s32 s21, v0;
	s21 =	sadd.s32 $0x10, s17;
	v3 =	vld.idx.msk [tilespmem:v3+s14+$0x0], $0xffff  }
0x103: {  	v42 =	vand.u32 $0xFFFFFF80, v41;
	v43 =	vadd.s32 s21, v0  }
0x104: {  	v44 =	vand.u32 $0xFFFFFF80, v43;
	v6 =	vadd.s32 s0, v42;
	v5 =	vand.u32 $0x7F, v41  }
0x105: {  	v45 =	vand.u32 $0x7F, v43;
	v46 =	vadd.s32 s0, v44;
	v5 =	vor.u32 v5, v6  }
0x106: {  	v6 =	vor.u32 v45, v46  }
0x107: {  	v3 =	vadd.f32 v4, v3;
	_ =	sdelay $0x1  }
0x108: {  	[tilespmem:s30+$0xFFFFFF00] =	vst v3  }
0x109: {  	s21 =	sadd.s32 $0x20, s1;
	v3 =	vld.idx.msk [tilespmem:v5+s14+$0x0], $0xffff  }
0x10a: {  	v48 =	vadd.s32 s21, v0;
	s21 =	sadd.s32 $0x20, s17;
	v47 =	vld.idx.msk [tilespmem:v6+s15+$0x0], $0xffff  }
0x10b: {  	v49 =	vand.u32 $0xFFFFFF80, v48;
	v50 =	vadd.s32 s21, v0  }
0x10c: {  	v51 =	vand.u32 $0xFFFFFF80, v50;
	v5 =	vand.u32 $0x7F, v48;
	v6 =	vadd.s32 s0, v49  }
0x10d: {  	v52 =	vand.u32 $0x7F, v50;
	v53 =	vadd.s32 s0, v51;
	v5 =	vor.u32 v5, v6  }
0x10e: {  	v6 =	vor.u32 v52, v53  }
0x10f: {  	v3 =	vadd.f32 v47, v3;
	_ =	sdelay $0x1  }
0x110: {  	[tilespmem:s30+$0xFFFFFF10] =	vst v3  }
0x111: {  	s1 =	sadd.s32 $0x30, s1;
	v3 =	vld.idx.msk [tilespmem:v5+s14+$0x0], $0xffff  }
0x112: {  	(v2sf) =	vpush v2, $0x7;
	s17 =	sadd.s32 $0x30, s17;
	v54 =	vadd.s32 s1, v0;
	v55 =	vld.idx.msk [tilespmem:v6+s15+$0x0], $0xffff  }
0x113: {  	(v2sf) =	vpush v1, $0x7;
	v56 =	vand.u32 $0xFFFFFF80, v54;
	v57 =	vadd.s32 s17, v0  }
0x114: {  	v58 =	vand.u32 $0xFFFFFF80, v57;
	v4 =	vand.u32 $0x7F, v54;
	v6 =	vadd.s32 s0, v56  }
0x115: {  	v59 =	vand.u32 $0x7F, v57;
	v60 =	vadd.s32 s0, v58;
	v4 =	vor.u32 v4, v6  }
0x116: {  	v6 =	vor.u32 v59, v60  }
0x117: {  	v3 =	vadd.f32 v55, v3;
	_ =	sdelay $0x1  }
0x118: {  	v61 =	vbroadcast v1, $0x7;
	[tilespmem:s30+$0xFFFFFF20] =	vst v3  }
0x119: {  	v3 =	vbroadcast v2, $0x7;
	v4 =	vld.idx.msk [tilespmem:v4+s14+$0x0], $0xffff  }
0x11a: {  	v5 =	vadd.s32 v0, v61;
	v6 =	vld.idx.msk [tilespmem:v6+s15+$0x0], $0xffff  }
0x11b: {  	s0 =	sadd.s32 $0xFFFFFC00, s31;
	v63 =	vand.u32 $0xFFFFFF80, v5;
	v3 =	vadd.s32 v0, v3  }
0x11c: {  	v5 =	vand.u32 $0x7F, v5;
	v12 =	vadd.s32 s0, v63;
	v62 =	vand.u32 $0xFFFFFF80, v3  }
0x11d: {  	v5 =	vor.u32 v5, v12;
	v3 =	vand.u32 $0x7F, v3;
	v7 =	vadd.s32 s0, v62  }
0x11e: {  	v3 =	vor.u32 v3, v7  }
0x11f: {  	v4 =	vadd.f32 v6, v4;
	_ =	sdelay $0x1  }
0x120: {  	s1 =	spop (v2sf);
	[tilespmem:s30+$0xFFFFFF30] =	vst v4  }
0x121: {  	s17 =	spop (v2sf);
	s21 =	sadd.s32 $0x10, s1;
	v4 =	vld.idx.msk [tilespmem:v5+s15+$0x0], $0xffff  }
0x122: {  	v13 =	vadd.s32 s21, v0;
	s21 =	sadd.s32 $0x10, s17;
	v3 =	vld.idx.msk [tilespmem:v3+s14+$0x0], $0xffff  }
0x123: {  	v15 =	vadd.s32 s21, v0;
	v14 =	vand.u32 $0xFFFFFF80, v13  }
0x124: {  	v16 =	vand.u32 $0xFFFFFF80, v15;
	v6 =	vadd.s32 s0, v14;
	v5 =	vand.u32 $0x7F, v13  }
0x125: {  	v17 =	vand.u32 $0x7F, v15;
	v18 =	vadd.s32 s0, v16;
	v5 =	vor.u32 v5, v6  }
0x126: {  	v6 =	vor.u32 v17, v18  }
0x127: {  	v3 =	vadd.f32 v4, v3;
	_ =	sdelay $0x1  }
0x128: {  	[tilespmem:s30+$0xFFFFFF80] =	vst v3  }
0x129: {  	s21 =	sadd.s32 $0x20, s1;
	v3 =	vld.idx.msk [tilespmem:v5+s14+$0x0], $0xffff  }
0x12a: {  	v20 =	vadd.s32 s21, v0;
	s21 =	sadd.s32 $0x20, s17;
	v19 =	vld.idx.msk [tilespmem:v6+s15+$0x0], $0xffff  }
0x12b: {  	v21 =	vand.u32 $0xFFFFFF80, v20;
	v22 =	vadd.s32 s21, v0  }
0x12c: {  	v23 =	vand.u32 $0xFFFFFF80, v22;
	v5 =	vand.u32 $0x7F, v20;
	v6 =	vadd.s32 s0, v21  }
0x12d: {  	v24 =	vand.u32 $0x7F, v22;
	v25 =	vadd.s32 s0, v23;
	v5 =	vor.u32 v5, v6  }
0x12e: {  	v6 =	vor.u32 v24, v25  }
0x12f: {  	v3 =	vadd.f32 v19, v3;
	_ =	sdelay $0x1  }
0x130: {  	[tilespmem:s30+$0xFFFFFF90] =	vst v3  }
0x131: {  	s1 =	sadd.s32 $0x30, s1;
	v3 =	vld.idx.msk [tilespmem:v5+s14+$0x0], $0xffff  }
0x132: {  	(v2sf) =	vpush v2, $0x8;
	v26 =	vadd.s32 s1, v0;
	s21 =	sadd.s32 $0x30, s17;
	v27 =	vld.idx.msk [tilespmem:v6+s15+$0x0], $0xffff  }
0x133: {  	(v2sf) =	vpush v1, $0x8;
	v28 =	vand.u32 $0xFFFFFF80, v26;
	v29 =	vadd.s32 s21, v0  }
0x134: {  	v30 =	vand.u32 $0xFFFFFF80, v29;
	v4 =	vand.u32 $0x7F, v26;
	v6 =	vadd.s32 s0, v28  }
0x135: {  	v31 =	vand.u32 $0x7F, v29;
	v32 =	vadd.s32 s0, v30;
	v4 =	vor.u32 v4, v6  }
0x136: {  	v6 =	vor.u32 v31, v32  }
0x137: {  	v3 =	vadd.f32 v27, v3;
	_ =	sdelay $0x1  }
0x138: {  	v33 =	vbroadcast v1, $0x8;
	[tilespmem:s30+$0xFFFFFFA0] =	vst v3  }
0x139: {  	v3 =	vbroadcast v2, $0x8;
	v4 =	vld.idx.msk [tilespmem:v4+s14+$0x0], $0xffff  }
0x13a: {  	v5 =	vadd.s32 v0, v33;
	v6 =	vld.idx.msk [tilespmem:v6+s15+$0x0], $0xffff  }
0x13b: {  	s0 =	sadd.s32 $0xFFFFFC80, s31;
	v35 =	vand.u32 $0xFFFFFF80, v5;
	v3 =	vadd.s32 v0, v3  }
0x13c: {  	v5 =	vand.u32 $0x7F, v5;
	v36 =	vadd.s32 s0, v35;
	v34 =	vand.u32 $0xFFFFFF80, v3  }
0x13d: {  	v5 =	vor.u32 v5, v36;
	v3 =	vand.u32 $0x7F, v3;
	v7 =	vadd.s32 s0, v34  }
0x13e: {  	v3 =	vor.u32 v3, v7  }
0x13f: {  	v4 =	vadd.f32 v6, v4;
	_ =	sdelay $0x1  }
0x140: {  	s1 =	spop (v2sf);
	[tilespmem:s30+$0xFFFFFFB0] =	vst v4  }
0x141: {  	s17 =	spop (v2sf);
	s21 =	sadd.s32 $0x10, s1;
	v4 =	vld.idx.msk [tilespmem:v5+s15+$0x0], $0xffff  }
0x142: {  	v37 =	vadd.s32 s21, v0;
	s21 =	sadd.s32 $0x10, s17;
	v3 =	vld.idx.msk [tilespmem:v3+s14+$0x0], $0xffff  }
0x143: {  	v39 =	vadd.s32 s21, v0;
	v38 =	vand.u32 $0xFFFFFF80, v37  }
0x144: {  	v40 =	vand.u32 $0xFFFFFF80, v39;
	v6 =	vadd.s32 s0, v38;
	v5 =	vand.u32 $0x7F, v37  }
0x145: {  	v41 =	vand.u32 $0x7F, v39;
	v42 =	vadd.s32 s0, v40;
	v5 =	vor.u32 v5, v6  }
0x146: {  	v6 =	vor.u32 v41, v42  }
0x147: {  	v3 =	vadd.f32 v4, v3;
	_ =	sdelay $0x1  }
0x148: {  	[tilespmem:s30+$0x0] =	vst v3  }
0x149: {  	s21 =	sadd.s32 $0x20, s1;
	v3 =	vld.idx.msk [tilespmem:v5+s14+$0x0], $0xffff  }
0x14a: {  	v44 =	vadd.s32 s21, v0;
	s21 =	sadd.s32 $0x20, s17;
	v43 =	vld.idx.msk [tilespmem:v6+s15+$0x0], $0xffff  }
0x14b: {  	v45 =	vand.u32 $0xFFFFFF80, v44;
	v46 =	vadd.s32 s21, v0  }
0x14c: {  	v47 =	vand.u32 $0xFFFFFF80, v46;
	v5 =	vand.u32 $0x7F, v44;
	v6 =	vadd.s32 s0, v45  }
0x14d: {  	v48 =	vand.u32 $0x7F, v46;
	v49 =	vadd.s32 s0, v47;
	v5 =	vor.u32 v5, v6  }
0x14e: {  	v6 =	vor.u32 v48, v49  }
0x14f: {  	v3 =	vadd.f32 v43, v3;
	_ =	sdelay $0x1  }
0x150: {  	[tilespmem:s30+$0x10] =	vst v3  }
0x151: {  	s1 =	sadd.s32 $0x30, s1;
	v3 =	vld.idx.msk [tilespmem:v5+s14+$0x0], $0xffff  }
0x152: {  	(v2sf) =	vpush v2, $0x9;
	v50 =	vadd.s32 s1, v0;
	s17 =	sadd.s32 $0x30, s17;
	v51 =	vld.idx.msk [tilespmem:v6+s15+$0x0], $0xffff  }
0x153: {  	(v2sf) =	vpush v1, $0x9;
	v52 =	vand.u32 $0xFFFFFF80, v50;
	v53 =	vadd.s32 s17, v0  }
0x154: {  	v54 =	vand.u32 $0xFFFFFF80, v53;
	v4 =	vand.u32 $0x7F, v50;
	v6 =	vadd.s32 s0, v52  }
0x155: {  	v55 =	vand.u32 $0x7F, v53;
	v56 =	vadd.s32 s0, v54;
	v4 =	vor.u32 v4, v6  }
0x156: {  	v6 =	vor.u32 v55, v56  }
0x157: {  	v3 =	vadd.f32 v51, v3;
	_ =	sdelay $0x1  }
0x158: {  	v57 =	vbroadcast v1, $0x9;
	[tilespmem:s30+$0x20] =	vst v3  }
0x159: {  	v3 =	vbroadcast v2, $0x9;
	v4 =	vld.idx.msk [tilespmem:v4+s14+$0x0], $0xffff  }
0x15a: {  	v5 =	vadd.s32 v0, v57;
	v6 =	vld.idx.msk [tilespmem:v6+s15+$0x0], $0xffff  }
0x15b: {  	s0 =	sadd.s32 $0xFFFFFD00, s31;
	v59 =	vand.u32 $0xFFFFFF80, v5;
	v3 =	vadd.s32 v0, v3  }
0x15c: {  	v5 =	vand.u32 $0x7F, v5;
	v60 =	vadd.s32 s0, v59;
	v58 =	vand.u32 $0xFFFFFF80, v3  }
0x15d: {  	v5 =	vor.u32 v5, v60;
	v3 =	vand.u32 $0x7F, v3;
	v7 =	vadd.s32 s0, v58  }
0x15e: {  	v3 =	vor.u32 v3, v7  }
0x15f: {  	v4 =	vadd.f32 v6, v4;
	_ =	sdelay $0x1  }
0x160: {  	s1 =	spop (v2sf);
	[tilespmem:s30+$0x30] =	vst v4  }
0x161: {  	s21 =	sadd.s32 $0x10, s1;
	s17 =	spop (v2sf);
	v4 =	vld.idx.msk [tilespmem:v5+s15+$0x0], $0xffff  }
0x162: {  	v61 =	vadd.s32 s21, v0;
	s21 =	sadd.s32 $0x10, s17;
	v3 =	vld.idx.msk [tilespmem:v3+s14+$0x0], $0xffff  }
0x163: {  	v63 =	vadd.s32 s21, v0;
	v62 =	vand.u32 $0xFFFFFF80, v61  }
0x164: {  	v12 =	vand.u32 $0xFFFFFF80, v63;
	v6 =	vadd.s32 s0, v62;
	v5 =	vand.u32 $0x7F, v61  }
0x165: {  	v13 =	vand.u32 $0x7F, v63;
	v14 =	vadd.s32 s0, v12;
	v5 =	vor.u32 v5, v6  }
0x166: {  	v6 =	vor.u32 v13, v14  }
0x167: {  	v3 =	vadd.f32 v4, v3;
	_ =	sdelay $0x1  }
0x168: {  	[tilespmem:s30+$0x80] =	vst v3  }
0x169: {  	s21 =	sadd.s32 $0x20, s1;
	v3 =	vld.idx.msk [tilespmem:v5+s14+$0x0], $0xffff  }
0x16a: {  	v16 =	vadd.s32 s21, v0;
	s21 =	sadd.s32 $0x20, s17;
	v15 =	vld.idx.msk [tilespmem:v6+s15+$0x0], $0xffff  }
0x16b: {  	v17 =	vand.u32 $0xFFFFFF80, v16;
	v18 =	vadd.s32 s21, v0  }
0x16c: {  	v19 =	vand.u32 $0xFFFFFF80, v18;
	v5 =	vand.u32 $0x7F, v16;
	v6 =	vadd.s32 s0, v17  }
0x16d: {  	v20 =	vand.u32 $0x7F, v18;
	v21 =	vadd.s32 s0, v19;
	v5 =	vor.u32 v5, v6  }
0x16e: {  	v6 =	vor.u32 v20, v21  }
0x16f: {  	v3 =	vadd.f32 v15, v3;
	_ =	sdelay $0x1  }
0x170: {  	[tilespmem:s30+$0x90] =	vst v3  }
0x171: {  	s1 =	sadd.s32 $0x30, s1;
	v3 =	vld.idx.msk [tilespmem:v5+s14+$0x0], $0xffff  }
0x172: {  	(v2sf) =	vpush v2, $0xA;
	v22 =	vadd.s32 s1, v0;
	s21 =	sadd.s32 $0x30, s17;
	v23 =	vld.idx.msk [tilespmem:v6+s15+$0x0], $0xffff  }
0x173: {  	(v2sf) =	vpush v1, $0xA;
	v24 =	vand.u32 $0xFFFFFF80, v22;
	v25 =	vadd.s32 s21, v0  }
0x174: {  	v26 =	vand.u32 $0xFFFFFF80, v25;
	v4 =	vand.u32 $0x7F, v22;
	v6 =	vadd.s32 s0, v24  }
0x175: {  	v27 =	vand.u32 $0x7F, v25;
	v28 =	vadd.s32 s0, v26;
	v4 =	vor.u32 v4, v6  }
0x176: {  	v6 =	vor.u32 v27, v28  }
0x177: {  	v3 =	vadd.f32 v23, v3;
	_ =	sdelay $0x1  }
0x178: {  	v29 =	vbroadcast v1, $0xA;
	[tilespmem:s30+$0xA0] =	vst v3  }
0x179: {  	v3 =	vbroadcast v2, $0xA;
	v4 =	vld.idx.msk [tilespmem:v4+s14+$0x0], $0xffff  }
0x17a: {  	v5 =	vadd.s32 v0, v29;
	v6 =	vld.idx.msk [tilespmem:v6+s15+$0x0], $0xffff  }
0x17b: {  	s0 =	sadd.s32 $0xFFFFFD80, s31;
	v31 =	vand.u32 $0xFFFFFF80, v5;
	v3 =	vadd.s32 v0, v3  }
0x17c: {  	v5 =	vand.u32 $0x7F, v5;
	v32 =	vadd.s32 s0, v31;
	v30 =	vand.u32 $0xFFFFFF80, v3  }
0x17d: {  	v5 =	vor.u32 v5, v32;
	v3 =	vand.u32 $0x7F, v3;
	v7 =	vadd.s32 s0, v30  }
0x17e: {  	v3 =	vor.u32 v3, v7  }
0x17f: {  	v4 =	vadd.f32 v6, v4;
	_ =	sdelay $0x1  }
0x180: {  	s1 =	spop (v2sf);
	[tilespmem:s30+$0xB0] =	vst v4  }
0x181: {  	s17 =	spop (v2sf);
	s21 =	sadd.s32 $0x10, s1;
	v4 =	vld.idx.msk [tilespmem:v5+s15+$0x0], $0xffff  }
0x182: {  	v33 =	vadd.s32 s21, v0;
	s21 =	sadd.s32 $0x10, s17;
	v3 =	vld.idx.msk [tilespmem:v3+s14+$0x0], $0xffff  }
0x183: {  	v35 =	vadd.s32 s21, v0;
	v34 =	vand.u32 $0xFFFFFF80, v33  }
0x184: {  	v36 =	vand.u32 $0xFFFFFF80, v35;
	v6 =	vadd.s32 s0, v34;
	v5 =	vand.u32 $0x7F, v33  }
0x185: {  	v37 =	vand.u32 $0x7F, v35;
	v38 =	vadd.s32 s0, v36;
	v5 =	vor.u32 v5, v6  }
0x186: {  	v6 =	vor.u32 v37, v38  }
0x187: {  	v3 =	vadd.f32 v4, v3;
	_ =	sdelay $0x1  }
0x188: {  	[tilespmem:s30+$0x100] =	vst v3  }
0x189: {  	s21 =	sadd.s32 $0x20, s1;
	v3 =	vld.idx.msk [tilespmem:v5+s14+$0x0], $0xffff  }
0x18a: {  	v40 =	vadd.s32 s21, v0;
	s21 =	sadd.s32 $0x20, s17;
	v39 =	vld.idx.msk [tilespmem:v6+s15+$0x0], $0xffff  }
0x18b: {  	v41 =	vand.u32 $0xFFFFFF80, v40;
	v42 =	vadd.s32 s21, v0  }
0x18c: {  	v43 =	vand.u32 $0xFFFFFF80, v42;
	v5 =	vand.u32 $0x7F, v40;
	v6 =	vadd.s32 s0, v41  }
0x18d: {  	v44 =	vand.u32 $0x7F, v42;
	v45 =	vadd.s32 s0, v43;
	v5 =	vor.u32 v5, v6  }
0x18e: {  	v6 =	vor.u32 v44, v45  }
0x18f: {  	v3 =	vadd.f32 v39, v3;
	_ =	sdelay $0x1  }
0x190: {  	[tilespmem:s30+$0x110] =	vst v3  }
0x191: {  	s1 =	sadd.s32 $0x30, s1;
	v3 =	vld.idx.msk [tilespmem:v5+s14+$0x0], $0xffff  }
0x192: {  	(v2sf) =	vpush v2, $0xB;
	v46 =	vadd.s32 s1, v0;
	s17 =	sadd.s32 $0x30, s17;
	v47 =	vld.idx.msk [tilespmem:v6+s15+$0x0], $0xffff  }
0x193: {  	(v2sf) =	vpush v1, $0xB;
	v48 =	vand.u32 $0xFFFFFF80, v46;
	v49 =	vadd.s32 s17, v0  }
0x194: {  	v50 =	vand.u32 $0xFFFFFF80, v49;
	v4 =	vand.u32 $0x7F, v46;
	v6 =	vadd.s32 s0, v48  }
0x195: {  	v51 =	vand.u32 $0x7F, v49;
	v52 =	vadd.s32 s0, v50;
	v4 =	vor.u32 v4, v6  }
0x196: {  	v6 =	vor.u32 v51, v52  }
0x197: {  	v3 =	vadd.f32 v47, v3;
	_ =	sdelay $0x1  }
0x198: {  	v53 =	vbroadcast v1, $0xB;
	[tilespmem:s30+$0x120] =	vst v3  }
0x199: {  	v3 =	vbroadcast v2, $0xB;
	v4 =	vld.idx.msk [tilespmem:v4+s14+$0x0], $0xffff  }
0x19a: {  	v5 =	vadd.s32 v0, v53;
	v6 =	vld.idx.msk [tilespmem:v6+s15+$0x0], $0xffff  }
0x19b: {  	s0 =	sadd.s32 $0xFFFFFE00, s31;
	v55 =	vand.u32 $0xFFFFFF80, v5;
	v3 =	vadd.s32 v0, v3  }
0x19c: {  	v5 =	vand.u32 $0x7F, v5;
	v56 =	vadd.s32 s0, v55;
	v54 =	vand.u32 $0xFFFFFF80, v3  }
0x19d: {  	v5 =	vor.u32 v5, v56;
	v3 =	vand.u32 $0x7F, v3;
	v7 =	vadd.s32 s0, v54  }
0x19e: {  	v3 =	vor.u32 v3, v7  }
0x19f: {  	v4 =	vadd.f32 v6, v4;
	_ =	sdelay $0x1  }
0x1a0: {  	s1 =	spop (v2sf);
	[tilespmem:s30+$0x130] =	vst v4  }
0x1a1: {  	s21 =	sadd.s32 $0x10, s1;
	s17 =	spop (v2sf);
	v4 =	vld.idx.msk [tilespmem:v5+s15+$0x0], $0xffff  }
0x1a2: {  	v57 =	vadd.s32 s21, v0;
	s21 =	sadd.s32 $0x10, s17;
	v3 =	vld.idx.msk [tilespmem:v3+s14+$0x0], $0xffff  }
0x1a3: {  	v59 =	vadd.s32 s21, v0;
	v58 =	vand.u32 $0xFFFFFF80, v57  }
0x1a4: {  	v60 =	vand.u32 $0xFFFFFF80, v59;
	v6 =	vadd.s32 s0, v58;
	v5 =	vand.u32 $0x7F, v57  }
0x1a5: {  	v61 =	vand.u32 $0x7F, v59;
	v62 =	vadd.s32 s0, v60;
	v5 =	vor.u32 v5, v6  }
0x1a6: {  	v6 =	vor.u32 v61, v62  }
0x1a7: {  	v3 =	vadd.f32 v4, v3;
	_ =	sdelay $0x1  }
0x1a8: {  	[tilespmem:s30+$0x180] =	vst v3  }
0x1a9: {  	s21 =	sadd.s32 $0x20, s1;
	v3 =	vld.idx.msk [tilespmem:v5+s14+$0x0], $0xffff  }
0x1aa: {  	v12 =	vadd.s32 s21, v0;
	s21 =	sadd.s32 $0x20, s17;
	v63 =	vld.idx.msk [tilespmem:v6+s15+$0x0], $0xffff  }
0x1ab: {  	v13 =	vand.u32 $0xFFFFFF80, v12;
	v14 =	vadd.s32 s21, v0  }
0x1ac: {  	v15 =	vand.u32 $0xFFFFFF80, v14;
	v5 =	vand.u32 $0x7F, v12;
	v6 =	vadd.s32 s0, v13  }
0x1ad: {  	v16 =	vand.u32 $0x7F, v14;
	v17 =	vadd.s32 s0, v15;
	v5 =	vor.u32 v5, v6  }
0x1ae: {  	v6 =	vor.u32 v16, v17  }
0x1af: {  	v3 =	vadd.f32 v63, v3;
	_ =	sdelay $0x1  }
0x1b0: {  	[tilespmem:s30+$0x190] =	vst v3  }
0x1b1: {  	s1 =	sadd.s32 $0x30, s1;
	v3 =	vld.idx.msk [tilespmem:v5+s14+$0x0], $0xffff  }
0x1b2: {  	(v2sf) =	vpush v2, $0xC;
	v18 =	vadd.s32 s1, v0;
	s21 =	sadd.s32 $0x30, s17;
	v19 =	vld.idx.msk [tilespmem:v6+s15+$0x0], $0xffff  }
0x1b3: {  	(v2sf) =	vpush v1, $0xC;
	v20 =	vand.u32 $0xFFFFFF80, v18;
	v21 =	vadd.s32 s21, v0  }
0x1b4: {  	v22 =	vand.u32 $0xFFFFFF80, v21;
	v4 =	vand.u32 $0x7F, v18;
	v6 =	vadd.s32 s0, v20  }
0x1b5: {  	v23 =	vand.u32 $0x7F, v21;
	v24 =	vadd.s32 s0, v22;
	v4 =	vor.u32 v4, v6  }
0x1b6: {  	v6 =	vor.u32 v23, v24  }
0x1b7: {  	v3 =	vadd.f32 v19, v3;
	_ =	sdelay $0x1  }
0x1b8: {  	v25 =	vbroadcast v1, $0xC;
	[tilespmem:s30+$0x1A0] =	vst v3  }
0x1b9: {  	v3 =	vbroadcast v2, $0xC;
	v4 =	vld.idx.msk [tilespmem:v4+s14+$0x0], $0xffff  }
0x1ba: {  	v5 =	vadd.s32 v0, v25;
	v6 =	vld.idx.msk [tilespmem:v6+s15+$0x0], $0xffff  }
0x1bb: {  	s0 =	sadd.s32 $0xFFFFFE80, s31;
	v27 =	vand.u32 $0xFFFFFF80, v5;
	v3 =	vadd.s32 v0, v3  }
0x1bc: {  	v5 =	vand.u32 $0x7F, v5;
	v28 =	vadd.s32 s0, v27;
	v26 =	vand.u32 $0xFFFFFF80, v3  }
0x1bd: {  	v5 =	vor.u32 v5, v28;
	v3 =	vand.u32 $0x7F, v3;
	v7 =	vadd.s32 s0, v26  }
0x1be: {  	v3 =	vor.u32 v3, v7  }
0x1bf: {  	v4 =	vadd.f32 v6, v4;
	_ =	sdelay $0x1  }
0x1c0: {  	s1 =	spop (v2sf);
	[tilespmem:s30+$0x1B0] =	vst v4  }
0x1c1: {  	s17 =	spop (v2sf);
	s21 =	sadd.s32 $0x10, s1;
	v4 =	vld.idx.msk [tilespmem:v5+s15+$0x0], $0xffff  }
0x1c2: {  	v29 =	vadd.s32 s21, v0;
	s21 =	sadd.s32 $0x10, s17;
	v3 =	vld.idx.msk [tilespmem:v3+s14+$0x0], $0xffff  }
0x1c3: {  	v31 =	vadd.s32 s21, v0;
	v30 =	vand.u32 $0xFFFFFF80, v29  }
0x1c4: {  	v32 =	vand.u32 $0xFFFFFF80, v31;
	v6 =	vadd.s32 s0, v30;
	v5 =	vand.u32 $0x7F, v29  }
0x1c5: {  	v33 =	vand.u32 $0x7F, v31;
	v34 =	vadd.s32 s0, v32;
	v5 =	vor.u32 v5, v6  }
0x1c6: {  	v6 =	vor.u32 v33, v34  }
0x1c7: {  	v3 =	vadd.f32 v4, v3;
	_ =	sdelay $0x1  }
0x1c8: {  	[tilespmem:s30+$0x200] =	vst v3  }
0x1c9: {  	s21 =	sadd.s32 $0x20, s1;
	v3 =	vld.idx.msk [tilespmem:v5+s14+$0x0], $0xffff  }
0x1ca: {  	v36 =	vadd.s32 s21, v0;
	s21 =	sadd.s32 $0x20, s17;
	v35 =	vld.idx.msk [tilespmem:v6+s15+$0x0], $0xffff  }
0x1cb: {  	v37 =	vand.u32 $0xFFFFFF80, v36;
	v38 =	vadd.s32 s21, v0  }
0x1cc: {  	v39 =	vand.u32 $0xFFFFFF80, v38;
	v5 =	vand.u32 $0x7F, v36;
	v6 =	vadd.s32 s0, v37  }
0x1cd: {  	v40 =	vand.u32 $0x7F, v38;
	v41 =	vadd.s32 s0, v39;
	v5 =	vor.u32 v5, v6  }
0x1ce: {  	v6 =	vor.u32 v40, v41  }
0x1cf: {  	v3 =	vadd.f32 v35, v3;
	_ =	sdelay $0x1  }
0x1d0: {  	[tilespmem:s30+$0x210] =	vst v3  }
0x1d1: {  	s1 =	sadd.s32 $0x30, s1;
	v3 =	vld.idx.msk [tilespmem:v5+s14+$0x0], $0xffff  }
0x1d2: {  	(v2sf) =	vpush v2, $0xD;
	v42 =	vadd.s32 s1, v0;
	s17 =	sadd.s32 $0x30, s17;
	v43 =	vld.idx.msk [tilespmem:v6+s15+$0x0], $0xffff  }
0x1d3: {  	(v2sf) =	vpush v1, $0xD;
	v44 =	vand.u32 $0xFFFFFF80, v42;
	v45 =	vadd.s32 s17, v0  }
0x1d4: {  	v46 =	vand.u32 $0xFFFFFF80, v45;
	v4 =	vand.u32 $0x7F, v42;
	v6 =	vadd.s32 s0, v44  }
0x1d5: {  	v47 =	vand.u32 $0x7F, v45;
	v48 =	vadd.s32 s0, v46;
	v4 =	vor.u32 v4, v6  }
0x1d6: {  	v6 =	vor.u32 v47, v48  }
0x1d7: {  	v3 =	vadd.f32 v43, v3;
	_ =	sdelay $0x1  }
0x1d8: {  	v49 =	vbroadcast v1, $0xD;
	[tilespmem:s30+$0x220] =	vst v3  }
0x1d9: {  	v3 =	vbroadcast v2, $0xD;
	v4 =	vld.idx.msk [tilespmem:v4+s14+$0x0], $0xffff  }
0x1da: {  	v5 =	vadd.s32 v0, v49;
	v6 =	vld.idx.msk [tilespmem:v6+s15+$0x0], $0xffff  }
0x1db: {  	s0 =	sadd.s32 $0xFFFFFF00, s31;
	v51 =	vand.u32 $0xFFFFFF80, v5;
	v3 =	vadd.s32 v0, v3  }
0x1dc: {  	v5 =	vand.u32 $0x7F, v5;
	v52 =	vadd.s32 s0, v51;
	v50 =	vand.u32 $0xFFFFFF80, v3  }
0x1dd: {  	v5 =	vor.u32 v5, v52;
	v3 =	vand.u32 $0x7F, v3;
	v7 =	vadd.s32 s0, v50  }
0x1de: {  	v3 =	vor.u32 v3, v7  }
0x1df: {  	v4 =	vadd.f32 v6, v4;
	_ =	sdelay $0x1  }
0x1e0: {  	s1 =	spop (v2sf);
	[tilespmem:s30+$0x230] =	vst v4  }
0x1e1: {  	s21 =	sadd.s32 $0x10, s1;
	s17 =	spop (v2sf);
	v4 =	vld.idx.msk [tilespmem:v5+s15+$0x0], $0xffff  }
0x1e2: {  	v53 =	vadd.s32 s21, v0;
	s21 =	sadd.s32 $0x10, s17;
	v3 =	vld.idx.msk [tilespmem:v3+s14+$0x0], $0xffff  }
0x1e3: {  	v55 =	vadd.s32 s21, v0;
	v54 =	vand.u32 $0xFFFFFF80, v53  }
0x1e4: {  	v56 =	vand.u32 $0xFFFFFF80, v55;
	v6 =	vadd.s32 s0, v54;
	v5 =	vand.u32 $0x7F, v53  }
0x1e5: {  	v57 =	vand.u32 $0x7F, v55;
	v58 =	vadd.s32 s0, v56;
	v5 =	vor.u32 v5, v6  }
0x1e6: {  	v6 =	vor.u32 v57, v58  }
0x1e7: {  	v3 =	vadd.f32 v4, v3;
	_ =	sdelay $0x1  }
0x1e8: {  	[tilespmem:s30+$0x280] =	vst v3  }
0x1e9: {  	s21 =	sadd.s32 $0x20, s1;
	v3 =	vld.idx.msk [tilespmem:v5+s14+$0x0], $0xffff  }
0x1ea: {  	v60 =	vadd.s32 s21, v0;
	s21 =	sadd.s32 $0x20, s17;
	v59 =	vld.idx.msk [tilespmem:v6+s15+$0x0], $0xffff  }
0x1eb: {  	v61 =	vand.u32 $0xFFFFFF80, v60;
	v62 =	vadd.s32 s21, v0  }
0x1ec: {  	v63 =	vand.u32 $0xFFFFFF80, v62;
	v5 =	vand.u32 $0x7F, v60;
	v6 =	vadd.s32 s0, v61  }
0x1ed: {  	v12 =	vand.u32 $0x7F, v62;
	v13 =	vadd.s32 s0, v63;
	v5 =	vor.u32 v5, v6  }
0x1ee: {  	v6 =	vor.u32 v12, v13  }
0x1ef: {  	v3 =	vadd.f32 v59, v3;
	_ =	sdelay $0x1  }
0x1f0: {  	[tilespmem:s30+$0x290] =	vst v3  }
0x1f1: {  	s1 =	sadd.s32 $0x30, s1;
	v3 =	vld.idx.msk [tilespmem:v5+s14+$0x0], $0xffff  }
0x1f2: {  	(v2sf) =	vpush v2, $0xE;
	v14 =	vadd.s32 s1, v0;
	s21 =	sadd.s32 $0x30, s17;
	v15 =	vld.idx.msk [tilespmem:v6+s15+$0x0], $0xffff  }
0x1f3: {  	(v2sf) =	vpush v1, $0xE;
	v16 =	vand.u32 $0xFFFFFF80, v14;
	v17 =	vadd.s32 s21, v0  }
0x1f4: {  	v18 =	vand.u32 $0xFFFFFF80, v17;
	v4 =	vand.u32 $0x7F, v14;
	v6 =	vadd.s32 s0, v16  }
0x1f5: {  	v19 =	vand.u32 $0x7F, v17;
	v20 =	vadd.s32 s0, v18;
	v4 =	vor.u32 v4, v6  }
0x1f6: {  	v6 =	vor.u32 v19, v20  }
0x1f7: {  	v3 =	vadd.f32 v15, v3;
	_ =	sdelay $0x1  }
0x1f8: {  	v21 =	vbroadcast v1, $0xE;
	[tilespmem:s30+$0x2A0] =	vst v3  }
0x1f9: {  	v3 =	vbroadcast v2, $0xE;
	v4 =	vld.idx.msk [tilespmem:v4+s14+$0x0], $0xffff  }
0x1fa: {  	v5 =	vadd.s32 v0, v21;
	v6 =	vld.idx.msk [tilespmem:v6+s15+$0x0], $0xffff  }
0x1fb: {  	s0 =	sadd.s32 $0xFFFFFF80, s31;
	v23 =	vand.u32 $0xFFFFFF80, v5;
	v3 =	vadd.s32 v0, v3  }
0x1fc: {  	v5 =	vand.u32 $0x7F, v5;
	v24 =	vadd.s32 s0, v23;
	v22 =	vand.u32 $0xFFFFFF80, v3  }
0x1fd: {  	v5 =	vor.u32 v5, v24;
	v3 =	vand.u32 $0x7F, v3;
	v7 =	vadd.s32 s0, v22  }
0x1fe: {  	v3 =	vor.u32 v3, v7  }
0x1ff: {  	v4 =	vadd.f32 v6, v4;
	_ =	sdelay $0x1  }
0x200: {  	s1 =	spop (v2sf);
	[tilespmem:s30+$0x2B0] =	vst v4  }
0x201: {  	s17 =	spop (v2sf);
	s21 =	sadd.s32 $0x10, s1;
	v4 =	vld.idx.msk [tilespmem:v5+s15+$0x0], $0xffff  }
0x202: {  	v25 =	vadd.s32 s21, v0;
	s21 =	sadd.s32 $0x10, s17;
	v3 =	vld.idx.msk [tilespmem:v3+s14+$0x0], $0xffff  }
0x203: {  	v27 =	vadd.s32 s21, v0;
	v26 =	vand.u32 $0xFFFFFF80, v25  }
0x204: {  	v28 =	vand.u32 $0xFFFFFF80, v27;
	v6 =	vadd.s32 s0, v26;
	v5 =	vand.u32 $0x7F, v25  }
0x205: {  	v29 =	vand.u32 $0x7F, v27;
	v30 =	vadd.s32 s0, v28;
	v5 =	vor.u32 v5, v6  }
0x206: {  	v6 =	vor.u32 v29, v30  }
0x207: {  	v3 =	vadd.f32 v4, v3;
	_ =	sdelay $0x1  }
0x208: {  	[tilespmem:s30+$0x300] =	vst v3  }
0x209: {  	s21 =	sadd.s32 $0x20, s1;
	v3 =	vld.idx.msk [tilespmem:v5+s14+$0x0], $0xffff  }
0x20a: {  	v32 =	vadd.s32 s21, v0;
	s21 =	sadd.s32 $0x20, s17;
	v31 =	vld.idx.msk [tilespmem:v6+s15+$0x0], $0xffff  }
0x20b: {  	v33 =	vand.u32 $0xFFFFFF80, v32;
	v34 =	vadd.s32 s21, v0  }
0x20c: {  	v35 =	vand.u32 $0xFFFFFF80, v34;
	v5 =	vand.u32 $0x7F, v32;
	v6 =	vadd.s32 s0, v33  }
0x20d: {  	v36 =	vand.u32 $0x7F, v34;
	v37 =	vadd.s32 s0, v35;
	v5 =	vor.u32 v5, v6  }
0x20e: {  	v6 =	vor.u32 v36, v37  }
0x20f: {  	v3 =	vadd.f32 v31, v3;
	_ =	sdelay $0x1  }
0x210: {  	[tilespmem:s30+$0x310] =	vst v3  }
0x211: {  	s1 =	sadd.s32 $0x30, s1;
	v3 =	vld.idx.msk [tilespmem:v5+s14+$0x0], $0xffff  }
0x212: {  	(v2sf) =	vpush v2, $0xF;
	v38 =	vadd.s32 s1, v0;
	s17 =	sadd.s32 $0x30, s17;
	v39 =	vld.idx.msk [tilespmem:v6+s15+$0x0], $0xffff  }
0x213: {  	(v2sf) =	vpush v1, $0xF;
	v40 =	vand.u32 $0xFFFFFF80, v38;
	v41 =	vadd.s32 s17, v0  }
0x214: {  	v42 =	vand.u32 $0xFFFFFF80, v41;
	v4 =	vand.u32 $0x7F, v38;
	v6 =	vadd.s32 s0, v40  }
0x215: {  	v43 =	vand.u32 $0x7F, v41;
	v44 =	vadd.s32 s0, v42;
	v4 =	vor.u32 v4, v6  }
0x216: {  	v6 =	vor.u32 v43, v44  }
0x217: {  	v3 =	vadd.f32 v39, v3;
	_ =	sdelay $0x1  }
0x218: {  	v2 =	vbroadcast v2, $0xF;
	[tilespmem:s30+$0x320] =	vst v3  }
0x219: {  	v1 =	vbroadcast v1, $0xF;
	v3 =	vld.idx.msk [tilespmem:v4+s14+$0x0], $0xffff  }
0x21a: {  	v2 =	vadd.s32 v0, v2;
	v45 =	vld.idx.msk [tilespmem:v6+s15+$0x0], $0xffff  }
0x21b: {  	v1 =	vadd.s32 v0, v1;
	v46 =	vand.u32 $0xFFFFFF80, v2  }
0x21c: {  	v47 =	vand.u32 $0xFFFFFF80, v1;
	v2 =	vand.u32 $0x7F, v2;
	v5 =	vadd.s32 s31, v46  }
0x21d: {  	v1 =	vand.u32 $0x7F, v1;
	v48 =	vadd.s32 s31, v47;
	v2 =	vor.u32 v2, v5  }
0x21e: {  	v1 =	vor.u32 v1, v48  }
0x21f: {  	v3 =	vadd.f32 v45, v3;
	_ =	sdelay $0x1  }
0x220: {  	s0 =	spop (v2sf);
	[tilespmem:s30+$0x330] =	vst v3  }
0x221: {  	s1 =	spop (v2sf);
	s21 =	sadd.s32 $0x10, s0;
	v2 =	vld.idx.msk [tilespmem:v2+s14+$0x0], $0xffff  }
0x222: {  	v3 =	vadd.s32 s21, v0;
	s21 =	sadd.s32 $0x10, s1;
	v1 =	vld.idx.msk [tilespmem:v1+s15+$0x0], $0xffff  }
0x223: {  	v49 =	vand.u32 $0xFFFFFF80, v3;
	v50 =	vadd.s32 s21, v0  }
0x224: {  	v3 =	vand.u32 $0x7F, v3;
	v4 =	vadd.s32 s31, v49;
	v51 =	vand.u32 $0xFFFFFF80, v50  }
0x225: {  	v52 =	vand.u32 $0x7F, v50;
	v3 =	vor.u32 v3, v4;
	v53 =	vadd.s32 s31, v51  }
0x226: {  	v4 =	vor.u32 v52, v53  }
0x227: {  	v1 =	vadd.f32 v1, v2;
	_ =	sdelay $0x1  }
0x228: {  	[tilespmem:s30+$0x380] =	vst v1  }
0x229: {  	s21 =	sadd.s32 $0x20, s0;
	v1 =	vld.idx.msk [tilespmem:v3+s14+$0x0], $0xffff  }
0x22a: {  	v2 =	vld.idx.msk [tilespmem:v4+s15+$0x0], $0xffff;
	v3 =	vadd.s32 s21, v0;
	s21 =	sadd.s32 $0x20, s1  }
0x22b: {  	v54 =	vand.u32 $0xFFFFFF80, v3;
	v55 =	vadd.s32 s21, v0  }
0x22c: {  	v3 =	vand.u32 $0x7F, v3;
	v4 =	vadd.s32 s31, v54;
	v56 =	vand.u32 $0xFFFFFF80, v55  }
0x22d: {  	v57 =	vand.u32 $0x7F, v55;
	v3 =	vor.u32 v3, v4;
	v58 =	vadd.s32 s31, v56  }
0x22e: {  	v4 =	vor.u32 v57, v58  }
0x22f: {  	v1 =	vadd.f32 v2, v1;
	_ =	sdelay $0x1  }
0x230: {  	[tilespmem:s30+$0x390] =	vst v1  }
0x231: {  	s0 =	sadd.s32 $0x30, s0;
	v1 =	vld.idx.msk [tilespmem:v3+s14+$0x0], $0xffff  }
0x232: {  	s21 =	sadd.s32 $0x30, s1;
	v3 =	vadd.s32 s0, v0;
	v2 =	vld.idx.msk [tilespmem:v4+s15+$0x0], $0xffff  }
0x233: {  	v60 =	vadd.s32 s21, v0;
	v59 =	vand.u32 $0xFFFFFF80, v3  }
0x234: {  	v61 =	vand.u32 $0xFFFFFF80, v60;
	v3 =	vand.u32 $0x7F, v3;
	v4 =	vadd.s32 s31, v59  }
0x235: {  	v62 =	vand.u32 $0x7F, v60;
	v63 =	vadd.s32 s31, v61;
	v3 =	vor.u32 v3, v4  }
0x236: {  	v4 =	vor.u32 v62, v63  }
0x237: {  	v1 =	vadd.f32 v2, v1;
	_ =	sdelay $0x1  }
0x238: {  	[tilespmem:s30+$0x3A0] =	vst v1  }
0x239: {  	v1 =	vld.idx.msk [tilespmem:v3+s14+$0x0], $0xffff  }
0x23a: {  	v2 =	vld.idx.msk [tilespmem:v4+s15+$0x0], $0xffff;
	_ =	sdelay $0x1  }
0x23b: {  	p0 =	sne.s32 s29, $0xFF  }
.Ltmp0:
0x23c: {  	_ = 	snop;
	(pc) =	sbr.rel @p0 .LBB2_2-.Ltmp0, $4  }
0x23d: {  	_ = 	snop  }
0x23e: {  	v1 =	vadd.f32 v2, v1  }
0x23f: {  	s26 =	sadd.s32 $0x10, s26  }
0x240: {  	s28 =	sadd.s32 $0x10, s28;
	s29 =	sadd.s32 $0x10, s29;
	[tilespmem:s30+$0x3B0] =	vst v1;
	s30 =	sadd.s32 $0x800, s30  }
0x241: {  	[hbm4b:s8+s2] =	stream.linear.scatter [tilespmem:s20], [sflag:$0x2], $0x8000, $0x38;
	[tilespmem:$0x18800] =	vst v63  }
0x242: {  	_ =	swait.ge [sflag:s11], $0x8000  }
0x243: {  	[sflag:s11] =	ssyncset.done $0x0  }
0x244: {  	s0 =	simm.s32 $0x100;
	[sflag:s11] =	ssyncadd.s32 $0xFFFF8000  }
0x245: {  	[tilespmem:s14], [sflag:$0x1] =	stream.indirect.gather [hbm4b:s3+s13], $0x80, s0, s13, $0xb8;
	[tilespmem:$0x18800] =	vst v63  }
0x246: {  	_ = 	snop  }
0x247: {  	[tilespmem:s15], [sflag:$0x1] =	stream.indirect.gather [hbm4b:s3+s13], $0x80, s22, s13, $0xb8;
	[tilespmem:$0x18800] =	vst v63  }
0x248: {  	_ = 	snop  }
0x249: {  	[tilespmem:s16], [sflag:$0x1] =	stream.indirect.gather [hbm4b:s3+s13], $0x80, s23, s13, $0xb8;
	[tilespmem:$0x18800] =	vst v63  }
0x24a: {  	_ = 	snop  }
0x24b: {  	[tilespmem:s18], [sflag:$0x1] =	stream.indirect.gather [hbm4b:s3+s13], $0x80, s24, s13, $0xb8;
	[tilespmem:$0x18800] =	vst v63  }
0x24c: {  	_ =	swait.ge [sflag:s19], $0x4000  }
0x24d: {  	[sflag:s19] =	ssyncset.done $0x0  }
0x24e: {  	[sflag:s19] =	ssyncadd.s32 $0xFFFFC000  }
0x24f: {  	_ =	swait.ge [sflag:s19], $0x4000  }
0x250: {  	[sflag:s19] =	ssyncset.done $0x0  }
0x251: {  	[sflag:s19] =	ssyncadd.s32 $0xFFFFC000  }
0x252: {  	_ =	swait.ge [sflag:s19], $0x4000  }
0x253: {  	[sflag:s19] =	ssyncset.done $0x0  }
0x254: {  	[sflag:s19] =	ssyncadd.s32 $0xFFFFC000  }
0x255: {  	_ =	swait.ge [sflag:s19], $0x4000  }
0x256: {  	s26 =	simm.s32 $0xF;
	s28 =	simm.s32 $0x700;
	[sflag:s19] =	ssyncset.done $0x0  }
0x257: {  	s29 =	simm.s32 $0x500;
	s30 =	simm.s32 $0x10C00;
	[sflag:s19] =	ssyncadd.s32 $0xFFFFC000  }
.LBB2_4:
0x258: {  	v2 =	vld [tilespmem:s29+$0x0]  }
0x259: {  	v1 =	vld [tilespmem:s28+$0x0];
	_ =	sdelay $0x3  }
0x25a: {  	(v2sf) =	vpush v2, $0x0  }
0x25b: {  	(v2sf) =	vpush v1, $0x0;
	_ =	sdelay $0x4  }
0x25c: {  	v3 =	vbroadcast v2, $0x0  }
0x25d: {  	v4 =	vbroadcast v1, $0x0  }
0x25e: {  	s31 =	sshll.u32 s26, $0x7;
	v3 =	vadd.s32 v0, v3  }
0x25f: {  	s0 =	sadd.s32 $0xFFFFF880, s31;
	v4 =	vadd.s32 v0, v4;
	v5 =	vand.u32 $0xFFFFFF80, v3  }
0x260: {  	v3 =	vand.u32 $0x7F, v3;
	v6 =	vand.u32 $0xFFFFFF80, v4;
	v5 =	vadd.s32 s0, v5  }
0x261: {  	v4 =	vand.u32 $0x7F, v4;
	v58 =	vadd.s32 s0, v6;
	v3 =	vor.u32 v3, v5  }
0x262: {  	v4 =	vor.u32 v4, v58;
	_ =	sdelay $0x2  }
0x263: {  	s1 =	spop (v2sf)  }
0x264: {  	v3 =	vld.idx.msk [tilespmem:v3+s14+$0x0], $0xffff;
	s17 =	spop (v2sf);
	s21 =	sadd.s32 $0x10, s1  }
0x265: {  	v4 =	vld.idx.msk [tilespmem:v4+s15+$0x0], $0xffff;
	v59 =	vadd.s32 s21, v0;
	s21 =	sadd.s32 $0x10, s17  }
0x266: {  	v60 =	vand.u32 $0xFFFFFF80, v59;
	v7 =	vadd.s32 s21, v0  }
0x267: {  	v5 =	vand.u32 $0x7F, v59;
	v6 =	vadd.s32 s0, v60;
	v8 =	vand.u32 $0xFFFFFF80, v7  }
0x268: {  	v61 =	vand.u32 $0x7F, v7;
	v5 =	vor.u32 v5, v6;
	v62 =	vadd.s32 s0, v8  }
0x269: {  	v6 =	vor.u32 v61, v62  }
0x26a: {  	v3 =	vadd.f32 v4, v3;
	_ =	sdelay $0x1  }
0x26b: {  	[tilespmem:s30+$0xFFFFFC00] =	vst v3  }
0x26c: {  	s21 =	sadd.s32 $0x20, s1;
	v3 =	vld.idx.msk [tilespmem:v5+s14+$0x0], $0xffff  }
0x26d: {  	v12 =	vadd.s32 s21, v0;
	s21 =	sadd.s32 $0x20, s17;
	v63 =	vld.idx.msk [tilespmem:v6+s15+$0x0], $0xffff  }
0x26e: {  	v13 =	vand.u32 $0xFFFFFF80, v12;
	v14 =	vadd.s32 s21, v0  }
0x26f: {  	v15 =	vand.u32 $0xFFFFFF80, v14;
	v5 =	vand.u32 $0x7F, v12;
	v6 =	vadd.s32 s0, v13  }
0x270: {  	v16 =	vand.u32 $0x7F, v14;
	v17 =	vadd.s32 s0, v15;
	v5 =	vor.u32 v5, v6  }
0x271: {  	v6 =	vor.u32 v16, v17  }
0x272: {  	v3 =	vadd.f32 v63, v3;
	_ =	sdelay $0x1  }
0x273: {  	[tilespmem:s30+$0xFFFFFC10] =	vst v3  }
0x274: {  	s1 =	sadd.s32 $0x30, s1;
	v3 =	vld.idx.msk [tilespmem:v5+s14+$0x0], $0xffff  }
0x275: {  	(v2sf) =	vpush v2, $0x1;
	v18 =	vadd.s32 s1, v0;
	s17 =	sadd.s32 $0x30, s17;
	v19 =	vld.idx.msk [tilespmem:v6+s15+$0x0], $0xffff  }
0x276: {  	(v2sf) =	vpush v1, $0x1;
	v20 =	vand.u32 $0xFFFFFF80, v18;
	v21 =	vadd.s32 s17, v0  }
0x277: {  	v4 =	vand.u32 $0x7F, v18;
	v22 =	vand.u32 $0xFFFFFF80, v21;
	v6 =	vadd.s32 s0, v20  }
0x278: {  	v23 =	vand.u32 $0x7F, v21;
	v24 =	vadd.s32 s0, v22;
	v4 =	vor.u32 v4, v6  }
0x279: {  	v6 =	vor.u32 v23, v24  }
0x27a: {  	v3 =	vadd.f32 v19, v3;
	_ =	sdelay $0x1  }
0x27b: {  	v25 =	vbroadcast v1, $0x1;
	[tilespmem:s30+$0xFFFFFC20] =	vst v3  }
0x27c: {  	v3 =	vbroadcast v2, $0x1;
	v4 =	vld.idx.msk [tilespmem:v4+s14+$0x0], $0xffff  }
0x27d: {  	v5 =	vadd.s32 v0, v25;
	v6 =	vld.idx.msk [tilespmem:v6+s15+$0x0], $0xffff  }
0x27e: {  	s0 =	sadd.s32 $0xFFFFF900, s31;
	v27 =	vand.u32 $0xFFFFFF80, v5;
	v3 =	vadd.s32 v0, v3  }
0x27f: {  	v5 =	vand.u32 $0x7F, v5;
	v28 =	vadd.s32 s0, v27;
	v26 =	vand.u32 $0xFFFFFF80, v3  }
0x280: {  	v5 =	vor.u32 v5, v28;
	v3 =	vand.u32 $0x7F, v3;
	v7 =	vadd.s32 s0, v26  }
0x281: {  	v3 =	vor.u32 v3, v7  }
0x282: {  	v4 =	vadd.f32 v6, v4;
	_ =	sdelay $0x1  }
0x283: {  	s1 =	spop (v2sf);
	[tilespmem:s30+$0xFFFFFC30] =	vst v4  }
0x284: {  	s17 =	spop (v2sf);
	s21 =	sadd.s32 $0x10, s1;
	v4 =	vld.idx.msk [tilespmem:v5+s15+$0x0], $0xffff  }
0x285: {  	v29 =	vadd.s32 s21, v0;
	s21 =	sadd.s32 $0x10, s17;
	v3 =	vld.idx.msk [tilespmem:v3+s14+$0x0], $0xffff  }
0x286: {  	v30 =	vand.u32 $0xFFFFFF80, v29;
	v31 =	vadd.s32 s21, v0  }
0x287: {  	v32 =	vand.u32 $0xFFFFFF80, v31;
	v6 =	vadd.s32 s0, v30;
	v5 =	vand.u32 $0x7F, v29  }
0x288: {  	v33 =	vand.u32 $0x7F, v31;
	v34 =	vadd.s32 s0, v32;
	v5 =	vor.u32 v5, v6  }
0x289: {  	v6 =	vor.u32 v33, v34  }
0x28a: {  	v3 =	vadd.f32 v4, v3;
	_ =	sdelay $0x1  }
0x28b: {  	[tilespmem:s30+$0xFFFFFC80] =	vst v3  }
0x28c: {  	s21 =	sadd.s32 $0x20, s1;
	v3 =	vld.idx.msk [tilespmem:v5+s14+$0x0], $0xffff  }
0x28d: {  	v36 =	vadd.s32 s21, v0;
	s21 =	sadd.s32 $0x20, s17;
	v35 =	vld.idx.msk [tilespmem:v6+s15+$0x0], $0xffff  }
0x28e: {  	v37 =	vand.u32 $0xFFFFFF80, v36;
	v38 =	vadd.s32 s21, v0  }
0x28f: {  	v39 =	vand.u32 $0xFFFFFF80, v38;
	v5 =	vand.u32 $0x7F, v36;
	v6 =	vadd.s32 s0, v37  }
0x290: {  	v40 =	vand.u32 $0x7F, v38;
	v41 =	vadd.s32 s0, v39;
	v5 =	vor.u32 v5, v6  }
0x291: {  	v6 =	vor.u32 v40, v41  }
0x292: {  	v3 =	vadd.f32 v35, v3;
	_ =	sdelay $0x1  }
0x293: {  	[tilespmem:s30+$0xFFFFFC90] =	vst v3  }
0x294: {  	s1 =	sadd.s32 $0x30, s1;
	v3 =	vld.idx.msk [tilespmem:v5+s14+$0x0], $0xffff  }
0x295: {  	(v2sf) =	vpush v2, $0x2;
	v42 =	vadd.s32 s1, v0;
	s21 =	sadd.s32 $0x30, s17;
	v43 =	vld.idx.msk [tilespmem:v6+s15+$0x0], $0xffff  }
0x296: {  	(v2sf) =	vpush v1, $0x2;
	v44 =	vand.u32 $0xFFFFFF80, v42;
	v45 =	vadd.s32 s21, v0  }
0x297: {  	v46 =	vand.u32 $0xFFFFFF80, v45;
	v4 =	vand.u32 $0x7F, v42;
	v6 =	vadd.s32 s0, v44  }
0x298: {  	v47 =	vand.u32 $0x7F, v45;
	v48 =	vadd.s32 s0, v46;
	v4 =	vor.u32 v4, v6  }
0x299: {  	v6 =	vor.u32 v47, v48  }
0x29a: {  	v3 =	vadd.f32 v43, v3;
	_ =	sdelay $0x1  }
0x29b: {  	v49 =	vbroadcast v1, $0x2;
	[tilespmem:s30+$0xFFFFFCA0] =	vst v3  }
0x29c: {  	v3 =	vbroadcast v2, $0x2;
	v4 =	vld.idx.msk [tilespmem:v4+s14+$0x0], $0xffff  }
0x29d: {  	v5 =	vadd.s32 v0, v49;
	v6 =	vld.idx.msk [tilespmem:v6+s15+$0x0], $0xffff  }
0x29e: {  	s0 =	sadd.s32 $0xFFFFF980, s31;
	v51 =	vand.u32 $0xFFFFFF80, v5;
	v3 =	vadd.s32 v0, v3  }
0x29f: {  	v5 =	vand.u32 $0x7F, v5;
	v52 =	vadd.s32 s0, v51;
	v50 =	vand.u32 $0xFFFFFF80, v3  }
0x2a0: {  	v5 =	vor.u32 v5, v52;
	v3 =	vand.u32 $0x7F, v3;
	v7 =	vadd.s32 s0, v50  }
0x2a1: {  	v3 =	vor.u32 v3, v7  }
0x2a2: {  	v4 =	vadd.f32 v6, v4;
	_ =	sdelay $0x1  }
0x2a3: {  	s1 =	spop (v2sf);
	[tilespmem:s30+$0xFFFFFCB0] =	vst v4  }
0x2a4: {  	s17 =	spop (v2sf);
	s21 =	sadd.s32 $0x10, s1;
	v4 =	vld.idx.msk [tilespmem:v5+s15+$0x0], $0xffff  }
0x2a5: {  	v53 =	vadd.s32 s21, v0;
	s21 =	sadd.s32 $0x10, s17;
	v3 =	vld.idx.msk [tilespmem:v3+s14+$0x0], $0xffff  }
0x2a6: {  	v54 =	vand.u32 $0xFFFFFF80, v53;
	v55 =	vadd.s32 s21, v0  }
0x2a7: {  	v56 =	vand.u32 $0xFFFFFF80, v55;
	v6 =	vadd.s32 s0, v54;
	v5 =	vand.u32 $0x7F, v53  }
0x2a8: {  	v57 =	vand.u32 $0x7F, v55;
	v58 =	vadd.s32 s0, v56;
	v5 =	vor.u32 v5, v6  }
0x2a9: {  	v6 =	vor.u32 v57, v58  }
0x2aa: {  	v3 =	vadd.f32 v4, v3;
	_ =	sdelay $0x1  }
0x2ab: {  	[tilespmem:s30+$0xFFFFFD00] =	vst v3  }
0x2ac: {  	s21 =	sadd.s32 $0x20, s1;
	v3 =	vld.idx.msk [tilespmem:v5+s14+$0x0], $0xffff  }
0x2ad: {  	v60 =	vadd.s32 s21, v0;
	s21 =	sadd.s32 $0x20, s17;
	v59 =	vld.idx.msk [tilespmem:v6+s15+$0x0], $0xffff  }
0x2ae: {  	v61 =	vand.u32 $0xFFFFFF80, v60;
	v62 =	vadd.s32 s21, v0  }
0x2af: {  	v63 =	vand.u32 $0xFFFFFF80, v62;
	v5 =	vand.u32 $0x7F, v60;
	v6 =	vadd.s32 s0, v61  }
0x2b0: {  	v9 =	vand.u32 $0x7F, v62;
	v10 =	vadd.s32 s0, v63;
	v5 =	vor.u32 v5, v6  }
0x2b1: {  	v6 =	vor.u32 v9, v10  }
0x2b2: {  	v3 =	vadd.f32 v59, v3;
	_ =	sdelay $0x1  }
0x2b3: {  	[tilespmem:s30+$0xFFFFFD10] =	vst v3  }
0x2b4: {  	s1 =	sadd.s32 $0x30, s1;
	v3 =	vld.idx.msk [tilespmem:v5+s14+$0x0], $0xffff  }
0x2b5: {  	(v2sf) =	vpush v2, $0x3;
	v11 =	vadd.s32 s1, v0;
	s17 =	sadd.s32 $0x30, s17;
	v12 =	vld.idx.msk [tilespmem:v6+s15+$0x0], $0xffff  }
0x2b6: {  	(v2sf) =	vpush v1, $0x3;
	v13 =	vand.u32 $0xFFFFFF80, v11;
	v14 =	vadd.s32 s17, v0  }
0x2b7: {  	v15 =	vand.u32 $0xFFFFFF80, v14;
	v4 =	vand.u32 $0x7F, v11;
	v6 =	vadd.s32 s0, v13  }
0x2b8: {  	v16 =	vand.u32 $0x7F, v14;
	v17 =	vadd.s32 s0, v15;
	v4 =	vor.u32 v4, v6  }
0x2b9: {  	v6 =	vor.u32 v16, v17  }
0x2ba: {  	v3 =	vadd.f32 v12, v3;
	_ =	sdelay $0x1  }
0x2bb: {  	v18 =	vbroadcast v1, $0x3;
	[tilespmem:s30+$0xFFFFFD20] =	vst v3  }
0x2bc: {  	v3 =	vbroadcast v2, $0x3;
	v4 =	vld.idx.msk [tilespmem:v4+s14+$0x0], $0xffff  }
0x2bd: {  	v5 =	vadd.s32 v0, v18;
	v6 =	vld.idx.msk [tilespmem:v6+s15+$0x0], $0xffff  }
0x2be: {  	s0 =	sadd.s32 $0xFFFFFA00, s31;
	v20 =	vand.u32 $0xFFFFFF80, v5;
	v3 =	vadd.s32 v0, v3  }
0x2bf: {  	v5 =	vand.u32 $0x7F, v5;
	v21 =	vadd.s32 s0, v20;
	v19 =	vand.u32 $0xFFFFFF80, v3  }
0x2c0: {  	v5 =	vor.u32 v5, v21;
	v3 =	vand.u32 $0x7F, v3;
	v7 =	vadd.s32 s0, v19  }
0x2c1: {  	v3 =	vor.u32 v3, v7  }
0x2c2: {  	v4 =	vadd.f32 v6, v4;
	_ =	sdelay $0x1  }
0x2c3: {  	s1 =	spop (v2sf);
	[tilespmem:s30+$0xFFFFFD30] =	vst v4  }
0x2c4: {  	s17 =	spop (v2sf);
	s21 =	sadd.s32 $0x10, s1;
	v4 =	vld.idx.msk [tilespmem:v5+s15+$0x0], $0xffff  }
0x2c5: {  	v22 =	vadd.s32 s21, v0;
	s21 =	sadd.s32 $0x10, s17;
	v3 =	vld.idx.msk [tilespmem:v3+s14+$0x0], $0xffff  }
0x2c6: {  	v23 =	vand.u32 $0xFFFFFF80, v22;
	v24 =	vadd.s32 s21, v0  }
0x2c7: {  	v25 =	vand.u32 $0xFFFFFF80, v24;
	v6 =	vadd.s32 s0, v23;
	v5 =	vand.u32 $0x7F, v22  }
0x2c8: {  	v26 =	vand.u32 $0x7F, v24;
	v27 =	vadd.s32 s0, v25;
	v5 =	vor.u32 v5, v6  }
0x2c9: {  	v6 =	vor.u32 v26, v27  }
0x2ca: {  	v3 =	vadd.f32 v4, v3;
	_ =	sdelay $0x1  }
0x2cb: {  	[tilespmem:s30+$0xFFFFFD80] =	vst v3  }
0x2cc: {  	s21 =	sadd.s32 $0x20, s1;
	v3 =	vld.idx.msk [tilespmem:v5+s14+$0x0], $0xffff  }
0x2cd: {  	v29 =	vadd.s32 s21, v0;
	s21 =	sadd.s32 $0x20, s17;
	v28 =	vld.idx.msk [tilespmem:v6+s15+$0x0], $0xffff  }
0x2ce: {  	v30 =	vand.u32 $0xFFFFFF80, v29;
	v31 =	vadd.s32 s21, v0  }
0x2cf: {  	v32 =	vand.u32 $0xFFFFFF80, v31;
	v5 =	vand.u32 $0x7F, v29;
	v6 =	vadd.s32 s0, v30  }
0x2d0: {  	v33 =	vand.u32 $0x7F, v31;
	v34 =	vadd.s32 s0, v32;
	v5 =	vor.u32 v5, v6  }
0x2d1: {  	v6 =	vor.u32 v33, v34  }
0x2d2: {  	v3 =	vadd.f32 v28, v3;
	_ =	sdelay $0x1  }
0x2d3: {  	[tilespmem:s30+$0xFFFFFD90] =	vst v3  }
0x2d4: {  	s1 =	sadd.s32 $0x30, s1;
	v3 =	vld.idx.msk [tilespmem:v5+s14+$0x0], $0xffff  }
0x2d5: {  	(v2sf) =	vpush v2, $0x4;
	v35 =	vadd.s32 s1, v0;
	s21 =	sadd.s32 $0x30, s17;
	v36 =	vld.idx.msk [tilespmem:v6+s15+$0x0], $0xffff  }
0x2d6: {  	(v2sf) =	vpush v1, $0x4;
	v37 =	vand.u32 $0xFFFFFF80, v35;
	v38 =	vadd.s32 s21, v0  }
0x2d7: {  	v39 =	vand.u32 $0xFFFFFF80, v38;
	v4 =	vand.u32 $0x7F, v35;
	v6 =	vadd.s32 s0, v37  }
0x2d8: {  	v40 =	vand.u32 $0x7F, v38;
	v41 =	vadd.s32 s0, v39;
	v4 =	vor.u32 v4, v6  }
0x2d9: {  	v6 =	vor.u32 v40, v41  }
0x2da: {  	v3 =	vadd.f32 v36, v3;
	_ =	sdelay $0x1  }
0x2db: {  	v42 =	vbroadcast v1, $0x4;
	[tilespmem:s30+$0xFFFFFDA0] =	vst v3  }
0x2dc: {  	v3 =	vbroadcast v2, $0x4;
	v4 =	vld.idx.msk [tilespmem:v4+s14+$0x0], $0xffff  }
0x2dd: {  	v5 =	vadd.s32 v0, v42;
	v6 =	vld.idx.msk [tilespmem:v6+s15+$0x0], $0xffff  }
0x2de: {  	s0 =	sadd.s32 $0xFFFFFA80, s31;
	v44 =	vand.u32 $0xFFFFFF80, v5;
	v3 =	vadd.s32 v0, v3  }
0x2df: {  	v5 =	vand.u32 $0x7F, v5;
	v45 =	vadd.s32 s0, v44;
	v43 =	vand.u32 $0xFFFFFF80, v3  }
0x2e0: {  	v5 =	vor.u32 v5, v45;
	v3 =	vand.u32 $0x7F, v3;
	v7 =	vadd.s32 s0, v43  }
0x2e1: {  	v3 =	vor.u32 v3, v7  }
0x2e2: {  	v4 =	vadd.f32 v6, v4;
	_ =	sdelay $0x1  }
0x2e3: {  	s1 =	spop (v2sf);
	[tilespmem:s30+$0xFFFFFDB0] =	vst v4  }
0x2e4: {  	s17 =	spop (v2sf);
	s21 =	sadd.s32 $0x10, s1;
	v4 =	vld.idx.msk [tilespmem:v5+s15+$0x0], $0xffff  }
0x2e5: {  	v46 =	vadd.s32 s21, v0;
	s21 =	sadd.s32 $0x10, s17;
	v3 =	vld.idx.msk [tilespmem:v3+s14+$0x0], $0xffff  }
0x2e6: {  	v47 =	vand.u32 $0xFFFFFF80, v46;
	v48 =	vadd.s32 s21, v0  }
0x2e7: {  	v49 =	vand.u32 $0xFFFFFF80, v48;
	v6 =	vadd.s32 s0, v47;
	v5 =	vand.u32 $0x7F, v46  }
0x2e8: {  	v50 =	vand.u32 $0x7F, v48;
	v51 =	vadd.s32 s0, v49;
	v5 =	vor.u32 v5, v6  }
0x2e9: {  	v6 =	vor.u32 v50, v51  }
0x2ea: {  	v3 =	vadd.f32 v4, v3;
	_ =	sdelay $0x1  }
0x2eb: {  	[tilespmem:s30+$0xFFFFFE00] =	vst v3  }
0x2ec: {  	s21 =	sadd.s32 $0x20, s1;
	v3 =	vld.idx.msk [tilespmem:v5+s14+$0x0], $0xffff  }
0x2ed: {  	v53 =	vadd.s32 s21, v0;
	s21 =	sadd.s32 $0x20, s17;
	v52 =	vld.idx.msk [tilespmem:v6+s15+$0x0], $0xffff  }
0x2ee: {  	v54 =	vand.u32 $0xFFFFFF80, v53;
	v55 =	vadd.s32 s21, v0  }
0x2ef: {  	v56 =	vand.u32 $0xFFFFFF80, v55;
	v5 =	vand.u32 $0x7F, v53;
	v6 =	vadd.s32 s0, v54  }
0x2f0: {  	v57 =	vand.u32 $0x7F, v55;
	v58 =	vadd.s32 s0, v56;
	v5 =	vor.u32 v5, v6  }
0x2f1: {  	v6 =	vor.u32 v57, v58  }
0x2f2: {  	v3 =	vadd.f32 v52, v3;
	_ =	sdelay $0x1  }
0x2f3: {  	[tilespmem:s30+$0xFFFFFE10] =	vst v3  }
0x2f4: {  	s1 =	sadd.s32 $0x30, s1;
	v3 =	vld.idx.msk [tilespmem:v5+s14+$0x0], $0xffff  }
0x2f5: {  	(v2sf) =	vpush v2, $0x5;
	s17 =	sadd.s32 $0x30, s17;
	v59 =	vadd.s32 s1, v0;
	v60 =	vld.idx.msk [tilespmem:v6+s15+$0x0], $0xffff  }
0x2f6: {  	(v2sf) =	vpush v1, $0x5;
	v62 =	vadd.s32 s17, v0;
	v61 =	vand.u32 $0xFFFFFF80, v59  }
0x2f7: {  	v63 =	vand.u32 $0xFFFFFF80, v62;
	v4 =	vand.u32 $0x7F, v59;
	v6 =	vadd.s32 s0, v61  }
0x2f8: {  	v11 =	vand.u32 $0x7F, v62;
	v12 =	vadd.s32 s0, v63;
	v4 =	vor.u32 v4, v6  }
0x2f9: {  	v6 =	vor.u32 v11, v12  }
0x2fa: {  	v3 =	vadd.f32 v60, v3;
	_ =	sdelay $0x1  }
0x2fb: {  	v13 =	vbroadcast v1, $0x5;
	[tilespmem:s30+$0xFFFFFE20] =	vst v3  }
0x2fc: {  	v3 =	vbroadcast v2, $0x5;
	v4 =	vld.idx.msk [tilespmem:v4+s14+$0x0], $0xffff  }
0x2fd: {  	v5 =	vadd.s32 v0, v13;
	v6 =	vld.idx.msk [tilespmem:v6+s15+$0x0], $0xffff  }
0x2fe: {  	s0 =	sadd.s32 $0xFFFFFB00, s31;
	v15 =	vand.u32 $0xFFFFFF80, v5;
	v3 =	vadd.s32 v0, v3  }
0x2ff: {  	v5 =	vand.u32 $0x7F, v5;
	v16 =	vadd.s32 s0, v15;
	v14 =	vand.u32 $0xFFFFFF80, v3  }
0x300: {  	v5 =	vor.u32 v5, v16;
	v3 =	vand.u32 $0x7F, v3;
	v7 =	vadd.s32 s0, v14  }
0x301: {  	v3 =	vor.u32 v3, v7  }
0x302: {  	v4 =	vadd.f32 v6, v4;
	_ =	sdelay $0x1  }
0x303: {  	s1 =	spop (v2sf);
	[tilespmem:s30+$0xFFFFFE30] =	vst v4  }
0x304: {  	s17 =	spop (v2sf);
	s21 =	sadd.s32 $0x10, s1;
	v4 =	vld.idx.msk [tilespmem:v5+s15+$0x0], $0xffff  }
0x305: {  	v17 =	vadd.s32 s21, v0;
	s21 =	sadd.s32 $0x10, s17;
	v3 =	vld.idx.msk [tilespmem:v3+s14+$0x0], $0xffff  }
0x306: {  	v18 =	vand.u32 $0xFFFFFF80, v17;
	v19 =	vadd.s32 s21, v0  }
0x307: {  	v20 =	vand.u32 $0xFFFFFF80, v19;
	v6 =	vadd.s32 s0, v18;
	v5 =	vand.u32 $0x7F, v17  }
0x308: {  	v21 =	vand.u32 $0x7F, v19;
	v22 =	vadd.s32 s0, v20;
	v5 =	vor.u32 v5, v6  }
0x309: {  	v6 =	vor.u32 v21, v22  }
0x30a: {  	v3 =	vadd.f32 v4, v3;
	_ =	sdelay $0x1  }
0x30b: {  	[tilespmem:s30+$0xFFFFFE80] =	vst v3  }
0x30c: {  	s21 =	sadd.s32 $0x20, s1;
	v3 =	vld.idx.msk [tilespmem:v5+s14+$0x0], $0xffff  }
0x30d: {  	v24 =	vadd.s32 s21, v0;
	s21 =	sadd.s32 $0x20, s17;
	v23 =	vld.idx.msk [tilespmem:v6+s15+$0x0], $0xffff  }
0x30e: {  	v25 =	vand.u32 $0xFFFFFF80, v24;
	v26 =	vadd.s32 s21, v0  }
0x30f: {  	v27 =	vand.u32 $0xFFFFFF80, v26;
	v5 =	vand.u32 $0x7F, v24;
	v6 =	vadd.s32 s0, v25  }
0x310: {  	v28 =	vand.u32 $0x7F, v26;
	v29 =	vadd.s32 s0, v27;
	v5 =	vor.u32 v5, v6  }
0x311: {  	v6 =	vor.u32 v28, v29  }
0x312: {  	v3 =	vadd.f32 v23, v3;
	_ =	sdelay $0x1  }
0x313: {  	[tilespmem:s30+$0xFFFFFE90] =	vst v3  }
0x314: {  	s1 =	sadd.s32 $0x30, s1;
	v3 =	vld.idx.msk [tilespmem:v5+s14+$0x0], $0xffff  }
0x315: {  	(v2sf) =	vpush v2, $0x6;
	s21 =	sadd.s32 $0x30, s17;
	v30 =	vadd.s32 s1, v0;
	v31 =	vld.idx.msk [tilespmem:v6+s15+$0x0], $0xffff  }
0x316: {  	(v2sf) =	vpush v1, $0x6;
	v32 =	vand.u32 $0xFFFFFF80, v30;
	v33 =	vadd.s32 s21, v0  }
0x317: {  	v34 =	vand.u32 $0xFFFFFF80, v33;
	v4 =	vand.u32 $0x7F, v30;
	v6 =	vadd.s32 s0, v32  }
0x318: {  	v35 =	vand.u32 $0x7F, v33;
	v36 =	vadd.s32 s0, v34;
	v4 =	vor.u32 v4, v6  }
0x319: {  	v6 =	vor.u32 v35, v36  }
0x31a: {  	v3 =	vadd.f32 v31, v3;
	_ =	sdelay $0x1  }
0x31b: {  	v37 =	vbroadcast v1, $0x6;
	[tilespmem:s30+$0xFFFFFEA0] =	vst v3  }
0x31c: {  	v3 =	vbroadcast v2, $0x6;
	v4 =	vld.idx.msk [tilespmem:v4+s14+$0x0], $0xffff  }
0x31d: {  	v5 =	vadd.s32 v0, v37;
	v6 =	vld.idx.msk [tilespmem:v6+s15+$0x0], $0xffff  }
0x31e: {  	s0 =	sadd.s32 $0xFFFFFB80, s31;
	v39 =	vand.u32 $0xFFFFFF80, v5;
	v3 =	vadd.s32 v0, v3  }
0x31f: {  	v5 =	vand.u32 $0x7F, v5;
	v40 =	vadd.s32 s0, v39;
	v38 =	vand.u32 $0xFFFFFF80, v3  }
0x320: {  	v5 =	vor.u32 v5, v40;
	v3 =	vand.u32 $0x7F, v3;
	v7 =	vadd.s32 s0, v38  }
0x321: {  	v3 =	vor.u32 v3, v7  }
0x322: {  	v4 =	vadd.f32 v6, v4;
	_ =	sdelay $0x1  }
0x323: {  	s1 =	spop (v2sf);
	[tilespmem:s30+$0xFFFFFEB0] =	vst v4  }
0x324: {  	s17 =	spop (v2sf);
	s21 =	sadd.s32 $0x10, s1;
	v4 =	vld.idx.msk [tilespmem:v5+s15+$0x0], $0xffff  }
0x325: {  	v41 =	vadd.s32 s21, v0;
	s21 =	sadd.s32 $0x10, s17;
	v3 =	vld.idx.msk [tilespmem:v3+s14+$0x0], $0xffff  }
0x326: {  	v42 =	vand.u32 $0xFFFFFF80, v41;
	v43 =	vadd.s32 s21, v0  }
0x327: {  	v44 =	vand.u32 $0xFFFFFF80, v43;
	v6 =	vadd.s32 s0, v42;
	v5 =	vand.u32 $0x7F, v41  }
0x328: {  	v45 =	vand.u32 $0x7F, v43;
	v46 =	vadd.s32 s0, v44;
	v5 =	vor.u32 v5, v6  }
0x329: {  	v6 =	vor.u32 v45, v46  }
0x32a: {  	v3 =	vadd.f32 v4, v3;
	_ =	sdelay $0x1  }
0x32b: {  	[tilespmem:s30+$0xFFFFFF00] =	vst v3  }
0x32c: {  	s21 =	sadd.s32 $0x20, s1;
	v3 =	vld.idx.msk [tilespmem:v5+s14+$0x0], $0xffff  }
0x32d: {  	v48 =	vadd.s32 s21, v0;
	s21 =	sadd.s32 $0x20, s17;
	v47 =	vld.idx.msk [tilespmem:v6+s15+$0x0], $0xffff  }
0x32e: {  	v49 =	vand.u32 $0xFFFFFF80, v48;
	v50 =	vadd.s32 s21, v0  }
0x32f: {  	v51 =	vand.u32 $0xFFFFFF80, v50;
	v5 =	vand.u32 $0x7F, v48;
	v6 =	vadd.s32 s0, v49  }
0x330: {  	v52 =	vand.u32 $0x7F, v50;
	v53 =	vadd.s32 s0, v51;
	v5 =	vor.u32 v5, v6  }
0x331: {  	v6 =	vor.u32 v52, v53  }
0x332: {  	v3 =	vadd.f32 v47, v3;
	_ =	sdelay $0x1  }
0x333: {  	[tilespmem:s30+$0xFFFFFF10] =	vst v3  }
0x334: {  	s1 =	sadd.s32 $0x30, s1;
	v3 =	vld.idx.msk [tilespmem:v5+s14+$0x0], $0xffff  }
0x335: {  	(v2sf) =	vpush v2, $0x7;
	s17 =	sadd.s32 $0x30, s17;
	v54 =	vadd.s32 s1, v0;
	v55 =	vld.idx.msk [tilespmem:v6+s15+$0x0], $0xffff  }
0x336: {  	(v2sf) =	vpush v1, $0x7;
	v56 =	vand.u32 $0xFFFFFF80, v54;
	v57 =	vadd.s32 s17, v0  }
0x337: {  	v58 =	vand.u32 $0xFFFFFF80, v57;
	v4 =	vand.u32 $0x7F, v54;
	v6 =	vadd.s32 s0, v56  }
0x338: {  	v59 =	vand.u32 $0x7F, v57;
	v60 =	vadd.s32 s0, v58;
	v4 =	vor.u32 v4, v6  }
0x339: {  	v6 =	vor.u32 v59, v60  }
0x33a: {  	v3 =	vadd.f32 v55, v3;
	_ =	sdelay $0x1  }
0x33b: {  	v61 =	vbroadcast v1, $0x7;
	[tilespmem:s30+$0xFFFFFF20] =	vst v3  }
0x33c: {  	v3 =	vbroadcast v2, $0x7;
	v4 =	vld.idx.msk [tilespmem:v4+s14+$0x0], $0xffff  }
0x33d: {  	v5 =	vadd.s32 v0, v61;
	v6 =	vld.idx.msk [tilespmem:v6+s15+$0x0], $0xffff  }
0x33e: {  	s0 =	sadd.s32 $0xFFFFFC00, s31;
	v63 =	vand.u32 $0xFFFFFF80, v5;
	v3 =	vadd.s32 v0, v3  }
0x33f: {  	v5 =	vand.u32 $0x7F, v5;
	v12 =	vadd.s32 s0, v63;
	v62 =	vand.u32 $0xFFFFFF80, v3  }
0x340: {  	v5 =	vor.u32 v5, v12;
	v3 =	vand.u32 $0x7F, v3;
	v7 =	vadd.s32 s0, v62  }
0x341: {  	v3 =	vor.u32 v3, v7  }
0x342: {  	v4 =	vadd.f32 v6, v4;
	_ =	sdelay $0x1  }
0x343: {  	s1 =	spop (v2sf);
	[tilespmem:s30+$0xFFFFFF30] =	vst v4  }
0x344: {  	s17 =	spop (v2sf);
	s21 =	sadd.s32 $0x10, s1;
	v4 =	vld.idx.msk [tilespmem:v5+s15+$0x0], $0xffff  }
0x345: {  	v13 =	vadd.s32 s21, v0;
	s21 =	sadd.s32 $0x10, s17;
	v3 =	vld.idx.msk [tilespmem:v3+s14+$0x0], $0xffff  }
0x346: {  	v15 =	vadd.s32 s21, v0;
	v14 =	vand.u32 $0xFFFFFF80, v13  }
0x347: {  	v16 =	vand.u32 $0xFFFFFF80, v15;
	v6 =	vadd.s32 s0, v14;
	v5 =	vand.u32 $0x7F, v13  }
0x348: {  	v17 =	vand.u32 $0x7F, v15;
	v18 =	vadd.s32 s0, v16;
	v5 =	vor.u32 v5, v6  }
0x349: {  	v6 =	vor.u32 v17, v18  }
0x34a: {  	v3 =	vadd.f32 v4, v3;
	_ =	sdelay $0x1  }
0x34b: {  	[tilespmem:s30+$0xFFFFFF80] =	vst v3  }
0x34c: {  	s21 =	sadd.s32 $0x20, s1;
	v3 =	vld.idx.msk [tilespmem:v5+s14+$0x0], $0xffff  }
0x34d: {  	v20 =	vadd.s32 s21, v0;
	s21 =	sadd.s32 $0x20, s17;
	v19 =	vld.idx.msk [tilespmem:v6+s15+$0x0], $0xffff  }
0x34e: {  	v21 =	vand.u32 $0xFFFFFF80, v20;
	v22 =	vadd.s32 s21, v0  }
0x34f: {  	v23 =	vand.u32 $0xFFFFFF80, v22;
	v5 =	vand.u32 $0x7F, v20;
	v6 =	vadd.s32 s0, v21  }
0x350: {  	v24 =	vand.u32 $0x7F, v22;
	v25 =	vadd.s32 s0, v23;
	v5 =	vor.u32 v5, v6  }
0x351: {  	v6 =	vor.u32 v24, v25  }
0x352: {  	v3 =	vadd.f32 v19, v3;
	_ =	sdelay $0x1  }
0x353: {  	[tilespmem:s30+$0xFFFFFF90] =	vst v3  }
0x354: {  	s1 =	sadd.s32 $0x30, s1;
	v3 =	vld.idx.msk [tilespmem:v5+s14+$0x0], $0xffff  }
0x355: {  	(v2sf) =	vpush v2, $0x8;
	v26 =	vadd.s32 s1, v0;
	s21 =	sadd.s32 $0x30, s17;
	v27 =	vld.idx.msk [tilespmem:v6+s15+$0x0], $0xffff  }
0x356: {  	(v2sf) =	vpush v1, $0x8;
	v28 =	vand.u32 $0xFFFFFF80, v26;
	v29 =	vadd.s32 s21, v0  }
0x357: {  	v30 =	vand.u32 $0xFFFFFF80, v29;
	v4 =	vand.u32 $0x7F, v26;
	v6 =	vadd.s32 s0, v28  }
0x358: {  	v31 =	vand.u32 $0x7F, v29;
	v32 =	vadd.s32 s0, v30;
	v4 =	vor.u32 v4, v6  }
0x359: {  	v6 =	vor.u32 v31, v32  }
0x35a: {  	v3 =	vadd.f32 v27, v3;
	_ =	sdelay $0x1  }
0x35b: {  	v33 =	vbroadcast v1, $0x8;
	[tilespmem:s30+$0xFFFFFFA0] =	vst v3  }
0x35c: {  	v3 =	vbroadcast v2, $0x8;
	v4 =	vld.idx.msk [tilespmem:v4+s14+$0x0], $0xffff  }
0x35d: {  	v5 =	vadd.s32 v0, v33;
	v6 =	vld.idx.msk [tilespmem:v6+s15+$0x0], $0xffff  }
0x35e: {  	s0 =	sadd.s32 $0xFFFFFC80, s31;
	v35 =	vand.u32 $0xFFFFFF80, v5;
	v3 =	vadd.s32 v0, v3  }
0x35f: {  	v5 =	vand.u32 $0x7F, v5;
	v36 =	vadd.s32 s0, v35;
	v34 =	vand.u32 $0xFFFFFF80, v3  }
0x360: {  	v5 =	vor.u32 v5, v36;
	v3 =	vand.u32 $0x7F, v3;
	v7 =	vadd.s32 s0, v34  }
0x361: {  	v3 =	vor.u32 v3, v7  }
0x362: {  	v4 =	vadd.f32 v6, v4;
	_ =	sdelay $0x1  }
0x363: {  	s1 =	spop (v2sf);
	[tilespmem:s30+$0xFFFFFFB0] =	vst v4  }
0x364: {  	s17 =	spop (v2sf);
	s21 =	sadd.s32 $0x10, s1;
	v4 =	vld.idx.msk [tilespmem:v5+s15+$0x0], $0xffff  }
0x365: {  	v37 =	vadd.s32 s21, v0;
	s21 =	sadd.s32 $0x10, s17;
	v3 =	vld.idx.msk [tilespmem:v3+s14+$0x0], $0xffff  }
0x366: {  	v39 =	vadd.s32 s21, v0;
	v38 =	vand.u32 $0xFFFFFF80, v37  }
0x367: {  	v40 =	vand.u32 $0xFFFFFF80, v39;
	v6 =	vadd.s32 s0, v38;
	v5 =	vand.u32 $0x7F, v37  }
0x368: {  	v41 =	vand.u32 $0x7F, v39;
	v42 =	vadd.s32 s0, v40;
	v5 =	vor.u32 v5, v6  }
0x369: {  	v6 =	vor.u32 v41, v42  }
0x36a: {  	v3 =	vadd.f32 v4, v3;
	_ =	sdelay $0x1  }
0x36b: {  	[tilespmem:s30+$0x0] =	vst v3  }
0x36c: {  	s21 =	sadd.s32 $0x20, s1;
	v3 =	vld.idx.msk [tilespmem:v5+s14+$0x0], $0xffff  }
0x36d: {  	v44 =	vadd.s32 s21, v0;
	s21 =	sadd.s32 $0x20, s17;
	v43 =	vld.idx.msk [tilespmem:v6+s15+$0x0], $0xffff  }
0x36e: {  	v45 =	vand.u32 $0xFFFFFF80, v44;
	v46 =	vadd.s32 s21, v0  }
0x36f: {  	v47 =	vand.u32 $0xFFFFFF80, v46;
	v5 =	vand.u32 $0x7F, v44;
	v6 =	vadd.s32 s0, v45  }
0x370: {  	v48 =	vand.u32 $0x7F, v46;
	v49 =	vadd.s32 s0, v47;
	v5 =	vor.u32 v5, v6  }
0x371: {  	v6 =	vor.u32 v48, v49  }
0x372: {  	v3 =	vadd.f32 v43, v3;
	_ =	sdelay $0x1  }
0x373: {  	[tilespmem:s30+$0x10] =	vst v3  }
0x374: {  	s1 =	sadd.s32 $0x30, s1;
	v3 =	vld.idx.msk [tilespmem:v5+s14+$0x0], $0xffff  }
0x375: {  	(v2sf) =	vpush v2, $0x9;
	v50 =	vadd.s32 s1, v0;
	s17 =	sadd.s32 $0x30, s17;
	v51 =	vld.idx.msk [tilespmem:v6+s15+$0x0], $0xffff  }
0x376: {  	(v2sf) =	vpush v1, $0x9;
	v52 =	vand.u32 $0xFFFFFF80, v50;
	v53 =	vadd.s32 s17, v0  }
0x377: {  	v54 =	vand.u32 $0xFFFFFF80, v53;
	v4 =	vand.u32 $0x7F, v50;
	v6 =	vadd.s32 s0, v52  }
0x378: {  	v55 =	vand.u32 $0x7F, v53;
	v56 =	vadd.s32 s0, v54;
	v4 =	vor.u32 v4, v6  }
0x379: {  	v6 =	vor.u32 v55, v56  }
0x37a: {  	v3 =	vadd.f32 v51, v3;
	_ =	sdelay $0x1  }
0x37b: {  	v57 =	vbroadcast v1, $0x9;
	[tilespmem:s30+$0x20] =	vst v3  }
0x37c: {  	v3 =	vbroadcast v2, $0x9;
	v4 =	vld.idx.msk [tilespmem:v4+s14+$0x0], $0xffff  }
0x37d: {  	v5 =	vadd.s32 v0, v57;
	v6 =	vld.idx.msk [tilespmem:v6+s15+$0x0], $0xffff  }
0x37e: {  	s0 =	sadd.s32 $0xFFFFFD00, s31;
	v59 =	vand.u32 $0xFFFFFF80, v5;
	v3 =	vadd.s32 v0, v3  }
0x37f: {  	v5 =	vand.u32 $0x7F, v5;
	v60 =	vadd.s32 s0, v59;
	v58 =	vand.u32 $0xFFFFFF80, v3  }
0x380: {  	v5 =	vor.u32 v5, v60;
	v3 =	vand.u32 $0x7F, v3;
	v7 =	vadd.s32 s0, v58  }
0x381: {  	v3 =	vor.u32 v3, v7  }
0x382: {  	v4 =	vadd.f32 v6, v4;
	_ =	sdelay $0x1  }
0x383: {  	s1 =	spop (v2sf);
	[tilespmem:s30+$0x30] =	vst v4  }
0x384: {  	s21 =	sadd.s32 $0x10, s1;
	s17 =	spop (v2sf);
	v4 =	vld.idx.msk [tilespmem:v5+s15+$0x0], $0xffff  }
0x385: {  	v61 =	vadd.s32 s21, v0;
	s21 =	sadd.s32 $0x10, s17;
	v3 =	vld.idx.msk [tilespmem:v3+s14+$0x0], $0xffff  }
0x386: {  	v63 =	vadd.s32 s21, v0;
	v62 =	vand.u32 $0xFFFFFF80, v61  }
0x387: {  	v12 =	vand.u32 $0xFFFFFF80, v63;
	v6 =	vadd.s32 s0, v62;
	v5 =	vand.u32 $0x7F, v61  }
0x388: {  	v13 =	vand.u32 $0x7F, v63;
	v14 =	vadd.s32 s0, v12;
	v5 =	vor.u32 v5, v6  }
0x389: {  	v6 =	vor.u32 v13, v14  }
0x38a: {  	v3 =	vadd.f32 v4, v3;
	_ =	sdelay $0x1  }
0x38b: {  	[tilespmem:s30+$0x80] =	vst v3  }
0x38c: {  	s21 =	sadd.s32 $0x20, s1;
	v3 =	vld.idx.msk [tilespmem:v5+s14+$0x0], $0xffff  }
0x38d: {  	v16 =	vadd.s32 s21, v0;
	s21 =	sadd.s32 $0x20, s17;
	v15 =	vld.idx.msk [tilespmem:v6+s15+$0x0], $0xffff  }
0x38e: {  	v17 =	vand.u32 $0xFFFFFF80, v16;
	v18 =	vadd.s32 s21, v0  }
0x38f: {  	v19 =	vand.u32 $0xFFFFFF80, v18;
	v5 =	vand.u32 $0x7F, v16;
	v6 =	vadd.s32 s0, v17  }
0x390: {  	v20 =	vand.u32 $0x7F, v18;
	v21 =	vadd.s32 s0, v19;
	v5 =	vor.u32 v5, v6  }
0x391: {  	v6 =	vor.u32 v20, v21  }
0x392: {  	v3 =	vadd.f32 v15, v3;
	_ =	sdelay $0x1  }
0x393: {  	[tilespmem:s30+$0x90] =	vst v3  }
0x394: {  	s1 =	sadd.s32 $0x30, s1;
	v3 =	vld.idx.msk [tilespmem:v5+s14+$0x0], $0xffff  }
0x395: {  	(v2sf) =	vpush v2, $0xA;
	v22 =	vadd.s32 s1, v0;
	s21 =	sadd.s32 $0x30, s17;
	v23 =	vld.idx.msk [tilespmem:v6+s15+$0x0], $0xffff  }
0x396: {  	(v2sf) =	vpush v1, $0xA;
	v24 =	vand.u32 $0xFFFFFF80, v22;
	v25 =	vadd.s32 s21, v0  }
0x397: {  	v26 =	vand.u32 $0xFFFFFF80, v25;
	v4 =	vand.u32 $0x7F, v22;
	v6 =	vadd.s32 s0, v24  }
0x398: {  	v27 =	vand.u32 $0x7F, v25;
	v28 =	vadd.s32 s0, v26;
	v4 =	vor.u32 v4, v6  }
0x399: {  	v6 =	vor.u32 v27, v28  }
0x39a: {  	v3 =	vadd.f32 v23, v3;
	_ =	sdelay $0x1  }
0x39b: {  	v29 =	vbroadcast v1, $0xA;
	[tilespmem:s30+$0xA0] =	vst v3  }
0x39c: {  	v3 =	vbroadcast v2, $0xA;
	v4 =	vld.idx.msk [tilespmem:v4+s14+$0x0], $0xffff  }
0x39d: {  	v5 =	vadd.s32 v0, v29;
	v6 =	vld.idx.msk [tilespmem:v6+s15+$0x0], $0xffff  }
0x39e: {  	s0 =	sadd.s32 $0xFFFFFD80, s31;
	v31 =	vand.u32 $0xFFFFFF80, v5;
	v3 =	vadd.s32 v0, v3  }
0x39f: {  	v5 =	vand.u32 $0x7F, v5;
	v32 =	vadd.s32 s0, v31;
	v30 =	vand.u32 $0xFFFFFF80, v3  }
0x3a0: {  	v5 =	vor.u32 v5, v32;
	v3 =	vand.u32 $0x7F, v3;
	v7 =	vadd.s32 s0, v30  }
0x3a1: {  	v3 =	vor.u32 v3, v7  }
0x3a2: {  	v4 =	vadd.f32 v6, v4;
	_ =	sdelay $0x1  }
0x3a3: {  	s1 =	spop (v2sf);
	[tilespmem:s30+$0xB0] =	vst v4  }
0x3a4: {  	s17 =	spop (v2sf);
	s21 =	sadd.s32 $0x10, s1;
	v4 =	vld.idx.msk [tilespmem:v5+s15+$0x0], $0xffff  }
0x3a5: {  	v33 =	vadd.s32 s21, v0;
	s21 =	sadd.s32 $0x10, s17;
	v3 =	vld.idx.msk [tilespmem:v3+s14+$0x0], $0xffff  }
0x3a6: {  	v35 =	vadd.s32 s21, v0;
	v34 =	vand.u32 $0xFFFFFF80, v33  }
0x3a7: {  	v36 =	vand.u32 $0xFFFFFF80, v35;
	v6 =	vadd.s32 s0, v34;
	v5 =	vand.u32 $0x7F, v33  }
0x3a8: {  	v37 =	vand.u32 $0x7F, v35;
	v38 =	vadd.s32 s0, v36;
	v5 =	vor.u32 v5, v6  }
0x3a9: {  	v6 =	vor.u32 v37, v38  }
0x3aa: {  	v3 =	vadd.f32 v4, v3;
	_ =	sdelay $0x1  }
0x3ab: {  	[tilespmem:s30+$0x100] =	vst v3  }
0x3ac: {  	s21 =	sadd.s32 $0x20, s1;
	v3 =	vld.idx.msk [tilespmem:v5+s14+$0x0], $0xffff  }
0x3ad: {  	v40 =	vadd.s32 s21, v0;
	s21 =	sadd.s32 $0x20, s17;
	v39 =	vld.idx.msk [tilespmem:v6+s15+$0x0], $0xffff  }
0x3ae: {  	v41 =	vand.u32 $0xFFFFFF80, v40;
	v42 =	vadd.s32 s21, v0  }
0x3af: {  	v43 =	vand.u32 $0xFFFFFF80, v42;
	v5 =	vand.u32 $0x7F, v40;
	v6 =	vadd.s32 s0, v41  }
0x3b0: {  	v44 =	vand.u32 $0x7F, v42;
	v45 =	vadd.s32 s0, v43;
	v5 =	vor.u32 v5, v6  }
0x3b1: {  	v6 =	vor.u32 v44, v45  }
0x3b2: {  	v3 =	vadd.f32 v39, v3;
	_ =	sdelay $0x1  }
0x3b3: {  	[tilespmem:s30+$0x110] =	vst v3  }
0x3b4: {  	s1 =	sadd.s32 $0x30, s1;
	v3 =	vld.idx.msk [tilespmem:v5+s14+$0x0], $0xffff  }
0x3b5: {  	(v2sf) =	vpush v2, $0xB;
	v46 =	vadd.s32 s1, v0;
	s17 =	sadd.s32 $0x30, s17;
	v47 =	vld.idx.msk [tilespmem:v6+s15+$0x0], $0xffff  }
0x3b6: {  	(v2sf) =	vpush v1, $0xB;
	v48 =	vand.u32 $0xFFFFFF80, v46;
	v49 =	vadd.s32 s17, v0  }
0x3b7: {  	v50 =	vand.u32 $0xFFFFFF80, v49;
	v4 =	vand.u32 $0x7F, v46;
	v6 =	vadd.s32 s0, v48  }
0x3b8: {  	v51 =	vand.u32 $0x7F, v49;
	v52 =	vadd.s32 s0, v50;
	v4 =	vor.u32 v4, v6  }
0x3b9: {  	v6 =	vor.u32 v51, v52  }
0x3ba: {  	v3 =	vadd.f32 v47, v3;
	_ =	sdelay $0x1  }
0x3bb: {  	v53 =	vbroadcast v1, $0xB;
	[tilespmem:s30+$0x120] =	vst v3  }
0x3bc: {  	v3 =	vbroadcast v2, $0xB;
	v4 =	vld.idx.msk [tilespmem:v4+s14+$0x0], $0xffff  }
0x3bd: {  	v5 =	vadd.s32 v0, v53;
	v6 =	vld.idx.msk [tilespmem:v6+s15+$0x0], $0xffff  }
0x3be: {  	s0 =	sadd.s32 $0xFFFFFE00, s31;
	v55 =	vand.u32 $0xFFFFFF80, v5;
	v3 =	vadd.s32 v0, v3  }
0x3bf: {  	v5 =	vand.u32 $0x7F, v5;
	v56 =	vadd.s32 s0, v55;
	v54 =	vand.u32 $0xFFFFFF80, v3  }
0x3c0: {  	v5 =	vor.u32 v5, v56;
	v3 =	vand.u32 $0x7F, v3;
	v7 =	vadd.s32 s0, v54  }
0x3c1: {  	v3 =	vor.u32 v3, v7  }
0x3c2: {  	v4 =	vadd.f32 v6, v4;
	_ =	sdelay $0x1  }
0x3c3: {  	s1 =	spop (v2sf);
	[tilespmem:s30+$0x130] =	vst v4  }
0x3c4: {  	s21 =	sadd.s32 $0x10, s1;
	s17 =	spop (v2sf);
	v4 =	vld.idx.msk [tilespmem:v5+s15+$0x0], $0xffff  }
0x3c5: {  	v57 =	vadd.s32 s21, v0;
	s21 =	sadd.s32 $0x10, s17;
	v3 =	vld.idx.msk [tilespmem:v3+s14+$0x0], $0xffff  }
0x3c6: {  	v59 =	vadd.s32 s21, v0;
	v58 =	vand.u32 $0xFFFFFF80, v57  }
0x3c7: {  	v60 =	vand.u32 $0xFFFFFF80, v59;
	v6 =	vadd.s32 s0, v58;
	v5 =	vand.u32 $0x7F, v57  }
0x3c8: {  	v61 =	vand.u32 $0x7F, v59;
	v62 =	vadd.s32 s0, v60;
	v5 =	vor.u32 v5, v6  }
0x3c9: {  	v6 =	vor.u32 v61, v62  }
0x3ca: {  	v3 =	vadd.f32 v4, v3;
	_ =	sdelay $0x1  }
0x3cb: {  	[tilespmem:s30+$0x180] =	vst v3  }
0x3cc: {  	s21 =	sadd.s32 $0x20, s1;
	v3 =	vld.idx.msk [tilespmem:v5+s14+$0x0], $0xffff  }
0x3cd: {  	v12 =	vadd.s32 s21, v0;
	s21 =	sadd.s32 $0x20, s17;
	v63 =	vld.idx.msk [tilespmem:v6+s15+$0x0], $0xffff  }
0x3ce: {  	v13 =	vand.u32 $0xFFFFFF80, v12;
	v14 =	vadd.s32 s21, v0  }
0x3cf: {  	v15 =	vand.u32 $0xFFFFFF80, v14;
	v5 =	vand.u32 $0x7F, v12;
	v6 =	vadd.s32 s0, v13  }
0x3d0: {  	v16 =	vand.u32 $0x7F, v14;
	v17 =	vadd.s32 s0, v15;
	v5 =	vor.u32 v5, v6  }
0x3d1: {  	v6 =	vor.u32 v16, v17  }
0x3d2: {  	v3 =	vadd.f32 v63, v3;
	_ =	sdelay $0x1  }
0x3d3: {  	[tilespmem:s30+$0x190] =	vst v3  }
0x3d4: {  	s1 =	sadd.s32 $0x30, s1;
	v3 =	vld.idx.msk [tilespmem:v5+s14+$0x0], $0xffff  }
0x3d5: {  	(v2sf) =	vpush v2, $0xC;
	v18 =	vadd.s32 s1, v0;
	s21 =	sadd.s32 $0x30, s17;
	v19 =	vld.idx.msk [tilespmem:v6+s15+$0x0], $0xffff  }
0x3d6: {  	(v2sf) =	vpush v1, $0xC;
	v20 =	vand.u32 $0xFFFFFF80, v18;
	v21 =	vadd.s32 s21, v0  }
0x3d7: {  	v22 =	vand.u32 $0xFFFFFF80, v21;
	v4 =	vand.u32 $0x7F, v18;
	v6 =	vadd.s32 s0, v20  }
0x3d8: {  	v23 =	vand.u32 $0x7F, v21;
	v24 =	vadd.s32 s0, v22;
	v4 =	vor.u32 v4, v6  }
0x3d9: {  	v6 =	vor.u32 v23, v24  }
0x3da: {  	v3 =	vadd.f32 v19, v3;
	_ =	sdelay $0x1  }
0x3db: {  	v25 =	vbroadcast v1, $0xC;
	[tilespmem:s30+$0x1A0] =	vst v3  }
0x3dc: {  	v3 =	vbroadcast v2, $0xC;
	v4 =	vld.idx.msk [tilespmem:v4+s14+$0x0], $0xffff  }
0x3dd: {  	v5 =	vadd.s32 v0, v25;
	v6 =	vld.idx.msk [tilespmem:v6+s15+$0x0], $0xffff  }
0x3de: {  	s0 =	sadd.s32 $0xFFFFFE80, s31;
	v27 =	vand.u32 $0xFFFFFF80, v5;
	v3 =	vadd.s32 v0, v3  }
0x3df: {  	v5 =	vand.u32 $0x7F, v5;
	v28 =	vadd.s32 s0, v27;
	v26 =	vand.u32 $0xFFFFFF80, v3  }
0x3e0: {  	v5 =	vor.u32 v5, v28;
	v3 =	vand.u32 $0x7F, v3;
	v7 =	vadd.s32 s0, v26  }
0x3e1: {  	v3 =	vor.u32 v3, v7  }
0x3e2: {  	v4 =	vadd.f32 v6, v4;
	_ =	sdelay $0x1  }
0x3e3: {  	s1 =	spop (v2sf);
	[tilespmem:s30+$0x1B0] =	vst v4  }
0x3e4: {  	s17 =	spop (v2sf);
	s21 =	sadd.s32 $0x10, s1;
	v4 =	vld.idx.msk [tilespmem:v5+s15+$0x0], $0xffff  }
0x3e5: {  	v29 =	vadd.s32 s21, v0;
	s21 =	sadd.s32 $0x10, s17;
	v3 =	vld.idx.msk [tilespmem:v3+s14+$0x0], $0xffff  }
0x3e6: {  	v31 =	vadd.s32 s21, v0;
	v30 =	vand.u32 $0xFFFFFF80, v29  }
0x3e7: {  	v32 =	vand.u32 $0xFFFFFF80, v31;
	v6 =	vadd.s32 s0, v30;
	v5 =	vand.u32 $0x7F, v29  }
0x3e8: {  	v33 =	vand.u32 $0x7F, v31;
	v34 =	vadd.s32 s0, v32;
	v5 =	vor.u32 v5, v6  }
0x3e9: {  	v6 =	vor.u32 v33, v34  }
0x3ea: {  	v3 =	vadd.f32 v4, v3;
	_ =	sdelay $0x1  }
0x3eb: {  	[tilespmem:s30+$0x200] =	vst v3  }
0x3ec: {  	s21 =	sadd.s32 $0x20, s1;
	v3 =	vld.idx.msk [tilespmem:v5+s14+$0x0], $0xffff  }
0x3ed: {  	v36 =	vadd.s32 s21, v0;
	s21 =	sadd.s32 $0x20, s17;
	v35 =	vld.idx.msk [tilespmem:v6+s15+$0x0], $0xffff  }
0x3ee: {  	v37 =	vand.u32 $0xFFFFFF80, v36;
	v38 =	vadd.s32 s21, v0  }
0x3ef: {  	v39 =	vand.u32 $0xFFFFFF80, v38;
	v5 =	vand.u32 $0x7F, v36;
	v6 =	vadd.s32 s0, v37  }
0x3f0: {  	v40 =	vand.u32 $0x7F, v38;
	v41 =	vadd.s32 s0, v39;
	v5 =	vor.u32 v5, v6  }
0x3f1: {  	v6 =	vor.u32 v40, v41  }
0x3f2: {  	v3 =	vadd.f32 v35, v3;
	_ =	sdelay $0x1  }
0x3f3: {  	[tilespmem:s30+$0x210] =	vst v3  }
0x3f4: {  	s1 =	sadd.s32 $0x30, s1;
	v3 =	vld.idx.msk [tilespmem:v5+s14+$0x0], $0xffff  }
0x3f5: {  	(v2sf) =	vpush v2, $0xD;
	v42 =	vadd.s32 s1, v0;
	s17 =	sadd.s32 $0x30, s17;
	v43 =	vld.idx.msk [tilespmem:v6+s15+$0x0], $0xffff  }
0x3f6: {  	(v2sf) =	vpush v1, $0xD;
	v44 =	vand.u32 $0xFFFFFF80, v42;
	v45 =	vadd.s32 s17, v0  }
0x3f7: {  	v46 =	vand.u32 $0xFFFFFF80, v45;
	v4 =	vand.u32 $0x7F, v42;
	v6 =	vadd.s32 s0, v44  }
0x3f8: {  	v47 =	vand.u32 $0x7F, v45;
	v48 =	vadd.s32 s0, v46;
	v4 =	vor.u32 v4, v6  }
0x3f9: {  	v6 =	vor.u32 v47, v48  }
0x3fa: {  	v3 =	vadd.f32 v43, v3;
	_ =	sdelay $0x1  }
0x3fb: {  	v49 =	vbroadcast v1, $0xD;
	[tilespmem:s30+$0x220] =	vst v3  }
0x3fc: {  	v3 =	vbroadcast v2, $0xD;
	v4 =	vld.idx.msk [tilespmem:v4+s14+$0x0], $0xffff  }
0x3fd: {  	v5 =	vadd.s32 v0, v49;
	v6 =	vld.idx.msk [tilespmem:v6+s15+$0x0], $0xffff  }
0x3fe: {  	s0 =	sadd.s32 $0xFFFFFF00, s31;
	v51 =	vand.u32 $0xFFFFFF80, v5;
	v3 =	vadd.s32 v0, v3  }
0x3ff: {  	v5 =	vand.u32 $0x7F, v5;
	v52 =	vadd.s32 s0, v51;
	v50 =	vand.u32 $0xFFFFFF80, v3  }
0x400: {  	v5 =	vor.u32 v5, v52;
	v3 =	vand.u32 $0x7F, v3;
	v7 =	vadd.s32 s0, v50  }
0x401: {  	v3 =	vor.u32 v3, v7  }
0x402: {  	v4 =	vadd.f32 v6, v4;
	_ =	sdelay $0x1  }
0x403: {  	s1 =	spop (v2sf);
	[tilespmem:s30+$0x230] =	vst v4  }
0x404: {  	s21 =	sadd.s32 $0x10, s1;
	s17 =	spop (v2sf);
	v4 =	vld.idx.msk [tilespmem:v5+s15+$0x0], $0xffff  }
0x405: {  	v53 =	vadd.s32 s21, v0;
	s21 =	sadd.s32 $0x10, s17;
	v3 =	vld.idx.msk [tilespmem:v3+s14+$0x0], $0xffff  }
0x406: {  	v55 =	vadd.s32 s21, v0;
	v54 =	vand.u32 $0xFFFFFF80, v53  }
0x407: {  	v56 =	vand.u32 $0xFFFFFF80, v55;
	v6 =	vadd.s32 s0, v54;
	v5 =	vand.u32 $0x7F, v53  }
0x408: {  	v57 =	vand.u32 $0x7F, v55;
	v58 =	vadd.s32 s0, v56;
	v5 =	vor.u32 v5, v6  }
0x409: {  	v6 =	vor.u32 v57, v58  }
0x40a: {  	v3 =	vadd.f32 v4, v3;
	_ =	sdelay $0x1  }
0x40b: {  	[tilespmem:s30+$0x280] =	vst v3  }
0x40c: {  	s21 =	sadd.s32 $0x20, s1;
	v3 =	vld.idx.msk [tilespmem:v5+s14+$0x0], $0xffff  }
0x40d: {  	v60 =	vadd.s32 s21, v0;
	s21 =	sadd.s32 $0x20, s17;
	v59 =	vld.idx.msk [tilespmem:v6+s15+$0x0], $0xffff  }
0x40e: {  	v61 =	vand.u32 $0xFFFFFF80, v60;
	v62 =	vadd.s32 s21, v0  }
0x40f: {  	v63 =	vand.u32 $0xFFFFFF80, v62;
	v5 =	vand.u32 $0x7F, v60;
	v6 =	vadd.s32 s0, v61  }
0x410: {  	v12 =	vand.u32 $0x7F, v62;
	v13 =	vadd.s32 s0, v63;
	v5 =	vor.u32 v5, v6  }
0x411: {  	v6 =	vor.u32 v12, v13  }
0x412: {  	v3 =	vadd.f32 v59, v3;
	_ =	sdelay $0x1  }
0x413: {  	[tilespmem:s30+$0x290] =	vst v3  }
0x414: {  	s1 =	sadd.s32 $0x30, s1;
	v3 =	vld.idx.msk [tilespmem:v5+s14+$0x0], $0xffff  }
0x415: {  	(v2sf) =	vpush v2, $0xE;
	v14 =	vadd.s32 s1, v0;
	s21 =	sadd.s32 $0x30, s17;
	v15 =	vld.idx.msk [tilespmem:v6+s15+$0x0], $0xffff  }
0x416: {  	(v2sf) =	vpush v1, $0xE;
	v16 =	vand.u32 $0xFFFFFF80, v14;
	v17 =	vadd.s32 s21, v0  }
0x417: {  	v18 =	vand.u32 $0xFFFFFF80, v17;
	v4 =	vand.u32 $0x7F, v14;
	v6 =	vadd.s32 s0, v16  }
0x418: {  	v19 =	vand.u32 $0x7F, v17;
	v20 =	vadd.s32 s0, v18;
	v4 =	vor.u32 v4, v6  }
0x419: {  	v6 =	vor.u32 v19, v20  }
0x41a: {  	v3 =	vadd.f32 v15, v3;
	_ =	sdelay $0x1  }
0x41b: {  	v21 =	vbroadcast v1, $0xE;
	[tilespmem:s30+$0x2A0] =	vst v3  }
0x41c: {  	v3 =	vbroadcast v2, $0xE;
	v4 =	vld.idx.msk [tilespmem:v4+s14+$0x0], $0xffff  }
0x41d: {  	v5 =	vadd.s32 v0, v21;
	v6 =	vld.idx.msk [tilespmem:v6+s15+$0x0], $0xffff  }
0x41e: {  	s0 =	sadd.s32 $0xFFFFFF80, s31;
	v23 =	vand.u32 $0xFFFFFF80, v5;
	v3 =	vadd.s32 v0, v3  }
0x41f: {  	v5 =	vand.u32 $0x7F, v5;
	v24 =	vadd.s32 s0, v23;
	v22 =	vand.u32 $0xFFFFFF80, v3  }
0x420: {  	v5 =	vor.u32 v5, v24;
	v3 =	vand.u32 $0x7F, v3;
	v7 =	vadd.s32 s0, v22  }
0x421: {  	v3 =	vor.u32 v3, v7  }
0x422: {  	v4 =	vadd.f32 v6, v4;
	_ =	sdelay $0x1  }
0x423: {  	s1 =	spop (v2sf);
	[tilespmem:s30+$0x2B0] =	vst v4  }
0x424: {  	s17 =	spop (v2sf);
	s21 =	sadd.s32 $0x10, s1;
	v4 =	vld.idx.msk [tilespmem:v5+s15+$0x0], $0xffff  }
0x425: {  	v25 =	vadd.s32 s21, v0;
	s21 =	sadd.s32 $0x10, s17;
	v3 =	vld.idx.msk [tilespmem:v3+s14+$0x0], $0xffff  }
0x426: {  	v27 =	vadd.s32 s21, v0;
	v26 =	vand.u32 $0xFFFFFF80, v25  }
0x427: {  	v28 =	vand.u32 $0xFFFFFF80, v27;
	v6 =	vadd.s32 s0, v26;
	v5 =	vand.u32 $0x7F, v25  }
0x428: {  	v29 =	vand.u32 $0x7F, v27;
	v30 =	vadd.s32 s0, v28;
	v5 =	vor.u32 v5, v6  }
0x429: {  	v6 =	vor.u32 v29, v30  }
0x42a: {  	v3 =	vadd.f32 v4, v3;
	_ =	sdelay $0x1  }
0x42b: {  	[tilespmem:s30+$0x300] =	vst v3  }
0x42c: {  	s21 =	sadd.s32 $0x20, s1;
	v3 =	vld.idx.msk [tilespmem:v5+s14+$0x0], $0xffff  }
0x42d: {  	v32 =	vadd.s32 s21, v0;
	s21 =	sadd.s32 $0x20, s17;
	v31 =	vld.idx.msk [tilespmem:v6+s15+$0x0], $0xffff  }
0x42e: {  	v33 =	vand.u32 $0xFFFFFF80, v32;
	v34 =	vadd.s32 s21, v0  }
0x42f: {  	v35 =	vand.u32 $0xFFFFFF80, v34;
	v5 =	vand.u32 $0x7F, v32;
	v6 =	vadd.s32 s0, v33  }
0x430: {  	v36 =	vand.u32 $0x7F, v34;
	v37 =	vadd.s32 s0, v35;
	v5 =	vor.u32 v5, v6  }
0x431: {  	v6 =	vor.u32 v36, v37  }
0x432: {  	v3 =	vadd.f32 v31, v3;
	_ =	sdelay $0x1  }
0x433: {  	[tilespmem:s30+$0x310] =	vst v3  }
0x434: {  	s1 =	sadd.s32 $0x30, s1;
	v3 =	vld.idx.msk [tilespmem:v5+s14+$0x0], $0xffff  }
0x435: {  	(v2sf) =	vpush v2, $0xF;
	v38 =	vadd.s32 s1, v0;
	s17 =	sadd.s32 $0x30, s17;
	v39 =	vld.idx.msk [tilespmem:v6+s15+$0x0], $0xffff  }
0x436: {  	(v2sf) =	vpush v1, $0xF;
	v40 =	vand.u32 $0xFFFFFF80, v38;
	v41 =	vadd.s32 s17, v0  }
0x437: {  	v42 =	vand.u32 $0xFFFFFF80, v41;
	v4 =	vand.u32 $0x7F, v38;
	v6 =	vadd.s32 s0, v40  }
0x438: {  	v43 =	vand.u32 $0x7F, v41;
	v44 =	vadd.s32 s0, v42;
	v4 =	vor.u32 v4, v6  }
0x439: {  	v6 =	vor.u32 v43, v44  }
0x43a: {  	v3 =	vadd.f32 v39, v3;
	_ =	sdelay $0x1  }
0x43b: {  	v2 =	vbroadcast v2, $0xF;
	[tilespmem:s30+$0x320] =	vst v3  }
0x43c: {  	v1 =	vbroadcast v1, $0xF;
	v3 =	vld.idx.msk [tilespmem:v4+s14+$0x0], $0xffff  }
0x43d: {  	v2 =	vadd.s32 v0, v2;
	v45 =	vld.idx.msk [tilespmem:v6+s15+$0x0], $0xffff  }
0x43e: {  	v1 =	vadd.s32 v0, v1;
	v46 =	vand.u32 $0xFFFFFF80, v2  }
0x43f: {  	v47 =	vand.u32 $0xFFFFFF80, v1;
	v2 =	vand.u32 $0x7F, v2;
	v5 =	vadd.s32 s31, v46  }
0x440: {  	v1 =	vand.u32 $0x7F, v1;
	v48 =	vadd.s32 s31, v47;
	v2 =	vor.u32 v2, v5  }
0x441: {  	v1 =	vor.u32 v1, v48  }
0x442: {  	v3 =	vadd.f32 v45, v3;
	_ =	sdelay $0x1  }
0x443: {  	s0 =	spop (v2sf);
	[tilespmem:s30+$0x330] =	vst v3  }
0x444: {  	s1 =	spop (v2sf);
	s21 =	sadd.s32 $0x10, s0;
	v2 =	vld.idx.msk [tilespmem:v2+s14+$0x0], $0xffff  }
0x445: {  	v3 =	vadd.s32 s21, v0;
	s21 =	sadd.s32 $0x10, s1;
	v1 =	vld.idx.msk [tilespmem:v1+s15+$0x0], $0xffff  }
0x446: {  	v49 =	vand.u32 $0xFFFFFF80, v3;
	v50 =	vadd.s32 s21, v0  }
0x447: {  	v3 =	vand.u32 $0x7F, v3;
	v4 =	vadd.s32 s31, v49;
	v51 =	vand.u32 $0xFFFFFF80, v50  }
0x448: {  	v52 =	vand.u32 $0x7F, v50;
	v3 =	vor.u32 v3, v4;
	v53 =	vadd.s32 s31, v51  }
0x449: {  	v4 =	vor.u32 v52, v53  }
0x44a: {  	v1 =	vadd.f32 v1, v2;
	_ =	sdelay $0x1  }
0x44b: {  	[tilespmem:s30+$0x380] =	vst v1  }
0x44c: {  	s21 =	sadd.s32 $0x20, s0;
	v1 =	vld.idx.msk [tilespmem:v3+s14+$0x0], $0xffff  }
0x44d: {  	v2 =	vld.idx.msk [tilespmem:v4+s15+$0x0], $0xffff;
	v3 =	vadd.s32 s21, v0;
	s21 =	sadd.s32 $0x20, s1  }
0x44e: {  	v54 =	vand.u32 $0xFFFFFF80, v3;
	v55 =	vadd.s32 s21, v0  }
0x44f: {  	v3 =	vand.u32 $0x7F, v3;
	v4 =	vadd.s32 s31, v54;
	v56 =	vand.u32 $0xFFFFFF80, v55  }
0x450: {  	v57 =	vand.u32 $0x7F, v55;
	v3 =	vor.u32 v3, v4;
	v58 =	vadd.s32 s31, v56  }
0x451: {  	v4 =	vor.u32 v57, v58  }
0x452: {  	v1 =	vadd.f32 v2, v1;
	_ =	sdelay $0x1  }
0x453: {  	[tilespmem:s30+$0x390] =	vst v1  }
0x454: {  	s0 =	sadd.s32 $0x30, s0;
	v1 =	vld.idx.msk [tilespmem:v3+s14+$0x0], $0xffff  }
0x455: {  	s21 =	sadd.s32 $0x30, s1;
	v3 =	vadd.s32 s0, v0;
	v2 =	vld.idx.msk [tilespmem:v4+s15+$0x0], $0xffff  }
0x456: {  	v60 =	vadd.s32 s21, v0;
	v59 =	vand.u32 $0xFFFFFF80, v3  }
0x457: {  	v61 =	vand.u32 $0xFFFFFF80, v60;
	v3 =	vand.u32 $0x7F, v3;
	v4 =	vadd.s32 s31, v59  }
0x458: {  	v62 =	vand.u32 $0x7F, v60;
	v63 =	vadd.s32 s31, v61;
	v3 =	vor.u32 v3, v4  }
0x459: {  	v4 =	vor.u32 v62, v63  }
0x45a: {  	v1 =	vadd.f32 v2, v1;
	_ =	sdelay $0x1  }
0x45b: {  	[tilespmem:s30+$0x3A0] =	vst v1  }
0x45c: {  	v1 =	vld.idx.msk [tilespmem:v3+s14+$0x0], $0xffff  }
0x45d: {  	v2 =	vld.idx.msk [tilespmem:v4+s15+$0x0], $0xffff;
	_ =	sdelay $0x1  }
0x45e: {  	p0 =	sne.s32 s26, $0xFF  }
.Ltmp1:
0x45f: {  	_ = 	snop;
	(pc) =	sbr.rel @p0 .LBB2_4-.Ltmp1, $4  }
0x460: {  	_ = 	snop  }
0x461: {  	v1 =	vadd.f32 v2, v1  }
0x462: {  	s28 =	sadd.s32 $0x10, s28  }
0x463: {  	s29 =	sadd.s32 $0x10, s29;
	s26 =	sadd.s32 $0x10, s26;
	[tilespmem:s30+$0x3B0] =	vst v1;
	s30 =	sadd.s32 $0x800, s30  }
0x464: {  	s25 =	sadd.s32 $0x1, s25  }
0x465: {  	p0 =	sne.s32 s25, s10  }
.Ltmp2:
0x466: {  	_ = 	snop;
	(pc) =	sbr.rel @p0 .LBB2_1-.Ltmp2, $4  }
0x467: {  	[hbm4b:s9+s2] =	stream.linear.scatter [tilespmem:s20], [sflag:$0x2], $0x8000, $0x38;
	[tilespmem:$0x18800] =	vst v63  }
0x468: {  	_ =	swait.ge [sflag:s11], $0x8000  }
0x469: {  	[sflag:s11] =	ssyncset.done $0x0  }
0x46a: {  	[sflag:s11] =	ssyncadd.s32 $0xFFFF8000  }
0x46b: {  	_ =	sfence.sel $0x180000  }
0x46c: {  	[bflag:$0x0] =	sbarrier.arrive $0xFFFF  }
0x46d: {  	_ =	strace $0x90000047  }
0x46e: {  	s0 =	stileid.u32;
	[bflag:$0x2] =	sbarrier.arrive $0xFFFF  }
0x46f: {  	p0 =	sne.s32 s0, $0x0;
	s0 =	rddreg [dreg:$0x5]  }
0x470: {  	s0 =	sadd.s32 @!p0 $0x100000, s0  }
0x471: {  	[sflag:s0] =	ssyncadd.tile.s32 @!p0 $0x1;
	_ =	shalt  }
.Lfunc_end2:
_tile_overlayer_lowered:
.L_overlay_start_2:
0x472: {  	(tag) =	ssettag $0x2  }
0x473: {  	s0 =	rddreg [dreg:$0x0];
	s2 =	stileid.u32  }
0x474: {  	s1 =	rddreg [dreg:$0x1];
	p0 =	sne.s32 s2, $0x0  }
0x475: {  	s3 =	rddreg [dreg:$0x2];
	[bflag:$0x3] =	sbarrier.arrive $0xFFFF;
	s2 =	simm.s32 @!p0 $0x1C02  }
0x476: {  	[timem:s3], [sflag:s2] =	dma.local @!p0 [hbm:s0], s1  }
0x477: {  	s0 =	simm.s32 @!p0 $0x2  }
0x478: {  	_ =	swait.ge @!p0 [sflag:s0], s1  }
0x479: {  	s1 =	ssub.s32 @!p0 $0x0, s1;
	[sflag:s0] =	ssyncset.done @!p0 $0x0  }
0x47a: {  	[sflag:s0] =	ssyncadd.s32 @!p0 s1  }
0x47b: {  	[bflag:$0x3] =	sbarrier.arrive $0xFFFF  }
0x47c: {  	_ =	shalt  }

</sc_bundles>
